<compile_context>
chip_gen: v7x
topology: tpu7x:2x2x1
jax: 0.10.2.dev20260603
libtpu: 0.0.44.dev20260713+nightly
codegen_flags: <defaults>
</compile_context>

<pallas_src>
import dataclasses
import functools

import jax
import jax.numpy as jnp
from jax import lax
from jax.experimental import pallas as pl
from jax.experimental.pallas import tpu as pltpu
from jax.experimental.pallas import tpu_sc as plsc

N = 10000
NPAD = 10112
E = 320000
BLK = 128
NW = 32
NB0 = 104
NB1 = 56
NBMX = max(NB0, NB1)
NBS = NBMX + 2
E_PAD = 16 * (NB0 + NB1) * BLK
RPS = NPAD // 16
BM = 1000


def _vec_mesh():
    return plsc.VectorSubcoreMesh(core_axis_name="c", subcore_axis_name="s")


def _sc_params():
    cp = pltpu.CompilerParams()
    fields = pltpu.CompilerParams.__dataclass_fields__
    if "needs_layout_passes" in fields:
        cp = dataclasses.replace(cp, needs_layout_passes=False)
    if "use_tc_tiling_on_sc" in fields:
        cp = dataclasses.replace(cp, use_tc_tiling_on_sc=False)
    return cp



def _deg_sc(dst3, w3):
    @functools.partial(
        pl.kernel,
        out_type=jax.ShapeDtypeStruct((2, NPAD), jnp.float32),
        mesh=_vec_mesh(),
        compiler_params=_sc_params(),
        scratch_types=[
            pltpu.VMEM((NBS, BLK), jnp.int32),
            pltpu.VMEM((NBS, BLK), jnp.float32),
            pltpu.VMEM_SHARED((NPAD,), jnp.float32),
            pltpu.SemaphoreType.DMA,
        ],
    )
    def k(dst_hbm, w_hbm, out_hbm, dst_v, w_v, acc_sh, sem):
        cid = lax.axis_index("c")
        sid = lax.axis_index("s")
        nb = jnp.where(cid == 0, NB0, NB1)
        pltpu.sync_copy(dst_hbm.at[cid, sid], dst_v)
        pltpu.sync_copy(w_hbm.at[cid, sid], w_v)
        base = sid * RPS
        for off, cnt in ((0, 128), (128, 128), (256, 128), (384, 128),
                         (512, 120)):
            pltpu.sync_copy(w_v.at[NBS - 1, pl.ds(0, cnt)],
                            acc_sh.at[pl.ds(base + off, cnt)])
        plsc.subcore_barrier()

        @pl.loop(0, nb)
        def _(b):
            pltpu.async_copy(w_v.at[b], acc_sh.at[dst_v.at[b]], sem,
                             add=True)

        @pl.loop(0, nb)
        def _(b):
            pltpu.make_async_copy(w_v.at[0], acc_sh.at[dst_v.at[0]],
                                  sem).wait()

        plsc.subcore_barrier()
        pltpu.sync_copy(acc_sh.at[pl.ds(sid * RPS, RPS)],
                        out_hbm.at[cid, pl.ds(sid * RPS, RPS)])

    return k(dst3, w3)


def _agg_sc(src3, dst3, w3, table, zeros, d):
    @functools.partial(
        pl.kernel,
        out_type=jax.ShapeDtypeStruct((2, NPAD, d), jnp.float32),
        mesh=_vec_mesh(),
        compiler_params=_sc_params(),
        scratch_types=[
            pltpu.VMEM((BLK,), jnp.int32),
            pltpu.VMEM((BLK,), jnp.int32),
            pltpu.VMEM((BLK,), jnp.int32),
            pltpu.VMEM((BLK,), jnp.int32),
            pltpu.VMEM((BLK,), jnp.int32),
            pltpu.VMEM((BLK,), jnp.int32),
            pltpu.VMEM((BLK,), jnp.float32),
            pltpu.VMEM((BLK,), jnp.float32),
            pltpu.VMEM((BLK, d), jnp.float32),
            pltpu.VMEM((BLK, d), jnp.float32),
            pltpu.VMEM_SHARED((NPAD, d), jnp.float32),
            pltpu.SemaphoreType.DMA,
            pltpu.SemaphoreType.DMA,
            pltpu.SemaphoreType.DMA,
            pltpu.SemaphoreType.DMA,
            pltpu.SemaphoreType.DMA,
            pltpu.SemaphoreType.DMA,
        ],
    )
    def k(src_hbm, dst_hbm, w_hbm, tab_hbm, z_hbm, out_hbm,
          s0, s1, d0, d1, d2, d3, w0, w1, r0, r1, acc_sh,
          sem_i0, sem_i1, sem_g0, sem_g1, sem_s0, sem_s1):
        cid = lax.axis_index("c")
        sid = lax.axis_index("s")
        nb = jnp.where(cid == 0, NB0, NB1)
        sbuf = [s0, s1]
        dbuf = [d0, d1, d2, d3]
        wbuf = [w0, w1]
        rbuf = [r0, r1]
        sem_i = [sem_i0, sem_i1]
        sem_g = [sem_g0, sem_g1]
        sem_s = [sem_s0, sem_s1]

        pltpu.sync_copy(z_hbm, acc_sh.at[pl.ds(sid * RPS, RPS)])
        plsc.subcore_barrier()

        pltpu.sync_copy(src_hbm.at[cid, sid, 0], s0)
        pltpu.sync_copy(w_hbm.at[cid, sid, 0], w0)
        pltpu.sync_copy(dst_hbm.at[cid, sid, 0], d0)
        pltpu.async_copy(tab_hbm.at[s0], r0, sem_g0)
        pltpu.async_copy(src_hbm.at[cid, sid, 1], s1, sem_i1)
        pltpu.async_copy(w_hbm.at[cid, sid, 1], w1, sem_i1)
        pltpu.async_copy(dst_hbm.at[cid, sid, 1], d1, sem_i1)

        def scale(rows, wv):
            @plsc.parallel_loop(0, BLK, unroll=4)
            def _(e):
                ws = plsc.load_gather(wv, [jnp.full((16,), e, jnp.int32)])
                for c in range(d // 16):
                    sl = pl.ds(c * 16, 16)
                    rows[e, sl] = rows[e, sl] * ws

        def half(t, k_, b):
            p = k_ % 2
            q = 1 - p
            pltpu.make_async_copy(src_hbm.at[cid, sid, 0], sbuf[q],
                                  sem_i[q]).wait()
            pltpu.make_async_copy(w_hbm.at[cid, sid, 0], wbuf[q],
                                  sem_i[q]).wait()
            pltpu.make_async_copy(dst_hbm.at[cid, sid, 0], dbuf[(k_ + 1) % 4],
                                  sem_i[q]).wait()

            @pl.when(b >= 1)
            def _():
                pltpu.make_async_copy(rbuf[q], acc_sh.at[dbuf[(k_ + 3) % 4]],
                                      sem_s[q]).wait()

            pltpu.async_copy(tab_hbm.at[sbuf[q]], rbuf[q], sem_g[q])
            pltpu.make_async_copy(tab_hbm.at[pl.ds(0, BLK)], rbuf[p],
                                  sem_g[p]).wait()
            scale(rbuf[p], wbuf[p])
            pltpu.async_copy(rbuf[p], acc_sh.at[dbuf[k_]], sem_s[p], add=True)
            pltpu.async_copy(src_hbm.at[cid, sid, b + 2], sbuf[p], sem_i[p])
            pltpu.async_copy(w_hbm.at[cid, sid, b + 2], wbuf[p], sem_i[p])
            pltpu.async_copy(dst_hbm.at[cid, sid, b + 2], dbuf[(k_ + 2) % 4],
                             sem_i[p])

        @pl.loop(0, nb // 4)
        def _(t):
            for k_ in range(4):
                half(t, k_, t * 4 + k_)

        pltpu.make_async_copy(rbuf[1], acc_sh.at[dbuf[3]], sem_s[1]).wait()
        pltpu.make_async_copy(tab_hbm.at[pl.ds(0, BLK)], rbuf[0],
                              sem_g[0]).wait()
        pltpu.make_async_copy(src_hbm.at[cid, sid, 0], sbuf[1],
                              sem_i[1]).wait()
        pltpu.make_async_copy(w_hbm.at[cid, sid, 0], wbuf[1],
                              sem_i[1]).wait()
        pltpu.make_async_copy(dst_hbm.at[cid, sid, 0], dbuf[3],
                              sem_i[1]).wait()

        plsc.subcore_barrier()
        pltpu.sync_copy(acc_sh.at[pl.ds(sid * RPS, RPS)],
                        out_hbm.at[cid, pl.ds(sid * RPS, RPS)])

    return k(src3, dst3, w3, table, zeros)



def _dis_block(p0_ref, p1_ref):
    deg = p0_ref[...] + p1_ref[...] + 1.0
    return lax.rsqrt(deg)


def _matmul_tc(x, wp):
    m, kdim = x.shape
    n = wp.shape[1]

    def body(x_ref, w_ref, o_ref):
        o_ref[...] = jnp.dot(x_ref[...], w_ref[...],
                             preferred_element_type=jnp.float32,
                             precision=lax.Precision.HIGHEST)

    return pl.pallas_call(
        body,
        grid=(m // BM,),
        in_specs=[pl.BlockSpec((BM, kdim), lambda i: (i, 0)),
                  pl.BlockSpec((kdim, n), lambda i: (0, 0))],
        out_specs=pl.BlockSpec((BM, n), lambda i: (i, 0)),
        out_shape=jax.ShapeDtypeStruct((m, n), jnp.float32),
    )(x, wp)


def _scale_tc(p0, p1, h):
    m, n = h.shape

    def body(p0_ref, p1_ref, h_ref, o_ref):
        o_ref[...] = h_ref[...] * _dis_block(p0_ref, p1_ref)

    return pl.pallas_call(
        body,
        grid=(m // BM,),
        in_specs=[pl.BlockSpec((BM, 1), lambda i: (i, 0)),
                  pl.BlockSpec((BM, 1), lambda i: (i, 0)),
                  pl.BlockSpec((BM, n), lambda i: (i, 0))],
        out_specs=pl.BlockSpec((BM, n), lambda i: (i, 0)),
        out_shape=jax.ShapeDtypeStruct((m, n), jnp.float32),
    )(p0, p1, h)


def _layer_tc(p0, p1, sa, sb, g, bp, w2p):
    m, n = g.shape
    n2 = w2p.shape[1]

    def body(p0_ref, p1_ref, sa_ref, sb_ref, g_ref, b_ref, w2_ref, o_ref):
        dis = _dis_block(p0_ref, p1_ref)
        t = dis * (sa_ref[...] + sb_ref[...] + g_ref[...]) + b_ref[...]
        t = jnp.maximum(t, 0.0)
        h2 = jnp.dot(t, w2_ref[...], preferred_element_type=jnp.float32,
                     precision=lax.Precision.HIGHEST)
        o_ref[...] = dis * h2

    return pl.pallas_call(
        body,
        grid=(m // BM,),
        in_specs=[pl.BlockSpec((BM, 1), lambda i: (i, 0)),
                  pl.BlockSpec((BM, 1), lambda i: (i, 0)),
                  pl.BlockSpec((BM, n), lambda i: (i, 0)),
                  pl.BlockSpec((BM, n), lambda i: (i, 0)),
                  pl.BlockSpec((BM, n), lambda i: (i, 0)),
                  pl.BlockSpec((1, n), lambda i: (0, 0)),
                  pl.BlockSpec((n, n2), lambda i: (0, 0))],
        out_specs=pl.BlockSpec((BM, n2), lambda i: (i, 0)),
        out_shape=jax.ShapeDtypeStruct((m, n2), jnp.float32),
    )(p0, p1, sa, sb, g, bp, w2p)


def _final_tc(p0, p1, sa, sb, g, bp):
    m, n = g.shape

    def body(p0_ref, p1_ref, sa_ref, sb_ref, g_ref, b_ref, o_ref):
        dis = _dis_block(p0_ref, p1_ref)
        t = dis * (sa_ref[...] + sb_ref[...] + g_ref[...]) + b_ref[...]
        o_ref[...] = jnp.maximum(t, 0.0)

    return pl.pallas_call(
        body,
        grid=(m // BM,),
        in_specs=[pl.BlockSpec((BM, 1), lambda i: (i, 0)),
                  pl.BlockSpec((BM, 1), lambda i: (i, 0)),
                  pl.BlockSpec((BM, n), lambda i: (i, 0)),
                  pl.BlockSpec((BM, n), lambda i: (i, 0)),
                  pl.BlockSpec((BM, n), lambda i: (i, 0)),
                  pl.BlockSpec((1, n), lambda i: (0, 0))],
        out_specs=pl.BlockSpec((BM, n), lambda i: (i, 0)),
        out_shape=jax.ShapeDtypeStruct((m, n), jnp.float32),
    )(p0, p1, sa, sb, g, bp)



def kernel(x, edge_index, edge_attr, W1, b1, W2, b2):
    src = edge_index[0].astype(jnp.int32)
    dst = edge_index[1].astype(jnp.int32)
    w = edge_attr.astype(jnp.float32)
    pad = E_PAD - E
    c0 = 16 * NB0 * BLK

    def to4(a):
        af = jnp.pad(a, (0, pad))
        p0 = af[:c0].reshape(16, NB0, BLK)
        p0 = jnp.concatenate(
            [p0, jnp.zeros((16, NBS - NB0, BLK), a.dtype)], axis=1)
        p1 = af[c0:].reshape(16, NB1, BLK)
        p1 = jnp.concatenate(
            [p1, jnp.zeros((16, NBS - NB1, BLK), a.dtype)], axis=1)
        return jnp.stack([p0, p1])

    src3 = to4(src)
    dst3 = to4(dst)
    w3 = to4(w)

    w1p = jnp.pad(W1, ((0, 0), (0, 3)))
    b1p = jnp.pad(b1, (0, 3)).reshape(1, 128)
    w2p = jnp.pad(W2, ((0, 3), (0, 7)))
    b2p = jnp.pad(b2, (0, 7)).reshape(1, 32)

    z128 = jnp.zeros((RPS, 128), jnp.float32)
    z32 = jnp.zeros((RPS, 32), jnp.float32)

    degp = _deg_sc(dst3, w3)
    h1 = _matmul_tc(x, w1p)
    p0 = degp[0, :N].reshape(N, 1)
    p1 = degp[1, :N].reshape(N, 1)
    g1 = _scale_tc(p0, p1, h1)

    s1 = _agg_sc(src3, dst3, w3, g1, z128, 128)
    g2 = _layer_tc(p0, p1, s1[0, :N], s1[1, :N], g1, b1p, w2p)

    s2 = _agg_sc(src3, dst3, w3, g2, z32, 32)
    out = _final_tc(p0, p1, s2[0, :N], s2[1, :N], g2, b2p)
    return out[:, :25]

# --- scband reference (transcript-rebuilt; emitter-appended) ---
"""Pipeline reference for scband-gcn-30142080483513 (READ-ONLY COPY).

The authoritative reference and input builder live on the scoring server;
editing this copy changes nothing except your own understanding.
"""

import jax, jax.numpy as jnp
import numpy as np

N_NODES = 10000

def _glorot(key, shape):
    fan_in, fan_out = shape[0], shape[1]
    limit = (6.0 / (fan_in + fan_out)) ** 0.5
    return jax.random.uniform(key, shape, jnp.float32, -limit, limit)

def setup_inputs(seed: int = 0) -> dict:
    key = jax.random.key(seed)
    k1, k2, k3, k4, k5 = jax.random.split(key, 5)
    x = jax.random.normal(k1, (N_NODES, 250), jnp.float32)
    edge_index = jax.random.randint(k2, (2, 320000), 0, N_NODES, jnp.int64)
    edge_attr = jax.random.uniform(k3, (320000,), jnp.float32)
    W1 = _glorot(k4, (250, 125))
    b1 = jnp.zeros((125,), jnp.float32)
    W2 = _glorot(k5, (125, 25))
    b2 = jnp.zeros((25,), jnp.float32)
    return {"x": x, "edge_index": edge_index, "edge_attr": edge_attr,
            "W1": W1, "b1": b1, "W2": W2, "b2": b2}

def _gcn_conv(x, edge_index, edge_weight, W, b, num_nodes):
    # Linear transform first (PyG GCNConv semantics)
    x = x @ W
    src, dst = edge_index[0], edge_index[1]
    # Add self loops with fill_value=1.0
    loop = jnp.arange(num_nodes, dtype=edge_index.dtype)
    src_all = jnp.concatenate([src, loop])
    dst_all = jnp.concatenate([dst, loop])
    w_all = jnp.concatenate([edge_weight, jnp.ones((num_nodes,), edge_weight.dtype)])
    # Symmetric normalization: D^{-1/2} A D^{-1/2}
    deg = jnp.zeros((num_nodes,), x.dtype).at[dst_all].add(w_all)
    deg_inv_sqrt = jnp.where(deg > 0, deg ** -0.5, 0.0)
    norm = deg_inv_sqrt[src_all] * w_all * deg_inv_sqrt[dst_all]
    # Message passing: gather from src, weight, scatter-add to dst
    msgs = x[src_all] * norm[:, None]
    out = jnp.zeros((num_nodes, x.shape[1]), x.dtype).at[dst_all].add(msgs)
    return out + b

def reference(x, edge_index, edge_attr, W1, b1, W2, b2):
    n = x.shape[0]
    h = _gcn_conv(x, edge_index, edge_attr, W1, b1, n)
    h = jax.nn.relu(h)
    h = _gcn_conv(h, edge_index, edge_attr, W2, b2, n)
    h = jax.nn.relu(h)
    return h

if __name__ == "__main__":
    import jax
    _d = setup_inputs()
    print(jax.jit(kernel)(*tuple(_d.values())))

</pallas_src>

<mosaic_0001>
#map = affine_map<(d0, d1) -> (0, 0, 0, 0)>
#map1 = affine_map<(d0, d1) -> (0, 0)>
#map2 = affine_map<(d0, d1) -> (0, 0, 0)>
module attributes {stable_mosaic.version = 14 : i64} {
  func.func @k(%arg0: i32, %arg1: i32, %arg2: memref<2x16x106x128xi32, #tpu.memory_space<hbm>>, %arg3: memref<2x16x106x128xi32, #tpu.memory_space<hbm>>, %arg4: memref<2x16x106x128xf32, #tpu.memory_space<hbm>>, %arg5: memref<10000x32xf32, #tpu.memory_space<hbm>>, %arg6: memref<632x32xf32, #tpu.memory_space<hbm>>, %arg7: memref<2x10112x32xf32, #tpu.memory_space<hbm>>, %arg8: memref<128xi32, #tpu.memory_space<vmem>>, %arg9: memref<128xi32, #tpu.memory_space<vmem>>, %arg10: memref<128xi32, #tpu.memory_space<vmem>>, %arg11: memref<128xi32, #tpu.memory_space<vmem>>, %arg12: memref<128xi32, #tpu.memory_space<vmem>>, %arg13: memref<128xi32, #tpu.memory_space<vmem>>, %arg14: memref<128xf32, #tpu.memory_space<vmem>>, %arg15: memref<128xf32, #tpu.memory_space<vmem>>, %arg16: memref<128x32xf32, #tpu.memory_space<vmem>>, %arg17: memref<128x32xf32, #tpu.memory_space<vmem>>, %arg18: memref<10112x32xf32, #tpu.memory_space<vmem_shared>>, %arg19: memref<!tpu.dma_semaphore, #tpu.memory_space<semaphore_mem>>, %arg20: memref<!tpu.dma_semaphore, #tpu.memory_space<semaphore_mem>>, %arg21: memref<!tpu.dma_semaphore, #tpu.memory_space<semaphore_mem>>, %arg22: memref<!tpu.dma_semaphore, #tpu.memory_space<semaphore_mem>>, %arg23: memref<!tpu.dma_semaphore, #tpu.memory_space<semaphore_mem>>, %arg24: memref<!tpu.dma_semaphore, #tpu.memory_space<semaphore_mem>>) attributes {dimension_semantics = [#tpu.dimension_semantics<core_parallel>, #tpu.dimension_semantics<subcore_parallel>], iteration_bounds = array<i64: 2, 16>, scalar_prefetch = 0 : i64, scratch_operands = 17 : i64, tpu.core_type = #tpu.core_type<sc_vector_subcore>, window_params = [{transform_indices = #map}, {transform_indices = #map}, {transform_indices = #map}, {transform_indices = #map1}, {transform_indices = #map1}, {transform_indices = #map2}]} {
    %eq3A = arith.constant 0 : i32
    %eq3A_0 = arith.cmpi eq, %arg0, %eq3A : i32
    %jit3A = arith.constant 104 : i32
    %jit3A_1 = arith.constant 56 : i32
    %select_n3A = arith.select %eq3A_0, %jit3A, %jit3A_1 : i32
    %mul3A = arith.constant 632 : i32
    %mul3A_2 = arith.muli %arg1, %mul3A : i32
    "tpu.region"() ({
      %run_scoped3A_97 = tpu.sem_alloc : memref<!tpu.dma_semaphore, #tpu.memory_space<semaphore_mem>>
      %dma_start3A_98 = arith.constant 0 : i32
      %dma_start3A_99 = tpu.memref_slice %arg18[%mul3A_2, %dma_start3A_98] : memref<10112x32xf32, #tpu.memory_space<vmem_shared>> -> memref<632x32xf32, #tpu.memory_space<vmem_shared>>
      tpu.enqueue_dma source(%arg6 : memref<632x32xf32, #tpu.memory_space<hbm>>) target(%dma_start3A_99 : memref<632x32xf32, #tpu.memory_space<vmem_shared>>) target_semaphore(%run_scoped3A_97 : memref<!tpu.dma_semaphore, #tpu.memory_space<semaphore_mem>>)
      %dma_wait3A_100 = arith.constant 0 : i32
      %dma_wait3A_101 = tpu.memref_slice %arg18[%mul3A_2, %dma_wait3A_100] : memref<10112x32xf32, #tpu.memory_space<vmem_shared>> -> memref<632x32xf32, #tpu.memory_space<vmem_shared>>
      tpu.wait_dma2 semaphore(%run_scoped3A_97 : memref<!tpu.dma_semaphore, #tpu.memory_space<semaphore_mem>>) src(%arg6 : memref<632x32xf32, #tpu.memory_space<hbm>>) dst(%dma_wait3A_101 : memref<632x32xf32, #tpu.memory_space<vmem_shared>>)
      tpu.yield
    }) : () -> ()
    %barrier3A = arith.constant 0 : index
    tpu.barrier barrier_id(%barrier3A)
    %run_scoped3A = arith.constant 0 : i32
    "tpu.region"() ({
      %run_scoped3A_97 = tpu.sem_alloc : memref<!tpu.dma_semaphore, #tpu.memory_space<semaphore_mem>>
      %dma_start3A_98 = arith.constant 0 : i32
      %dma_start3A_99 = tpu.memref_slice %arg2[%arg0, %arg1, %run_scoped3A, %dma_start3A_98] : memref<2x16x106x128xi32, #tpu.memory_space<hbm>> -> memref<1x1x1x128xi32, #tpu.memory_space<hbm>>
      %dma_start3A_100 = tpu.memref_squeeze %dma_start3A_99 : memref<1x1x1x128xi32, #tpu.memory_space<hbm>> -> memref<128xi32, #tpu.memory_space<hbm>>
      %dma_start3A_101 = arith.constant 0 : i32
      %dma_start3A_102 = tpu.memref_slice %arg2[%arg0, %arg1, %run_scoped3A, %dma_start3A_101] : memref<2x16x106x128xi32, #tpu.memory_space<hbm>> -> memref<1x1x1x128xi32, #tpu.memory_space<hbm>>
      %dma_start3A_103 = tpu.memref_squeeze %dma_start3A_102 : memref<1x1x1x128xi32, #tpu.memory_space<hbm>> -> memref<128xi32, #tpu.memory_space<hbm>>
      tpu.enqueue_dma source(%dma_start3A_103 : memref<128xi32, #tpu.memory_space<hbm>>) target(%arg8 : memref<128xi32, #tpu.memory_space<vmem>>) target_semaphore(%run_scoped3A_97 : memref<!tpu.dma_semaphore, #tpu.memory_space<semaphore_mem>>)
      %dma_wait3A_104 = arith.constant 0 : i32
      %dma_wait3A_105 = tpu.memref_slice %arg2[%arg0, %arg1, %run_scoped3A, %dma_wait3A_104] : memref<2x16x106x128xi32, #tpu.memory_space<hbm>> -> memref<1x1x1x128xi32, #tpu.memory_space<hbm>>
      %dma_wait3A_106 = tpu.memref_squeeze %dma_wait3A_105 : memref<1x1x1x128xi32, #tpu.memory_space<hbm>> -> memref<128xi32, #tpu.memory_space<hbm>>
      %dma_wait3A_107 = arith.constant 0 : i32
      %dma_wait3A_108 = tpu.memref_slice %arg2[%arg0, %arg1, %run_scoped3A, %dma_wait3A_107] : memref<2x16x106x128xi32, #tpu.memory_space<hbm>> -> memref<1x1x1x128xi32, #tpu.memory_space<hbm>>
      %dma_wait3A_109 = tpu.memref_squeeze %dma_wait3A_108 : memref<1x1x1x128xi32, #tpu.memory_space<hbm>> -> memref<128xi32, #tpu.memory_space<hbm>>
      tpu.wait_dma2 semaphore(%run_scoped3A_97 : memref<!tpu.dma_semaphore, #tpu.memory_space<semaphore_mem>>) src(%dma_wait3A_109 : memref<128xi32, #tpu.memory_space<hbm>>) dst(%arg8 : memref<128xi32, #tpu.memory_space<vmem>>)
      tpu.yield
    }) : () -> ()
    %run_scoped3A_3 = arith.constant 0 : i32
    "tpu.region"() ({
      %run_scoped3A_97 = tpu.sem_alloc : memref<!tpu.dma_semaphore, #tpu.memory_space<semaphore_mem>>
      %dma_start3A_98 = arith.constant 0 : i32
      %dma_start3A_99 = tpu.memref_slice %arg4[%arg0, %arg1, %run_scoped3A_3, %dma_start3A_98] : memref<2x16x106x128xf32, #tpu.memory_space<hbm>> -> memref<1x1x1x128xf32, #tpu.memory_space<hbm>>
      %dma_start3A_100 = tpu.memref_squeeze %dma_start3A_99 : memref<1x1x1x128xf32, #tpu.memory_space<hbm>> -> memref<128xf32, #tpu.memory_space<hbm>>
      %dma_start3A_101 = arith.constant 0 : i32
      %dma_start3A_102 = tpu.memref_slice %arg4[%arg0, %arg1, %run_scoped3A_3, %dma_start3A_101] : memref<2x16x106x128xf32, #tpu.memory_space<hbm>> -> memref<1x1x1x128xf32, #tpu.memory_space<hbm>>
      %dma_start3A_103 = tpu.memref_squeeze %dma_start3A_102 : memref<1x1x1x128xf32, #tpu.memory_space<hbm>> -> memref<128xf32, #tpu.memory_space<hbm>>
      tpu.enqueue_dma source(%dma_start3A_103 : memref<128xf32, #tpu.memory_space<hbm>>) target(%arg14 : memref<128xf32, #tpu.memory_space<vmem>>) target_semaphore(%run_scoped3A_97 : memref<!tpu.dma_semaphore, #tpu.memory_space<semaphore_mem>>)
      %dma_wait3A_104 = arith.constant 0 : i32
      %dma_wait3A_105 = tpu.memref_slice %arg4[%arg0, %arg1, %run_scoped3A_3, %dma_wait3A_104] : memref<2x16x106x128xf32, #tpu.memory_space<hbm>> -> memref<1x1x1x128xf32, #tpu.memory_space<hbm>>
      %dma_wait3A_106 = tpu.memref_squeeze %dma_wait3A_105 : memref<1x1x1x128xf32, #tpu.memory_space<hbm>> -> memref<128xf32, #tpu.memory_space<hbm>>
      %dma_wait3A_107 = arith.constant 0 : i32
      %dma_wait3A_108 = tpu.memref_slice %arg4[%arg0, %arg1, %run_scoped3A_3, %dma_wait3A_107] : memref<2x16x106x128xf32, #tpu.memory_space<hbm>> -> memref<1x1x1x128xf32, #tpu.memory_space<hbm>>
      %dma_wait3A_109 = tpu.memref_squeeze %dma_wait3A_108 : memref<1x1x1x128xf32, #tpu.memory_space<hbm>> -> memref<128xf32, #tpu.memory_space<hbm>>
      tpu.wait_dma2 semaphore(%run_scoped3A_97 : memref<!tpu.dma_semaphore, #tpu.memory_space<semaphore_mem>>) src(%dma_wait3A_109 : memref<128xf32, #tpu.memory_space<hbm>>) dst(%arg14 : memref<128xf32, #tpu.memory_space<vmem>>)
      tpu.yield
    }) : () -> ()
    %run_scoped3A_4 = arith.constant 0 : i32
    "tpu.region"() ({
      %run_scoped3A_97 = tpu.sem_alloc : memref<!tpu.dma_semaphore, #tpu.memory_space<semaphore_mem>>
      %dma_start3A_98 = arith.constant 0 : i32
      %dma_start3A_99 = tpu.memref_slice %arg3[%arg0, %arg1, %run_scoped3A_4, %dma_start3A_98] : memref<2x16x106x128xi32, #tpu.memory_space<hbm>> -> memref<1x1x1x128xi32, #tpu.memory_space<hbm>>
      %dma_start3A_100 = tpu.memref_squeeze %dma_start3A_99 : memref<1x1x1x128xi32, #tpu.memory_space<hbm>> -> memref<128xi32, #tpu.memory_space<hbm>>
      %dma_start3A_101 = arith.constant 0 : i32
      %dma_start3A_102 = tpu.memref_slice %arg3[%arg0, %arg1, %run_scoped3A_4, %dma_start3A_101] : memref<2x16x106x128xi32, #tpu.memory_space<hbm>> -> memref<1x1x1x128xi32, #tpu.memory_space<hbm>>
      %dma_start3A_103 = tpu.memref_squeeze %dma_start3A_102 : memref<1x1x1x128xi32, #tpu.memory_space<hbm>> -> memref<128xi32, #tpu.memory_space<hbm>>
      tpu.enqueue_dma source(%dma_start3A_103 : memref<128xi32, #tpu.memory_space<hbm>>) target(%arg10 : memref<128xi32, #tpu.memory_space<vmem>>) target_semaphore(%run_scoped3A_97 : memref<!tpu.dma_semaphore, #tpu.memory_space<semaphore_mem>>)
      %dma_wait3A_104 = arith.constant 0 : i32
      %dma_wait3A_105 = tpu.memref_slice %arg3[%arg0, %arg1, %run_scoped3A_4, %dma_wait3A_104] : memref<2x16x106x128xi32, #tpu.memory_space<hbm>> -> memref<1x1x1x128xi32, #tpu.memory_space<hbm>>
      %dma_wait3A_106 = tpu.memref_squeeze %dma_wait3A_105 : memref<1x1x1x128xi32, #tpu.memory_space<hbm>> -> memref<128xi32, #tpu.memory_space<hbm>>
      %dma_wait3A_107 = arith.constant 0 : i32
      %dma_wait3A_108 = tpu.memref_slice %arg3[%arg0, %arg1, %run_scoped3A_4, %dma_wait3A_107] : memref<2x16x106x128xi32, #tpu.memory_space<hbm>> -> memref<1x1x1x128xi32, #tpu.memory_space<hbm>>
      %dma_wait3A_109 = tpu.memref_squeeze %dma_wait3A_108 : memref<1x1x1x128xi32, #tpu.memory_space<hbm>> -> memref<128xi32, #tpu.memory_space<hbm>>
      tpu.wait_dma2 semaphore(%run_scoped3A_97 : memref<!tpu.dma_semaphore, #tpu.memory_space<semaphore_mem>>) src(%dma_wait3A_109 : memref<128xi32, #tpu.memory_space<hbm>>) dst(%arg10 : memref<128xi32, #tpu.memory_space<vmem>>)
      tpu.yield
    }) : () -> ()
    %dma_start3A = arith.constant 0 : i32
    %dma_start3A_5 = arith.constant 0 : i32
    %dma_start3A_6 = tpu.memref_slice %arg5[%dma_start3A, %dma_start3A_5] : memref<10000x32xf32, #tpu.memory_space<hbm>> -> memref<10000x32xf32, #tpu.memory_space<hbm>>
    tpu.enqueue_indirect_dma source(%dma_start3A_6 : memref<10000x32xf32, #tpu.memory_space<hbm>>) target(%arg16 : memref<128x32xf32, #tpu.memory_space<vmem>>) offsets(%arg8 : memref<128xi32, #tpu.memory_space<vmem>>) semaphore(%arg21 : memref<!tpu.dma_semaphore, #tpu.memory_space<semaphore_mem>>)
    %dma_start3A_7 = arith.constant 1 : i32
    %dma_start3A_8 = arith.constant 0 : i32
    %dma_start3A_9 = tpu.memref_slice %arg2[%arg0, %arg1, %dma_start3A_7, %dma_start3A_8] : memref<2x16x106x128xi32, #tpu.memory_space<hbm>> -> memref<1x1x1x128xi32, #tpu.memory_space<hbm>>
    %dma_start3A_10 = tpu.memref_squeeze %dma_start3A_9 : memref<1x1x1x128xi32, #tpu.memory_space<hbm>> -> memref<128xi32, #tpu.memory_space<hbm>>
    %dma_start3A_11 = arith.constant 0 : i32
    %dma_start3A_12 = tpu.memref_slice %arg2[%arg0, %arg1, %dma_start3A_7, %dma_start3A_11] : memref<2x16x106x128xi32, #tpu.memory_space<hbm>> -> memref<1x1x1x128xi32, #tpu.memory_space<hbm>>
    %dma_start3A_13 = tpu.memref_squeeze %dma_start3A_12 : memref<1x1x1x128xi32, #tpu.memory_space<hbm>> -> memref<128xi32, #tpu.memory_space<hbm>>
    tpu.enqueue_dma source(%dma_start3A_13 : memref<128xi32, #tpu.memory_space<hbm>>) target(%arg9 : memref<128xi32, #tpu.memory_space<vmem>>) target_semaphore(%arg20 : memref<!tpu.dma_semaphore, #tpu.memory_space<semaphore_mem>>)
    %dma_start3A_14 = arith.constant 1 : i32
    %dma_start3A_15 = arith.constant 0 : i32
    %dma_start3A_16 = tpu.memref_slice %arg4[%arg0, %arg1, %dma_start3A_14, %dma_start3A_15] : memref<2x16x106x128xf32, #tpu.memory_space<hbm>> -> memref<1x1x1x128xf32, #tpu.memory_space<hbm>>
    %dma_start3A_17 = tpu.memref_squeeze %dma_start3A_16 : memref<1x1x1x128xf32, #tpu.memory_space<hbm>> -> memref<128xf32, #tpu.memory_space<hbm>>
    %dma_start3A_18 = arith.constant 0 : i32
    %dma_start3A_19 = tpu.memref_slice %arg4[%arg0, %arg1, %dma_start3A_14, %dma_start3A_18] : memref<2x16x106x128xf32, #tpu.memory_space<hbm>> -> memref<1x1x1x128xf32, #tpu.memory_space<hbm>>
    %dma_start3A_20 = tpu.memref_squeeze %dma_start3A_19 : memref<1x1x1x128xf32, #tpu.memory_space<hbm>> -> memref<128xf32, #tpu.memory_space<hbm>>
    tpu.enqueue_dma source(%dma_start3A_20 : memref<128xf32, #tpu.memory_space<hbm>>) target(%arg15 : memref<128xf32, #tpu.memory_space<vmem>>) target_semaphore(%arg20 : memref<!tpu.dma_semaphore, #tpu.memory_space<semaphore_mem>>)
    %dma_start3A_21 = arith.constant 1 : i32
    %dma_start3A_22 = arith.constant 0 : i32
    %dma_start3A_23 = tpu.memref_slice %arg3[%arg0, %arg1, %dma_start3A_21, %dma_start3A_22] : memref<2x16x106x128xi32, #tpu.memory_space<hbm>> -> memref<1x1x1x128xi32, #tpu.memory_space<hbm>>
    %dma_start3A_24 = tpu.memref_squeeze %dma_start3A_23 : memref<1x1x1x128xi32, #tpu.memory_space<hbm>> -> memref<128xi32, #tpu.memory_space<hbm>>
    %dma_start3A_25 = arith.constant 0 : i32
    %dma_start3A_26 = tpu.memref_slice %arg3[%arg0, %arg1, %dma_start3A_21, %dma_start3A_25] : memref<2x16x106x128xi32, #tpu.memory_space<hbm>> -> memref<1x1x1x128xi32, #tpu.memory_space<hbm>>
    %dma_start3A_27 = tpu.memref_squeeze %dma_start3A_26 : memref<1x1x1x128xi32, #tpu.memory_space<hbm>> -> memref<128xi32, #tpu.memory_space<hbm>>
    tpu.enqueue_dma source(%dma_start3A_27 : memref<128xi32, #tpu.memory_space<hbm>>) target(%arg11 : memref<128xi32, #tpu.memory_space<vmem>>) target_semaphore(%arg20 : memref<!tpu.dma_semaphore, #tpu.memory_space<semaphore_mem>>)
    %jit3A_28 = arith.constant 4 : i32
    %div3A = arith.divsi %select_n3A, %jit3A_28 : i32
    %sign3A = arith.constant 0 : i32
    %sign3A_29 = arith.cmpi sgt, %select_n3A, %sign3A : i32
    %sign3A_30 = arith.extui %sign3A_29 : i1 to i32
    %sign3A_31 = arith.constant 0 : i32
    %sign3A_32 = arith.cmpi slt, %select_n3A, %sign3A_31 : i32
    %sign3A_33 = arith.extui %sign3A_32 : i1 to i32
    %sign3A_34 = arith.subi %sign3A_30, %sign3A_33 : i32
    %sign3A_35 = arith.constant 0 : i32
    %sign3A_36 = arith.cmpi sgt, %jit3A_28, %sign3A_35 : i32
    %sign3A_37 = arith.extui %sign3A_36 : i1 to i32
    %sign3A_38 = arith.constant 0 : i32
    %sign3A_39 = arith.cmpi slt, %jit3A_28, %sign3A_38 : i32
    %sign3A_40 = arith.extui %sign3A_39 : i1 to i32
    %sign3A_41 = arith.subi %sign3A_37, %sign3A_40 : i32
    %ne3A = arith.cmpi ne, %sign3A_34, %sign3A_41 : i32
    %rem3A = arith.remsi %select_n3A, %jit3A_28 : i32
    %ne3A_42 = arith.constant 0 : i32
    %ne3A_43 = arith.cmpi ne, %rem3A, %ne3A_42 : i32
    %and3A = arith.andi %ne3A, %ne3A_43 : i1
    %sub3A = arith.constant 1 : i32
    %sub3A_44 = arith.subi %div3A, %sub3A : i32
    %select_n3A_45 = arith.select %and3A, %sub3A_44, %div3A : i32
    %sub3A_46 = arith.constant 0 : i32
    %sub3A_47 = arith.subi %select_n3A_45, %sub3A_46 : i32
    %sub3A_48 = arith.constant 1 : i32
    %sub3A_49 = arith.constant 1 : i32
    %sub3A_50 = arith.subi %sub3A_48, %sub3A_49 : i32
    %add3A = arith.addi %sub3A_47, %sub3A_50 : i32
    %div3A_51 = arith.constant 1 : i32
    %div3A_52 = arith.divsi %add3A, %div3A_51 : i32
    %while3A = arith.constant 1 : i32
    %while3A_53 = arith.constant 0 : i32
    %while3A_54 = arith.constant 0 : i32
    %while3A_55 = arith.subi %div3A_52, %while3A_54 : i32
    %while3A_56 = arith.addi %while3A_54, %while3A_55 : i32
    %while3A_57 = arith.constant 1 : i32
    %while3A_58 = arith.divsi %while3A_55, %while3A_57 : i32
    %while3A_59 = arith.muli %while3A_58, %while3A_57 : i32
    %while3A_60 = arith.addi %while3A_54, %while3A_59 : i32
    %while3A_61 = arith.constant 1 : i32
    scf.for %while3A_97 = %while3A_54 to %while3A_60 step %while3A_61  : i32 {
      %mul3A_98 = arith.muli %while3A_97, %while3A : i32
      %add3A_99 = arith.addi %while3A_53, %mul3A_98 : i32
      %mul3A_100 = arith.constant 4 : i32
      %mul3A_101 = arith.muli %add3A_99, %mul3A_100 : i32
      %add3A_102 = arith.constant 0 : i32
      %add3A_103 = arith.addi %mul3A_101, %add3A_102 : i32
      %dma_wait3A_104 = arith.constant 0 : i32
      %dma_wait3A_105 = arith.constant 0 : i32
      %dma_wait3A_106 = tpu.memref_slice %arg2[%arg0, %arg1, %dma_wait3A_104, %dma_wait3A_105] : memref<2x16x106x128xi32, #tpu.memory_space<hbm>> -> memref<1x1x1x128xi32, #tpu.memory_space<hbm>>
      %dma_wait3A_107 = tpu.memref_squeeze %dma_wait3A_106 : memref<1x1x1x128xi32, #tpu.memory_space<hbm>> -> memref<128xi32, #tpu.memory_space<hbm>>
      %dma_wait3A_108 = arith.constant 0 : i32
      %dma_wait3A_109 = tpu.memref_slice %arg2[%arg0, %arg1, %dma_wait3A_104, %dma_wait3A_108] : memref<2x16x106x128xi32, #tpu.memory_space<hbm>> -> memref<1x1x1x128xi32, #tpu.memory_space<hbm>>
      %dma_wait3A_110 = tpu.memref_squeeze %dma_wait3A_109 : memref<1x1x1x128xi32, #tpu.memory_space<hbm>> -> memref<128xi32, #tpu.memory_space<hbm>>
      tpu.wait_dma2 semaphore(%arg20 : memref<!tpu.dma_semaphore, #tpu.memory_space<semaphore_mem>>) src(%dma_wait3A_110 : memref<128xi32, #tpu.memory_space<hbm>>) dst(%arg9 : memref<128xi32, #tpu.memory_space<vmem>>)
      %dma_wait3A_111 = arith.constant 0 : i32
      %dma_wait3A_112 = arith.constant 0 : i32
      %dma_wait3A_113 = tpu.memref_slice %arg4[%arg0, %arg1, %dma_wait3A_111, %dma_wait3A_112] : memref<2x16x106x128xf32, #tpu.memory_space<hbm>> -> memref<1x1x1x128xf32, #tpu.memory_space<hbm>>
      %dma_wait3A_114 = tpu.memref_squeeze %dma_wait3A_113 : memref<1x1x1x128xf32, #tpu.memory_space<hbm>> -> memref<128xf32, #tpu.memory_space<hbm>>
      %dma_wait3A_115 = arith.constant 0 : i32
      %dma_wait3A_116 = tpu.memref_slice %arg4[%arg0, %arg1, %dma_wait3A_111, %dma_wait3A_115] : memref<2x16x106x128xf32, #tpu.memory_space<hbm>> -> memref<1x1x1x128xf32, #tpu.memory_space<hbm>>
      %dma_wait3A_117 = tpu.memref_squeeze %dma_wait3A_116 : memref<1x1x1x128xf32, #tpu.memory_space<hbm>> -> memref<128xf32, #tpu.memory_space<hbm>>
      tpu.wait_dma2 semaphore(%arg20 : memref<!tpu.dma_semaphore, #tpu.memory_space<semaphore_mem>>) src(%dma_wait3A_117 : memref<128xf32, #tpu.memory_space<hbm>>) dst(%arg15 : memref<128xf32, #tpu.memory_space<vmem>>)
      %dma_wait3A_118 = arith.constant 0 : i32
      %dma_wait3A_119 = arith.constant 0 : i32
      %dma_wait3A_120 = tpu.memref_slice %arg3[%arg0, %arg1, %dma_wait3A_118, %dma_wait3A_119] : memref<2x16x106x128xi32, #tpu.memory_space<hbm>> -> memref<1x1x1x128xi32, #tpu.memory_space<hbm>>
      %dma_wait3A_121 = tpu.memref_squeeze %dma_wait3A_120 : memref<1x1x1x128xi32, #tpu.memory_space<hbm>> -> memref<128xi32, #tpu.memory_space<hbm>>
      %dma_wait3A_122 = arith.constant 0 : i32
      %dma_wait3A_123 = tpu.memref_slice %arg3[%arg0, %arg1, %dma_wait3A_118, %dma_wait3A_122] : memref<2x16x106x128xi32, #tpu.memory_space<hbm>> -> memref<1x1x1x128xi32, #tpu.memory_space<hbm>>
      %dma_wait3A_124 = tpu.memref_squeeze %dma_wait3A_123 : memref<1x1x1x128xi32, #tpu.memory_space<hbm>> -> memref<128xi32, #tpu.memory_space<hbm>>
      tpu.wait_dma2 semaphore(%arg20 : memref<!tpu.dma_semaphore, #tpu.memory_space<semaphore_mem>>) src(%dma_wait3A_124 : memref<128xi32, #tpu.memory_space<hbm>>) dst(%arg11 : memref<128xi32, #tpu.memory_space<vmem>>)
      %ge3A = arith.constant 1 : i32
      %ge3A_125 = arith.cmpi sge, %add3A_103, %ge3A : i32
      %convert_element_type3A = arith.extui %ge3A_125 : i1 to i32
      %cond3A = arith.constant 0 : i32
      %cond3A_126 = arith.cmpi ne, %convert_element_type3A, %cond3A : i32
      scf.if %cond3A_126 {
        %dma_wait3A_372 = arith.constant 0 : i32
        %dma_wait3A_373 = arith.constant 0 : i32
        %dma_wait3A_374 = tpu.memref_slice %arg18[%dma_wait3A_372, %dma_wait3A_373] : memref<10112x32xf32, #tpu.memory_space<vmem_shared>> -> memref<10112x32xf32, #tpu.memory_space<vmem_shared>>
        tpu.wait_indirect_dma semaphore(%arg24 : memref<!tpu.dma_semaphore, #tpu.memory_space<semaphore_mem>>) src(%arg17 : memref<128x32xf32, #tpu.memory_space<vmem>>) dst(%dma_wait3A_374 : memref<10112x32xf32, #tpu.memory_space<vmem_shared>>)
      } else {
      }
      %dma_start3A_127 = arith.constant 0 : i32
      %dma_start3A_128 = arith.constant 0 : i32
      %dma_start3A_129 = tpu.memref_slice %arg5[%dma_start3A_127, %dma_start3A_128] : memref<10000x32xf32, #tpu.memory_space<hbm>> -> memref<10000x32xf32, #tpu.memory_space<hbm>>
      tpu.enqueue_indirect_dma source(%dma_start3A_129 : memref<10000x32xf32, #tpu.memory_space<hbm>>) target(%arg17 : memref<128x32xf32, #tpu.memory_space<vmem>>) offsets(%arg9 : memref<128xi32, #tpu.memory_space<vmem>>) semaphore(%arg22 : memref<!tpu.dma_semaphore, #tpu.memory_space<semaphore_mem>>)
      %dma_wait3A_130 = arith.constant 0 : i32
      %dma_wait3A_131 = arith.constant 0 : i32
      %dma_wait3A_132 = tpu.memref_slice %arg5[%dma_wait3A_130, %dma_wait3A_131] : memref<10000x32xf32, #tpu.memory_space<hbm>> -> memref<128x32xf32, #tpu.memory_space<hbm>>
      %dma_wait3A_133 = arith.constant 0 : i32
      %dma_wait3A_134 = arith.constant 0 : i32
      %dma_wait3A_135 = tpu.memref_slice %arg5[%dma_wait3A_133, %dma_wait3A_134] : memref<10000x32xf32, #tpu.memory_space<hbm>> -> memref<128x32xf32, #tpu.memory_space<hbm>>
      tpu.wait_dma2 semaphore(%arg21 : memref<!tpu.dma_semaphore, #tpu.memory_space<semaphore_mem>>) src(%dma_wait3A_135 : memref<128x32xf32, #tpu.memory_space<hbm>>) dst(%arg16 : memref<128x32xf32, #tpu.memory_space<vmem>>)
      %parallel_loop3A = arith.constant 0 : i32
      %parallel_loop3A_136 = arith.constant 128 : i32
      %parallel_loop3A_137 = arith.constant 1 : i32
      scf.for %parallel_loop3A_372 = %parallel_loop3A to %parallel_loop3A_136 step %parallel_loop3A_137  : i32 {
        %parallel_loop3A_373 = vector.broadcast %parallel_loop3A_372 : i32 to vector<16xi32>
        %parallel_loop3A_374 = tpu.vector_load_idx %arg14[%parallel_loop3A_373] : memref<128xf32, #tpu.memory_space<vmem>>[vector<16xi32>], vector<16xf32>,
        %parallel_loop3A_375 = arith.index_cast %parallel_loop3A_372 : i32 to index
        %parallel_loop3A_376 = arith.constant 0 : index
        %parallel_loop3A_377 = tpu.vector_load %arg16[%parallel_loop3A_375, %parallel_loop3A_376] {strides = array<i32>} : memref<128x32xf32, #tpu.memory_space<vmem>>, vector<16xf32>,
        %parallel_loop3A_378 = arith.mulf %parallel_loop3A_377, %parallel_loop3A_374 : vector<16xf32>
        %parallel_loop3A_379 = arith.index_cast %parallel_loop3A_372 : i32 to index
        %parallel_loop3A_380 = arith.constant 0 : index
        %parallel_loop3A_381 = tpu.vector_load %arg16[%parallel_loop3A_379, %parallel_loop3A_380] {strides = array<i32>} : memref<128x32xf32, #tpu.memory_space<vmem>>, vector<16xf32>,
        tpu.vector_store %arg16[%parallel_loop3A_379, %parallel_loop3A_380], %parallel_loop3A_378 {strides = array<i32>} : memref<128x32xf32, #tpu.memory_space<vmem>>, vector<16xf32>,
        %parallel_loop3A_382 = arith.index_cast %parallel_loop3A_372 : i32 to index
        %parallel_loop3A_383 = arith.constant 16 : index
        %parallel_loop3A_384 = tpu.vector_load %arg16[%parallel_loop3A_382, %parallel_loop3A_383] {strides = array<i32>} : memref<128x32xf32, #tpu.memory_space<vmem>>, vector<16xf32>,
        %parallel_loop3A_385 = arith.mulf %parallel_loop3A_384, %parallel_loop3A_374 : vector<16xf32>
        %parallel_loop3A_386 = arith.index_cast %parallel_loop3A_372 : i32 to index
        %parallel_loop3A_387 = arith.constant 16 : index
        %parallel_loop3A_388 = tpu.vector_load %arg16[%parallel_loop3A_386, %parallel_loop3A_387] {strides = array<i32>} : memref<128x32xf32, #tpu.memory_space<vmem>>, vector<16xf32>,
        tpu.vector_store %arg16[%parallel_loop3A_386, %parallel_loop3A_387], %parallel_loop3A_385 {strides = array<i32>} : memref<128x32xf32, #tpu.memory_space<vmem>>, vector<16xf32>,
      } {sc.loop_unroll_factor = 4 : i64, sc.parallel_access}
      %dma_start3A_138 = arith.constant 0 : i32
      %dma_start3A_139 = arith.constant 0 : i32
      %dma_start3A_140 = tpu.memref_slice %arg18[%dma_start3A_138, %dma_start3A_139] : memref<10112x32xf32, #tpu.memory_space<vmem_shared>> -> memref<10112x32xf32, #tpu.memory_space<vmem_shared>>
      tpu.enqueue_indirect_dma source(%arg16 : memref<128x32xf32, #tpu.memory_space<vmem>>) target(%dma_start3A_140 : memref<10112x32xf32, #tpu.memory_space<vmem_shared>>) offsets(%arg10 : memref<128xi32, #tpu.memory_space<vmem>>) semaphore(%arg23 : memref<!tpu.dma_semaphore, #tpu.memory_space<semaphore_mem>>) {add = true}
      %add3A_141 = arith.constant 2 : i32
      %add3A_142 = arith.addi %add3A_103, %add3A_141 : i32
      %dma_start3A_143 = arith.constant 0 : i32
      %dma_start3A_144 = tpu.memref_slice %arg2[%arg0, %arg1, %add3A_142, %dma_start3A_143] : memref<2x16x106x128xi32, #tpu.memory_space<hbm>> -> memref<1x1x1x128xi32, #tpu.memory_space<hbm>>
      %dma_start3A_145 = tpu.memref_squeeze %dma_start3A_144 : memref<1x1x1x128xi32, #tpu.memory_space<hbm>> -> memref<128xi32, #tpu.memory_space<hbm>>
      %dma_start3A_146 = arith.constant 0 : i32
      %dma_start3A_147 = tpu.memref_slice %arg2[%arg0, %arg1, %add3A_142, %dma_start3A_146] : memref<2x16x106x128xi32, #tpu.memory_space<hbm>> -> memref<1x1x1x128xi32, #tpu.memory_space<hbm>>
      %dma_start3A_148 = tpu.memref_squeeze %dma_start3A_147 : memref<1x1x1x128xi32, #tpu.memory_space<hbm>> -> memref<128xi32, #tpu.memory_space<hbm>>
      tpu.enqueue_dma source(%dma_start3A_148 : memref<128xi32, #tpu.memory_space<hbm>>) target(%arg8 : memref<128xi32, #tpu.memory_space<vmem>>) target_semaphore(%arg19 : memref<!tpu.dma_semaphore, #tpu.memory_space<semaphore_mem>>)
      %add3A_149 = arith.constant 2 : i32
      %add3A_150 = arith.addi %add3A_103, %add3A_149 : i32
      %dma_start3A_151 = arith.constant 0 : i32
      %dma_start3A_152 = tpu.memref_slice %arg4[%arg0, %arg1, %add3A_150, %dma_start3A_151] : memref<2x16x106x128xf32, #tpu.memory_space<hbm>> -> memref<1x1x1x128xf32, #tpu.memory_space<hbm>>
      %dma_start3A_153 = tpu.memref_squeeze %dma_start3A_152 : memref<1x1x1x128xf32, #tpu.memory_space<hbm>> -> memref<128xf32, #tpu.memory_space<hbm>>
      %dma_start3A_154 = arith.constant 0 : i32
      %dma_start3A_155 = tpu.memref_slice %arg4[%arg0, %arg1, %add3A_150, %dma_start3A_154] : memref<2x16x106x128xf32, #tpu.memory_space<hbm>> -> memref<1x1x1x128xf32, #tpu.memory_space<hbm>>
      %dma_start3A_156 = tpu.memref_squeeze %dma_start3A_155 : memref<1x1x1x128xf32, #tpu.memory_space<hbm>> -> memref<128xf32, #tpu.memory_space<hbm>>
      tpu.enqueue_dma source(%dma_start3A_156 : memref<128xf32, #tpu.memory_space<hbm>>) target(%arg14 : memref<128xf32, #tpu.memory_space<vmem>>) target_semaphore(%arg19 : memref<!tpu.dma_semaphore, #tpu.memory_space<semaphore_mem>>)
      %add3A_157 = arith.constant 2 : i32
      %add3A_158 = arith.addi %add3A_103, %add3A_157 : i32
      %dma_start3A_159 = arith.constant 0 : i32
      %dma_start3A_160 = tpu.memref_slice %arg3[%arg0, %arg1, %add3A_158, %dma_start3A_159] : memref<2x16x106x128xi32, #tpu.memory_space<hbm>> -> memref<1x1x1x128xi32, #tpu.memory_space<hbm>>
      %dma_start3A_161 = tpu.memref_squeeze %dma_start3A_160 : memref<1x1x1x128xi32, #tpu.memory_space<hbm>> -> memref<128xi32, #tpu.memory_space<hbm>>
      %dma_start3A_162 = arith.constant 0 : i32
      %dma_start3A_163 = tpu.memref_slice %arg3[%arg0, %arg1, %add3A_158, %dma_start3A_162] : memref<2x16x106x128xi32, #tpu.memory_space<hbm>> -> memref<1x1x1x128xi32, #tpu.memory_space<hbm>>
      %dma_start3A_164 = tpu.memref_squeeze %dma_start3A_163 : memref<1x1x1x128xi32, #tpu.memory_space<hbm>> -> memref<128xi32, #tpu.memory_space<hbm>>
      tpu.enqueue_dma source(%dma_start3A_164 : memref<128xi32, #tpu.memory_space<hbm>>) target(%arg12 : memref<128xi32, #tpu.memory_space<vmem>>) target_semaphore(%arg19 : memref<!tpu.dma_semaphore, #tpu.memory_space<semaphore_mem>>)
      %mul3A_165 = arith.constant 4 : i32
      %mul3A_166 = arith.muli %add3A_99, %mul3A_165 : i32
      %add3A_167 = arith.constant 1 : i32
      %add3A_168 = arith.addi %mul3A_166, %add3A_167 : i32
      %dma_wait3A_169 = arith.constant 0 : i32
      %dma_wait3A_170 = arith.constant 0 : i32
      %dma_wait3A_171 = tpu.memref_slice %arg2[%arg0, %arg1, %dma_wait3A_169, %dma_wait3A_170] : memref<2x16x106x128xi32, #tpu.memory_space<hbm>> -> memref<1x1x1x128xi32, #tpu.memory_space<hbm>>
      %dma_wait3A_172 = tpu.memref_squeeze %dma_wait3A_171 : memref<1x1x1x128xi32, #tpu.memory_space<hbm>> -> memref<128xi32, #tpu.memory_space<hbm>>
      %dma_wait3A_173 = arith.constant 0 : i32
      %dma_wait3A_174 = tpu.memref_slice %arg2[%arg0, %arg1, %dma_wait3A_169, %dma_wait3A_173] : memref<2x16x106x128xi32, #tpu.memory_space<hbm>> -> memref<1x1x1x128xi32, #tpu.memory_space<hbm>>
      %dma_wait3A_175 = tpu.memref_squeeze %dma_wait3A_174 : memref<1x1x1x128xi32, #tpu.memory_space<hbm>> -> memref<128xi32, #tpu.memory_space<hbm>>
      tpu.wait_dma2 semaphore(%arg19 : memref<!tpu.dma_semaphore, #tpu.memory_space<semaphore_mem>>) src(%dma_wait3A_175 : memref<128xi32, #tpu.memory_space<hbm>>) dst(%arg8 : memref<128xi32, #tpu.memory_space<vmem>>)
      %dma_wait3A_176 = arith.constant 0 : i32
      %dma_wait3A_177 = arith.constant 0 : i32
      %dma_wait3A_178 = tpu.memref_slice %arg4[%arg0, %arg1, %dma_wait3A_176, %dma_wait3A_177] : memref<2x16x106x128xf32, #tpu.memory_space<hbm>> -> memref<1x1x1x128xf32, #tpu.memory_space<hbm>>
      %dma_wait3A_179 = tpu.memref_squeeze %dma_wait3A_178 : memref<1x1x1x128xf32, #tpu.memory_space<hbm>> -> memref<128xf32, #tpu.memory_space<hbm>>
      %dma_wait3A_180 = arith.constant 0 : i32
      %dma_wait3A_181 = tpu.memref_slice %arg4[%arg0, %arg1, %dma_wait3A_176, %dma_wait3A_180] : memref<2x16x106x128xf32, #tpu.memory_space<hbm>> -> memref<1x1x1x128xf32, #tpu.memory_space<hbm>>
      %dma_wait3A_182 = tpu.memref_squeeze %dma_wait3A_181 : memref<1x1x1x128xf32, #tpu.memory_space<hbm>> -> memref<128xf32, #tpu.memory_space<hbm>>
      tpu.wait_dma2 semaphore(%arg19 : memref<!tpu.dma_semaphore, #tpu.memory_space<semaphore_mem>>) src(%dma_wait3A_182 : memref<128xf32, #tpu.memory_space<hbm>>) dst(%arg14 : memref<128xf32, #tpu.memory_space<vmem>>)
      %dma_wait3A_183 = arith.constant 0 : i32
      %dma_wait3A_184 = arith.constant 0 : i32
      %dma_wait3A_185 = tpu.memref_slice %arg3[%arg0, %arg1, %dma_wait3A_183, %dma_wait3A_184] : memref<2x16x106x128xi32, #tpu.memory_space<hbm>> -> memref<1x1x1x128xi32, #tpu.memory_space<hbm>>
      %dma_wait3A_186 = tpu.memref_squeeze %dma_wait3A_185 : memref<1x1x1x128xi32, #tpu.memory_space<hbm>> -> memref<128xi32, #tpu.memory_space<hbm>>
      %dma_wait3A_187 = arith.constant 0 : i32
      %dma_wait3A_188 = tpu.memref_slice %arg3[%arg0, %arg1, %dma_wait3A_183, %dma_wait3A_187] : memref<2x16x106x128xi32, #tpu.memory_space<hbm>> -> memref<1x1x1x128xi32, #tpu.memory_space<hbm>>
      %dma_wait3A_189 = tpu.memref_squeeze %dma_wait3A_188 : memref<1x1x1x128xi32, #tpu.memory_space<hbm>> -> memref<128xi32, #tpu.memory_space<hbm>>
      tpu.wait_dma2 semaphore(%arg19 : memref<!tpu.dma_semaphore, #tpu.memory_space<semaphore_mem>>) src(%dma_wait3A_189 : memref<128xi32, #tpu.memory_space<hbm>>) dst(%arg12 : memref<128xi32, #tpu.memory_space<vmem>>)
      %ge3A_190 = arith.constant 1 : i32
      %ge3A_191 = arith.cmpi sge, %add3A_168, %ge3A_190 : i32
      %convert_element_type3A_192 = arith.extui %ge3A_191 : i1 to i32
      %cond3A_193 = arith.constant 0 : i32
      %cond3A_194 = arith.cmpi ne, %convert_element_type3A_192, %cond3A_193 : i32
      scf.if %cond3A_194 {
        %dma_wait3A_372 = arith.constant 0 : i32
        %dma_wait3A_373 = arith.constant 0 : i32
        %dma_wait3A_374 = tpu.memref_slice %arg18[%dma_wait3A_372, %dma_wait3A_373] : memref<10112x32xf32, #tpu.memory_space<vmem_shared>> -> memref<10112x32xf32, #tpu.memory_space<vmem_shared>>
        tpu.wait_indirect_dma semaphore(%arg23 : memref<!tpu.dma_semaphore, #tpu.memory_space<semaphore_mem>>) src(%arg16 : memref<128x32xf32, #tpu.memory_space<vmem>>) dst(%dma_wait3A_374 : memref<10112x32xf32, #tpu.memory_space<vmem_shared>>)
      } else {
      }
      %dma_start3A_195 = arith.constant 0 : i32
      %dma_start3A_196 = arith.constant 0 : i32
      %dma_start3A_197 = tpu.memref_slice %arg5[%dma_start3A_195, %dma_start3A_196] : memref<10000x32xf32, #tpu.memory_space<hbm>> -> memref<10000x32xf32, #tpu.memory_space<hbm>>
      tpu.enqueue_indirect_dma source(%dma_start3A_197 : memref<10000x32xf32, #tpu.memory_space<hbm>>) target(%arg16 : memref<128x32xf32, #tpu.memory_space<vmem>>) offsets(%arg8 : memref<128xi32, #tpu.memory_space<vmem>>) semaphore(%arg21 : memref<!tpu.dma_semaphore, #tpu.memory_space<semaphore_mem>>)
      %dma_wait3A_198 = arith.constant 0 : i32
      %dma_wait3A_199 = arith.constant 0 : i32
      %dma_wait3A_200 = tpu.memref_slice %arg5[%dma_wait3A_198, %dma_wait3A_199] : memref<10000x32xf32, #tpu.memory_space<hbm>> -> memref<128x32xf32, #tpu.memory_space<hbm>>
      %dma_wait3A_201 = arith.constant 0 : i32
      %dma_wait3A_202 = arith.constant 0 : i32
      %dma_wait3A_203 = tpu.memref_slice %arg5[%dma_wait3A_201, %dma_wait3A_202] : memref<10000x32xf32, #tpu.memory_space<hbm>> -> memref<128x32xf32, #tpu.memory_space<hbm>>
      tpu.wait_dma2 semaphore(%arg22 : memref<!tpu.dma_semaphore, #tpu.memory_space<semaphore_mem>>) src(%dma_wait3A_203 : memref<128x32xf32, #tpu.memory_space<hbm>>) dst(%arg17 : memref<128x32xf32, #tpu.memory_space<vmem>>)
      %parallel_loop3A_204 = arith.constant 0 : i32
      %parallel_loop3A_205 = arith.constant 128 : i32
      %parallel_loop3A_206 = arith.constant 1 : i32
      scf.for %parallel_loop3A_372 = %parallel_loop3A_204 to %parallel_loop3A_205 step %parallel_loop3A_206  : i32 {
        %parallel_loop3A_373 = vector.broadcast %parallel_loop3A_372 : i32 to vector<16xi32>
        %parallel_loop3A_374 = tpu.vector_load_idx %arg15[%parallel_loop3A_373] : memref<128xf32, #tpu.memory_space<vmem>>[vector<16xi32>], vector<16xf32>,
        %parallel_loop3A_375 = arith.index_cast %parallel_loop3A_372 : i32 to index
        %parallel_loop3A_376 = arith.constant 0 : index
        %parallel_loop3A_377 = tpu.vector_load %arg17[%parallel_loop3A_375, %parallel_loop3A_376] {strides = array<i32>} : memref<128x32xf32, #tpu.memory_space<vmem>>, vector<16xf32>,
        %parallel_loop3A_378 = arith.mulf %parallel_loop3A_377, %parallel_loop3A_374 : vector<16xf32>
        %parallel_loop3A_379 = arith.index_cast %parallel_loop3A_372 : i32 to index
        %parallel_loop3A_380 = arith.constant 0 : index
        %parallel_loop3A_381 = tpu.vector_load %arg17[%parallel_loop3A_379, %parallel_loop3A_380] {strides = array<i32>} : memref<128x32xf32, #tpu.memory_space<vmem>>, vector<16xf32>,
        tpu.vector_store %arg17[%parallel_loop3A_379, %parallel_loop3A_380], %parallel_loop3A_378 {strides = array<i32>} : memref<128x32xf32, #tpu.memory_space<vmem>>, vector<16xf32>,
        %parallel_loop3A_382 = arith.index_cast %parallel_loop3A_372 : i32 to index
        %parallel_loop3A_383 = arith.constant 16 : index
        %parallel_loop3A_384 = tpu.vector_load %arg17[%parallel_loop3A_382, %parallel_loop3A_383] {strides = array<i32>} : memref<128x32xf32, #tpu.memory_space<vmem>>, vector<16xf32>,
        %parallel_loop3A_385 = arith.mulf %parallel_loop3A_384, %parallel_loop3A_374 : vector<16xf32>
        %parallel_loop3A_386 = arith.index_cast %parallel_loop3A_372 : i32 to index
        %parallel_loop3A_387 = arith.constant 16 : index
        %parallel_loop3A_388 = tpu.vector_load %arg17[%parallel_loop3A_386, %parallel_loop3A_387] {strides = array<i32>} : memref<128x32xf32, #tpu.memory_space<vmem>>, vector<16xf32>,
        tpu.vector_store %arg17[%parallel_loop3A_386, %parallel_loop3A_387], %parallel_loop3A_385 {strides = array<i32>} : memref<128x32xf32, #tpu.memory_space<vmem>>, vector<16xf32>,
      } {sc.loop_unroll_factor = 4 : i64, sc.parallel_access}
      %dma_start3A_207 = arith.constant 0 : i32
      %dma_start3A_208 = arith.constant 0 : i32
      %dma_start3A_209 = tpu.memref_slice %arg18[%dma_start3A_207, %dma_start3A_208] : memref<10112x32xf32, #tpu.memory_space<vmem_shared>> -> memref<10112x32xf32, #tpu.memory_space<vmem_shared>>
      tpu.enqueue_indirect_dma source(%arg17 : memref<128x32xf32, #tpu.memory_space<vmem>>) target(%dma_start3A_209 : memref<10112x32xf32, #tpu.memory_space<vmem_shared>>) offsets(%arg11 : memref<128xi32, #tpu.memory_space<vmem>>) semaphore(%arg24 : memref<!tpu.dma_semaphore, #tpu.memory_space<semaphore_mem>>) {add = true}
      %add3A_210 = arith.constant 2 : i32
      %add3A_211 = arith.addi %add3A_168, %add3A_210 : i32
      %dma_start3A_212 = arith.constant 0 : i32
      %dma_start3A_213 = tpu.memref_slice %arg2[%arg0, %arg1, %add3A_211, %dma_start3A_212] : memref<2x16x106x128xi32, #tpu.memory_space<hbm>> -> memref<1x1x1x128xi32, #tpu.memory_space<hbm>>
      %dma_start3A_214 = tpu.memref_squeeze %dma_start3A_213 : memref<1x1x1x128xi32, #tpu.memory_space<hbm>> -> memref<128xi32, #tpu.memory_space<hbm>>
      %dma_start3A_215 = arith.constant 0 : i32
      %dma_start3A_216 = tpu.memref_slice %arg2[%arg0, %arg1, %add3A_211, %dma_start3A_215] : memref<2x16x106x128xi32, #tpu.memory_space<hbm>> -> memref<1x1x1x128xi32, #tpu.memory_space<hbm>>
      %dma_start3A_217 = tpu.memref_squeeze %dma_start3A_216 : memref<1x1x1x128xi32, #tpu.memory_space<hbm>> -> memref<128xi32, #tpu.memory_space<hbm>>
      tpu.enqueue_dma source(%dma_start3A_217 : memref<128xi32, #tpu.memory_space<hbm>>) target(%arg9 : memref<128xi32, #tpu.memory_space<vmem>>) target_semaphore(%arg20 : memref<!tpu.dma_semaphore, #tpu.memory_space<semaphore_mem>>)
      %add3A_218 = arith.constant 2 : i32
      %add3A_219 = arith.addi %add3A_168, %add3A_218 : i32
      %dma_start3A_220 = arith.constant 0 : i32
      %dma_start3A_221 = tpu.memref_slice %arg4[%arg0, %arg1, %add3A_219, %dma_start3A_220] : memref<2x16x106x128xf32, #tpu.memory_space<hbm>> -> memref<1x1x1x128xf32, #tpu.memory_space<hbm>>
      %dma_start3A_222 = tpu.memref_squeeze %dma_start3A_221 : memref<1x1x1x128xf32, #tpu.memory_space<hbm>> -> memref<128xf32, #tpu.memory_space<hbm>>
      %dma_start3A_223 = arith.constant 0 : i32
      %dma_start3A_224 = tpu.memref_slice %arg4[%arg0, %arg1, %add3A_219, %dma_start3A_223] : memref<2x16x106x128xf32, #tpu.memory_space<hbm>> -> memref<1x1x1x128xf32, #tpu.memory_space<hbm>>
      %dma_start3A_225 = tpu.memref_squeeze %dma_start3A_224 : memref<1x1x1x128xf32, #tpu.memory_space<hbm>> -> memref<128xf32, #tpu.memory_space<hbm>>
      tpu.enqueue_dma source(%dma_start3A_225 : memref<128xf32, #tpu.memory_space<hbm>>) target(%arg15 : memref<128xf32, #tpu.memory_space<vmem>>) target_semaphore(%arg20 : memref<!tpu.dma_semaphore, #tpu.memory_space<semaphore_mem>>)
      %add3A_226 = arith.constant 2 : i32
      %add3A_227 = arith.addi %add3A_168, %add3A_226 : i32
      %dma_start3A_228 = arith.constant 0 : i32
      %dma_start3A_229 = tpu.memref_slice %arg3[%arg0, %arg1, %add3A_227, %dma_start3A_228] : memref<2x16x106x128xi32, #tpu.memory_space<hbm>> -> memref<1x1x1x128xi32, #tpu.memory_space<hbm>>
      %dma_start3A_230 = tpu.memref_squeeze %dma_start3A_229 : memref<1x1x1x128xi32, #tpu.memory_space<hbm>> -> memref<128xi32, #tpu.memory_space<hbm>>
      %dma_start3A_231 = arith.constant 0 : i32
      %dma_start3A_232 = tpu.memref_slice %arg3[%arg0, %arg1, %add3A_227, %dma_start3A_231] : memref<2x16x106x128xi32, #tpu.memory_space<hbm>> -> memref<1x1x1x128xi32, #tpu.memory_space<hbm>>
      %dma_start3A_233 = tpu.memref_squeeze %dma_start3A_232 : memref<1x1x1x128xi32, #tpu.memory_space<hbm>> -> memref<128xi32, #tpu.memory_space<hbm>>
      tpu.enqueue_dma source(%dma_start3A_233 : memref<128xi32, #tpu.memory_space<hbm>>) target(%arg13 : memref<128xi32, #tpu.memory_space<vmem>>) target_semaphore(%arg20 : memref<!tpu.dma_semaphore, #tpu.memory_space<semaphore_mem>>)
      %mul3A_234 = arith.constant 4 : i32
      %mul3A_235 = arith.muli %add3A_99, %mul3A_234 : i32
      %add3A_236 = arith.constant 2 : i32
      %add3A_237 = arith.addi %mul3A_235, %add3A_236 : i32
      %dma_wait3A_238 = arith.constant 0 : i32
      %dma_wait3A_239 = arith.constant 0 : i32
      %dma_wait3A_240 = tpu.memref_slice %arg2[%arg0, %arg1, %dma_wait3A_238, %dma_wait3A_239] : memref<2x16x106x128xi32, #tpu.memory_space<hbm>> -> memref<1x1x1x128xi32, #tpu.memory_space<hbm>>
      %dma_wait3A_241 = tpu.memref_squeeze %dma_wait3A_240 : memref<1x1x1x128xi32, #tpu.memory_space<hbm>> -> memref<128xi32, #tpu.memory_space<hbm>>
      %dma_wait3A_242 = arith.constant 0 : i32
      %dma_wait3A_243 = tpu.memref_slice %arg2[%arg0, %arg1, %dma_wait3A_238, %dma_wait3A_242] : memref<2x16x106x128xi32, #tpu.memory_space<hbm>> -> memref<1x1x1x128xi32, #tpu.memory_space<hbm>>
      %dma_wait3A_244 = tpu.memref_squeeze %dma_wait3A_243 : memref<1x1x1x128xi32, #tpu.memory_space<hbm>> -> memref<128xi32, #tpu.memory_space<hbm>>
      tpu.wait_dma2 semaphore(%arg20 : memref<!tpu.dma_semaphore, #tpu.memory_space<semaphore_mem>>) src(%dma_wait3A_244 : memref<128xi32, #tpu.memory_space<hbm>>) dst(%arg9 : memref<128xi32, #tpu.memory_space<vmem>>)
      %dma_wait3A_245 = arith.constant 0 : i32
      %dma_wait3A_246 = arith.constant 0 : i32
      %dma_wait3A_247 = tpu.memref_slice %arg4[%arg0, %arg1, %dma_wait3A_245, %dma_wait3A_246] : memref<2x16x106x128xf32, #tpu.memory_space<hbm>> -> memref<1x1x1x128xf32, #tpu.memory_space<hbm>>
      %dma_wait3A_248 = tpu.memref_squeeze %dma_wait3A_247 : memref<1x1x1x128xf32, #tpu.memory_space<hbm>> -> memref<128xf32, #tpu.memory_space<hbm>>
      %dma_wait3A_249 = arith.constant 0 : i32
      %dma_wait3A_250 = tpu.memref_slice %arg4[%arg0, %arg1, %dma_wait3A_245, %dma_wait3A_249] : memref<2x16x106x128xf32, #tpu.memory_space<hbm>> -> memref<1x1x1x128xf32, #tpu.memory_space<hbm>>
      %dma_wait3A_251 = tpu.memref_squeeze %dma_wait3A_250 : memref<1x1x1x128xf32, #tpu.memory_space<hbm>> -> memref<128xf32, #tpu.memory_space<hbm>>
      tpu.wait_dma2 semaphore(%arg20 : memref<!tpu.dma_semaphore, #tpu.memory_space<semaphore_mem>>) src(%dma_wait3A_251 : memref<128xf32, #tpu.memory_space<hbm>>) dst(%arg15 : memref<128xf32, #tpu.memory_space<vmem>>)
      %dma_wait3A_252 = arith.constant 0 : i32
      %dma_wait3A_253 = arith.constant 0 : i32
      %dma_wait3A_254 = tpu.memref_slice %arg3[%arg0, %arg1, %dma_wait3A_252, %dma_wait3A_253] : memref<2x16x106x128xi32, #tpu.memory_space<hbm>> -> memref<1x1x1x128xi32, #tpu.memory_space<hbm>>
      %dma_wait3A_255 = tpu.memref_squeeze %dma_wait3A_254 : memref<1x1x1x128xi32, #tpu.memory_space<hbm>> -> memref<128xi32, #tpu.memory_space<hbm>>
      %dma_wait3A_256 = arith.constant 0 : i32
      %dma_wait3A_257 = tpu.memref_slice %arg3[%arg0, %arg1, %dma_wait3A_252, %dma_wait3A_256] : memref<2x16x106x128xi32, #tpu.memory_space<hbm>> -> memref<1x1x1x128xi32, #tpu.memory_space<hbm>>
      %dma_wait3A_258 = tpu.memref_squeeze %dma_wait3A_257 : memref<1x1x1x128xi32, #tpu.memory_space<hbm>> -> memref<128xi32, #tpu.memory_space<hbm>>
      tpu.wait_dma2 semaphore(%arg20 : memref<!tpu.dma_semaphore, #tpu.memory_space<semaphore_mem>>) src(%dma_wait3A_258 : memref<128xi32, #tpu.memory_space<hbm>>) dst(%arg13 : memref<128xi32, #tpu.memory_space<vmem>>)
      %ge3A_259 = arith.constant 1 : i32
      %ge3A_260 = arith.cmpi sge, %add3A_237, %ge3A_259 : i32
      %convert_element_type3A_261 = arith.extui %ge3A_260 : i1 to i32
      %cond3A_262 = arith.constant 0 : i32
      %cond3A_263 = arith.cmpi ne, %convert_element_type3A_261, %cond3A_262 : i32
      scf.if %cond3A_263 {
        %dma_wait3A_372 = arith.constant 0 : i32
        %dma_wait3A_373 = arith.constant 0 : i32
        %dma_wait3A_374 = tpu.memref_slice %arg18[%dma_wait3A_372, %dma_wait3A_373] : memref<10112x32xf32, #tpu.memory_space<vmem_shared>> -> memref<10112x32xf32, #tpu.memory_space<vmem_shared>>
        tpu.wait_indirect_dma semaphore(%arg24 : memref<!tpu.dma_semaphore, #tpu.memory_space<semaphore_mem>>) src(%arg17 : memref<128x32xf32, #tpu.memory_space<vmem>>) dst(%dma_wait3A_374 : memref<10112x32xf32, #tpu.memory_space<vmem_shared>>)
      } else {
      }
      %dma_start3A_264 = arith.constant 0 : i32
      %dma_start3A_265 = arith.constant 0 : i32
      %dma_start3A_266 = tpu.memref_slice %arg5[%dma_start3A_264, %dma_start3A_265] : memref<10000x32xf32, #tpu.memory_space<hbm>> -> memref<10000x32xf32, #tpu.memory_space<hbm>>
      tpu.enqueue_indirect_dma source(%dma_start3A_266 : memref<10000x32xf32, #tpu.memory_space<hbm>>) target(%arg17 : memref<128x32xf32, #tpu.memory_space<vmem>>) offsets(%arg9 : memref<128xi32, #tpu.memory_space<vmem>>) semaphore(%arg22 : memref<!tpu.dma_semaphore, #tpu.memory_space<semaphore_mem>>)
      %dma_wait3A_267 = arith.constant 0 : i32
      %dma_wait3A_268 = arith.constant 0 : i32
      %dma_wait3A_269 = tpu.memref_slice %arg5[%dma_wait3A_267, %dma_wait3A_268] : memref<10000x32xf32, #tpu.memory_space<hbm>> -> memref<128x32xf32, #tpu.memory_space<hbm>>
      %dma_wait3A_270 = arith.constant 0 : i32
      %dma_wait3A_271 = arith.constant 0 : i32
      %dma_wait3A_272 = tpu.memref_slice %arg5[%dma_wait3A_270, %dma_wait3A_271] : memref<10000x32xf32, #tpu.memory_space<hbm>> -> memref<128x32xf32, #tpu.memory_space<hbm>>
      tpu.wait_dma2 semaphore(%arg21 : memref<!tpu.dma_semaphore, #tpu.memory_space<semaphore_mem>>) src(%dma_wait3A_272 : memref<128x32xf32, #tpu.memory_space<hbm>>) dst(%arg16 : memref<128x32xf32, #tpu.memory_space<vmem>>)
      %parallel_loop3A_273 = arith.constant 0 : i32
      %parallel_loop3A_274 = arith.constant 128 : i32
      %parallel_loop3A_275 = arith.constant 1 : i32
      scf.for %parallel_loop3A_372 = %parallel_loop3A_273 to %parallel_loop3A_274 step %parallel_loop3A_275  : i32 {
        %parallel_loop3A_373 = vector.broadcast %parallel_loop3A_372 : i32 to vector<16xi32>
        %parallel_loop3A_374 = tpu.vector_load_idx %arg14[%parallel_loop3A_373] : memref<128xf32, #tpu.memory_space<vmem>>[vector<16xi32>], vector<16xf32>,
        %parallel_loop3A_375 = arith.index_cast %parallel_loop3A_372 : i32 to index
        %parallel_loop3A_376 = arith.constant 0 : index
        %parallel_loop3A_377 = tpu.vector_load %arg16[%parallel_loop3A_375, %parallel_loop3A_376] {strides = array<i32>} : memref<128x32xf32, #tpu.memory_space<vmem>>, vector<16xf32>,
        %parallel_loop3A_378 = arith.mulf %parallel_loop3A_377, %parallel_loop3A_374 : vector<16xf32>
        %parallel_loop3A_379 = arith.index_cast %parallel_loop3A_372 : i32 to index
        %parallel_loop3A_380 = arith.constant 0 : index
        %parallel_loop3A_381 = tpu.vector_load %arg16[%parallel_loop3A_379, %parallel_loop3A_380] {strides = array<i32>} : memref<128x32xf32, #tpu.memory_space<vmem>>, vector<16xf32>,
        tpu.vector_store %arg16[%parallel_loop3A_379, %parallel_loop3A_380], %parallel_loop3A_378 {strides = array<i32>} : memref<128x32xf32, #tpu.memory_space<vmem>>, vector<16xf32>,
        %parallel_loop3A_382 = arith.index_cast %parallel_loop3A_372 : i32 to index
        %parallel_loop3A_383 = arith.constant 16 : index
        %parallel_loop3A_384 = tpu.vector_load %arg16[%parallel_loop3A_382, %parallel_loop3A_383] {strides = array<i32>} : memref<128x32xf32, #tpu.memory_space<vmem>>, vector<16xf32>,
        %parallel_loop3A_385 = arith.mulf %parallel_loop3A_384, %parallel_loop3A_374 : vector<16xf32>
        %parallel_loop3A_386 = arith.index_cast %parallel_loop3A_372 : i32 to index
        %parallel_loop3A_387 = arith.constant 16 : index
        %parallel_loop3A_388 = tpu.vector_load %arg16[%parallel_loop3A_386, %parallel_loop3A_387] {strides = array<i32>} : memref<128x32xf32, #tpu.memory_space<vmem>>, vector<16xf32>,
        tpu.vector_store %arg16[%parallel_loop3A_386, %parallel_loop3A_387], %parallel_loop3A_385 {strides = array<i32>} : memref<128x32xf32, #tpu.memory_space<vmem>>, vector<16xf32>,
      } {sc.loop_unroll_factor = 4 : i64, sc.parallel_access}
      %dma_start3A_276 = arith.constant 0 : i32
      %dma_start3A_277 = arith.constant 0 : i32
      %dma_start3A_278 = tpu.memref_slice %arg18[%dma_start3A_276, %dma_start3A_277] : memref<10112x32xf32, #tpu.memory_space<vmem_shared>> -> memref<10112x32xf32, #tpu.memory_space<vmem_shared>>
      tpu.enqueue_indirect_dma source(%arg16 : memref<128x32xf32, #tpu.memory_space<vmem>>) target(%dma_start3A_278 : memref<10112x32xf32, #tpu.memory_space<vmem_shared>>) offsets(%arg12 : memref<128xi32, #tpu.memory_space<vmem>>) semaphore(%arg23 : memref<!tpu.dma_semaphore, #tpu.memory_space<semaphore_mem>>) {add = true}
      %add3A_279 = arith.constant 2 : i32
      %add3A_280 = arith.addi %add3A_237, %add3A_279 : i32
      %dma_start3A_281 = arith.constant 0 : i32
      %dma_start3A_282 = tpu.memref_slice %arg2[%arg0, %arg1, %add3A_280, %dma_start3A_281] : memref<2x16x106x128xi32, #tpu.memory_space<hbm>> -> memref<1x1x1x128xi32, #tpu.memory_space<hbm>>
      %dma_start3A_283 = tpu.memref_squeeze %dma_start3A_282 : memref<1x1x1x128xi32, #tpu.memory_space<hbm>> -> memref<128xi32, #tpu.memory_space<hbm>>
      %dma_start3A_284 = arith.constant 0 : i32
      %dma_start3A_285 = tpu.memref_slice %arg2[%arg0, %arg1, %add3A_280, %dma_start3A_284] : memref<2x16x106x128xi32, #tpu.memory_space<hbm>> -> memref<1x1x1x128xi32, #tpu.memory_space<hbm>>
      %dma_start3A_286 = tpu.memref_squeeze %dma_start3A_285 : memref<1x1x1x128xi32, #tpu.memory_space<hbm>> -> memref<128xi32, #tpu.memory_space<hbm>>
      tpu.enqueue_dma source(%dma_start3A_286 : memref<128xi32, #tpu.memory_space<hbm>>) target(%arg8 : memref<128xi32, #tpu.memory_space<vmem>>) target_semaphore(%arg19 : memref<!tpu.dma_semaphore, #tpu.memory_space<semaphore_mem>>)
      %add3A_287 = arith.constant 2 : i32
      %add3A_288 = arith.addi %add3A_237, %add3A_287 : i32
      %dma_start3A_289 = arith.constant 0 : i32
      %dma_start3A_290 = tpu.memref_slice %arg4[%arg0, %arg1, %add3A_288, %dma_start3A_289] : memref<2x16x106x128xf32, #tpu.memory_space<hbm>> -> memref<1x1x1x128xf32, #tpu.memory_space<hbm>>
      %dma_start3A_291 = tpu.memref_squeeze %dma_start3A_290 : memref<1x1x1x128xf32, #tpu.memory_space<hbm>> -> memref<128xf32, #tpu.memory_space<hbm>>
      %dma_start3A_292 = arith.constant 0 : i32
      %dma_start3A_293 = tpu.memref_slice %arg4[%arg0, %arg1, %add3A_288, %dma_start3A_292] : memref<2x16x106x128xf32, #tpu.memory_space<hbm>> -> memref<1x1x1x128xf32, #tpu.memory_space<hbm>>
      %dma_start3A_294 = tpu.memref_squeeze %dma_start3A_293 : memref<1x1x1x128xf32, #tpu.memory_space<hbm>> -> memref<128xf32, #tpu.memory_space<hbm>>
      tpu.enqueue_dma source(%dma_start3A_294 : memref<128xf32, #tpu.memory_space<hbm>>) target(%arg14 : memref<128xf32, #tpu.memory_space<vmem>>) target_semaphore(%arg19 : memref<!tpu.dma_semaphore, #tpu.memory_space<semaphore_mem>>)
      %add3A_295 = arith.constant 2 : i32
      %add3A_296 = arith.addi %add3A_237, %add3A_295 : i32
      %dma_start3A_297 = arith.constant 0 : i32
      %dma_start3A_298 = tpu.memref_slice %arg3[%arg0, %arg1, %add3A_296, %dma_start3A_297] : memref<2x16x106x128xi32, #tpu.memory_space<hbm>> -> memref<1x1x1x128xi32, #tpu.memory_space<hbm>>
      %dma_start3A_299 = tpu.memref_squeeze %dma_start3A_298 : memref<1x1x1x128xi32, #tpu.memory_space<hbm>> -> memref<128xi32, #tpu.memory_space<hbm>>
      %dma_start3A_300 = arith.constant 0 : i32
      %dma_start3A_301 = tpu.memref_slice %arg3[%arg0, %arg1, %add3A_296, %dma_start3A_300] : memref<2x16x106x128xi32, #tpu.memory_space<hbm>> -> memref<1x1x1x128xi32, #tpu.memory_space<hbm>>
      %dma_start3A_302 = tpu.memref_squeeze %dma_start3A_301 : memref<1x1x1x128xi32, #tpu.memory_space<hbm>> -> memref<128xi32, #tpu.memory_space<hbm>>
      tpu.enqueue_dma source(%dma_start3A_302 : memref<128xi32, #tpu.memory_space<hbm>>) target(%arg10 : memref<128xi32, #tpu.memory_space<vmem>>) target_semaphore(%arg19 : memref<!tpu.dma_semaphore, #tpu.memory_space<semaphore_mem>>)
      %mul3A_303 = arith.constant 4 : i32
      %mul3A_304 = arith.muli %add3A_99, %mul3A_303 : i32
      %add3A_305 = arith.constant 3 : i32
      %add3A_306 = arith.addi %mul3A_304, %add3A_305 : i32
      %dma_wait3A_307 = arith.constant 0 : i32
      %dma_wait3A_308 = arith.constant 0 : i32
      %dma_wait3A_309 = tpu.memref_slice %arg2[%arg0, %arg1, %dma_wait3A_307, %dma_wait3A_308] : memref<2x16x106x128xi32, #tpu.memory_space<hbm>> -> memref<1x1x1x128xi32, #tpu.memory_space<hbm>>
      %dma_wait3A_310 = tpu.memref_squeeze %dma_wait3A_309 : memref<1x1x1x128xi32, #tpu.memory_space<hbm>> -> memref<128xi32, #tpu.memory_space<hbm>>
      %dma_wait3A_311 = arith.constant 0 : i32
      %dma_wait3A_312 = tpu.memref_slice %arg2[%arg0, %arg1, %dma_wait3A_307, %dma_wait3A_311] : memref<2x16x106x128xi32, #tpu.memory_space<hbm>> -> memref<1x1x1x128xi32, #tpu.memory_space<hbm>>
      %dma_wait3A_313 = tpu.memref_squeeze %dma_wait3A_312 : memref<1x1x1x128xi32, #tpu.memory_space<hbm>> -> memref<128xi32, #tpu.memory_space<hbm>>
      tpu.wait_dma2 semaphore(%arg19 : memref<!tpu.dma_semaphore, #tpu.memory_space<semaphore_mem>>) src(%dma_wait3A_313 : memref<128xi32, #tpu.memory_space<hbm>>) dst(%arg8 : memref<128xi32, #tpu.memory_space<vmem>>)
      %dma_wait3A_314 = arith.constant 0 : i32
      %dma_wait3A_315 = arith.constant 0 : i32
      %dma_wait3A_316 = tpu.memref_slice %arg4[%arg0, %arg1, %dma_wait3A_314, %dma_wait3A_315] : memref<2x16x106x128xf32, #tpu.memory_space<hbm>> -> memref<1x1x1x128xf32, #tpu.memory_space<hbm>>
      %dma_wait3A_317 = tpu.memref_squeeze %dma_wait3A_316 : memref<1x1x1x128xf32, #tpu.memory_space<hbm>> -> memref<128xf32, #tpu.memory_space<hbm>>
      %dma_wait3A_318 = arith.constant 0 : i32
      %dma_wait3A_319 = tpu.memref_slice %arg4[%arg0, %arg1, %dma_wait3A_314, %dma_wait3A_318] : memref<2x16x106x128xf32, #tpu.memory_space<hbm>> -> memref<1x1x1x128xf32, #tpu.memory_space<hbm>>
      %dma_wait3A_320 = tpu.memref_squeeze %dma_wait3A_319 : memref<1x1x1x128xf32, #tpu.memory_space<hbm>> -> memref<128xf32, #tpu.memory_space<hbm>>
      tpu.wait_dma2 semaphore(%arg19 : memref<!tpu.dma_semaphore, #tpu.memory_space<semaphore_mem>>) src(%dma_wait3A_320 : memref<128xf32, #tpu.memory_space<hbm>>) dst(%arg14 : memref<128xf32, #tpu.memory_space<vmem>>)
      %dma_wait3A_321 = arith.constant 0 : i32
      %dma_wait3A_322 = arith.constant 0 : i32
      %dma_wait3A_323 = tpu.memref_slice %arg3[%arg0, %arg1, %dma_wait3A_321, %dma_wait3A_322] : memref<2x16x106x128xi32, #tpu.memory_space<hbm>> -> memref<1x1x1x128xi32, #tpu.memory_space<hbm>>
      %dma_wait3A_324 = tpu.memref_squeeze %dma_wait3A_323 : memref<1x1x1x128xi32, #tpu.memory_space<hbm>> -> memref<128xi32, #tpu.memory_space<hbm>>
      %dma_wait3A_325 = arith.constant 0 : i32
      %dma_wait3A_326 = tpu.memref_slice %arg3[%arg0, %arg1, %dma_wait3A_321, %dma_wait3A_325] : memref<2x16x106x128xi32, #tpu.memory_space<hbm>> -> memref<1x1x1x128xi32, #tpu.memory_space<hbm>>
      %dma_wait3A_327 = tpu.memref_squeeze %dma_wait3A_326 : memref<1x1x1x128xi32, #tpu.memory_space<hbm>> -> memref<128xi32, #tpu.memory_space<hbm>>
      tpu.wait_dma2 semaphore(%arg19 : memref<!tpu.dma_semaphore, #tpu.memory_space<semaphore_mem>>) src(%dma_wait3A_327 : memref<128xi32, #tpu.memory_space<hbm>>) dst(%arg10 : memref<128xi32, #tpu.memory_space<vmem>>)
      %ge3A_328 = arith.constant 1 : i32
      %ge3A_329 = arith.cmpi sge, %add3A_306, %ge3A_328 : i32
      %convert_element_type3A_330 = arith.extui %ge3A_329 : i1 to i32
      %cond3A_331 = arith.constant 0 : i32
      %cond3A_332 = arith.cmpi ne, %convert_element_type3A_330, %cond3A_331 : i32
      scf.if %cond3A_332 {
        %dma_wait3A_372 = arith.constant 0 : i32
        %dma_wait3A_373 = arith.constant 0 : i32
        %dma_wait3A_374 = tpu.memref_slice %arg18[%dma_wait3A_372, %dma_wait3A_373] : memref<10112x32xf32, #tpu.memory_space<vmem_shared>> -> memref<10112x32xf32, #tpu.memory_space<vmem_shared>>
        tpu.wait_indirect_dma semaphore(%arg23 : memref<!tpu.dma_semaphore, #tpu.memory_space<semaphore_mem>>) src(%arg16 : memref<128x32xf32, #tpu.memory_space<vmem>>) dst(%dma_wait3A_374 : memref<10112x32xf32, #tpu.memory_space<vmem_shared>>)
      } else {
      }
      %dma_start3A_333 = arith.constant 0 : i32
      %dma_start3A_334 = arith.constant 0 : i32
      %dma_start3A_335 = tpu.memref_slice %arg5[%dma_start3A_333, %dma_start3A_334] : memref<10000x32xf32, #tpu.memory_space<hbm>> -> memref<10000x32xf32, #tpu.memory_space<hbm>>
      tpu.enqueue_indirect_dma source(%dma_start3A_335 : memref<10000x32xf32, #tpu.memory_space<hbm>>) target(%arg16 : memref<128x32xf32, #tpu.memory_space<vmem>>) offsets(%arg8 : memref<128xi32, #tpu.memory_space<vmem>>) semaphore(%arg21 : memref<!tpu.dma_semaphore, #tpu.memory_space<semaphore_mem>>)
      %dma_wait3A_336 = arith.constant 0 : i32
      %dma_wait3A_337 = arith.constant 0 : i32
      %dma_wait3A_338 = tpu.memref_slice %arg5[%dma_wait3A_336, %dma_wait3A_337] : memref<10000x32xf32, #tpu.memory_space<hbm>> -> memref<128x32xf32, #tpu.memory_space<hbm>>
      %dma_wait3A_339 = arith.constant 0 : i32
      %dma_wait3A_340 = arith.constant 0 : i32
      %dma_wait3A_341 = tpu.memref_slice %arg5[%dma_wait3A_339, %dma_wait3A_340] : memref<10000x32xf32, #tpu.memory_space<hbm>> -> memref<128x32xf32, #tpu.memory_space<hbm>>
      tpu.wait_dma2 semaphore(%arg22 : memref<!tpu.dma_semaphore, #tpu.memory_space<semaphore_mem>>) src(%dma_wait3A_341 : memref<128x32xf32, #tpu.memory_space<hbm>>) dst(%arg17 : memref<128x32xf32, #tpu.memory_space<vmem>>)
      %parallel_loop3A_342 = arith.constant 0 : i32
      %parallel_loop3A_343 = arith.constant 128 : i32
      %parallel_loop3A_344 = arith.constant 1 : i32
      scf.for %parallel_loop3A_372 = %parallel_loop3A_342 to %parallel_loop3A_343 step %parallel_loop3A_344  : i32 {
        %parallel_loop3A_373 = vector.broadcast %parallel_loop3A_372 : i32 to vector<16xi32>
        %parallel_loop3A_374 = tpu.vector_load_idx %arg15[%parallel_loop3A_373] : memref<128xf32, #tpu.memory_space<vmem>>[vector<16xi32>], vector<16xf32>,
        %parallel_loop3A_375 = arith.index_cast %parallel_loop3A_372 : i32 to index
        %parallel_loop3A_376 = arith.constant 0 : index
        %parallel_loop3A_377 = tpu.vector_load %arg17[%parallel_loop3A_375, %parallel_loop3A_376] {strides = array<i32>} : memref<128x32xf32, #tpu.memory_space<vmem>>, vector<16xf32>,
        %parallel_loop3A_378 = arith.mulf %parallel_loop3A_377, %parallel_loop3A_374 : vector<16xf32>
        %parallel_loop3A_379 = arith.index_cast %parallel_loop3A_372 : i32 to index
        %parallel_loop3A_380 = arith.constant 0 : index
        %parallel_loop3A_381 = tpu.vector_load %arg17[%parallel_loop3A_379, %parallel_loop3A_380] {strides = array<i32>} : memref<128x32xf32, #tpu.memory_space<vmem>>, vector<16xf32>,
        tpu.vector_store %arg17[%parallel_loop3A_379, %parallel_loop3A_380], %parallel_loop3A_378 {strides = array<i32>} : memref<128x32xf32, #tpu.memory_space<vmem>>, vector<16xf32>,
        %parallel_loop3A_382 = arith.index_cast %parallel_loop3A_372 : i32 to index
        %parallel_loop3A_383 = arith.constant 16 : index
        %parallel_loop3A_384 = tpu.vector_load %arg17[%parallel_loop3A_382, %parallel_loop3A_383] {strides = array<i32>} : memref<128x32xf32, #tpu.memory_space<vmem>>, vector<16xf32>,
        %parallel_loop3A_385 = arith.mulf %parallel_loop3A_384, %parallel_loop3A_374 : vector<16xf32>
        %parallel_loop3A_386 = arith.index_cast %parallel_loop3A_372 : i32 to index
        %parallel_loop3A_387 = arith.constant 16 : index
        %parallel_loop3A_388 = tpu.vector_load %arg17[%parallel_loop3A_386, %parallel_loop3A_387] {strides = array<i32>} : memref<128x32xf32, #tpu.memory_space<vmem>>, vector<16xf32>,
        tpu.vector_store %arg17[%parallel_loop3A_386, %parallel_loop3A_387], %parallel_loop3A_385 {strides = array<i32>} : memref<128x32xf32, #tpu.memory_space<vmem>>, vector<16xf32>,
      } {sc.loop_unroll_factor = 4 : i64, sc.parallel_access}
      %dma_start3A_345 = arith.constant 0 : i32
      %dma_start3A_346 = arith.constant 0 : i32
      %dma_start3A_347 = tpu.memref_slice %arg18[%dma_start3A_345, %dma_start3A_346] : memref<10112x32xf32, #tpu.memory_space<vmem_shared>> -> memref<10112x32xf32, #tpu.memory_space<vmem_shared>>
      tpu.enqueue_indirect_dma source(%arg17 : memref<128x32xf32, #tpu.memory_space<vmem>>) target(%dma_start3A_347 : memref<10112x32xf32, #tpu.memory_space<vmem_shared>>) offsets(%arg13 : memref<128xi32, #tpu.memory_space<vmem>>) semaphore(%arg24 : memref<!tpu.dma_semaphore, #tpu.memory_space<semaphore_mem>>) {add = true}
      %add3A_348 = arith.constant 2 : i32
      %add3A_349 = arith.addi %add3A_306, %add3A_348 : i32
      %dma_start3A_350 = arith.constant 0 : i32
      %dma_start3A_351 = tpu.memref_slice %arg2[%arg0, %arg1, %add3A_349, %dma_start3A_350] : memref<2x16x106x128xi32, #tpu.memory_space<hbm>> -> memref<1x1x1x128xi32, #tpu.memory_space<hbm>>
      %dma_start3A_352 = tpu.memref_squeeze %dma_start3A_351 : memref<1x1x1x128xi32, #tpu.memory_space<hbm>> -> memref<128xi32, #tpu.memory_space<hbm>>
      %dma_start3A_353 = arith.constant 0 : i32
      %dma_start3A_354 = tpu.memref_slice %arg2[%arg0, %arg1, %add3A_349, %dma_start3A_353] : memref<2x16x106x128xi32, #tpu.memory_space<hbm>> -> memref<1x1x1x128xi32, #tpu.memory_space<hbm>>
      %dma_start3A_355 = tpu.memref_squeeze %dma_start3A_354 : memref<1x1x1x128xi32, #tpu.memory_space<hbm>> -> memref<128xi32, #tpu.memory_space<hbm>>
      tpu.enqueue_dma source(%dma_start3A_355 : memref<128xi32, #tpu.memory_space<hbm>>) target(%arg9 : memref<128xi32, #tpu.memory_space<vmem>>) target_semaphore(%arg20 : memref<!tpu.dma_semaphore, #tpu.memory_space<semaphore_mem>>)
      %add3A_356 = arith.constant 2 : i32
      %add3A_357 = arith.addi %add3A_306, %add3A_356 : i32
      %dma_start3A_358 = arith.constant 0 : i32
      %dma_start3A_359 = tpu.memref_slice %arg4[%arg0, %arg1, %add3A_357, %dma_start3A_358] : memref<2x16x106x128xf32, #tpu.memory_space<hbm>> -> memref<1x1x1x128xf32, #tpu.memory_space<hbm>>
      %dma_start3A_360 = tpu.memref_squeeze %dma_start3A_359 : memref<1x1x1x128xf32, #tpu.memory_space<hbm>> -> memref<128xf32, #tpu.memory_space<hbm>>
      %dma_start3A_361 = arith.constant 0 : i32
      %dma_start3A_362 = tpu.memref_slice %arg4[%arg0, %arg1, %add3A_357, %dma_start3A_361] : memref<2x16x106x128xf32, #tpu.memory_space<hbm>> -> memref<1x1x1x128xf32, #tpu.memory_space<hbm>>
      %dma_start3A_363 = tpu.memref_squeeze %dma_start3A_362 : memref<1x1x1x128xf32, #tpu.memory_space<hbm>> -> memref<128xf32, #tpu.memory_space<hbm>>
      tpu.enqueue_dma source(%dma_start3A_363 : memref<128xf32, #tpu.memory_space<hbm>>) target(%arg15 : memref<128xf32, #tpu.memory_space<vmem>>) target_semaphore(%arg20 : memref<!tpu.dma_semaphore, #tpu.memory_space<semaphore_mem>>)
      %add3A_364 = arith.constant 2 : i32
      %add3A_365 = arith.addi %add3A_306, %add3A_364 : i32
      %dma_start3A_366 = arith.constant 0 : i32
      %dma_start3A_367 = tpu.memref_slice %arg3[%arg0, %arg1, %add3A_365, %dma_start3A_366] : memref<2x16x106x128xi32, #tpu.memory_space<hbm>> -> memref<1x1x1x128xi32, #tpu.memory_space<hbm>>
      %dma_start3A_368 = tpu.memref_squeeze %dma_start3A_367 : memref<1x1x1x128xi32, #tpu.memory_space<hbm>> -> memref<128xi32, #tpu.memory_space<hbm>>
      %dma_start3A_369 = arith.constant 0 : i32
      %dma_start3A_370 = tpu.memref_slice %arg3[%arg0, %arg1, %add3A_365, %dma_start3A_369] : memref<2x16x106x128xi32, #tpu.memory_space<hbm>> -> memref<1x1x1x128xi32, #tpu.memory_space<hbm>>
      %dma_start3A_371 = tpu.memref_squeeze %dma_start3A_370 : memref<1x1x1x128xi32, #tpu.memory_space<hbm>> -> memref<128xi32, #tpu.memory_space<hbm>>
      tpu.enqueue_dma source(%dma_start3A_371 : memref<128xi32, #tpu.memory_space<hbm>>) target(%arg11 : memref<128xi32, #tpu.memory_space<vmem>>) target_semaphore(%arg20 : memref<!tpu.dma_semaphore, #tpu.memory_space<semaphore_mem>>)
    }
    %while3A_62 = arith.constant 1 : i32
    scf.for %while3A_97 = %while3A_60 to %while3A_56 step %while3A_62  : i32 {
      %mul3A_98 = arith.muli %while3A_97, %while3A : i32
      %add3A_99 = arith.addi %while3A_53, %mul3A_98 : i32
      %mul3A_100 = arith.constant 4 : i32
      %mul3A_101 = arith.muli %add3A_99, %mul3A_100 : i32
      %add3A_102 = arith.constant 0 : i32
      %add3A_103 = arith.addi %mul3A_101, %add3A_102 : i32
      %dma_wait3A_104 = arith.constant 0 : i32
      %dma_wait3A_105 = arith.constant 0 : i32
      %dma_wait3A_106 = tpu.memref_slice %arg2[%arg0, %arg1, %dma_wait3A_104, %dma_wait3A_105] : memref<2x16x106x128xi32, #tpu.memory_space<hbm>> -> memref<1x1x1x128xi32, #tpu.memory_space<hbm>>
      %dma_wait3A_107 = tpu.memref_squeeze %dma_wait3A_106 : memref<1x1x1x128xi32, #tpu.memory_space<hbm>> -> memref<128xi32, #tpu.memory_space<hbm>>
      %dma_wait3A_108 = arith.constant 0 : i32
      %dma_wait3A_109 = tpu.memref_slice %arg2[%arg0, %arg1, %dma_wait3A_104, %dma_wait3A_108] : memref<2x16x106x128xi32, #tpu.memory_space<hbm>> -> memref<1x1x1x128xi32, #tpu.memory_space<hbm>>
      %dma_wait3A_110 = tpu.memref_squeeze %dma_wait3A_109 : memref<1x1x1x128xi32, #tpu.memory_space<hbm>> -> memref<128xi32, #tpu.memory_space<hbm>>
      tpu.wait_dma2 semaphore(%arg20 : memref<!tpu.dma_semaphore, #tpu.memory_space<semaphore_mem>>) src(%dma_wait3A_110 : memref<128xi32, #tpu.memory_space<hbm>>) dst(%arg9 : memref<128xi32, #tpu.memory_space<vmem>>)
      %dma_wait3A_111 = arith.constant 0 : i32
      %dma_wait3A_112 = arith.constant 0 : i32
      %dma_wait3A_113 = tpu.memref_slice %arg4[%arg0, %arg1, %dma_wait3A_111, %dma_wait3A_112] : memref<2x16x106x128xf32, #tpu.memory_space<hbm>> -> memref<1x1x1x128xf32, #tpu.memory_space<hbm>>
      %dma_wait3A_114 = tpu.memref_squeeze %dma_wait3A_113 : memref<1x1x1x128xf32, #tpu.memory_space<hbm>> -> memref<128xf32, #tpu.memory_space<hbm>>
      %dma_wait3A_115 = arith.constant 0 : i32
      %dma_wait3A_116 = tpu.memref_slice %arg4[%arg0, %arg1, %dma_wait3A_111, %dma_wait3A_115] : memref<2x16x106x128xf32, #tpu.memory_space<hbm>> -> memref<1x1x1x128xf32, #tpu.memory_space<hbm>>
      %dma_wait3A_117 = tpu.memref_squeeze %dma_wait3A_116 : memref<1x1x1x128xf32, #tpu.memory_space<hbm>> -> memref<128xf32, #tpu.memory_space<hbm>>
      tpu.wait_dma2 semaphore(%arg20 : memref<!tpu.dma_semaphore, #tpu.memory_space<semaphore_mem>>) src(%dma_wait3A_117 : memref<128xf32, #tpu.memory_space<hbm>>) dst(%arg15 : memref<128xf32, #tpu.memory_space<vmem>>)
      %dma_wait3A_118 = arith.constant 0 : i32
      %dma_wait3A_119 = arith.constant 0 : i32
      %dma_wait3A_120 = tpu.memref_slice %arg3[%arg0, %arg1, %dma_wait3A_118, %dma_wait3A_119] : memref<2x16x106x128xi32, #tpu.memory_space<hbm>> -> memref<1x1x1x128xi32, #tpu.memory_space<hbm>>
      %dma_wait3A_121 = tpu.memref_squeeze %dma_wait3A_120 : memref<1x1x1x128xi32, #tpu.memory_space<hbm>> -> memref<128xi32, #tpu.memory_space<hbm>>
      %dma_wait3A_122 = arith.constant 0 : i32
      %dma_wait3A_123 = tpu.memref_slice %arg3[%arg0, %arg1, %dma_wait3A_118, %dma_wait3A_122] : memref<2x16x106x128xi32, #tpu.memory_space<hbm>> -> memref<1x1x1x128xi32, #tpu.memory_space<hbm>>
      %dma_wait3A_124 = tpu.memref_squeeze %dma_wait3A_123 : memref<1x1x1x128xi32, #tpu.memory_space<hbm>> -> memref<128xi32, #tpu.memory_space<hbm>>
      tpu.wait_dma2 semaphore(%arg20 : memref<!tpu.dma_semaphore, #tpu.memory_space<semaphore_mem>>) src(%dma_wait3A_124 : memref<128xi32, #tpu.memory_space<hbm>>) dst(%arg11 : memref<128xi32, #tpu.memory_space<vmem>>)
      %ge3A = arith.constant 1 : i32
      %ge3A_125 = arith.cmpi sge, %add3A_103, %ge3A : i32
      %convert_element_type3A = arith.extui %ge3A_125 : i1 to i32
      %cond3A = arith.constant 0 : i32
      %cond3A_126 = arith.cmpi ne, %convert_element_type3A, %cond3A : i32
      scf.if %cond3A_126 {
        %dma_wait3A_372 = arith.constant 0 : i32
        %dma_wait3A_373 = arith.constant 0 : i32
        %dma_wait3A_374 = tpu.memref_slice %arg18[%dma_wait3A_372, %dma_wait3A_373] : memref<10112x32xf32, #tpu.memory_space<vmem_shared>> -> memref<10112x32xf32, #tpu.memory_space<vmem_shared>>
        tpu.wait_indirect_dma semaphore(%arg24 : memref<!tpu.dma_semaphore, #tpu.memory_space<semaphore_mem>>) src(%arg17 : memref<128x32xf32, #tpu.memory_space<vmem>>) dst(%dma_wait3A_374 : memref<10112x32xf32, #tpu.memory_space<vmem_shared>>)
      } else {
      }
      %dma_start3A_127 = arith.constant 0 : i32
      %dma_start3A_128 = arith.constant 0 : i32
      %dma_start3A_129 = tpu.memref_slice %arg5[%dma_start3A_127, %dma_start3A_128] : memref<10000x32xf32, #tpu.memory_space<hbm>> -> memref<10000x32xf32, #tpu.memory_space<hbm>>
      tpu.enqueue_indirect_dma source(%dma_start3A_129 : memref<10000x32xf32, #tpu.memory_space<hbm>>) target(%arg17 : memref<128x32xf32, #tpu.memory_space<vmem>>) offsets(%arg9 : memref<128xi32, #tpu.memory_space<vmem>>) semaphore(%arg22 : memref<!tpu.dma_semaphore, #tpu.memory_space<semaphore_mem>>)
      %dma_wait3A_130 = arith.constant 0 : i32
      %dma_wait3A_131 = arith.constant 0 : i32
      %dma_wait3A_132 = tpu.memref_slice %arg5[%dma_wait3A_130, %dma_wait3A_131] : memref<10000x32xf32, #tpu.memory_space<hbm>> -> memref<128x32xf32, #tpu.memory_space<hbm>>
      %dma_wait3A_133 = arith.constant 0 : i32
      %dma_wait3A_134 = arith.constant 0 : i32
      %dma_wait3A_135 = tpu.memref_slice %arg5[%dma_wait3A_133, %dma_wait3A_134] : memref<10000x32xf32, #tpu.memory_space<hbm>> -> memref<128x32xf32, #tpu.memory_space<hbm>>
      tpu.wait_dma2 semaphore(%arg21 : memref<!tpu.dma_semaphore, #tpu.memory_space<semaphore_mem>>) src(%dma_wait3A_135 : memref<128x32xf32, #tpu.memory_space<hbm>>) dst(%arg16 : memref<128x32xf32, #tpu.memory_space<vmem>>)
      %parallel_loop3A = arith.constant 0 : i32
      %parallel_loop3A_136 = arith.constant 128 : i32
      %parallel_loop3A_137 = arith.constant 1 : i32
      scf.for %parallel_loop3A_372 = %parallel_loop3A to %parallel_loop3A_136 step %parallel_loop3A_137  : i32 {
        %parallel_loop3A_373 = vector.broadcast %parallel_loop3A_372 : i32 to vector<16xi32>
        %parallel_loop3A_374 = tpu.vector_load_idx %arg14[%parallel_loop3A_373] : memref<128xf32, #tpu.memory_space<vmem>>[vector<16xi32>], vector<16xf32>,
        %parallel_loop3A_375 = arith.index_cast %parallel_loop3A_372 : i32 to index
        %parallel_loop3A_376 = arith.constant 0 : index
        %parallel_loop3A_377 = tpu.vector_load %arg16[%parallel_loop3A_375, %parallel_loop3A_376] {strides = array<i32>} : memref<128x32xf32, #tpu.memory_space<vmem>>, vector<16xf32>,
        %parallel_loop3A_378 = arith.mulf %parallel_loop3A_377, %parallel_loop3A_374 : vector<16xf32>
        %parallel_loop3A_379 = arith.index_cast %parallel_loop3A_372 : i32 to index
        %parallel_loop3A_380 = arith.constant 0 : index
        %parallel_loop3A_381 = tpu.vector_load %arg16[%parallel_loop3A_379, %parallel_loop3A_380] {strides = array<i32>} : memref<128x32xf32, #tpu.memory_space<vmem>>, vector<16xf32>,
        tpu.vector_store %arg16[%parallel_loop3A_379, %parallel_loop3A_380], %parallel_loop3A_378 {strides = array<i32>} : memref<128x32xf32, #tpu.memory_space<vmem>>, vector<16xf32>,
        %parallel_loop3A_382 = arith.index_cast %parallel_loop3A_372 : i32 to index
        %parallel_loop3A_383 = arith.constant 16 : index
        %parallel_loop3A_384 = tpu.vector_load %arg16[%parallel_loop3A_382, %parallel_loop3A_383] {strides = array<i32>} : memref<128x32xf32, #tpu.memory_space<vmem>>, vector<16xf32>,
        %parallel_loop3A_385 = arith.mulf %parallel_loop3A_384, %parallel_loop3A_374 : vector<16xf32>
        %parallel_loop3A_386 = arith.index_cast %parallel_loop3A_372 : i32 to index
        %parallel_loop3A_387 = arith.constant 16 : index
        %parallel_loop3A_388 = tpu.vector_load %arg16[%parallel_loop3A_386, %parallel_loop3A_387] {strides = array<i32>} : memref<128x32xf32, #tpu.memory_space<vmem>>, vector<16xf32>,
        tpu.vector_store %arg16[%parallel_loop3A_386, %parallel_loop3A_387], %parallel_loop3A_385 {strides = array<i32>} : memref<128x32xf32, #tpu.memory_space<vmem>>, vector<16xf32>,
      } {sc.loop_unroll_factor = 4 : i64, sc.parallel_access}
      %dma_start3A_138 = arith.constant 0 : i32
      %dma_start3A_139 = arith.constant 0 : i32
      %dma_start3A_140 = tpu.memref_slice %arg18[%dma_start3A_138, %dma_start3A_139] : memref<10112x32xf32, #tpu.memory_space<vmem_shared>> -> memref<10112x32xf32, #tpu.memory_space<vmem_shared>>
      tpu.enqueue_indirect_dma source(%arg16 : memref<128x32xf32, #tpu.memory_space<vmem>>) target(%dma_start3A_140 : memref<10112x32xf32, #tpu.memory_space<vmem_shared>>) offsets(%arg10 : memref<128xi32, #tpu.memory_space<vmem>>) semaphore(%arg23 : memref<!tpu.dma_semaphore, #tpu.memory_space<semaphore_mem>>) {add = true}
      %add3A_141 = arith.constant 2 : i32
      %add3A_142 = arith.addi %add3A_103, %add3A_141 : i32
      %dma_start3A_143 = arith.constant 0 : i32
      %dma_start3A_144 = tpu.memref_slice %arg2[%arg0, %arg1, %add3A_142, %dma_start3A_143] : memref<2x16x106x128xi32, #tpu.memory_space<hbm>> -> memref<1x1x1x128xi32, #tpu.memory_space<hbm>>
      %dma_start3A_145 = tpu.memref_squeeze %dma_start3A_144 : memref<1x1x1x128xi32, #tpu.memory_space<hbm>> -> memref<128xi32, #tpu.memory_space<hbm>>
      %dma_start3A_146 = arith.constant 0 : i32
      %dma_start3A_147 = tpu.memref_slice %arg2[%arg0, %arg1, %add3A_142, %dma_start3A_146] : memref<2x16x106x128xi32, #tpu.memory_space<hbm>> -> memref<1x1x1x128xi32, #tpu.memory_space<hbm>>
      %dma_start3A_148 = tpu.memref_squeeze %dma_start3A_147 : memref<1x1x1x128xi32, #tpu.memory_space<hbm>> -> memref<128xi32, #tpu.memory_space<hbm>>
      tpu.enqueue_dma source(%dma_start3A_148 : memref<128xi32, #tpu.memory_space<hbm>>) target(%arg8 : memref<128xi32, #tpu.memory_space<vmem>>) target_semaphore(%arg19 : memref<!tpu.dma_semaphore, #tpu.memory_space<semaphore_mem>>)
      %add3A_149 = arith.constant 2 : i32
      %add3A_150 = arith.addi %add3A_103, %add3A_149 : i32
      %dma_start3A_151 = arith.constant 0 : i32
      %dma_start3A_152 = tpu.memref_slice %arg4[%arg0, %arg1, %add3A_150, %dma_start3A_151] : memref<2x16x106x128xf32, #tpu.memory_space<hbm>> -> memref<1x1x1x128xf32, #tpu.memory_space<hbm>>
      %dma_start3A_153 = tpu.memref_squeeze %dma_start3A_152 : memref<1x1x1x128xf32, #tpu.memory_space<hbm>> -> memref<128xf32, #tpu.memory_space<hbm>>
      %dma_start3A_154 = arith.constant 0 : i32
      %dma_start3A_155 = tpu.memref_slice %arg4[%arg0, %arg1, %add3A_150, %dma_start3A_154] : memref<2x16x106x128xf32, #tpu.memory_space<hbm>> -> memref<1x1x1x128xf32, #tpu.memory_space<hbm>>
      %dma_start3A_156 = tpu.memref_squeeze %dma_start3A_155 : memref<1x1x1x128xf32, #tpu.memory_space<hbm>> -> memref<128xf32, #tpu.memory_space<hbm>>
      tpu.enqueue_dma source(%dma_start3A_156 : memref<128xf32, #tpu.memory_space<hbm>>) target(%arg14 : memref<128xf32, #tpu.memory_space<vmem>>) target_semaphore(%arg19 : memref<!tpu.dma_semaphore, #tpu.memory_space<semaphore_mem>>)
      %add3A_157 = arith.constant 2 : i32
      %add3A_158 = arith.addi %add3A_103, %add3A_157 : i32
      %dma_start3A_159 = arith.constant 0 : i32
      %dma_start3A_160 = tpu.memref_slice %arg3[%arg0, %arg1, %add3A_158, %dma_start3A_159] : memref<2x16x106x128xi32, #tpu.memory_space<hbm>> -> memref<1x1x1x128xi32, #tpu.memory_space<hbm>>
      %dma_start3A_161 = tpu.memref_squeeze %dma_start3A_160 : memref<1x1x1x128xi32, #tpu.memory_space<hbm>> -> memref<128xi32, #tpu.memory_space<hbm>>
      %dma_start3A_162 = arith.constant 0 : i32
      %dma_start3A_163 = tpu.memref_slice %arg3[%arg0, %arg1, %add3A_158, %dma_start3A_162] : memref<2x16x106x128xi32, #tpu.memory_space<hbm>> -> memref<1x1x1x128xi32, #tpu.memory_space<hbm>>
      %dma_start3A_164 = tpu.memref_squeeze %dma_start3A_163 : memref<1x1x1x128xi32, #tpu.memory_space<hbm>> -> memref<128xi32, #tpu.memory_space<hbm>>
      tpu.enqueue_dma source(%dma_start3A_164 : memref<128xi32, #tpu.memory_space<hbm>>) target(%arg12 : memref<128xi32, #tpu.memory_space<vmem>>) target_semaphore(%arg19 : memref<!tpu.dma_semaphore, #tpu.memory_space<semaphore_mem>>)
      %mul3A_165 = arith.constant 4 : i32
      %mul3A_166 = arith.muli %add3A_99, %mul3A_165 : i32
      %add3A_167 = arith.constant 1 : i32
      %add3A_168 = arith.addi %mul3A_166, %add3A_167 : i32
      %dma_wait3A_169 = arith.constant 0 : i32
      %dma_wait3A_170 = arith.constant 0 : i32
      %dma_wait3A_171 = tpu.memref_slice %arg2[%arg0, %arg1, %dma_wait3A_169, %dma_wait3A_170] : memref<2x16x106x128xi32, #tpu.memory_space<hbm>> -> memref<1x1x1x128xi32, #tpu.memory_space<hbm>>
      %dma_wait3A_172 = tpu.memref_squeeze %dma_wait3A_171 : memref<1x1x1x128xi32, #tpu.memory_space<hbm>> -> memref<128xi32, #tpu.memory_space<hbm>>
      %dma_wait3A_173 = arith.constant 0 : i32
      %dma_wait3A_174 = tpu.memref_slice %arg2[%arg0, %arg1, %dma_wait3A_169, %dma_wait3A_173] : memref<2x16x106x128xi32, #tpu.memory_space<hbm>> -> memref<1x1x1x128xi32, #tpu.memory_space<hbm>>
      %dma_wait3A_175 = tpu.memref_squeeze %dma_wait3A_174 : memref<1x1x1x128xi32, #tpu.memory_space<hbm>> -> memref<128xi32, #tpu.memory_space<hbm>>
      tpu.wait_dma2 semaphore(%arg19 : memref<!tpu.dma_semaphore, #tpu.memory_space<semaphore_mem>>) src(%dma_wait3A_175 : memref<128xi32, #tpu.memory_space<hbm>>) dst(%arg8 : memref<128xi32, #tpu.memory_space<vmem>>)
      %dma_wait3A_176 = arith.constant 0 : i32
      %dma_wait3A_177 = arith.constant 0 : i32
      %dma_wait3A_178 = tpu.memref_slice %arg4[%arg0, %arg1, %dma_wait3A_176, %dma_wait3A_177] : memref<2x16x106x128xf32, #tpu.memory_space<hbm>> -> memref<1x1x1x128xf32, #tpu.memory_space<hbm>>
      %dma_wait3A_179 = tpu.memref_squeeze %dma_wait3A_178 : memref<1x1x1x128xf32, #tpu.memory_space<hbm>> -> memref<128xf32, #tpu.memory_space<hbm>>
      %dma_wait3A_180 = arith.constant 0 : i32
      %dma_wait3A_181 = tpu.memref_slice %arg4[%arg0, %arg1, %dma_wait3A_176, %dma_wait3A_180] : memref<2x16x106x128xf32, #tpu.memory_space<hbm>> -> memref<1x1x1x128xf32, #tpu.memory_space<hbm>>
      %dma_wait3A_182 = tpu.memref_squeeze %dma_wait3A_181 : memref<1x1x1x128xf32, #tpu.memory_space<hbm>> -> memref<128xf32, #tpu.memory_space<hbm>>
      tpu.wait_dma2 semaphore(%arg19 : memref<!tpu.dma_semaphore, #tpu.memory_space<semaphore_mem>>) src(%dma_wait3A_182 : memref<128xf32, #tpu.memory_space<hbm>>) dst(%arg14 : memref<128xf32, #tpu.memory_space<vmem>>)
      %dma_wait3A_183 = arith.constant 0 : i32
      %dma_wait3A_184 = arith.constant 0 : i32
      %dma_wait3A_185 = tpu.memref_slice %arg3[%arg0, %arg1, %dma_wait3A_183, %dma_wait3A_184] : memref<2x16x106x128xi32, #tpu.memory_space<hbm>> -> memref<1x1x1x128xi32, #tpu.memory_space<hbm>>
      %dma_wait3A_186 = tpu.memref_squeeze %dma_wait3A_185 : memref<1x1x1x128xi32, #tpu.memory_space<hbm>> -> memref<128xi32, #tpu.memory_space<hbm>>
      %dma_wait3A_187 = arith.constant 0 : i32
      %dma_wait3A_188 = tpu.memref_slice %arg3[%arg0, %arg1, %dma_wait3A_183, %dma_wait3A_187] : memref<2x16x106x128xi32, #tpu.memory_space<hbm>> -> memref<1x1x1x128xi32, #tpu.memory_space<hbm>>
      %dma_wait3A_189 = tpu.memref_squeeze %dma_wait3A_188 : memref<1x1x1x128xi32, #tpu.memory_space<hbm>> -> memref<128xi32, #tpu.memory_space<hbm>>
      tpu.wait_dma2 semaphore(%arg19 : memref<!tpu.dma_semaphore, #tpu.memory_space<semaphore_mem>>) src(%dma_wait3A_189 : memref<128xi32, #tpu.memory_space<hbm>>) dst(%arg12 : memref<128xi32, #tpu.memory_space<vmem>>)
      %ge3A_190 = arith.constant 1 : i32
      %ge3A_191 = arith.cmpi sge, %add3A_168, %ge3A_190 : i32
      %convert_element_type3A_192 = arith.extui %ge3A_191 : i1 to i32
      %cond3A_193 = arith.constant 0 : i32
      %cond3A_194 = arith.cmpi ne, %convert_element_type3A_192, %cond3A_193 : i32
      scf.if %cond3A_194 {
        %dma_wait3A_372 = arith.constant 0 : i32
        %dma_wait3A_373 = arith.constant 0 : i32
        %dma_wait3A_374 = tpu.memref_slice %arg18[%dma_wait3A_372, %dma_wait3A_373] : memref<10112x32xf32, #tpu.memory_space<vmem_shared>> -> memref<10112x32xf32, #tpu.memory_space<vmem_shared>>
        tpu.wait_indirect_dma semaphore(%arg23 : memref<!tpu.dma_semaphore, #tpu.memory_space<semaphore_mem>>) src(%arg16 : memref<128x32xf32, #tpu.memory_space<vmem>>) dst(%dma_wait3A_374 : memref<10112x32xf32, #tpu.memory_space<vmem_shared>>)
      } else {
      }
      %dma_start3A_195 = arith.constant 0 : i32
      %dma_start3A_196 = arith.constant 0 : i32
      %dma_start3A_197 = tpu.memref_slice %arg5[%dma_start3A_195, %dma_start3A_196] : memref<10000x32xf32, #tpu.memory_space<hbm>> -> memref<10000x32xf32, #tpu.memory_space<hbm>>
      tpu.enqueue_indirect_dma source(%dma_start3A_197 : memref<10000x32xf32, #tpu.memory_space<hbm>>) target(%arg16 : memref<128x32xf32, #tpu.memory_space<vmem>>) offsets(%arg8 : memref<128xi32, #tpu.memory_space<vmem>>) semaphore(%arg21 : memref<!tpu.dma_semaphore, #tpu.memory_space<semaphore_mem>>)
      %dma_wait3A_198 = arith.constant 0 : i32
      %dma_wait3A_199 = arith.constant 0 : i32
      %dma_wait3A_200 = tpu.memref_slice %arg5[%dma_wait3A_198, %dma_wait3A_199] : memref<10000x32xf32, #tpu.memory_space<hbm>> -> memref<128x32xf32, #tpu.memory_space<hbm>>
      %dma_wait3A_201 = arith.constant 0 : i32
      %dma_wait3A_202 = arith.constant 0 : i32
      %dma_wait3A_203 = tpu.memref_slice %arg5[%dma_wait3A_201, %dma_wait3A_202] : memref<10000x32xf32, #tpu.memory_space<hbm>> -> memref<128x32xf32, #tpu.memory_space<hbm>>
      tpu.wait_dma2 semaphore(%arg22 : memref<!tpu.dma_semaphore, #tpu.memory_space<semaphore_mem>>) src(%dma_wait3A_203 : memref<128x32xf32, #tpu.memory_space<hbm>>) dst(%arg17 : memref<128x32xf32, #tpu.memory_space<vmem>>)
      %parallel_loop3A_204 = arith.constant 0 : i32
      %parallel_loop3A_205 = arith.constant 128 : i32
      %parallel_loop3A_206 = arith.constant 1 : i32
      scf.for %parallel_loop3A_372 = %parallel_loop3A_204 to %parallel_loop3A_205 step %parallel_loop3A_206  : i32 {
        %parallel_loop3A_373 = vector.broadcast %parallel_loop3A_372 : i32 to vector<16xi32>
        %parallel_loop3A_374 = tpu.vector_load_idx %arg15[%parallel_loop3A_373] : memref<128xf32, #tpu.memory_space<vmem>>[vector<16xi32>], vector<16xf32>,
        %parallel_loop3A_375 = arith.index_cast %parallel_loop3A_372 : i32 to index
        %parallel_loop3A_376 = arith.constant 0 : index
        %parallel_loop3A_377 = tpu.vector_load %arg17[%parallel_loop3A_375, %parallel_loop3A_376] {strides = array<i32>} : memref<128x32xf32, #tpu.memory_space<vmem>>, vector<16xf32>,
        %parallel_loop3A_378 = arith.mulf %parallel_loop3A_377, %parallel_loop3A_374 : vector<16xf32>
        %parallel_loop3A_379 = arith.index_cast %parallel_loop3A_372 : i32 to index
        %parallel_loop3A_380 = arith.constant 0 : index
        %parallel_loop3A_381 = tpu.vector_load %arg17[%parallel_loop3A_379, %parallel_loop3A_380] {strides = array<i32>} : memref<128x32xf32, #tpu.memory_space<vmem>>, vector<16xf32>,
        tpu.vector_store %arg17[%parallel_loop3A_379, %parallel_loop3A_380], %parallel_loop3A_378 {strides = array<i32>} : memref<128x32xf32, #tpu.memory_space<vmem>>, vector<16xf32>,
        %parallel_loop3A_382 = arith.index_cast %parallel_loop3A_372 : i32 to index
        %parallel_loop3A_383 = arith.constant 16 : index
        %parallel_loop3A_384 = tpu.vector_load %arg17[%parallel_loop3A_382, %parallel_loop3A_383] {strides = array<i32>} : memref<128x32xf32, #tpu.memory_space<vmem>>, vector<16xf32>,
        %parallel_loop3A_385 = arith.mulf %parallel_loop3A_384, %parallel_loop3A_374 : vector<16xf32>
        %parallel_loop3A_386 = arith.index_cast %parallel_loop3A_372 : i32 to index
        %parallel_loop3A_387 = arith.constant 16 : index
        %parallel_loop3A_388 = tpu.vector_load %arg17[%parallel_loop3A_386, %parallel_loop3A_387] {strides = array<i32>} : memref<128x32xf32, #tpu.memory_space<vmem>>, vector<16xf32>,
        tpu.vector_store %arg17[%parallel_loop3A_386, %parallel_loop3A_387], %parallel_loop3A_385 {strides = array<i32>} : memref<128x32xf32, #tpu.memory_space<vmem>>, vector<16xf32>,
      } {sc.loop_unroll_factor = 4 : i64, sc.parallel_access}
      %dma_start3A_207 = arith.constant 0 : i32
      %dma_start3A_208 = arith.constant 0 : i32
      %dma_start3A_209 = tpu.memref_slice %arg18[%dma_start3A_207, %dma_start3A_208] : memref<10112x32xf32, #tpu.memory_space<vmem_shared>> -> memref<10112x32xf32, #tpu.memory_space<vmem_shared>>
      tpu.enqueue_indirect_dma source(%arg17 : memref<128x32xf32, #tpu.memory_space<vmem>>) target(%dma_start3A_209 : memref<10112x32xf32, #tpu.memory_space<vmem_shared>>) offsets(%arg11 : memref<128xi32, #tpu.memory_space<vmem>>) semaphore(%arg24 : memref<!tpu.dma_semaphore, #tpu.memory_space<semaphore_mem>>) {add = true}
      %add3A_210 = arith.constant 2 : i32
      %add3A_211 = arith.addi %add3A_168, %add3A_210 : i32
      %dma_start3A_212 = arith.constant 0 : i32
      %dma_start3A_213 = tpu.memref_slice %arg2[%arg0, %arg1, %add3A_211, %dma_start3A_212] : memref<2x16x106x128xi32, #tpu.memory_space<hbm>> -> memref<1x1x1x128xi32, #tpu.memory_space<hbm>>
      %dma_start3A_214 = tpu.memref_squeeze %dma_start3A_213 : memref<1x1x1x128xi32, #tpu.memory_space<hbm>> -> memref<128xi32, #tpu.memory_space<hbm>>
      %dma_start3A_215 = arith.constant 0 : i32
      %dma_start3A_216 = tpu.memref_slice %arg2[%arg0, %arg1, %add3A_211, %dma_start3A_215] : memref<2x16x106x128xi32, #tpu.memory_space<hbm>> -> memref<1x1x1x128xi32, #tpu.memory_space<hbm>>
      %dma_start3A_217 = tpu.memref_squeeze %dma_start3A_216 : memref<1x1x1x128xi32, #tpu.memory_space<hbm>> -> memref<128xi32, #tpu.memory_space<hbm>>
      tpu.enqueue_dma source(%dma_start3A_217 : memref<128xi32, #tpu.memory_space<hbm>>) target(%arg9 : memref<128xi32, #tpu.memory_space<vmem>>) target_semaphore(%arg20 : memref<!tpu.dma_semaphore, #tpu.memory_space<semaphore_mem>>)
      %add3A_218 = arith.constant 2 : i32
      %add3A_219 = arith.addi %add3A_168, %add3A_218 : i32
      %dma_start3A_220 = arith.constant 0 : i32
      %dma_start3A_221 = tpu.memref_slice %arg4[%arg0, %arg1, %add3A_219, %dma_start3A_220] : memref<2x16x106x128xf32, #tpu.memory_space<hbm>> -> memref<1x1x1x128xf32, #tpu.memory_space<hbm>>
      %dma_start3A_222 = tpu.memref_squeeze %dma_start3A_221 : memref<1x1x1x128xf32, #tpu.memory_space<hbm>> -> memref<128xf32, #tpu.memory_space<hbm>>
      %dma_start3A_223 = arith.constant 0 : i32
      %dma_start3A_224 = tpu.memref_slice %arg4[%arg0, %arg1, %add3A_219, %dma_start3A_223] : memref<2x16x106x128xf32, #tpu.memory_space<hbm>> -> memref<1x1x1x128xf32, #tpu.memory_space<hbm>>
      %dma_start3A_225 = tpu.memref_squeeze %dma_start3A_224 : memref<1x1x1x128xf32, #tpu.memory_space<hbm>> -> memref<128xf32, #tpu.memory_space<hbm>>
      tpu.enqueue_dma source(%dma_start3A_225 : memref<128xf32, #tpu.memory_space<hbm>>) target(%arg15 : memref<128xf32, #tpu.memory_space<vmem>>) target_semaphore(%arg20 : memref<!tpu.dma_semaphore, #tpu.memory_space<semaphore_mem>>)
      %add3A_226 = arith.constant 2 : i32
      %add3A_227 = arith.addi %add3A_168, %add3A_226 : i32
      %dma_start3A_228 = arith.constant 0 : i32
      %dma_start3A_229 = tpu.memref_slice %arg3[%arg0, %arg1, %add3A_227, %dma_start3A_228] : memref<2x16x106x128xi32, #tpu.memory_space<hbm>> -> memref<1x1x1x128xi32, #tpu.memory_space<hbm>>
      %dma_start3A_230 = tpu.memref_squeeze %dma_start3A_229 : memref<1x1x1x128xi32, #tpu.memory_space<hbm>> -> memref<128xi32, #tpu.memory_space<hbm>>
      %dma_start3A_231 = arith.constant 0 : i32
      %dma_start3A_232 = tpu.memref_slice %arg3[%arg0, %arg1, %add3A_227, %dma_start3A_231] : memref<2x16x106x128xi32, #tpu.memory_space<hbm>> -> memref<1x1x1x128xi32, #tpu.memory_space<hbm>>
      %dma_start3A_233 = tpu.memref_squeeze %dma_start3A_232 : memref<1x1x1x128xi32, #tpu.memory_space<hbm>> -> memref<128xi32, #tpu.memory_space<hbm>>
      tpu.enqueue_dma source(%dma_start3A_233 : memref<128xi32, #tpu.memory_space<hbm>>) target(%arg13 : memref<128xi32, #tpu.memory_space<vmem>>) target_semaphore(%arg20 : memref<!tpu.dma_semaphore, #tpu.memory_space<semaphore_mem>>)
      %mul3A_234 = arith.constant 4 : i32
      %mul3A_235 = arith.muli %add3A_99, %mul3A_234 : i32
      %add3A_236 = arith.constant 2 : i32
      %add3A_237 = arith.addi %mul3A_235, %add3A_236 : i32
      %dma_wait3A_238 = arith.constant 0 : i32
      %dma_wait3A_239 = arith.constant 0 : i32
      %dma_wait3A_240 = tpu.memref_slice %arg2[%arg0, %arg1, %dma_wait3A_238, %dma_wait3A_239] : memref<2x16x106x128xi32, #tpu.memory_space<hbm>> -> memref<1x1x1x128xi32, #tpu.memory_space<hbm>>
      %dma_wait3A_241 = tpu.memref_squeeze %dma_wait3A_240 : memref<1x1x1x128xi32, #tpu.memory_space<hbm>> -> memref<128xi32, #tpu.memory_space<hbm>>
      %dma_wait3A_242 = arith.constant 0 : i32
      %dma_wait3A_243 = tpu.memref_slice %arg2[%arg0, %arg1, %dma_wait3A_238, %dma_wait3A_242] : memref<2x16x106x128xi32, #tpu.memory_space<hbm>> -> memref<1x1x1x128xi32, #tpu.memory_space<hbm>>
      %dma_wait3A_244 = tpu.memref_squeeze %dma_wait3A_243 : memref<1x1x1x128xi32, #tpu.memory_space<hbm>> -> memref<128xi32, #tpu.memory_space<hbm>>
      tpu.wait_dma2 semaphore(%arg20 : memref<!tpu.dma_semaphore, #tpu.memory_space<semaphore_mem>>) src(%dma_wait3A_244 : memref<128xi32, #tpu.memory_space<hbm>>) dst(%arg9 : memref<128xi32, #tpu.memory_space<vmem>>)
      %dma_wait3A_245 = arith.constant 0 : i32
      %dma_wait3A_246 = arith.constant 0 : i32
      %dma_wait3A_247 = tpu.memref_slice %arg4[%arg0, %arg1, %dma_wait3A_245, %dma_wait3A_246] : memref<2x16x106x128xf32, #tpu.memory_space<hbm>> -> memref<1x1x1x128xf32, #tpu.memory_space<hbm>>
      %dma_wait3A_248 = tpu.memref_squeeze %dma_wait3A_247 : memref<1x1x1x128xf32, #tpu.memory_space<hbm>> -> memref<128xf32, #tpu.memory_space<hbm>>
      %dma_wait3A_249 = arith.constant 0 : i32
      %dma_wait3A_250 = tpu.memref_slice %arg4[%arg0, %arg1, %dma_wait3A_245, %dma_wait3A_249] : memref<2x16x106x128xf32, #tpu.memory_space<hbm>> -> memref<1x1x1x128xf32, #tpu.memory_space<hbm>>
      %dma_wait3A_251 = tpu.memref_squeeze %dma_wait3A_250 : memref<1x1x1x128xf32, #tpu.memory_space<hbm>> -> memref<128xf32, #tpu.memory_space<hbm>>
      tpu.wait_dma2 semaphore(%arg20 : memref<!tpu.dma_semaphore, #tpu.memory_space<semaphore_mem>>) src(%dma_wait3A_251 : memref<128xf32, #tpu.memory_space<hbm>>) dst(%arg15 : memref<128xf32, #tpu.memory_space<vmem>>)
      %dma_wait3A_252 = arith.constant 0 : i32
      %dma_wait3A_253 = arith.constant 0 : i32
      %dma_wait3A_254 = tpu.memref_slice %arg3[%arg0, %arg1, %dma_wait3A_252, %dma_wait3A_253] : memref<2x16x106x128xi32, #tpu.memory_space<hbm>> -> memref<1x1x1x128xi32, #tpu.memory_space<hbm>>
      %dma_wait3A_255 = tpu.memref_squeeze %dma_wait3A_254 : memref<1x1x1x128xi32, #tpu.memory_space<hbm>> -> memref<128xi32, #tpu.memory_space<hbm>>
      %dma_wait3A_256 = arith.constant 0 : i32
      %dma_wait3A_257 = tpu.memref_slice %arg3[%arg0, %arg1, %dma_wait3A_252, %dma_wait3A_256] : memref<2x16x106x128xi32, #tpu.memory_space<hbm>> -> memref<1x1x1x128xi32, #tpu.memory_space<hbm>>
      %dma_wait3A_258 = tpu.memref_squeeze %dma_wait3A_257 : memref<1x1x1x128xi32, #tpu.memory_space<hbm>> -> memref<128xi32, #tpu.memory_space<hbm>>
      tpu.wait_dma2 semaphore(%arg20 : memref<!tpu.dma_semaphore, #tpu.memory_space<semaphore_mem>>) src(%dma_wait3A_258 : memref<128xi32, #tpu.memory_space<hbm>>) dst(%arg13 : memref<128xi32, #tpu.memory_space<vmem>>)
      %ge3A_259 = arith.constant 1 : i32
      %ge3A_260 = arith.cmpi sge, %add3A_237, %ge3A_259 : i32
      %convert_element_type3A_261 = arith.extui %ge3A_260 : i1 to i32
      %cond3A_262 = arith.constant 0 : i32
      %cond3A_263 = arith.cmpi ne, %convert_element_type3A_261, %cond3A_262 : i32
      scf.if %cond3A_263 {
        %dma_wait3A_372 = arith.constant 0 : i32
        %dma_wait3A_373 = arith.constant 0 : i32
        %dma_wait3A_374 = tpu.memref_slice %arg18[%dma_wait3A_372, %dma_wait3A_373] : memref<10112x32xf32, #tpu.memory_space<vmem_shared>> -> memref<10112x32xf32, #tpu.memory_space<vmem_shared>>
        tpu.wait_indirect_dma semaphore(%arg24 : memref<!tpu.dma_semaphore, #tpu.memory_space<semaphore_mem>>) src(%arg17 : memref<128x32xf32, #tpu.memory_space<vmem>>) dst(%dma_wait3A_374 : memref<10112x32xf32, #tpu.memory_space<vmem_shared>>)
      } else {
      }
      %dma_start3A_264 = arith.constant 0 : i32
      %dma_start3A_265 = arith.constant 0 : i32
      %dma_start3A_266 = tpu.memref_slice %arg5[%dma_start3A_264, %dma_start3A_265] : memref<10000x32xf32, #tpu.memory_space<hbm>> -> memref<10000x32xf32, #tpu.memory_space<hbm>>
      tpu.enqueue_indirect_dma source(%dma_start3A_266 : memref<10000x32xf32, #tpu.memory_space<hbm>>) target(%arg17 : memref<128x32xf32, #tpu.memory_space<vmem>>) offsets(%arg9 : memref<128xi32, #tpu.memory_space<vmem>>) semaphore(%arg22 : memref<!tpu.dma_semaphore, #tpu.memory_space<semaphore_mem>>)
      %dma_wait3A_267 = arith.constant 0 : i32
      %dma_wait3A_268 = arith.constant 0 : i32
      %dma_wait3A_269 = tpu.memref_slice %arg5[%dma_wait3A_267, %dma_wait3A_268] : memref<10000x32xf32, #tpu.memory_space<hbm>> -> memref<128x32xf32, #tpu.memory_space<hbm>>
      %dma_wait3A_270 = arith.constant 0 : i32
      %dma_wait3A_271 = arith.constant 0 : i32
      %dma_wait3A_272 = tpu.memref_slice %arg5[%dma_wait3A_270, %dma_wait3A_271] : memref<10000x32xf32, #tpu.memory_space<hbm>> -> memref<128x32xf32, #tpu.memory_space<hbm>>
      tpu.wait_dma2 semaphore(%arg21 : memref<!tpu.dma_semaphore, #tpu.memory_space<semaphore_mem>>) src(%dma_wait3A_272 : memref<128x32xf32, #tpu.memory_space<hbm>>) dst(%arg16 : memref<128x32xf32, #tpu.memory_space<vmem>>)
      %parallel_loop3A_273 = arith.constant 0 : i32
      %parallel_loop3A_274 = arith.constant 128 : i32
      %parallel_loop3A_275 = arith.constant 1 : i32
      scf.for %parallel_loop3A_372 = %parallel_loop3A_273 to %parallel_loop3A_274 step %parallel_loop3A_275  : i32 {
        %parallel_loop3A_373 = vector.broadcast %parallel_loop3A_372 : i32 to vector<16xi32>
        %parallel_loop3A_374 = tpu.vector_load_idx %arg14[%parallel_loop3A_373] : memref<128xf32, #tpu.memory_space<vmem>>[vector<16xi32>], vector<16xf32>,
        %parallel_loop3A_375 = arith.index_cast %parallel_loop3A_372 : i32 to index
        %parallel_loop3A_376 = arith.constant 0 : index
        %parallel_loop3A_377 = tpu.vector_load %arg16[%parallel_loop3A_375, %parallel_loop3A_376] {strides = array<i32>} : memref<128x32xf32, #tpu.memory_space<vmem>>, vector<16xf32>,
        %parallel_loop3A_378 = arith.mulf %parallel_loop3A_377, %parallel_loop3A_374 : vector<16xf32>
        %parallel_loop3A_379 = arith.index_cast %parallel_loop3A_372 : i32 to index
        %parallel_loop3A_380 = arith.constant 0 : index
        %parallel_loop3A_381 = tpu.vector_load %arg16[%parallel_loop3A_379, %parallel_loop3A_380] {strides = array<i32>} : memref<128x32xf32, #tpu.memory_space<vmem>>, vector<16xf32>,
        tpu.vector_store %arg16[%parallel_loop3A_379, %parallel_loop3A_380], %parallel_loop3A_378 {strides = array<i32>} : memref<128x32xf32, #tpu.memory_space<vmem>>, vector<16xf32>,
        %parallel_loop3A_382 = arith.index_cast %parallel_loop3A_372 : i32 to index
        %parallel_loop3A_383 = arith.constant 16 : index
        %parallel_loop3A_384 = tpu.vector_load %arg16[%parallel_loop3A_382, %parallel_loop3A_383] {strides = array<i32>} : memref<128x32xf32, #tpu.memory_space<vmem>>, vector<16xf32>,
        %parallel_loop3A_385 = arith.mulf %parallel_loop3A_384, %parallel_loop3A_374 : vector<16xf32>
        %parallel_loop3A_386 = arith.index_cast %parallel_loop3A_372 : i32 to index
        %parallel_loop3A_387 = arith.constant 16 : index
        %parallel_loop3A_388 = tpu.vector_load %arg16[%parallel_loop3A_386, %parallel_loop3A_387] {strides = array<i32>} : memref<128x32xf32, #tpu.memory_space<vmem>>, vector<16xf32>,
        tpu.vector_store %arg16[%parallel_loop3A_386, %parallel_loop3A_387], %parallel_loop3A_385 {strides = array<i32>} : memref<128x32xf32, #tpu.memory_space<vmem>>, vector<16xf32>,
      } {sc.loop_unroll_factor = 4 : i64, sc.parallel_access}
      %dma_start3A_276 = arith.constant 0 : i32
      %dma_start3A_277 = arith.constant 0 : i32
      %dma_start3A_278 = tpu.memref_slice %arg18[%dma_start3A_276, %dma_start3A_277] : memref<10112x32xf32, #tpu.memory_space<vmem_shared>> -> memref<10112x32xf32, #tpu.memory_space<vmem_shared>>
      tpu.enqueue_indirect_dma source(%arg16 : memref<128x32xf32, #tpu.memory_space<vmem>>) target(%dma_start3A_278 : memref<10112x32xf32, #tpu.memory_space<vmem_shared>>) offsets(%arg12 : memref<128xi32, #tpu.memory_space<vmem>>) semaphore(%arg23 : memref<!tpu.dma_semaphore, #tpu.memory_space<semaphore_mem>>) {add = true}
      %add3A_279 = arith.constant 2 : i32
      %add3A_280 = arith.addi %add3A_237, %add3A_279 : i32
      %dma_start3A_281 = arith.constant 0 : i32
      %dma_start3A_282 = tpu.memref_slice %arg2[%arg0, %arg1, %add3A_280, %dma_start3A_281] : memref<2x16x106x128xi32, #tpu.memory_space<hbm>> -> memref<1x1x1x128xi32, #tpu.memory_space<hbm>>
      %dma_start3A_283 = tpu.memref_squeeze %dma_start3A_282 : memref<1x1x1x128xi32, #tpu.memory_space<hbm>> -> memref<128xi32, #tpu.memory_space<hbm>>
      %dma_start3A_284 = arith.constant 0 : i32
      %dma_start3A_285 = tpu.memref_slice %arg2[%arg0, %arg1, %add3A_280, %dma_start3A_284] : memref<2x16x106x128xi32, #tpu.memory_space<hbm>> -> memref<1x1x1x128xi32, #tpu.memory_space<hbm>>
      %dma_start3A_286 = tpu.memref_squeeze %dma_start3A_285 : memref<1x1x1x128xi32, #tpu.memory_space<hbm>> -> memref<128xi32, #tpu.memory_space<hbm>>
      tpu.enqueue_dma source(%dma_start3A_286 : memref<128xi32, #tpu.memory_space<hbm>>) target(%arg8 : memref<128xi32, #tpu.memory_space<vmem>>) target_semaphore(%arg19 : memref<!tpu.dma_semaphore, #tpu.memory_space<semaphore_mem>>)
      %add3A_287 = arith.constant 2 : i32
      %add3A_288 = arith.addi %add3A_237, %add3A_287 : i32
      %dma_start3A_289 = arith.constant 0 : i32
      %dma_start3A_290 = tpu.memref_slice %arg4[%arg0, %arg1, %add3A_288, %dma_start3A_289] : memref<2x16x106x128xf32, #tpu.memory_space<hbm>> -> memref<1x1x1x128xf32, #tpu.memory_space<hbm>>
      %dma_start3A_291 = tpu.memref_squeeze %dma_start3A_290 : memref<1x1x1x128xf32, #tpu.memory_space<hbm>> -> memref<128xf32, #tpu.memory_space<hbm>>
      %dma_start3A_292 = arith.constant 0 : i32
      %dma_start3A_293 = tpu.memref_slice %arg4[%arg0, %arg1, %add3A_288, %dma_start3A_292] : memref<2x16x106x128xf32, #tpu.memory_space<hbm>> -> memref<1x1x1x128xf32, #tpu.memory_space<hbm>>
      %dma_start3A_294 = tpu.memref_squeeze %dma_start3A_293 : memref<1x1x1x128xf32, #tpu.memory_space<hbm>> -> memref<128xf32, #tpu.memory_space<hbm>>
      tpu.enqueue_dma source(%dma_start3A_294 : memref<128xf32, #tpu.memory_space<hbm>>) target(%arg14 : memref<128xf32, #tpu.memory_space<vmem>>) target_semaphore(%arg19 : memref<!tpu.dma_semaphore, #tpu.memory_space<semaphore_mem>>)
      %add3A_295 = arith.constant 2 : i32
      %add3A_296 = arith.addi %add3A_237, %add3A_295 : i32
      %dma_start3A_297 = arith.constant 0 : i32
      %dma_start3A_298 = tpu.memref_slice %arg3[%arg0, %arg1, %add3A_296, %dma_start3A_297] : memref<2x16x106x128xi32, #tpu.memory_space<hbm>> -> memref<1x1x1x128xi32, #tpu.memory_space<hbm>>
      %dma_start3A_299 = tpu.memref_squeeze %dma_start3A_298 : memref<1x1x1x128xi32, #tpu.memory_space<hbm>> -> memref<128xi32, #tpu.memory_space<hbm>>
      %dma_start3A_300 = arith.constant 0 : i32
      %dma_start3A_301 = tpu.memref_slice %arg3[%arg0, %arg1, %add3A_296, %dma_start3A_300] : memref<2x16x106x128xi32, #tpu.memory_space<hbm>> -> memref<1x1x1x128xi32, #tpu.memory_space<hbm>>
      %dma_start3A_302 = tpu.memref_squeeze %dma_start3A_301 : memref<1x1x1x128xi32, #tpu.memory_space<hbm>> -> memref<128xi32, #tpu.memory_space<hbm>>
      tpu.enqueue_dma source(%dma_start3A_302 : memref<128xi32, #tpu.memory_space<hbm>>) target(%arg10 : memref<128xi32, #tpu.memory_space<vmem>>) target_semaphore(%arg19 : memref<!tpu.dma_semaphore, #tpu.memory_space<semaphore_mem>>)
      %mul3A_303 = arith.constant 4 : i32
      %mul3A_304 = arith.muli %add3A_99, %mul3A_303 : i32
      %add3A_305 = arith.constant 3 : i32
      %add3A_306 = arith.addi %mul3A_304, %add3A_305 : i32
      %dma_wait3A_307 = arith.constant 0 : i32
      %dma_wait3A_308 = arith.constant 0 : i32
      %dma_wait3A_309 = tpu.memref_slice %arg2[%arg0, %arg1, %dma_wait3A_307, %dma_wait3A_308] : memref<2x16x106x128xi32, #tpu.memory_space<hbm>> -> memref<1x1x1x128xi32, #tpu.memory_space<hbm>>
      %dma_wait3A_310 = tpu.memref_squeeze %dma_wait3A_309 : memref<1x1x1x128xi32, #tpu.memory_space<hbm>> -> memref<128xi32, #tpu.memory_space<hbm>>
      %dma_wait3A_311 = arith.constant 0 : i32
      %dma_wait3A_312 = tpu.memref_slice %arg2[%arg0, %arg1, %dma_wait3A_307, %dma_wait3A_311] : memref<2x16x106x128xi32, #tpu.memory_space<hbm>> -> memref<1x1x1x128xi32, #tpu.memory_space<hbm>>
      %dma_wait3A_313 = tpu.memref_squeeze %dma_wait3A_312 : memref<1x1x1x128xi32, #tpu.memory_space<hbm>> -> memref<128xi32, #tpu.memory_space<hbm>>
      tpu.wait_dma2 semaphore(%arg19 : memref<!tpu.dma_semaphore, #tpu.memory_space<semaphore_mem>>) src(%dma_wait3A_313 : memref<128xi32, #tpu.memory_space<hbm>>) dst(%arg8 : memref<128xi32, #tpu.memory_space<vmem>>)
      %dma_wait3A_314 = arith.constant 0 : i32
      %dma_wait3A_315 = arith.constant 0 : i32
      %dma_wait3A_316 = tpu.memref_slice %arg4[%arg0, %arg1, %dma_wait3A_314, %dma_wait3A_315] : memref<2x16x106x128xf32, #tpu.memory_space<hbm>> -> memref<1x1x1x128xf32, #tpu.memory_space<hbm>>
      %dma_wait3A_317 = tpu.memref_squeeze %dma_wait3A_316 : memref<1x1x1x128xf32, #tpu.memory_space<hbm>> -> memref<128xf32, #tpu.memory_space<hbm>>
      %dma_wait3A_318 = arith.constant 0 : i32
      %dma_wait3A_319 = tpu.memref_slice %arg4[%arg0, %arg1, %dma_wait3A_314, %dma_wait3A_318] : memref<2x16x106x128xf32, #tpu.memory_space<hbm>> -> memref<1x1x1x128xf32, #tpu.memory_space<hbm>>
      %dma_wait3A_320 = tpu.memref_squeeze %dma_wait3A_319 : memref<1x1x1x128xf32, #tpu.memory_space<hbm>> -> memref<128xf32, #tpu.memory_space<hbm>>
      tpu.wait_dma2 semaphore(%arg19 : memref<!tpu.dma_semaphore, #tpu.memory_space<semaphore_mem>>) src(%dma_wait3A_320 : memref<128xf32, #tpu.memory_space<hbm>>) dst(%arg14 : memref<128xf32, #tpu.memory_space<vmem>>)
      %dma_wait3A_321 = arith.constant 0 : i32
      %dma_wait3A_322 = arith.constant 0 : i32
      %dma_wait3A_323 = tpu.memref_slice %arg3[%arg0, %arg1, %dma_wait3A_321, %dma_wait3A_322] : memref<2x16x106x128xi32, #tpu.memory_space<hbm>> -> memref<1x1x1x128xi32, #tpu.memory_space<hbm>>
      %dma_wait3A_324 = tpu.memref_squeeze %dma_wait3A_323 : memref<1x1x1x128xi32, #tpu.memory_space<hbm>> -> memref<128xi32, #tpu.memory_space<hbm>>
      %dma_wait3A_325 = arith.constant 0 : i32
      %dma_wait3A_326 = tpu.memref_slice %arg3[%arg0, %arg1, %dma_wait3A_321, %dma_wait3A_325] : memref<2x16x106x128xi32, #tpu.memory_space<hbm>> -> memref<1x1x1x128xi32, #tpu.memory_space<hbm>>
      %dma_wait3A_327 = tpu.memref_squeeze %dma_wait3A_326 : memref<1x1x1x128xi32, #tpu.memory_space<hbm>> -> memref<128xi32, #tpu.memory_space<hbm>>
      tpu.wait_dma2 semaphore(%arg19 : memref<!tpu.dma_semaphore, #tpu.memory_space<semaphore_mem>>) src(%dma_wait3A_327 : memref<128xi32, #tpu.memory_space<hbm>>) dst(%arg10 : memref<128xi32, #tpu.memory_space<vmem>>)
      %ge3A_328 = arith.constant 1 : i32
      %ge3A_329 = arith.cmpi sge, %add3A_306, %ge3A_328 : i32
      %convert_element_type3A_330 = arith.extui %ge3A_329 : i1 to i32
      %cond3A_331 = arith.constant 0 : i32
      %cond3A_332 = arith.cmpi ne, %convert_element_type3A_330, %cond3A_331 : i32
      scf.if %cond3A_332 {
        %dma_wait3A_372 = arith.constant 0 : i32
        %dma_wait3A_373 = arith.constant 0 : i32
        %dma_wait3A_374 = tpu.memref_slice %arg18[%dma_wait3A_372, %dma_wait3A_373] : memref<10112x32xf32, #tpu.memory_space<vmem_shared>> -> memref<10112x32xf32, #tpu.memory_space<vmem_shared>>
        tpu.wait_indirect_dma semaphore(%arg23 : memref<!tpu.dma_semaphore, #tpu.memory_space<semaphore_mem>>) src(%arg16 : memref<128x32xf32, #tpu.memory_space<vmem>>) dst(%dma_wait3A_374 : memref<10112x32xf32, #tpu.memory_space<vmem_shared>>)
      } else {
      }
      %dma_start3A_333 = arith.constant 0 : i32
      %dma_start3A_334 = arith.constant 0 : i32
      %dma_start3A_335 = tpu.memref_slice %arg5[%dma_start3A_333, %dma_start3A_334] : memref<10000x32xf32, #tpu.memory_space<hbm>> -> memref<10000x32xf32, #tpu.memory_space<hbm>>
      tpu.enqueue_indirect_dma source(%dma_start3A_335 : memref<10000x32xf32, #tpu.memory_space<hbm>>) target(%arg16 : memref<128x32xf32, #tpu.memory_space<vmem>>) offsets(%arg8 : memref<128xi32, #tpu.memory_space<vmem>>) semaphore(%arg21 : memref<!tpu.dma_semaphore, #tpu.memory_space<semaphore_mem>>)
      %dma_wait3A_336 = arith.constant 0 : i32
      %dma_wait3A_337 = arith.constant 0 : i32
      %dma_wait3A_338 = tpu.memref_slice %arg5[%dma_wait3A_336, %dma_wait3A_337] : memref<10000x32xf32, #tpu.memory_space<hbm>> -> memref<128x32xf32, #tpu.memory_space<hbm>>
      %dma_wait3A_339 = arith.constant 0 : i32
      %dma_wait3A_340 = arith.constant 0 : i32
      %dma_wait3A_341 = tpu.memref_slice %arg5[%dma_wait3A_339, %dma_wait3A_340] : memref<10000x32xf32, #tpu.memory_space<hbm>> -> memref<128x32xf32, #tpu.memory_space<hbm>>
      tpu.wait_dma2 semaphore(%arg22 : memref<!tpu.dma_semaphore, #tpu.memory_space<semaphore_mem>>) src(%dma_wait3A_341 : memref<128x32xf32, #tpu.memory_space<hbm>>) dst(%arg17 : memref<128x32xf32, #tpu.memory_space<vmem>>)
      %parallel_loop3A_342 = arith.constant 0 : i32
      %parallel_loop3A_343 = arith.constant 128 : i32
      %parallel_loop3A_344 = arith.constant 1 : i32
      scf.for %parallel_loop3A_372 = %parallel_loop3A_342 to %parallel_loop3A_343 step %parallel_loop3A_344  : i32 {
        %parallel_loop3A_373 = vector.broadcast %parallel_loop3A_372 : i32 to vector<16xi32>
        %parallel_loop3A_374 = tpu.vector_load_idx %arg15[%parallel_loop3A_373] : memref<128xf32, #tpu.memory_space<vmem>>[vector<16xi32>], vector<16xf32>,
        %parallel_loop3A_375 = arith.index_cast %parallel_loop3A_372 : i32 to index
        %parallel_loop3A_376 = arith.constant 0 : index
        %parallel_loop3A_377 = tpu.vector_load %arg17[%parallel_loop3A_375, %parallel_loop3A_376] {strides = array<i32>} : memref<128x32xf32, #tpu.memory_space<vmem>>, vector<16xf32>,
        %parallel_loop3A_378 = arith.mulf %parallel_loop3A_377, %parallel_loop3A_374 : vector<16xf32>
        %parallel_loop3A_379 = arith.index_cast %parallel_loop3A_372 : i32 to index
        %parallel_loop3A_380 = arith.constant 0 : index
        %parallel_loop3A_381 = tpu.vector_load %arg17[%parallel_loop3A_379, %parallel_loop3A_380] {strides = array<i32>} : memref<128x32xf32, #tpu.memory_space<vmem>>, vector<16xf32>,
        tpu.vector_store %arg17[%parallel_loop3A_379, %parallel_loop3A_380], %parallel_loop3A_378 {strides = array<i32>} : memref<128x32xf32, #tpu.memory_space<vmem>>, vector<16xf32>,
        %parallel_loop3A_382 = arith.index_cast %parallel_loop3A_372 : i32 to index
        %parallel_loop3A_383 = arith.constant 16 : index
        %parallel_loop3A_384 = tpu.vector_load %arg17[%parallel_loop3A_382, %parallel_loop3A_383] {strides = array<i32>} : memref<128x32xf32, #tpu.memory_space<vmem>>, vector<16xf32>,
        %parallel_loop3A_385 = arith.mulf %parallel_loop3A_384, %parallel_loop3A_374 : vector<16xf32>
        %parallel_loop3A_386 = arith.index_cast %parallel_loop3A_372 : i32 to index
        %parallel_loop3A_387 = arith.constant 16 : index
        %parallel_loop3A_388 = tpu.vector_load %arg17[%parallel_loop3A_386, %parallel_loop3A_387] {strides = array<i32>} : memref<128x32xf32, #tpu.memory_space<vmem>>, vector<16xf32>,
        tpu.vector_store %arg17[%parallel_loop3A_386, %parallel_loop3A_387], %parallel_loop3A_385 {strides = array<i32>} : memref<128x32xf32, #tpu.memory_space<vmem>>, vector<16xf32>,
      } {sc.loop_unroll_factor = 4 : i64, sc.parallel_access}
      %dma_start3A_345 = arith.constant 0 : i32
      %dma_start3A_346 = arith.constant 0 : i32
      %dma_start3A_347 = tpu.memref_slice %arg18[%dma_start3A_345, %dma_start3A_346] : memref<10112x32xf32, #tpu.memory_space<vmem_shared>> -> memref<10112x32xf32, #tpu.memory_space<vmem_shared>>
      tpu.enqueue_indirect_dma source(%arg17 : memref<128x32xf32, #tpu.memory_space<vmem>>) target(%dma_start3A_347 : memref<10112x32xf32, #tpu.memory_space<vmem_shared>>) offsets(%arg13 : memref<128xi32, #tpu.memory_space<vmem>>) semaphore(%arg24 : memref<!tpu.dma_semaphore, #tpu.memory_space<semaphore_mem>>) {add = true}
      %add3A_348 = arith.constant 2 : i32
      %add3A_349 = arith.addi %add3A_306, %add3A_348 : i32
      %dma_start3A_350 = arith.constant 0 : i32
      %dma_start3A_351 = tpu.memref_slice %arg2[%arg0, %arg1, %add3A_349, %dma_start3A_350] : memref<2x16x106x128xi32, #tpu.memory_space<hbm>> -> memref<1x1x1x128xi32, #tpu.memory_space<hbm>>
      %dma_start3A_352 = tpu.memref_squeeze %dma_start3A_351 : memref<1x1x1x128xi32, #tpu.memory_space<hbm>> -> memref<128xi32, #tpu.memory_space<hbm>>
      %dma_start3A_353 = arith.constant 0 : i32
      %dma_start3A_354 = tpu.memref_slice %arg2[%arg0, %arg1, %add3A_349, %dma_start3A_353] : memref<2x16x106x128xi32, #tpu.memory_space<hbm>> -> memref<1x1x1x128xi32, #tpu.memory_space<hbm>>
      %dma_start3A_355 = tpu.memref_squeeze %dma_start3A_354 : memref<1x1x1x128xi32, #tpu.memory_space<hbm>> -> memref<128xi32, #tpu.memory_space<hbm>>
      tpu.enqueue_dma source(%dma_start3A_355 : memref<128xi32, #tpu.memory_space<hbm>>) target(%arg9 : memref<128xi32, #tpu.memory_space<vmem>>) target_semaphore(%arg20 : memref<!tpu.dma_semaphore, #tpu.memory_space<semaphore_mem>>)
      %add3A_356 = arith.constant 2 : i32
      %add3A_357 = arith.addi %add3A_306, %add3A_356 : i32
      %dma_start3A_358 = arith.constant 0 : i32
      %dma_start3A_359 = tpu.memref_slice %arg4[%arg0, %arg1, %add3A_357, %dma_start3A_358] : memref<2x16x106x128xf32, #tpu.memory_space<hbm>> -> memref<1x1x1x128xf32, #tpu.memory_space<hbm>>
      %dma_start3A_360 = tpu.memref_squeeze %dma_start3A_359 : memref<1x1x1x128xf32, #tpu.memory_space<hbm>> -> memref<128xf32, #tpu.memory_space<hbm>>
      %dma_start3A_361 = arith.constant 0 : i32
      %dma_start3A_362 = tpu.memref_slice %arg4[%arg0, %arg1, %add3A_357, %dma_start3A_361] : memref<2x16x106x128xf32, #tpu.memory_space<hbm>> -> memref<1x1x1x128xf32, #tpu.memory_space<hbm>>
      %dma_start3A_363 = tpu.memref_squeeze %dma_start3A_362 : memref<1x1x1x128xf32, #tpu.memory_space<hbm>> -> memref<128xf32, #tpu.memory_space<hbm>>
      tpu.enqueue_dma source(%dma_start3A_363 : memref<128xf32, #tpu.memory_space<hbm>>) target(%arg15 : memref<128xf32, #tpu.memory_space<vmem>>) target_semaphore(%arg20 : memref<!tpu.dma_semaphore, #tpu.memory_space<semaphore_mem>>)
      %add3A_364 = arith.constant 2 : i32
      %add3A_365 = arith.addi %add3A_306, %add3A_364 : i32
      %dma_start3A_366 = arith.constant 0 : i32
      %dma_start3A_367 = tpu.memref_slice %arg3[%arg0, %arg1, %add3A_365, %dma_start3A_366] : memref<2x16x106x128xi32, #tpu.memory_space<hbm>> -> memref<1x1x1x128xi32, #tpu.memory_space<hbm>>
      %dma_start3A_368 = tpu.memref_squeeze %dma_start3A_367 : memref<1x1x1x128xi32, #tpu.memory_space<hbm>> -> memref<128xi32, #tpu.memory_space<hbm>>
      %dma_start3A_369 = arith.constant 0 : i32
      %dma_start3A_370 = tpu.memref_slice %arg3[%arg0, %arg1, %add3A_365, %dma_start3A_369] : memref<2x16x106x128xi32, #tpu.memory_space<hbm>> -> memref<1x1x1x128xi32, #tpu.memory_space<hbm>>
      %dma_start3A_371 = tpu.memref_squeeze %dma_start3A_370 : memref<1x1x1x128xi32, #tpu.memory_space<hbm>> -> memref<128xi32, #tpu.memory_space<hbm>>
      tpu.enqueue_dma source(%dma_start3A_371 : memref<128xi32, #tpu.memory_space<hbm>>) target(%arg11 : memref<128xi32, #tpu.memory_space<vmem>>) target_semaphore(%arg20 : memref<!tpu.dma_semaphore, #tpu.memory_space<semaphore_mem>>)
    }
    %dma_wait3A = arith.constant 0 : i32
    %dma_wait3A_63 = arith.constant 0 : i32
    %dma_wait3A_64 = tpu.memref_slice %arg18[%dma_wait3A, %dma_wait3A_63] : memref<10112x32xf32, #tpu.memory_space<vmem_shared>> -> memref<10112x32xf32, #tpu.memory_space<vmem_shared>>
    tpu.wait_indirect_dma semaphore(%arg24 : memref<!tpu.dma_semaphore, #tpu.memory_space<semaphore_mem>>) src(%arg17 : memref<128x32xf32, #tpu.memory_space<vmem>>) dst(%dma_wait3A_64 : memref<10112x32xf32, #tpu.memory_space<vmem_shared>>)
    %dma_wait3A_65 = arith.constant 0 : i32
    %dma_wait3A_66 = arith.constant 0 : i32
    %dma_wait3A_67 = tpu.memref_slice %arg5[%dma_wait3A_65, %dma_wait3A_66] : memref<10000x32xf32, #tpu.memory_space<hbm>> -> memref<128x32xf32, #tpu.memory_space<hbm>>
    %dma_wait3A_68 = arith.constant 0 : i32
    %dma_wait3A_69 = arith.constant 0 : i32
    %dma_wait3A_70 = tpu.memref_slice %arg5[%dma_wait3A_68, %dma_wait3A_69] : memref<10000x32xf32, #tpu.memory_space<hbm>> -> memref<128x32xf32, #tpu.memory_space<hbm>>
    tpu.wait_dma2 semaphore(%arg21 : memref<!tpu.dma_semaphore, #tpu.memory_space<semaphore_mem>>) src(%dma_wait3A_70 : memref<128x32xf32, #tpu.memory_space<hbm>>) dst(%arg16 : memref<128x32xf32, #tpu.memory_space<vmem>>)
    %dma_wait3A_71 = arith.constant 0 : i32
    %dma_wait3A_72 = arith.constant 0 : i32
    %dma_wait3A_73 = tpu.memref_slice %arg2[%arg0, %arg1, %dma_wait3A_71, %dma_wait3A_72] : memref<2x16x106x128xi32, #tpu.memory_space<hbm>> -> memref<1x1x1x128xi32, #tpu.memory_space<hbm>>
    %dma_wait3A_74 = tpu.memref_squeeze %dma_wait3A_73 : memref<1x1x1x128xi32, #tpu.memory_space<hbm>> -> memref<128xi32, #tpu.memory_space<hbm>>
    %dma_wait3A_75 = arith.constant 0 : i32
    %dma_wait3A_76 = tpu.memref_slice %arg2[%arg0, %arg1, %dma_wait3A_71, %dma_wait3A_75] : memref<2x16x106x128xi32, #tpu.memory_space<hbm>> -> memref<1x1x1x128xi32, #tpu.memory_space<hbm>>
    %dma_wait3A_77 = tpu.memref_squeeze %dma_wait3A_76 : memref<1x1x1x128xi32, #tpu.memory_space<hbm>> -> memref<128xi32, #tpu.memory_space<hbm>>
    tpu.wait_dma2 semaphore(%arg20 : memref<!tpu.dma_semaphore, #tpu.memory_space<semaphore_mem>>) src(%dma_wait3A_77 : memref<128xi32, #tpu.memory_space<hbm>>) dst(%arg9 : memref<128xi32, #tpu.memory_space<vmem>>)
    %dma_wait3A_78 = arith.constant 0 : i32
    %dma_wait3A_79 = arith.constant 0 : i32
    %dma_wait3A_80 = tpu.memref_slice %arg4[%arg0, %arg1, %dma_wait3A_78, %dma_wait3A_79] : memref<2x16x106x128xf32, #tpu.memory_space<hbm>> -> memref<1x1x1x128xf32, #tpu.memory_space<hbm>>
    %dma_wait3A_81 = tpu.memref_squeeze %dma_wait3A_80 : memref<1x1x1x128xf32, #tpu.memory_space<hbm>> -> memref<128xf32, #tpu.memory_space<hbm>>
    %dma_wait3A_82 = arith.constant 0 : i32
    %dma_wait3A_83 = tpu.memref_slice %arg4[%arg0, %arg1, %dma_wait3A_78, %dma_wait3A_82] : memref<2x16x106x128xf32, #tpu.memory_space<hbm>> -> memref<1x1x1x128xf32, #tpu.memory_space<hbm>>
    %dma_wait3A_84 = tpu.memref_squeeze %dma_wait3A_83 : memref<1x1x1x128xf32, #tpu.memory_space<hbm>> -> memref<128xf32, #tpu.memory_space<hbm>>
    tpu.wait_dma2 semaphore(%arg20 : memref<!tpu.dma_semaphore, #tpu.memory_space<semaphore_mem>>) src(%dma_wait3A_84 : memref<128xf32, #tpu.memory_space<hbm>>) dst(%arg15 : memref<128xf32, #tpu.memory_space<vmem>>)
    %dma_wait3A_85 = arith.constant 0 : i32
    %dma_wait3A_86 = arith.constant 0 : i32
    %dma_wait3A_87 = tpu.memref_slice %arg3[%arg0, %arg1, %dma_wait3A_85, %dma_wait3A_86] : memref<2x16x106x128xi32, #tpu.memory_space<hbm>> -> memref<1x1x1x128xi32, #tpu.memory_space<hbm>>
    %dma_wait3A_88 = tpu.memref_squeeze %dma_wait3A_87 : memref<1x1x1x128xi32, #tpu.memory_space<hbm>> -> memref<128xi32, #tpu.memory_space<hbm>>
    %dma_wait3A_89 = arith.constant 0 : i32
    %dma_wait3A_90 = tpu.memref_slice %arg3[%arg0, %arg1, %dma_wait3A_85, %dma_wait3A_89] : memref<2x16x106x128xi32, #tpu.memory_space<hbm>> -> memref<1x1x1x128xi32, #tpu.memory_space<hbm>>
    %dma_wait3A_91 = tpu.memref_squeeze %dma_wait3A_90 : memref<1x1x1x128xi32, #tpu.memory_space<hbm>> -> memref<128xi32, #tpu.memory_space<hbm>>
    tpu.wait_dma2 semaphore(%arg20 : memref<!tpu.dma_semaphore, #tpu.memory_space<semaphore_mem>>) src(%dma_wait3A_91 : memref<128xi32, #tpu.memory_space<hbm>>) dst(%arg13 : memref<128xi32, #tpu.memory_space<vmem>>)
    %barrier3A_92 = arith.constant 0 : index
    tpu.barrier barrier_id(%barrier3A_92)
    %mul3A_93 = arith.constant 632 : i32
    %mul3A_94 = arith.muli %arg1, %mul3A_93 : i32
    %mul3A_95 = arith.constant 632 : i32
    %mul3A_96 = arith.muli %arg1, %mul3A_95 : i32
    "tpu.region"() ({
      %run_scoped3A_97 = tpu.sem_alloc : memref<!tpu.dma_semaphore, #tpu.memory_space<semaphore_mem>>
      %dma_start3A_98 = arith.constant 0 : i32
      %dma_start3A_99 = tpu.memref_slice %arg7[%arg0, %mul3A_96, %dma_start3A_98] : memref<2x10112x32xf32, #tpu.memory_space<hbm>> -> memref<1x632x32xf32, #tpu.memory_space<hbm>>
      %dma_start3A_100 = tpu.memref_squeeze %dma_start3A_99 : memref<1x632x32xf32, #tpu.memory_space<hbm>> -> memref<632x32xf32, #tpu.memory_space<hbm>>
      %dma_start3A_101 = arith.constant 0 : i32
      %dma_start3A_102 = tpu.memref_slice %arg18[%mul3A_94, %dma_start3A_101] : memref<10112x32xf32, #tpu.memory_space<vmem_shared>> -> memref<632x32xf32, #tpu.memory_space<vmem_shared>>
      tpu.enqueue_dma source(%dma_start3A_102 : memref<632x32xf32, #tpu.memory_space<vmem_shared>>) target(%dma_start3A_100 : memref<632x32xf32, #tpu.memory_space<hbm>>) target_semaphore(%run_scoped3A_97 : memref<!tpu.dma_semaphore, #tpu.memory_space<semaphore_mem>>)
      %dma_wait3A_103 = arith.constant 0 : i32
      %dma_wait3A_104 = tpu.memref_slice %arg7[%arg0, %mul3A_96, %dma_wait3A_103] : memref<2x10112x32xf32, #tpu.memory_space<hbm>> -> memref<1x632x32xf32, #tpu.memory_space<hbm>>
      %dma_wait3A_105 = tpu.memref_squeeze %dma_wait3A_104 : memref<1x632x32xf32, #tpu.memory_space<hbm>> -> memref<632x32xf32, #tpu.memory_space<hbm>>
      %dma_wait3A_106 = arith.constant 0 : i32
      %dma_wait3A_107 = tpu.memref_slice %arg18[%mul3A_94, %dma_wait3A_106] : memref<10112x32xf32, #tpu.memory_space<vmem_shared>> -> memref<632x32xf32, #tpu.memory_space<vmem_shared>>
      tpu.wait_dma2 semaphore(%run_scoped3A_97 : memref<!tpu.dma_semaphore, #tpu.memory_space<semaphore_mem>>) src(%dma_wait3A_107 : memref<632x32xf32, #tpu.memory_space<vmem_shared>>) dst(%dma_wait3A_105 : memref<632x32xf32, #tpu.memory_space<hbm>>)
      tpu.yield
    }) : () -> ()
    return
  }
}

#map = affine_map<(d0, d1) -> (0, 0, 0, 0)>
#map1 = affine_map<(d0, d1) -> (0, 0)>
module attributes {stable_mosaic.version = 14 : i64} {
  func.func @k(%arg0: i32, %arg1: i32, %arg2: memref<2x16x106x128xi32, #tpu.memory_space<hbm>>, %arg3: memref<2x16x106x128xf32, #tpu.memory_space<hbm>>, %arg4: memref<2x10112xf32, #tpu.memory_space<hbm>>, %arg5: memref<106x128xi32, #tpu.memory_space<vmem>>, %arg6: memref<106x128xf32, #tpu.memory_space<vmem>>, %arg7: memref<10112xf32, #tpu.memory_space<vmem_shared>>, %arg8: memref<!tpu.dma_semaphore, #tpu.memory_space<semaphore_mem>>) attributes {dimension_semantics = [#tpu.dimension_semantics<core_parallel>, #tpu.dimension_semantics<subcore_parallel>], iteration_bounds = array<i64: 2, 16>, scalar_prefetch = 0 : i64, scratch_operands = 4 : i64, tpu.core_type = #tpu.core_type<sc_vector_subcore>, window_params = [{transform_indices = #map}, {transform_indices = #map}, {transform_indices = #map1}]} {
    %eq3A = arith.constant 0 : i32
    %eq3A_0 = arith.cmpi eq, %arg0, %eq3A : i32
    %jit3A = arith.constant 104 : i32
    %jit3A_1 = arith.constant 56 : i32
    %select_n3A = arith.select %eq3A_0, %jit3A, %jit3A_1 : i32
    "tpu.region"() ({
      %run_scoped3A_56 = tpu.sem_alloc : memref<!tpu.dma_semaphore, #tpu.memory_space<semaphore_mem>>
      %dma_start3A = arith.constant 0 : i32
      %dma_start3A_57 = arith.constant 0 : i32
      %dma_start3A_58 = tpu.memref_slice %arg2[%arg0, %arg1, %dma_start3A, %dma_start3A_57] : memref<2x16x106x128xi32, #tpu.memory_space<hbm>> -> memref<1x1x106x128xi32, #tpu.memory_space<hbm>>
      %dma_start3A_59 = tpu.memref_squeeze %dma_start3A_58 : memref<1x1x106x128xi32, #tpu.memory_space<hbm>> -> memref<106x128xi32, #tpu.memory_space<hbm>>
      %dma_start3A_60 = arith.constant 0 : i32
      %dma_start3A_61 = arith.constant 0 : i32
      %dma_start3A_62 = tpu.memref_slice %arg2[%arg0, %arg1, %dma_start3A_60, %dma_start3A_61] : memref<2x16x106x128xi32, #tpu.memory_space<hbm>> -> memref<1x1x106x128xi32, #tpu.memory_space<hbm>>
      %dma_start3A_63 = tpu.memref_squeeze %dma_start3A_62 : memref<1x1x106x128xi32, #tpu.memory_space<hbm>> -> memref<106x128xi32, #tpu.memory_space<hbm>>
      tpu.enqueue_dma source(%dma_start3A_63 : memref<106x128xi32, #tpu.memory_space<hbm>>) target(%arg5 : memref<106x128xi32, #tpu.memory_space<vmem>>) target_semaphore(%run_scoped3A_56 : memref<!tpu.dma_semaphore, #tpu.memory_space<semaphore_mem>>)
      %dma_wait3A = arith.constant 0 : i32
      %dma_wait3A_64 = arith.constant 0 : i32
      %dma_wait3A_65 = tpu.memref_slice %arg2[%arg0, %arg1, %dma_wait3A, %dma_wait3A_64] : memref<2x16x106x128xi32, #tpu.memory_space<hbm>> -> memref<1x1x106x128xi32, #tpu.memory_space<hbm>>
      %dma_wait3A_66 = tpu.memref_squeeze %dma_wait3A_65 : memref<1x1x106x128xi32, #tpu.memory_space<hbm>> -> memref<106x128xi32, #tpu.memory_space<hbm>>
      %dma_wait3A_67 = arith.constant 0 : i32
      %dma_wait3A_68 = arith.constant 0 : i32
      %dma_wait3A_69 = tpu.memref_slice %arg2[%arg0, %arg1, %dma_wait3A_67, %dma_wait3A_68] : memref<2x16x106x128xi32, #tpu.memory_space<hbm>> -> memref<1x1x106x128xi32, #tpu.memory_space<hbm>>
      %dma_wait3A_70 = tpu.memref_squeeze %dma_wait3A_69 : memref<1x1x106x128xi32, #tpu.memory_space<hbm>> -> memref<106x128xi32, #tpu.memory_space<hbm>>
      tpu.wait_dma2 semaphore(%run_scoped3A_56 : memref<!tpu.dma_semaphore, #tpu.memory_space<semaphore_mem>>) src(%dma_wait3A_70 : memref<106x128xi32, #tpu.memory_space<hbm>>) dst(%arg5 : memref<106x128xi32, #tpu.memory_space<vmem>>)
      tpu.yield
    }) : () -> ()
    "tpu.region"() ({
      %run_scoped3A_56 = tpu.sem_alloc : memref<!tpu.dma_semaphore, #tpu.memory_space<semaphore_mem>>
      %dma_start3A = arith.constant 0 : i32
      %dma_start3A_57 = arith.constant 0 : i32
      %dma_start3A_58 = tpu.memref_slice %arg3[%arg0, %arg1, %dma_start3A, %dma_start3A_57] : memref<2x16x106x128xf32, #tpu.memory_space<hbm>> -> memref<1x1x106x128xf32, #tpu.memory_space<hbm>>
      %dma_start3A_59 = tpu.memref_squeeze %dma_start3A_58 : memref<1x1x106x128xf32, #tpu.memory_space<hbm>> -> memref<106x128xf32, #tpu.memory_space<hbm>>
      %dma_start3A_60 = arith.constant 0 : i32
      %dma_start3A_61 = arith.constant 0 : i32
      %dma_start3A_62 = tpu.memref_slice %arg3[%arg0, %arg1, %dma_start3A_60, %dma_start3A_61] : memref<2x16x106x128xf32, #tpu.memory_space<hbm>> -> memref<1x1x106x128xf32, #tpu.memory_space<hbm>>
      %dma_start3A_63 = tpu.memref_squeeze %dma_start3A_62 : memref<1x1x106x128xf32, #tpu.memory_space<hbm>> -> memref<106x128xf32, #tpu.memory_space<hbm>>
      tpu.enqueue_dma source(%dma_start3A_63 : memref<106x128xf32, #tpu.memory_space<hbm>>) target(%arg6 : memref<106x128xf32, #tpu.memory_space<vmem>>) target_semaphore(%run_scoped3A_56 : memref<!tpu.dma_semaphore, #tpu.memory_space<semaphore_mem>>)
      %dma_wait3A = arith.constant 0 : i32
      %dma_wait3A_64 = arith.constant 0 : i32
      %dma_wait3A_65 = tpu.memref_slice %arg3[%arg0, %arg1, %dma_wait3A, %dma_wait3A_64] : memref<2x16x106x128xf32, #tpu.memory_space<hbm>> -> memref<1x1x106x128xf32, #tpu.memory_space<hbm>>
      %dma_wait3A_66 = tpu.memref_squeeze %dma_wait3A_65 : memref<1x1x106x128xf32, #tpu.memory_space<hbm>> -> memref<106x128xf32, #tpu.memory_space<hbm>>
      %dma_wait3A_67 = arith.constant 0 : i32
      %dma_wait3A_68 = arith.constant 0 : i32
      %dma_wait3A_69 = tpu.memref_slice %arg3[%arg0, %arg1, %dma_wait3A_67, %dma_wait3A_68] : memref<2x16x106x128xf32, #tpu.memory_space<hbm>> -> memref<1x1x106x128xf32, #tpu.memory_space<hbm>>
      %dma_wait3A_70 = tpu.memref_squeeze %dma_wait3A_69 : memref<1x1x106x128xf32, #tpu.memory_space<hbm>> -> memref<106x128xf32, #tpu.memory_space<hbm>>
      tpu.wait_dma2 semaphore(%run_scoped3A_56 : memref<!tpu.dma_semaphore, #tpu.memory_space<semaphore_mem>>) src(%dma_wait3A_70 : memref<106x128xf32, #tpu.memory_space<hbm>>) dst(%arg6 : memref<106x128xf32, #tpu.memory_space<vmem>>)
      tpu.yield
    }) : () -> ()
    %mul3A = arith.constant 632 : i32
    %mul3A_2 = arith.muli %arg1, %mul3A : i32
    %add3A = arith.constant 0 : i32
    %add3A_3 = arith.addi %mul3A_2, %add3A : i32
    %run_scoped3A = arith.constant 105 : i32
    "tpu.region"() ({
      %run_scoped3A_56 = tpu.sem_alloc : memref<!tpu.dma_semaphore, #tpu.memory_space<semaphore_mem>>
      %dma_start3A = arith.constant 0 : i32
      %dma_start3A_57 = tpu.memref_slice %arg6[%run_scoped3A, %dma_start3A] : memref<106x128xf32, #tpu.memory_space<vmem>> -> memref<1x128xf32, #tpu.memory_space<vmem>>
      %dma_start3A_58 = tpu.memref_squeeze %dma_start3A_57 : memref<1x128xf32, #tpu.memory_space<vmem>> -> memref<128xf32, #tpu.memory_space<vmem>>
      %dma_start3A_59 = tpu.memref_slice %arg7[%add3A_3] : memref<10112xf32, #tpu.memory_space<vmem_shared>> -> memref<128xf32, #tpu.memory_space<vmem_shared>>
      %dma_start3A_60 = tpu.memref_slice %arg7[%add3A_3] : memref<10112xf32, #tpu.memory_space<vmem_shared>> -> memref<128xf32, #tpu.memory_space<vmem_shared>>
      %dma_start3A_61 = arith.constant 0 : i32
      %dma_start3A_62 = tpu.memref_slice %arg6[%run_scoped3A, %dma_start3A_61] : memref<106x128xf32, #tpu.memory_space<vmem>> -> memref<1x128xf32, #tpu.memory_space<vmem>>
      %dma_start3A_63 = tpu.memref_squeeze %dma_start3A_62 : memref<1x128xf32, #tpu.memory_space<vmem>> -> memref<128xf32, #tpu.memory_space<vmem>>
      tpu.enqueue_dma source(%dma_start3A_63 : memref<128xf32, #tpu.memory_space<vmem>>) target(%dma_start3A_60 : memref<128xf32, #tpu.memory_space<vmem_shared>>) target_semaphore(%run_scoped3A_56 : memref<!tpu.dma_semaphore, #tpu.memory_space<semaphore_mem>>)
      %dma_wait3A = arith.constant 0 : i32
      %dma_wait3A_64 = tpu.memref_slice %arg6[%run_scoped3A, %dma_wait3A] : memref<106x128xf32, #tpu.memory_space<vmem>> -> memref<1x128xf32, #tpu.memory_space<vmem>>
      %dma_wait3A_65 = tpu.memref_squeeze %dma_wait3A_64 : memref<1x128xf32, #tpu.memory_space<vmem>> -> memref<128xf32, #tpu.memory_space<vmem>>
      %dma_wait3A_66 = tpu.memref_slice %arg7[%add3A_3] : memref<10112xf32, #tpu.memory_space<vmem_shared>> -> memref<128xf32, #tpu.memory_space<vmem_shared>>
      %dma_wait3A_67 = tpu.memref_slice %arg7[%add3A_3] : memref<10112xf32, #tpu.memory_space<vmem_shared>> -> memref<128xf32, #tpu.memory_space<vmem_shared>>
      %dma_wait3A_68 = arith.constant 0 : i32
      %dma_wait3A_69 = tpu.memref_slice %arg6[%run_scoped3A, %dma_wait3A_68] : memref<106x128xf32, #tpu.memory_space<vmem>> -> memref<1x128xf32, #tpu.memory_space<vmem>>
      %dma_wait3A_70 = tpu.memref_squeeze %dma_wait3A_69 : memref<1x128xf32, #tpu.memory_space<vmem>> -> memref<128xf32, #tpu.memory_space<vmem>>
      tpu.wait_dma2 semaphore(%run_scoped3A_56 : memref<!tpu.dma_semaphore, #tpu.memory_space<semaphore_mem>>) src(%dma_wait3A_70 : memref<128xf32, #tpu.memory_space<vmem>>) dst(%dma_wait3A_67 : memref<128xf32, #tpu.memory_space<vmem_shared>>)
      tpu.yield
    }) : () -> ()
    %add3A_4 = arith.constant 128 : i32
    %add3A_5 = arith.addi %mul3A_2, %add3A_4 : i32
    %run_scoped3A_6 = arith.constant 105 : i32
    "tpu.region"() ({
      %run_scoped3A_56 = tpu.sem_alloc : memref<!tpu.dma_semaphore, #tpu.memory_space<semaphore_mem>>
      %dma_start3A = arith.constant 0 : i32
      %dma_start3A_57 = tpu.memref_slice %arg6[%run_scoped3A_6, %dma_start3A] : memref<106x128xf32, #tpu.memory_space<vmem>> -> memref<1x128xf32, #tpu.memory_space<vmem>>
      %dma_start3A_58 = tpu.memref_squeeze %dma_start3A_57 : memref<1x128xf32, #tpu.memory_space<vmem>> -> memref<128xf32, #tpu.memory_space<vmem>>
      %dma_start3A_59 = tpu.memref_slice %arg7[%add3A_5] : memref<10112xf32, #tpu.memory_space<vmem_shared>> -> memref<128xf32, #tpu.memory_space<vmem_shared>>
      %dma_start3A_60 = tpu.memref_slice %arg7[%add3A_5] : memref<10112xf32, #tpu.memory_space<vmem_shared>> -> memref<128xf32, #tpu.memory_space<vmem_shared>>
      %dma_start3A_61 = arith.constant 0 : i32
      %dma_start3A_62 = tpu.memref_slice %arg6[%run_scoped3A_6, %dma_start3A_61] : memref<106x128xf32, #tpu.memory_space<vmem>> -> memref<1x128xf32, #tpu.memory_space<vmem>>
      %dma_start3A_63 = tpu.memref_squeeze %dma_start3A_62 : memref<1x128xf32, #tpu.memory_space<vmem>> -> memref<128xf32, #tpu.memory_space<vmem>>
      tpu.enqueue_dma source(%dma_start3A_63 : memref<128xf32, #tpu.memory_space<vmem>>) target(%dma_start3A_60 : memref<128xf32, #tpu.memory_space<vmem_shared>>) target_semaphore(%run_scoped3A_56 : memref<!tpu.dma_semaphore, #tpu.memory_space<semaphore_mem>>)
      %dma_wait3A = arith.constant 0 : i32
      %dma_wait3A_64 = tpu.memref_slice %arg6[%run_scoped3A_6, %dma_wait3A] : memref<106x128xf32, #tpu.memory_space<vmem>> -> memref<1x128xf32, #tpu.memory_space<vmem>>
      %dma_wait3A_65 = tpu.memref_squeeze %dma_wait3A_64 : memref<1x128xf32, #tpu.memory_space<vmem>> -> memref<128xf32, #tpu.memory_space<vmem>>
      %dma_wait3A_66 = tpu.memref_slice %arg7[%add3A_5] : memref<10112xf32, #tpu.memory_space<vmem_shared>> -> memref<128xf32, #tpu.memory_space<vmem_shared>>
      %dma_wait3A_67 = tpu.memref_slice %arg7[%add3A_5] : memref<10112xf32, #tpu.memory_space<vmem_shared>> -> memref<128xf32, #tpu.memory_space<vmem_shared>>
      %dma_wait3A_68 = arith.constant 0 : i32
      %dma_wait3A_69 = tpu.memref_slice %arg6[%run_scoped3A_6, %dma_wait3A_68] : memref<106x128xf32, #tpu.memory_space<vmem>> -> memref<1x128xf32, #tpu.memory_space<vmem>>
      %dma_wait3A_70 = tpu.memref_squeeze %dma_wait3A_69 : memref<1x128xf32, #tpu.memory_space<vmem>> -> memref<128xf32, #tpu.memory_space<vmem>>
      tpu.wait_dma2 semaphore(%run_scoped3A_56 : memref<!tpu.dma_semaphore, #tpu.memory_space<semaphore_mem>>) src(%dma_wait3A_70 : memref<128xf32, #tpu.memory_space<vmem>>) dst(%dma_wait3A_67 : memref<128xf32, #tpu.memory_space<vmem_shared>>)
      tpu.yield
    }) : () -> ()
    %add3A_7 = arith.constant 256 : i32
    %add3A_8 = arith.addi %mul3A_2, %add3A_7 : i32
    %run_scoped3A_9 = arith.constant 105 : i32
    "tpu.region"() ({
      %run_scoped3A_56 = tpu.sem_alloc : memref<!tpu.dma_semaphore, #tpu.memory_space<semaphore_mem>>
      %dma_start3A = arith.constant 0 : i32
      %dma_start3A_57 = tpu.memref_slice %arg6[%run_scoped3A_9, %dma_start3A] : memref<106x128xf32, #tpu.memory_space<vmem>> -> memref<1x128xf32, #tpu.memory_space<vmem>>
      %dma_start3A_58 = tpu.memref_squeeze %dma_start3A_57 : memref<1x128xf32, #tpu.memory_space<vmem>> -> memref<128xf32, #tpu.memory_space<vmem>>
      %dma_start3A_59 = tpu.memref_slice %arg7[%add3A_8] : memref<10112xf32, #tpu.memory_space<vmem_shared>> -> memref<128xf32, #tpu.memory_space<vmem_shared>>
      %dma_start3A_60 = tpu.memref_slice %arg7[%add3A_8] : memref<10112xf32, #tpu.memory_space<vmem_shared>> -> memref<128xf32, #tpu.memory_space<vmem_shared>>
      %dma_start3A_61 = arith.constant 0 : i32
      %dma_start3A_62 = tpu.memref_slice %arg6[%run_scoped3A_9, %dma_start3A_61] : memref<106x128xf32, #tpu.memory_space<vmem>> -> memref<1x128xf32, #tpu.memory_space<vmem>>
      %dma_start3A_63 = tpu.memref_squeeze %dma_start3A_62 : memref<1x128xf32, #tpu.memory_space<vmem>> -> memref<128xf32, #tpu.memory_space<vmem>>
      tpu.enqueue_dma source(%dma_start3A_63 : memref<128xf32, #tpu.memory_space<vmem>>) target(%dma_start3A_60 : memref<128xf32, #tpu.memory_space<vmem_shared>>) target_semaphore(%run_scoped3A_56 : memref<!tpu.dma_semaphore, #tpu.memory_space<semaphore_mem>>)
      %dma_wait3A = arith.constant 0 : i32
      %dma_wait3A_64 = tpu.memref_slice %arg6[%run_scoped3A_9, %dma_wait3A] : memref<106x128xf32, #tpu.memory_space<vmem>> -> memref<1x128xf32, #tpu.memory_space<vmem>>
      %dma_wait3A_65 = tpu.memref_squeeze %dma_wait3A_64 : memref<1x128xf32, #tpu.memory_space<vmem>> -> memref<128xf32, #tpu.memory_space<vmem>>
      %dma_wait3A_66 = tpu.memref_slice %arg7[%add3A_8] : memref<10112xf32, #tpu.memory_space<vmem_shared>> -> memref<128xf32, #tpu.memory_space<vmem_shared>>
      %dma_wait3A_67 = tpu.memref_slice %arg7[%add3A_8] : memref<10112xf32, #tpu.memory_space<vmem_shared>> -> memref<128xf32, #tpu.memory_space<vmem_shared>>
      %dma_wait3A_68 = arith.constant 0 : i32
      %dma_wait3A_69 = tpu.memref_slice %arg6[%run_scoped3A_9, %dma_wait3A_68] : memref<106x128xf32, #tpu.memory_space<vmem>> -> memref<1x128xf32, #tpu.memory_space<vmem>>
      %dma_wait3A_70 = tpu.memref_squeeze %dma_wait3A_69 : memref<1x128xf32, #tpu.memory_space<vmem>> -> memref<128xf32, #tpu.memory_space<vmem>>
      tpu.wait_dma2 semaphore(%run_scoped3A_56 : memref<!tpu.dma_semaphore, #tpu.memory_space<semaphore_mem>>) src(%dma_wait3A_70 : memref<128xf32, #tpu.memory_space<vmem>>) dst(%dma_wait3A_67 : memref<128xf32, #tpu.memory_space<vmem_shared>>)
      tpu.yield
    }) : () -> ()
    %add3A_10 = arith.constant 384 : i32
    %add3A_11 = arith.addi %mul3A_2, %add3A_10 : i32
    %run_scoped3A_12 = arith.constant 105 : i32
    "tpu.region"() ({
      %run_scoped3A_56 = tpu.sem_alloc : memref<!tpu.dma_semaphore, #tpu.memory_space<semaphore_mem>>
      %dma_start3A = arith.constant 0 : i32
      %dma_start3A_57 = tpu.memref_slice %arg6[%run_scoped3A_12, %dma_start3A] : memref<106x128xf32, #tpu.memory_space<vmem>> -> memref<1x128xf32, #tpu.memory_space<vmem>>
      %dma_start3A_58 = tpu.memref_squeeze %dma_start3A_57 : memref<1x128xf32, #tpu.memory_space<vmem>> -> memref<128xf32, #tpu.memory_space<vmem>>
      %dma_start3A_59 = tpu.memref_slice %arg7[%add3A_11] : memref<10112xf32, #tpu.memory_space<vmem_shared>> -> memref<128xf32, #tpu.memory_space<vmem_shared>>
      %dma_start3A_60 = tpu.memref_slice %arg7[%add3A_11] : memref<10112xf32, #tpu.memory_space<vmem_shared>> -> memref<128xf32, #tpu.memory_space<vmem_shared>>
      %dma_start3A_61 = arith.constant 0 : i32
      %dma_start3A_62 = tpu.memref_slice %arg6[%run_scoped3A_12, %dma_start3A_61] : memref<106x128xf32, #tpu.memory_space<vmem>> -> memref<1x128xf32, #tpu.memory_space<vmem>>
      %dma_start3A_63 = tpu.memref_squeeze %dma_start3A_62 : memref<1x128xf32, #tpu.memory_space<vmem>> -> memref<128xf32, #tpu.memory_space<vmem>>
      tpu.enqueue_dma source(%dma_start3A_63 : memref<128xf32, #tpu.memory_space<vmem>>) target(%dma_start3A_60 : memref<128xf32, #tpu.memory_space<vmem_shared>>) target_semaphore(%run_scoped3A_56 : memref<!tpu.dma_semaphore, #tpu.memory_space<semaphore_mem>>)
      %dma_wait3A = arith.constant 0 : i32
      %dma_wait3A_64 = tpu.memref_slice %arg6[%run_scoped3A_12, %dma_wait3A] : memref<106x128xf32, #tpu.memory_space<vmem>> -> memref<1x128xf32, #tpu.memory_space<vmem>>
      %dma_wait3A_65 = tpu.memref_squeeze %dma_wait3A_64 : memref<1x128xf32, #tpu.memory_space<vmem>> -> memref<128xf32, #tpu.memory_space<vmem>>
      %dma_wait3A_66 = tpu.memref_slice %arg7[%add3A_11] : memref<10112xf32, #tpu.memory_space<vmem_shared>> -> memref<128xf32, #tpu.memory_space<vmem_shared>>
      %dma_wait3A_67 = tpu.memref_slice %arg7[%add3A_11] : memref<10112xf32, #tpu.memory_space<vmem_shared>> -> memref<128xf32, #tpu.memory_space<vmem_shared>>
      %dma_wait3A_68 = arith.constant 0 : i32
      %dma_wait3A_69 = tpu.memref_slice %arg6[%run_scoped3A_12, %dma_wait3A_68] : memref<106x128xf32, #tpu.memory_space<vmem>> -> memref<1x128xf32, #tpu.memory_space<vmem>>
      %dma_wait3A_70 = tpu.memref_squeeze %dma_wait3A_69 : memref<1x128xf32, #tpu.memory_space<vmem>> -> memref<128xf32, #tpu.memory_space<vmem>>
      tpu.wait_dma2 semaphore(%run_scoped3A_56 : memref<!tpu.dma_semaphore, #tpu.memory_space<semaphore_mem>>) src(%dma_wait3A_70 : memref<128xf32, #tpu.memory_space<vmem>>) dst(%dma_wait3A_67 : memref<128xf32, #tpu.memory_space<vmem_shared>>)
      tpu.yield
    }) : () -> ()
    %add3A_13 = arith.constant 512 : i32
    %add3A_14 = arith.addi %mul3A_2, %add3A_13 : i32
    %run_scoped3A_15 = arith.constant 105 : i32
    "tpu.region"() ({
      %run_scoped3A_56 = tpu.sem_alloc : memref<!tpu.dma_semaphore, #tpu.memory_space<semaphore_mem>>
      %dma_start3A = arith.constant 0 : i32
      %dma_start3A_57 = tpu.memref_slice %arg6[%run_scoped3A_15, %dma_start3A] : memref<106x128xf32, #tpu.memory_space<vmem>> -> memref<1x120xf32, #tpu.memory_space<vmem>>
      %dma_start3A_58 = tpu.memref_squeeze %dma_start3A_57 : memref<1x120xf32, #tpu.memory_space<vmem>> -> memref<120xf32, #tpu.memory_space<vmem>>
      %dma_start3A_59 = tpu.memref_slice %arg7[%add3A_14] : memref<10112xf32, #tpu.memory_space<vmem_shared>> -> memref<120xf32, #tpu.memory_space<vmem_shared>>
      %dma_start3A_60 = tpu.memref_slice %arg7[%add3A_14] : memref<10112xf32, #tpu.memory_space<vmem_shared>> -> memref<120xf32, #tpu.memory_space<vmem_shared>>
      %dma_start3A_61 = arith.constant 0 : i32
      %dma_start3A_62 = tpu.memref_slice %arg6[%run_scoped3A_15, %dma_start3A_61] : memref<106x128xf32, #tpu.memory_space<vmem>> -> memref<1x120xf32, #tpu.memory_space<vmem>>
      %dma_start3A_63 = tpu.memref_squeeze %dma_start3A_62 : memref<1x120xf32, #tpu.memory_space<vmem>> -> memref<120xf32, #tpu.memory_space<vmem>>
      tpu.enqueue_dma source(%dma_start3A_63 : memref<120xf32, #tpu.memory_space<vmem>>) target(%dma_start3A_60 : memref<120xf32, #tpu.memory_space<vmem_shared>>) target_semaphore(%run_scoped3A_56 : memref<!tpu.dma_semaphore, #tpu.memory_space<semaphore_mem>>)
      %dma_wait3A = arith.constant 0 : i32
      %dma_wait3A_64 = tpu.memref_slice %arg6[%run_scoped3A_15, %dma_wait3A] : memref<106x128xf32, #tpu.memory_space<vmem>> -> memref<1x120xf32, #tpu.memory_space<vmem>>
      %dma_wait3A_65 = tpu.memref_squeeze %dma_wait3A_64 : memref<1x120xf32, #tpu.memory_space<vmem>> -> memref<120xf32, #tpu.memory_space<vmem>>
      %dma_wait3A_66 = tpu.memref_slice %arg7[%add3A_14] : memref<10112xf32, #tpu.memory_space<vmem_shared>> -> memref<120xf32, #tpu.memory_space<vmem_shared>>
      %dma_wait3A_67 = tpu.memref_slice %arg7[%add3A_14] : memref<10112xf32, #tpu.memory_space<vmem_shared>> -> memref<120xf32, #tpu.memory_space<vmem_shared>>
      %dma_wait3A_68 = arith.constant 0 : i32
      %dma_wait3A_69 = tpu.memref_slice %arg6[%run_scoped3A_15, %dma_wait3A_68] : memref<106x128xf32, #tpu.memory_space<vmem>> -> memref<1x120xf32, #tpu.memory_space<vmem>>
      %dma_wait3A_70 = tpu.memref_squeeze %dma_wait3A_69 : memref<1x120xf32, #tpu.memory_space<vmem>> -> memref<120xf32, #tpu.memory_space<vmem>>
      tpu.wait_dma2 semaphore(%run_scoped3A_56 : memref<!tpu.dma_semaphore, #tpu.memory_space<semaphore_mem>>) src(%dma_wait3A_70 : memref<120xf32, #tpu.memory_space<vmem>>) dst(%dma_wait3A_67 : memref<120xf32, #tpu.memory_space<vmem_shared>>)
      tpu.yield
    }) : () -> ()
    %barrier3A = arith.constant 0 : index
    tpu.barrier barrier_id(%barrier3A)
    %sub3A = arith.constant 0 : i32
    %sub3A_16 = arith.subi %select_n3A, %sub3A : i32
    %sub3A_17 = arith.constant 1 : i32
    %sub3A_18 = arith.constant 1 : i32
    %sub3A_19 = arith.subi %sub3A_17, %sub3A_18 : i32
    %add3A_20 = arith.addi %sub3A_16, %sub3A_19 : i32
    %div3A = arith.constant 1 : i32
    %div3A_21 = arith.divsi %add3A_20, %div3A : i32
    %while3A = arith.constant 1 : i32
    %while3A_22 = arith.constant 0 : i32
    %while3A_23 = arith.constant 0 : i32
    %while3A_24 = arith.subi %div3A_21, %while3A_23 : i32
    %while3A_25 = arith.addi %while3A_23, %while3A_24 : i32
    %while3A_26 = arith.constant 1 : i32
    %while3A_27 = arith.divsi %while3A_24, %while3A_26 : i32
    %while3A_28 = arith.muli %while3A_27, %while3A_26 : i32
    %while3A_29 = arith.addi %while3A_23, %while3A_28 : i32
    %while3A_30 = arith.constant 1 : i32
    scf.for %while3A_56 = %while3A_23 to %while3A_29 step %while3A_30  : i32 {
      %mul3A_57 = arith.muli %while3A_56, %while3A : i32
      %add3A_58 = arith.addi %while3A_22, %mul3A_57 : i32
      %dma_start3A = arith.constant 0 : i32
      %dma_start3A_59 = tpu.memref_slice %arg6[%add3A_58, %dma_start3A] : memref<106x128xf32, #tpu.memory_space<vmem>> -> memref<1x128xf32, #tpu.memory_space<vmem>>
      %dma_start3A_60 = tpu.memref_squeeze %dma_start3A_59 : memref<1x128xf32, #tpu.memory_space<vmem>> -> memref<128xf32, #tpu.memory_space<vmem>>
      %dma_start3A_61 = arith.constant 0 : i32
      %dma_start3A_62 = tpu.memref_slice %arg5[%add3A_58, %dma_start3A_61] : memref<106x128xi32, #tpu.memory_space<vmem>> -> memref<1x128xi32, #tpu.memory_space<vmem>>
      %dma_start3A_63 = tpu.memref_squeeze %dma_start3A_62 : memref<1x128xi32, #tpu.memory_space<vmem>> -> memref<128xi32, #tpu.memory_space<vmem>>
      %dma_start3A_64 = arith.constant 0 : i32
      %dma_start3A_65 = tpu.memref_slice %arg7[%dma_start3A_64] : memref<10112xf32, #tpu.memory_space<vmem_shared>> -> memref<10112xf32, #tpu.memory_space<vmem_shared>>
      tpu.enqueue_indirect_dma source(%dma_start3A_60 : memref<128xf32, #tpu.memory_space<vmem>>) target(%dma_start3A_65 : memref<10112xf32, #tpu.memory_space<vmem_shared>>) offsets(%dma_start3A_63 : memref<128xi32, #tpu.memory_space<vmem>>) semaphore(%arg8 : memref<!tpu.dma_semaphore, #tpu.memory_space<semaphore_mem>>) {add = true}
    }
    %while3A_31 = arith.constant 1 : i32
    scf.for %while3A_56 = %while3A_29 to %while3A_25 step %while3A_31  : i32 {
      %mul3A_57 = arith.muli %while3A_56, %while3A : i32
      %add3A_58 = arith.addi %while3A_22, %mul3A_57 : i32
      %dma_start3A = arith.constant 0 : i32
      %dma_start3A_59 = tpu.memref_slice %arg6[%add3A_58, %dma_start3A] : memref<106x128xf32, #tpu.memory_space<vmem>> -> memref<1x128xf32, #tpu.memory_space<vmem>>
      %dma_start3A_60 = tpu.memref_squeeze %dma_start3A_59 : memref<1x128xf32, #tpu.memory_space<vmem>> -> memref<128xf32, #tpu.memory_space<vmem>>
      %dma_start3A_61 = arith.constant 0 : i32
      %dma_start3A_62 = tpu.memref_slice %arg5[%add3A_58, %dma_start3A_61] : memref<106x128xi32, #tpu.memory_space<vmem>> -> memref<1x128xi32, #tpu.memory_space<vmem>>
      %dma_start3A_63 = tpu.memref_squeeze %dma_start3A_62 : memref<1x128xi32, #tpu.memory_space<vmem>> -> memref<128xi32, #tpu.memory_space<vmem>>
      %dma_start3A_64 = arith.constant 0 : i32
      %dma_start3A_65 = tpu.memref_slice %arg7[%dma_start3A_64] : memref<10112xf32, #tpu.memory_space<vmem_shared>> -> memref<10112xf32, #tpu.memory_space<vmem_shared>>
      tpu.enqueue_indirect_dma source(%dma_start3A_60 : memref<128xf32, #tpu.memory_space<vmem>>) target(%dma_start3A_65 : memref<10112xf32, #tpu.memory_space<vmem_shared>>) offsets(%dma_start3A_63 : memref<128xi32, #tpu.memory_space<vmem>>) semaphore(%arg8 : memref<!tpu.dma_semaphore, #tpu.memory_space<semaphore_mem>>) {add = true}
    }
    %sub3A_32 = arith.constant 0 : i32
    %sub3A_33 = arith.subi %select_n3A, %sub3A_32 : i32
    %sub3A_34 = arith.constant 1 : i32
    %sub3A_35 = arith.constant 1 : i32
    %sub3A_36 = arith.subi %sub3A_34, %sub3A_35 : i32
    %add3A_37 = arith.addi %sub3A_33, %sub3A_36 : i32
    %div3A_38 = arith.constant 1 : i32
    %div3A_39 = arith.divsi %add3A_37, %div3A_38 : i32
    %while3A_40 = arith.constant 1 : i32
    %while3A_41 = arith.constant 0 : i32
    %while3A_42 = arith.constant 0 : i32
    %while3A_43 = arith.subi %div3A_39, %while3A_42 : i32
    %while3A_44 = arith.addi %while3A_42, %while3A_43 : i32
    %while3A_45 = arith.constant 1 : i32
    %while3A_46 = arith.divsi %while3A_43, %while3A_45 : i32
    %while3A_47 = arith.muli %while3A_46, %while3A_45 : i32
    %while3A_48 = arith.addi %while3A_42, %while3A_47 : i32
    %while3A_49 = arith.constant 1 : i32
    scf.for %while3A_56 = %while3A_42 to %while3A_48 step %while3A_49  : i32 {
      %mul3A_57 = arith.muli %while3A_56, %while3A_40 : i32
      %add3A_58 = arith.addi %while3A_41, %mul3A_57 : i32
      %dma_wait3A = arith.constant 0 : i32
      %dma_wait3A_59 = arith.constant 0 : i32
      %dma_wait3A_60 = arith.constant 0 : i32
      %dma_wait3A_61 = tpu.memref_slice %arg6[%dma_wait3A, %dma_wait3A_60] : memref<106x128xf32, #tpu.memory_space<vmem>> -> memref<1x128xf32, #tpu.memory_space<vmem>>
      %dma_wait3A_62 = tpu.memref_squeeze %dma_wait3A_61 : memref<1x128xf32, #tpu.memory_space<vmem>> -> memref<128xf32, #tpu.memory_space<vmem>>
      %dma_wait3A_63 = arith.constant 0 : i32
      %dma_wait3A_64 = tpu.memref_slice %arg5[%dma_wait3A_59, %dma_wait3A_63] : memref<106x128xi32, #tpu.memory_space<vmem>> -> memref<1x128xi32, #tpu.memory_space<vmem>>
      %dma_wait3A_65 = tpu.memref_squeeze %dma_wait3A_64 : memref<1x128xi32, #tpu.memory_space<vmem>> -> memref<128xi32, #tpu.memory_space<vmem>>
      %dma_wait3A_66 = arith.constant 0 : i32
      %dma_wait3A_67 = tpu.memref_slice %arg7[%dma_wait3A_66] : memref<10112xf32, #tpu.memory_space<vmem_shared>> -> memref<10112xf32, #tpu.memory_space<vmem_shared>>
      tpu.wait_indirect_dma semaphore(%arg8 : memref<!tpu.dma_semaphore, #tpu.memory_space<semaphore_mem>>) src(%dma_wait3A_62 : memref<128xf32, #tpu.memory_space<vmem>>) dst(%dma_wait3A_67 : memref<10112xf32, #tpu.memory_space<vmem_shared>>)
    }
    %while3A_50 = arith.constant 1 : i32
    scf.for %while3A_56 = %while3A_48 to %while3A_44 step %while3A_50  : i32 {
      %mul3A_57 = arith.muli %while3A_56, %while3A_40 : i32
      %add3A_58 = arith.addi %while3A_41, %mul3A_57 : i32
      %dma_wait3A = arith.constant 0 : i32
      %dma_wait3A_59 = arith.constant 0 : i32
      %dma_wait3A_60 = arith.constant 0 : i32
      %dma_wait3A_61 = tpu.memref_slice %arg6[%dma_wait3A, %dma_wait3A_60] : memref<106x128xf32, #tpu.memory_space<vmem>> -> memref<1x128xf32, #tpu.memory_space<vmem>>
      %dma_wait3A_62 = tpu.memref_squeeze %dma_wait3A_61 : memref<1x128xf32, #tpu.memory_space<vmem>> -> memref<128xf32, #tpu.memory_space<vmem>>
      %dma_wait3A_63 = arith.constant 0 : i32
      %dma_wait3A_64 = tpu.memref_slice %arg5[%dma_wait3A_59, %dma_wait3A_63] : memref<106x128xi32, #tpu.memory_space<vmem>> -> memref<1x128xi32, #tpu.memory_space<vmem>>
      %dma_wait3A_65 = tpu.memref_squeeze %dma_wait3A_64 : memref<1x128xi32, #tpu.memory_space<vmem>> -> memref<128xi32, #tpu.memory_space<vmem>>
      %dma_wait3A_66 = arith.constant 0 : i32
      %dma_wait3A_67 = tpu.memref_slice %arg7[%dma_wait3A_66] : memref<10112xf32, #tpu.memory_space<vmem_shared>> -> memref<10112xf32, #tpu.memory_space<vmem_shared>>
      tpu.wait_indirect_dma semaphore(%arg8 : memref<!tpu.dma_semaphore, #tpu.memory_space<semaphore_mem>>) src(%dma_wait3A_62 : memref<128xf32, #tpu.memory_space<vmem>>) dst(%dma_wait3A_67 : memref<10112xf32, #tpu.memory_space<vmem_shared>>)
    }
    %barrier3A_51 = arith.constant 0 : index
    tpu.barrier barrier_id(%barrier3A_51)
    %mul3A_52 = arith.constant 632 : i32
    %mul3A_53 = arith.muli %arg1, %mul3A_52 : i32
    %mul3A_54 = arith.constant 632 : i32
    %mul3A_55 = arith.muli %arg1, %mul3A_54 : i32
    "tpu.region"() ({
      %run_scoped3A_56 = tpu.sem_alloc : memref<!tpu.dma_semaphore, #tpu.memory_space<semaphore_mem>>
      %dma_start3A = tpu.memref_slice %arg4[%arg0, %mul3A_55] : memref<2x10112xf32, #tpu.memory_space<hbm>> -> memref<1x632xf32, #tpu.memory_space<hbm>>
      %dma_start3A_57 = tpu.memref_squeeze %dma_start3A : memref<1x632xf32, #tpu.memory_space<hbm>> -> memref<632xf32, #tpu.memory_space<hbm>>
      %dma_start3A_58 = tpu.memref_slice %arg7[%mul3A_53] : memref<10112xf32, #tpu.memory_space<vmem_shared>> -> memref<632xf32, #tpu.memory_space<vmem_shared>>
      tpu.enqueue_dma source(%dma_start3A_58 : memref<632xf32, #tpu.memory_space<vmem_shared>>) target(%dma_start3A_57 : memref<632xf32, #tpu.memory_space<hbm>>) target_semaphore(%run_scoped3A_56 : memref<!tpu.dma_semaphore, #tpu.memory_space<semaphore_mem>>)
      %dma_wait3A = tpu.memref_slice %arg4[%arg0, %mul3A_55] : memref<2x10112xf32, #tpu.memory_space<hbm>> -> memref<1x632xf32, #tpu.memory_space<hbm>>
      %dma_wait3A_59 = tpu.memref_squeeze %dma_wait3A : memref<1x632xf32, #tpu.memory_space<hbm>> -> memref<632xf32, #tpu.memory_space<hbm>>
      %dma_wait3A_60 = tpu.memref_slice %arg7[%mul3A_53] : memref<10112xf32, #tpu.memory_space<vmem_shared>> -> memref<632xf32, #tpu.memory_space<vmem_shared>>
      tpu.wait_dma2 semaphore(%run_scoped3A_56 : memref<!tpu.dma_semaphore, #tpu.memory_space<semaphore_mem>>) src(%dma_wait3A_60 : memref<632xf32, #tpu.memory_space<vmem_shared>>) dst(%dma_wait3A_59 : memref<632xf32, #tpu.memory_space<hbm>>)
      tpu.yield
    }) : () -> ()
    return
  }
}

#map = affine_map<(d0, d1) -> (0, 0, 0, 0)>
#map1 = affine_map<(d0, d1) -> (0, 0)>
#map2 = affine_map<(d0, d1) -> (0, 0, 0)>
module attributes {stable_mosaic.version = 14 : i64} {
  func.func @k(%arg0: i32, %arg1: i32, %arg2: memref<2x16x106x128xi32, #tpu.memory_space<hbm>>, %arg3: memref<2x16x106x128xi32, #tpu.memory_space<hbm>>, %arg4: memref<2x16x106x128xf32, #tpu.memory_space<hbm>>, %arg5: memref<10000x128xf32, #tpu.memory_space<hbm>>, %arg6: memref<632x128xf32, #tpu.memory_space<hbm>>, %arg7: memref<2x10112x128xf32, #tpu.memory_space<hbm>>, %arg8: memref<128xi32, #tpu.memory_space<vmem>>, %arg9: memref<128xi32, #tpu.memory_space<vmem>>, %arg10: memref<128xi32, #tpu.memory_space<vmem>>, %arg11: memref<128xi32, #tpu.memory_space<vmem>>, %arg12: memref<128xi32, #tpu.memory_space<vmem>>, %arg13: memref<128xi32, #tpu.memory_space<vmem>>, %arg14: memref<128xf32, #tpu.memory_space<vmem>>, %arg15: memref<128xf32, #tpu.memory_space<vmem>>, %arg16: memref<128x128xf32, #tpu.memory_space<vmem>>, %arg17: memref<128x128xf32, #tpu.memory_space<vmem>>, %arg18: memref<10112x128xf32, #tpu.memory_space<vmem_shared>>, %arg19: memref<!tpu.dma_semaphore, #tpu.memory_space<semaphore_mem>>, %arg20: memref<!tpu.dma_semaphore, #tpu.memory_space<semaphore_mem>>, %arg21: memref<!tpu.dma_semaphore, #tpu.memory_space<semaphore_mem>>, %arg22: memref<!tpu.dma_semaphore, #tpu.memory_space<semaphore_mem>>, %arg23: memref<!tpu.dma_semaphore, #tpu.memory_space<semaphore_mem>>, %arg24: memref<!tpu.dma_semaphore, #tpu.memory_space<semaphore_mem>>) attributes {dimension_semantics = [#tpu.dimension_semantics<core_parallel>, #tpu.dimension_semantics<subcore_parallel>], iteration_bounds = array<i64: 2, 16>, scalar_prefetch = 0 : i64, scratch_operands = 17 : i64, tpu.core_type = #tpu.core_type<sc_vector_subcore>, window_params = [{transform_indices = #map}, {transform_indices = #map}, {transform_indices = #map}, {transform_indices = #map1}, {transform_indices = #map1}, {transform_indices = #map2}]} {
    %eq3A = arith.constant 0 : i32
    %eq3A_0 = arith.cmpi eq, %arg0, %eq3A : i32
    %jit3A = arith.constant 104 : i32
    %jit3A_1 = arith.constant 56 : i32
    %select_n3A = arith.select %eq3A_0, %jit3A, %jit3A_1 : i32
    %mul3A = arith.constant 632 : i32
    %mul3A_2 = arith.muli %arg1, %mul3A : i32
    "tpu.region"() ({
      %run_scoped3A_97 = tpu.sem_alloc : memref<!tpu.dma_semaphore, #tpu.memory_space<semaphore_mem>>
      %dma_start3A_98 = arith.constant 0 : i32
      %dma_start3A_99 = tpu.memref_slice %arg18[%mul3A_2, %dma_start3A_98] : memref<10112x128xf32, #tpu.memory_space<vmem_shared>> -> memref<632x128xf32, #tpu.memory_space<vmem_shared>>
      tpu.enqueue_dma source(%arg6 : memref<632x128xf32, #tpu.memory_space<hbm>>) target(%dma_start3A_99 : memref<632x128xf32, #tpu.memory_space<vmem_shared>>) target_semaphore(%run_scoped3A_97 : memref<!tpu.dma_semaphore, #tpu.memory_space<semaphore_mem>>)
      %dma_wait3A_100 = arith.constant 0 : i32
      %dma_wait3A_101 = tpu.memref_slice %arg18[%mul3A_2, %dma_wait3A_100] : memref<10112x128xf32, #tpu.memory_space<vmem_shared>> -> memref<632x128xf32, #tpu.memory_space<vmem_shared>>
      tpu.wait_dma2 semaphore(%run_scoped3A_97 : memref<!tpu.dma_semaphore, #tpu.memory_space<semaphore_mem>>) src(%arg6 : memref<632x128xf32, #tpu.memory_space<hbm>>) dst(%dma_wait3A_101 : memref<632x128xf32, #tpu.memory_space<vmem_shared>>)
      tpu.yield
    }) : () -> ()
    %barrier3A = arith.constant 0 : index
    tpu.barrier barrier_id(%barrier3A)
    %run_scoped3A = arith.constant 0 : i32
    "tpu.region"() ({
      %run_scoped3A_97 = tpu.sem_alloc : memref<!tpu.dma_semaphore, #tpu.memory_space<semaphore_mem>>
      %dma_start3A_98 = arith.constant 0 : i32
      %dma_start3A_99 = tpu.memref_slice %arg2[%arg0, %arg1, %run_scoped3A, %dma_start3A_98] : memref<2x16x106x128xi32, #tpu.memory_space<hbm>> -> memref<1x1x1x128xi32, #tpu.memory_space<hbm>>
      %dma_start3A_100 = tpu.memref_squeeze %dma_start3A_99 : memref<1x1x1x128xi32, #tpu.memory_space<hbm>> -> memref<128xi32, #tpu.memory_space<hbm>>
      %dma_start3A_101 = arith.constant 0 : i32
      %dma_start3A_102 = tpu.memref_slice %arg2[%arg0, %arg1, %run_scoped3A, %dma_start3A_101] : memref<2x16x106x128xi32, #tpu.memory_space<hbm>> -> memref<1x1x1x128xi32, #tpu.memory_space<hbm>>
      %dma_start3A_103 = tpu.memref_squeeze %dma_start3A_102 : memref<1x1x1x128xi32, #tpu.memory_space<hbm>> -> memref<128xi32, #tpu.memory_space<hbm>>
      tpu.enqueue_dma source(%dma_start3A_103 : memref<128xi32, #tpu.memory_space<hbm>>) target(%arg8 : memref<128xi32, #tpu.memory_space<vmem>>) target_semaphore(%run_scoped3A_97 : memref<!tpu.dma_semaphore, #tpu.memory_space<semaphore_mem>>)
      %dma_wait3A_104 = arith.constant 0 : i32
      %dma_wait3A_105 = tpu.memref_slice %arg2[%arg0, %arg1, %run_scoped3A, %dma_wait3A_104] : memref<2x16x106x128xi32, #tpu.memory_space<hbm>> -> memref<1x1x1x128xi32, #tpu.memory_space<hbm>>
      %dma_wait3A_106 = tpu.memref_squeeze %dma_wait3A_105 : memref<1x1x1x128xi32, #tpu.memory_space<hbm>> -> memref<128xi32, #tpu.memory_space<hbm>>
      %dma_wait3A_107 = arith.constant 0 : i32
      %dma_wait3A_108 = tpu.memref_slice %arg2[%arg0, %arg1, %run_scoped3A, %dma_wait3A_107] : memref<2x16x106x128xi32, #tpu.memory_space<hbm>> -> memref<1x1x1x128xi32, #tpu.memory_space<hbm>>
      %dma_wait3A_109 = tpu.memref_squeeze %dma_wait3A_108 : memref<1x1x1x128xi32, #tpu.memory_space<hbm>> -> memref<128xi32, #tpu.memory_space<hbm>>
      tpu.wait_dma2 semaphore(%run_scoped3A_97 : memref<!tpu.dma_semaphore, #tpu.memory_space<semaphore_mem>>) src(%dma_wait3A_109 : memref<128xi32, #tpu.memory_space<hbm>>) dst(%arg8 : memref<128xi32, #tpu.memory_space<vmem>>)
      tpu.yield
    }) : () -> ()
    %run_scoped3A_3 = arith.constant 0 : i32
    "tpu.region"() ({
      %run_scoped3A_97 = tpu.sem_alloc : memref<!tpu.dma_semaphore, #tpu.memory_space<semaphore_mem>>
      %dma_start3A_98 = arith.constant 0 : i32
      %dma_start3A_99 = tpu.memref_slice %arg4[%arg0, %arg1, %run_scoped3A_3, %dma_start3A_98] : memref<2x16x106x128xf32, #tpu.memory_space<hbm>> -> memref<1x1x1x128xf32, #tpu.memory_space<hbm>>
      %dma_start3A_100 = tpu.memref_squeeze %dma_start3A_99 : memref<1x1x1x128xf32, #tpu.memory_space<hbm>> -> memref<128xf32, #tpu.memory_space<hbm>>
      %dma_start3A_101 = arith.constant 0 : i32
      %dma_start3A_102 = tpu.memref_slice %arg4[%arg0, %arg1, %run_scoped3A_3, %dma_start3A_101] : memref<2x16x106x128xf32, #tpu.memory_space<hbm>> -> memref<1x1x1x128xf32, #tpu.memory_space<hbm>>
      %dma_start3A_103 = tpu.memref_squeeze %dma_start3A_102 : memref<1x1x1x128xf32, #tpu.memory_space<hbm>> -> memref<128xf32, #tpu.memory_space<hbm>>
      tpu.enqueue_dma source(%dma_start3A_103 : memref<128xf32, #tpu.memory_space<hbm>>) target(%arg14 : memref<128xf32, #tpu.memory_space<vmem>>) target_semaphore(%run_scoped3A_97 : memref<!tpu.dma_semaphore, #tpu.memory_space<semaphore_mem>>)
      %dma_wait3A_104 = arith.constant 0 : i32
      %dma_wait3A_105 = tpu.memref_slice %arg4[%arg0, %arg1, %run_scoped3A_3, %dma_wait3A_104] : memref<2x16x106x128xf32, #tpu.memory_space<hbm>> -> memref<1x1x1x128xf32, #tpu.memory_space<hbm>>
      %dma_wait3A_106 = tpu.memref_squeeze %dma_wait3A_105 : memref<1x1x1x128xf32, #tpu.memory_space<hbm>> -> memref<128xf32, #tpu.memory_space<hbm>>
      %dma_wait3A_107 = arith.constant 0 : i32
      %dma_wait3A_108 = tpu.memref_slice %arg4[%arg0, %arg1, %run_scoped3A_3, %dma_wait3A_107] : memref<2x16x106x128xf32, #tpu.memory_space<hbm>> -> memref<1x1x1x128xf32, #tpu.memory_space<hbm>>
      %dma_wait3A_109 = tpu.memref_squeeze %dma_wait3A_108 : memref<1x1x1x128xf32, #tpu.memory_space<hbm>> -> memref<128xf32, #tpu.memory_space<hbm>>
      tpu.wait_dma2 semaphore(%run_scoped3A_97 : memref<!tpu.dma_semaphore, #tpu.memory_space<semaphore_mem>>) src(%dma_wait3A_109 : memref<128xf32, #tpu.memory_space<hbm>>) dst(%arg14 : memref<128xf32, #tpu.memory_space<vmem>>)
      tpu.yield
    }) : () -> ()
    %run_scoped3A_4 = arith.constant 0 : i32
    "tpu.region"() ({
      %run_scoped3A_97 = tpu.sem_alloc : memref<!tpu.dma_semaphore, #tpu.memory_space<semaphore_mem>>
      %dma_start3A_98 = arith.constant 0 : i32
      %dma_start3A_99 = tpu.memref_slice %arg3[%arg0, %arg1, %run_scoped3A_4, %dma_start3A_98] : memref<2x16x106x128xi32, #tpu.memory_space<hbm>> -> memref<1x1x1x128xi32, #tpu.memory_space<hbm>>
      %dma_start3A_100 = tpu.memref_squeeze %dma_start3A_99 : memref<1x1x1x128xi32, #tpu.memory_space<hbm>> -> memref<128xi32, #tpu.memory_space<hbm>>
      %dma_start3A_101 = arith.constant 0 : i32
      %dma_start3A_102 = tpu.memref_slice %arg3[%arg0, %arg1, %run_scoped3A_4, %dma_start3A_101] : memref<2x16x106x128xi32, #tpu.memory_space<hbm>> -> memref<1x1x1x128xi32, #tpu.memory_space<hbm>>
      %dma_start3A_103 = tpu.memref_squeeze %dma_start3A_102 : memref<1x1x1x128xi32, #tpu.memory_space<hbm>> -> memref<128xi32, #tpu.memory_space<hbm>>
      tpu.enqueue_dma source(%dma_start3A_103 : memref<128xi32, #tpu.memory_space<hbm>>) target(%arg10 : memref<128xi32, #tpu.memory_space<vmem>>) target_semaphore(%run_scoped3A_97 : memref<!tpu.dma_semaphore, #tpu.memory_space<semaphore_mem>>)
      %dma_wait3A_104 = arith.constant 0 : i32
      %dma_wait3A_105 = tpu.memref_slice %arg3[%arg0, %arg1, %run_scoped3A_4, %dma_wait3A_104] : memref<2x16x106x128xi32, #tpu.memory_space<hbm>> -> memref<1x1x1x128xi32, #tpu.memory_space<hbm>>
      %dma_wait3A_106 = tpu.memref_squeeze %dma_wait3A_105 : memref<1x1x1x128xi32, #tpu.memory_space<hbm>> -> memref<128xi32, #tpu.memory_space<hbm>>
      %dma_wait3A_107 = arith.constant 0 : i32
      %dma_wait3A_108 = tpu.memref_slice %arg3[%arg0, %arg1, %run_scoped3A_4, %dma_wait3A_107] : memref<2x16x106x128xi32, #tpu.memory_space<hbm>> -> memref<1x1x1x128xi32, #tpu.memory_space<hbm>>
      %dma_wait3A_109 = tpu.memref_squeeze %dma_wait3A_108 : memref<1x1x1x128xi32, #tpu.memory_space<hbm>> -> memref<128xi32, #tpu.memory_space<hbm>>
      tpu.wait_dma2 semaphore(%run_scoped3A_97 : memref<!tpu.dma_semaphore, #tpu.memory_space<semaphore_mem>>) src(%dma_wait3A_109 : memref<128xi32, #tpu.memory_space<hbm>>) dst(%arg10 : memref<128xi32, #tpu.memory_space<vmem>>)
      tpu.yield
    }) : () -> ()
    %dma_start3A = arith.constant 0 : i32
    %dma_start3A_5 = arith.constant 0 : i32
    %dma_start3A_6 = tpu.memref_slice %arg5[%dma_start3A, %dma_start3A_5] : memref<10000x128xf32, #tpu.memory_space<hbm>> -> memref<10000x128xf32, #tpu.memory_space<hbm>>
    tpu.enqueue_indirect_dma source(%dma_start3A_6 : memref<10000x128xf32, #tpu.memory_space<hbm>>) target(%arg16 : memref<128x128xf32, #tpu.memory_space<vmem>>) offsets(%arg8 : memref<128xi32, #tpu.memory_space<vmem>>) semaphore(%arg21 : memref<!tpu.dma_semaphore, #tpu.memory_space<semaphore_mem>>)
    %dma_start3A_7 = arith.constant 1 : i32
    %dma_start3A_8 = arith.constant 0 : i32
    %dma_start3A_9 = tpu.memref_slice %arg2[%arg0, %arg1, %dma_start3A_7, %dma_start3A_8] : memref<2x16x106x128xi32, #tpu.memory_space<hbm>> -> memref<1x1x1x128xi32, #tpu.memory_space<hbm>>
    %dma_start3A_10 = tpu.memref_squeeze %dma_start3A_9 : memref<1x1x1x128xi32, #tpu.memory_space<hbm>> -> memref<128xi32, #tpu.memory_space<hbm>>
    %dma_start3A_11 = arith.constant 0 : i32
    %dma_start3A_12 = tpu.memref_slice %arg2[%arg0, %arg1, %dma_start3A_7, %dma_start3A_11] : memref<2x16x106x128xi32, #tpu.memory_space<hbm>> -> memref<1x1x1x128xi32, #tpu.memory_space<hbm>>
    %dma_start3A_13 = tpu.memref_squeeze %dma_start3A_12 : memref<1x1x1x128xi32, #tpu.memory_space<hbm>> -> memref<128xi32, #tpu.memory_space<hbm>>
    tpu.enqueue_dma source(%dma_start3A_13 : memref<128xi32, #tpu.memory_space<hbm>>) target(%arg9 : memref<128xi32, #tpu.memory_space<vmem>>) target_semaphore(%arg20 : memref<!tpu.dma_semaphore, #tpu.memory_space<semaphore_mem>>)
    %dma_start3A_14 = arith.constant 1 : i32
    %dma_start3A_15 = arith.constant 0 : i32
    %dma_start3A_16 = tpu.memref_slice %arg4[%arg0, %arg1, %dma_start3A_14, %dma_start3A_15] : memref<2x16x106x128xf32, #tpu.memory_space<hbm>> -> memref<1x1x1x128xf32, #tpu.memory_space<hbm>>
    %dma_start3A_17 = tpu.memref_squeeze %dma_start3A_16 : memref<1x1x1x128xf32, #tpu.memory_space<hbm>> -> memref<128xf32, #tpu.memory_space<hbm>>
    %dma_start3A_18 = arith.constant 0 : i32
    %dma_start3A_19 = tpu.memref_slice %arg4[%arg0, %arg1, %dma_start3A_14, %dma_start3A_18] : memref<2x16x106x128xf32, #tpu.memory_space<hbm>> -> memref<1x1x1x128xf32, #tpu.memory_space<hbm>>
    %dma_start3A_20 = tpu.memref_squeeze %dma_start3A_19 : memref<1x1x1x128xf32, #tpu.memory_space<hbm>> -> memref<128xf32, #tpu.memory_space<hbm>>
    tpu.enqueue_dma source(%dma_start3A_20 : memref<128xf32, #tpu.memory_space<hbm>>) target(%arg15 : memref<128xf32, #tpu.memory_space<vmem>>) target_semaphore(%arg20 : memref<!tpu.dma_semaphore, #tpu.memory_space<semaphore_mem>>)
    %dma_start3A_21 = arith.constant 1 : i32
    %dma_start3A_22 = arith.constant 0 : i32
    %dma_start3A_23 = tpu.memref_slice %arg3[%arg0, %arg1, %dma_start3A_21, %dma_start3A_22] : memref<2x16x106x128xi32, #tpu.memory_space<hbm>> -> memref<1x1x1x128xi32, #tpu.memory_space<hbm>>
    %dma_start3A_24 = tpu.memref_squeeze %dma_start3A_23 : memref<1x1x1x128xi32, #tpu.memory_space<hbm>> -> memref<128xi32, #tpu.memory_space<hbm>>
    %dma_start3A_25 = arith.constant 0 : i32
    %dma_start3A_26 = tpu.memref_slice %arg3[%arg0, %arg1, %dma_start3A_21, %dma_start3A_25] : memref<2x16x106x128xi32, #tpu.memory_space<hbm>> -> memref<1x1x1x128xi32, #tpu.memory_space<hbm>>
    %dma_start3A_27 = tpu.memref_squeeze %dma_start3A_26 : memref<1x1x1x128xi32, #tpu.memory_space<hbm>> -> memref<128xi32, #tpu.memory_space<hbm>>
    tpu.enqueue_dma source(%dma_start3A_27 : memref<128xi32, #tpu.memory_space<hbm>>) target(%arg11 : memref<128xi32, #tpu.memory_space<vmem>>) target_semaphore(%arg20 : memref<!tpu.dma_semaphore, #tpu.memory_space<semaphore_mem>>)
    %jit3A_28 = arith.constant 4 : i32
    %div3A = arith.divsi %select_n3A, %jit3A_28 : i32
    %sign3A = arith.constant 0 : i32
    %sign3A_29 = arith.cmpi sgt, %select_n3A, %sign3A : i32
    %sign3A_30 = arith.extui %sign3A_29 : i1 to i32
    %sign3A_31 = arith.constant 0 : i32
    %sign3A_32 = arith.cmpi slt, %select_n3A, %sign3A_31 : i32
    %sign3A_33 = arith.extui %sign3A_32 : i1 to i32
    %sign3A_34 = arith.subi %sign3A_30, %sign3A_33 : i32
    %sign3A_35 = arith.constant 0 : i32
    %sign3A_36 = arith.cmpi sgt, %jit3A_28, %sign3A_35 : i32
    %sign3A_37 = arith.extui %sign3A_36 : i1 to i32
    %sign3A_38 = arith.constant 0 : i32
    %sign3A_39 = arith.cmpi slt, %jit3A_28, %sign3A_38 : i32
    %sign3A_40 = arith.extui %sign3A_39 : i1 to i32
    %sign3A_41 = arith.subi %sign3A_37, %sign3A_40 : i32
    %ne3A = arith.cmpi ne, %sign3A_34, %sign3A_41 : i32
    %rem3A = arith.remsi %select_n3A, %jit3A_28 : i32
    %ne3A_42 = arith.constant 0 : i32
    %ne3A_43 = arith.cmpi ne, %rem3A, %ne3A_42 : i32
    %and3A = arith.andi %ne3A, %ne3A_43 : i1
    %sub3A = arith.constant 1 : i32
    %sub3A_44 = arith.subi %div3A, %sub3A : i32
    %select_n3A_45 = arith.select %and3A, %sub3A_44, %div3A : i32
    %sub3A_46 = arith.constant 0 : i32
    %sub3A_47 = arith.subi %select_n3A_45, %sub3A_46 : i32
    %sub3A_48 = arith.constant 1 : i32
    %sub3A_49 = arith.constant 1 : i32
    %sub3A_50 = arith.subi %sub3A_48, %sub3A_49 : i32
    %add3A = arith.addi %sub3A_47, %sub3A_50 : i32
    %div3A_51 = arith.constant 1 : i32
    %div3A_52 = arith.divsi %add3A, %div3A_51 : i32
    %while3A = arith.constant 1 : i32
    %while3A_53 = arith.constant 0 : i32
    %while3A_54 = arith.constant 0 : i32
    %while3A_55 = arith.subi %div3A_52, %while3A_54 : i32
    %while3A_56 = arith.addi %while3A_54, %while3A_55 : i32
    %while3A_57 = arith.constant 1 : i32
    %while3A_58 = arith.divsi %while3A_55, %while3A_57 : i32
    %while3A_59 = arith.muli %while3A_58, %while3A_57 : i32
    %while3A_60 = arith.addi %while3A_54, %while3A_59 : i32
    %while3A_61 = arith.constant 1 : i32
    scf.for %while3A_97 = %while3A_54 to %while3A_60 step %while3A_61  : i32 {
      %mul3A_98 = arith.muli %while3A_97, %while3A : i32
      %add3A_99 = arith.addi %while3A_53, %mul3A_98 : i32
      %mul3A_100 = arith.constant 4 : i32
      %mul3A_101 = arith.muli %add3A_99, %mul3A_100 : i32
      %add3A_102 = arith.constant 0 : i32
      %add3A_103 = arith.addi %mul3A_101, %add3A_102 : i32
      %dma_wait3A_104 = arith.constant 0 : i32
      %dma_wait3A_105 = arith.constant 0 : i32
      %dma_wait3A_106 = tpu.memref_slice %arg2[%arg0, %arg1, %dma_wait3A_104, %dma_wait3A_105] : memref<2x16x106x128xi32, #tpu.memory_space<hbm>> -> memref<1x1x1x128xi32, #tpu.memory_space<hbm>>
      %dma_wait3A_107 = tpu.memref_squeeze %dma_wait3A_106 : memref<1x1x1x128xi32, #tpu.memory_space<hbm>> -> memref<128xi32, #tpu.memory_space<hbm>>
      %dma_wait3A_108 = arith.constant 0 : i32
      %dma_wait3A_109 = tpu.memref_slice %arg2[%arg0, %arg1, %dma_wait3A_104, %dma_wait3A_108] : memref<2x16x106x128xi32, #tpu.memory_space<hbm>> -> memref<1x1x1x128xi32, #tpu.memory_space<hbm>>
      %dma_wait3A_110 = tpu.memref_squeeze %dma_wait3A_109 : memref<1x1x1x128xi32, #tpu.memory_space<hbm>> -> memref<128xi32, #tpu.memory_space<hbm>>
      tpu.wait_dma2 semaphore(%arg20 : memref<!tpu.dma_semaphore, #tpu.memory_space<semaphore_mem>>) src(%dma_wait3A_110 : memref<128xi32, #tpu.memory_space<hbm>>) dst(%arg9 : memref<128xi32, #tpu.memory_space<vmem>>)
      %dma_wait3A_111 = arith.constant 0 : i32
      %dma_wait3A_112 = arith.constant 0 : i32
      %dma_wait3A_113 = tpu.memref_slice %arg4[%arg0, %arg1, %dma_wait3A_111, %dma_wait3A_112] : memref<2x16x106x128xf32, #tpu.memory_space<hbm>> -> memref<1x1x1x128xf32, #tpu.memory_space<hbm>>
      %dma_wait3A_114 = tpu.memref_squeeze %dma_wait3A_113 : memref<1x1x1x128xf32, #tpu.memory_space<hbm>> -> memref<128xf32, #tpu.memory_space<hbm>>
      %dma_wait3A_115 = arith.constant 0 : i32
      %dma_wait3A_116 = tpu.memref_slice %arg4[%arg0, %arg1, %dma_wait3A_111, %dma_wait3A_115] : memref<2x16x106x128xf32, #tpu.memory_space<hbm>> -> memref<1x1x1x128xf32, #tpu.memory_space<hbm>>
      %dma_wait3A_117 = tpu.memref_squeeze %dma_wait3A_116 : memref<1x1x1x128xf32, #tpu.memory_space<hbm>> -> memref<128xf32, #tpu.memory_space<hbm>>
      tpu.wait_dma2 semaphore(%arg20 : memref<!tpu.dma_semaphore, #tpu.memory_space<semaphore_mem>>) src(%dma_wait3A_117 : memref<128xf32, #tpu.memory_space<hbm>>) dst(%arg15 : memref<128xf32, #tpu.memory_space<vmem>>)
      %dma_wait3A_118 = arith.constant 0 : i32
      %dma_wait3A_119 = arith.constant 0 : i32
      %dma_wait3A_120 = tpu.memref_slice %arg3[%arg0, %arg1, %dma_wait3A_118, %dma_wait3A_119] : memref<2x16x106x128xi32, #tpu.memory_space<hbm>> -> memref<1x1x1x128xi32, #tpu.memory_space<hbm>>
      %dma_wait3A_121 = tpu.memref_squeeze %dma_wait3A_120 : memref<1x1x1x128xi32, #tpu.memory_space<hbm>> -> memref<128xi32, #tpu.memory_space<hbm>>
      %dma_wait3A_122 = arith.constant 0 : i32
      %dma_wait3A_123 = tpu.memref_slice %arg3[%arg0, %arg1, %dma_wait3A_118, %dma_wait3A_122] : memref<2x16x106x128xi32, #tpu.memory_space<hbm>> -> memref<1x1x1x128xi32, #tpu.memory_space<hbm>>
      %dma_wait3A_124 = tpu.memref_squeeze %dma_wait3A_123 : memref<1x1x1x128xi32, #tpu.memory_space<hbm>> -> memref<128xi32, #tpu.memory_space<hbm>>
      tpu.wait_dma2 semaphore(%arg20 : memref<!tpu.dma_semaphore, #tpu.memory_space<semaphore_mem>>) src(%dma_wait3A_124 : memref<128xi32, #tpu.memory_space<hbm>>) dst(%arg11 : memref<128xi32, #tpu.memory_space<vmem>>)
      %ge3A = arith.constant 1 : i32
      %ge3A_125 = arith.cmpi sge, %add3A_103, %ge3A : i32
      %convert_element_type3A = arith.extui %ge3A_125 : i1 to i32
      %cond3A = arith.constant 0 : i32
      %cond3A_126 = arith.cmpi ne, %convert_element_type3A, %cond3A : i32
      scf.if %cond3A_126 {
        %dma_wait3A_372 = arith.constant 0 : i32
        %dma_wait3A_373 = arith.constant 0 : i32
        %dma_wait3A_374 = tpu.memref_slice %arg18[%dma_wait3A_372, %dma_wait3A_373] : memref<10112x128xf32, #tpu.memory_space<vmem_shared>> -> memref<10112x128xf32, #tpu.memory_space<vmem_shared>>
        tpu.wait_indirect_dma semaphore(%arg24 : memref<!tpu.dma_semaphore, #tpu.memory_space<semaphore_mem>>) src(%arg17 : memref<128x128xf32, #tpu.memory_space<vmem>>) dst(%dma_wait3A_374 : memref<10112x128xf32, #tpu.memory_space<vmem_shared>>)
      } else {
      }
      %dma_start3A_127 = arith.constant 0 : i32
      %dma_start3A_128 = arith.constant 0 : i32
      %dma_start3A_129 = tpu.memref_slice %arg5[%dma_start3A_127, %dma_start3A_128] : memref<10000x128xf32, #tpu.memory_space<hbm>> -> memref<10000x128xf32, #tpu.memory_space<hbm>>
      tpu.enqueue_indirect_dma source(%dma_start3A_129 : memref<10000x128xf32, #tpu.memory_space<hbm>>) target(%arg17 : memref<128x128xf32, #tpu.memory_space<vmem>>) offsets(%arg9 : memref<128xi32, #tpu.memory_space<vmem>>) semaphore(%arg22 : memref<!tpu.dma_semaphore, #tpu.memory_space<semaphore_mem>>)
      %dma_wait3A_130 = arith.constant 0 : i32
      %dma_wait3A_131 = arith.constant 0 : i32
      %dma_wait3A_132 = tpu.memref_slice %arg5[%dma_wait3A_130, %dma_wait3A_131] : memref<10000x128xf32, #tpu.memory_space<hbm>> -> memref<128x128xf32, #tpu.memory_space<hbm>>
      %dma_wait3A_133 = arith.constant 0 : i32
      %dma_wait3A_134 = arith.constant 0 : i32
      %dma_wait3A_135 = tpu.memref_slice %arg5[%dma_wait3A_133, %dma_wait3A_134] : memref<10000x128xf32, #tpu.memory_space<hbm>> -> memref<128x128xf32, #tpu.memory_space<hbm>>
      tpu.wait_dma2 semaphore(%arg21 : memref<!tpu.dma_semaphore, #tpu.memory_space<semaphore_mem>>) src(%dma_wait3A_135 : memref<128x128xf32, #tpu.memory_space<hbm>>) dst(%arg16 : memref<128x128xf32, #tpu.memory_space<vmem>>)
      %parallel_loop3A = arith.constant 0 : i32
      %parallel_loop3A_136 = arith.constant 128 : i32
      %parallel_loop3A_137 = arith.constant 1 : i32
      scf.for %parallel_loop3A_372 = %parallel_loop3A to %parallel_loop3A_136 step %parallel_loop3A_137  : i32 {
        %parallel_loop3A_373 = vector.broadcast %parallel_loop3A_372 : i32 to vector<16xi32>
        %parallel_loop3A_374 = tpu.vector_load_idx %arg14[%parallel_loop3A_373] : memref<128xf32, #tpu.memory_space<vmem>>[vector<16xi32>], vector<16xf32>,
        %parallel_loop3A_375 = arith.index_cast %parallel_loop3A_372 : i32 to index
        %parallel_loop3A_376 = arith.constant 0 : index
        %parallel_loop3A_377 = tpu.vector_load %arg16[%parallel_loop3A_375, %parallel_loop3A_376] {strides = array<i32>} : memref<128x128xf32, #tpu.memory_space<vmem>>, vector<16xf32>,
        %parallel_loop3A_378 = arith.mulf %parallel_loop3A_377, %parallel_loop3A_374 : vector<16xf32>
        %parallel_loop3A_379 = arith.index_cast %parallel_loop3A_372 : i32 to index
        %parallel_loop3A_380 = arith.constant 0 : index
        %parallel_loop3A_381 = tpu.vector_load %arg16[%parallel_loop3A_379, %parallel_loop3A_380] {strides = array<i32>} : memref<128x128xf32, #tpu.memory_space<vmem>>, vector<16xf32>,
        tpu.vector_store %arg16[%parallel_loop3A_379, %parallel_loop3A_380], %parallel_loop3A_378 {strides = array<i32>} : memref<128x128xf32, #tpu.memory_space<vmem>>, vector<16xf32>,
        %parallel_loop3A_382 = arith.index_cast %parallel_loop3A_372 : i32 to index
        %parallel_loop3A_383 = arith.constant 16 : index
        %parallel_loop3A_384 = tpu.vector_load %arg16[%parallel_loop3A_382, %parallel_loop3A_383] {strides = array<i32>} : memref<128x128xf32, #tpu.memory_space<vmem>>, vector<16xf32>,
        %parallel_loop3A_385 = arith.mulf %parallel_loop3A_384, %parallel_loop3A_374 : vector<16xf32>
        %parallel_loop3A_386 = arith.index_cast %parallel_loop3A_372 : i32 to index
        %parallel_loop3A_387 = arith.constant 16 : index
        %parallel_loop3A_388 = tpu.vector_load %arg16[%parallel_loop3A_386, %parallel_loop3A_387] {strides = array<i32>} : memref<128x128xf32, #tpu.memory_space<vmem>>, vector<16xf32>,
        tpu.vector_store %arg16[%parallel_loop3A_386, %parallel_loop3A_387], %parallel_loop3A_385 {strides = array<i32>} : memref<128x128xf32, #tpu.memory_space<vmem>>, vector<16xf32>,
        %parallel_loop3A_389 = arith.index_cast %parallel_loop3A_372 : i32 to index
        %parallel_loop3A_390 = arith.constant 32 : index
        %parallel_loop3A_391 = tpu.vector_load %arg16[%parallel_loop3A_389, %parallel_loop3A_390] {strides = array<i32>} : memref<128x128xf32, #tpu.memory_space<vmem>>, vector<16xf32>,
        %parallel_loop3A_392 = arith.mulf %parallel_loop3A_391, %parallel_loop3A_374 : vector<16xf32>
        %parallel_loop3A_393 = arith.index_cast %parallel_loop3A_372 : i32 to index
        %parallel_loop3A_394 = arith.constant 32 : index
        %parallel_loop3A_395 = tpu.vector_load %arg16[%parallel_loop3A_393, %parallel_loop3A_394] {strides = array<i32>} : memref<128x128xf32, #tpu.memory_space<vmem>>, vector<16xf32>,
        tpu.vector_store %arg16[%parallel_loop3A_393, %parallel_loop3A_394], %parallel_loop3A_392 {strides = array<i32>} : memref<128x128xf32, #tpu.memory_space<vmem>>, vector<16xf32>,
        %parallel_loop3A_396 = arith.index_cast %parallel_loop3A_372 : i32 to index
        %parallel_loop3A_397 = arith.constant 48 : index
        %parallel_loop3A_398 = tpu.vector_load %arg16[%parallel_loop3A_396, %parallel_loop3A_397] {strides = array<i32>} : memref<128x128xf32, #tpu.memory_space<vmem>>, vector<16xf32>,
        %parallel_loop3A_399 = arith.mulf %parallel_loop3A_398, %parallel_loop3A_374 : vector<16xf32>
        %parallel_loop3A_400 = arith.index_cast %parallel_loop3A_372 : i32 to index
        %parallel_loop3A_401 = arith.constant 48 : index
        %parallel_loop3A_402 = tpu.vector_load %arg16[%parallel_loop3A_400, %parallel_loop3A_401] {strides = array<i32>} : memref<128x128xf32, #tpu.memory_space<vmem>>, vector<16xf32>,
        tpu.vector_store %arg16[%parallel_loop3A_400, %parallel_loop3A_401], %parallel_loop3A_399 {strides = array<i32>} : memref<128x128xf32, #tpu.memory_space<vmem>>, vector<16xf32>,
        %parallel_loop3A_403 = arith.index_cast %parallel_loop3A_372 : i32 to index
        %parallel_loop3A_404 = arith.constant 64 : index
        %parallel_loop3A_405 = tpu.vector_load %arg16[%parallel_loop3A_403, %parallel_loop3A_404] {strides = array<i32>} : memref<128x128xf32, #tpu.memory_space<vmem>>, vector<16xf32>,
        %parallel_loop3A_406 = arith.mulf %parallel_loop3A_405, %parallel_loop3A_374 : vector<16xf32>
        %parallel_loop3A_407 = arith.index_cast %parallel_loop3A_372 : i32 to index
        %parallel_loop3A_408 = arith.constant 64 : index
        %parallel_loop3A_409 = tpu.vector_load %arg16[%parallel_loop3A_407, %parallel_loop3A_408] {strides = array<i32>} : memref<128x128xf32, #tpu.memory_space<vmem>>, vector<16xf32>,
        tpu.vector_store %arg16[%parallel_loop3A_407, %parallel_loop3A_408], %parallel_loop3A_406 {strides = array<i32>} : memref<128x128xf32, #tpu.memory_space<vmem>>, vector<16xf32>,
        %parallel_loop3A_410 = arith.index_cast %parallel_loop3A_372 : i32 to index
        %parallel_loop3A_411 = arith.constant 80 : index
        %parallel_loop3A_412 = tpu.vector_load %arg16[%parallel_loop3A_410, %parallel_loop3A_411] {strides = array<i32>} : memref<128x128xf32, #tpu.memory_space<vmem>>, vector<16xf32>,
        %parallel_loop3A_413 = arith.mulf %parallel_loop3A_412, %parallel_loop3A_374 : vector<16xf32>
        %parallel_loop3A_414 = arith.index_cast %parallel_loop3A_372 : i32 to index
        %parallel_loop3A_415 = arith.constant 80 : index
        %parallel_loop3A_416 = tpu.vector_load %arg16[%parallel_loop3A_414, %parallel_loop3A_415] {strides = array<i32>} : memref<128x128xf32, #tpu.memory_space<vmem>>, vector<16xf32>,
        tpu.vector_store %arg16[%parallel_loop3A_414, %parallel_loop3A_415], %parallel_loop3A_413 {strides = array<i32>} : memref<128x128xf32, #tpu.memory_space<vmem>>, vector<16xf32>,
        %parallel_loop3A_417 = arith.index_cast %parallel_loop3A_372 : i32 to index
        %parallel_loop3A_418 = arith.constant 96 : index
        %parallel_loop3A_419 = tpu.vector_load %arg16[%parallel_loop3A_417, %parallel_loop3A_418] {strides = array<i32>} : memref<128x128xf32, #tpu.memory_space<vmem>>, vector<16xf32>,
        %parallel_loop3A_420 = arith.mulf %parallel_loop3A_419, %parallel_loop3A_374 : vector<16xf32>
        %parallel_loop3A_421 = arith.index_cast %parallel_loop3A_372 : i32 to index
        %parallel_loop3A_422 = arith.constant 96 : index
        %parallel_loop3A_423 = tpu.vector_load %arg16[%parallel_loop3A_421, %parallel_loop3A_422] {strides = array<i32>} : memref<128x128xf32, #tpu.memory_space<vmem>>, vector<16xf32>,
        tpu.vector_store %arg16[%parallel_loop3A_421, %parallel_loop3A_422], %parallel_loop3A_420 {strides = array<i32>} : memref<128x128xf32, #tpu.memory_space<vmem>>, vector<16xf32>,
        %parallel_loop3A_424 = arith.index_cast %parallel_loop3A_372 : i32 to index
        %parallel_loop3A_425 = arith.constant 112 : index
        %parallel_loop3A_426 = tpu.vector_load %arg16[%parallel_loop3A_424, %parallel_loop3A_425] {strides = array<i32>} : memref<128x128xf32, #tpu.memory_space<vmem>>, vector<16xf32>,
        %parallel_loop3A_427 = arith.mulf %parallel_loop3A_426, %parallel_loop3A_374 : vector<16xf32>
        %parallel_loop3A_428 = arith.index_cast %parallel_loop3A_372 : i32 to index
        %parallel_loop3A_429 = arith.constant 112 : index
        %parallel_loop3A_430 = tpu.vector_load %arg16[%parallel_loop3A_428, %parallel_loop3A_429] {strides = array<i32>} : memref<128x128xf32, #tpu.memory_space<vmem>>, vector<16xf32>,
        tpu.vector_store %arg16[%parallel_loop3A_428, %parallel_loop3A_429], %parallel_loop3A_427 {strides = array<i32>} : memref<128x128xf32, #tpu.memory_space<vmem>>, vector<16xf32>,
      } {sc.loop_unroll_factor = 4 : i64, sc.parallel_access}
      %dma_start3A_138 = arith.constant 0 : i32
      %dma_start3A_139 = arith.constant 0 : i32
      %dma_start3A_140 = tpu.memref_slice %arg18[%dma_start3A_138, %dma_start3A_139] : memref<10112x128xf32, #tpu.memory_space<vmem_shared>> -> memref<10112x128xf32, #tpu.memory_space<vmem_shared>>
      tpu.enqueue_indirect_dma source(%arg16 : memref<128x128xf32, #tpu.memory_space<vmem>>) target(%dma_start3A_140 : memref<10112x128xf32, #tpu.memory_space<vmem_shared>>) offsets(%arg10 : memref<128xi32, #tpu.memory_space<vmem>>) semaphore(%arg23 : memref<!tpu.dma_semaphore, #tpu.memory_space<semaphore_mem>>) {add = true}
      %add3A_141 = arith.constant 2 : i32
      %add3A_142 = arith.addi %add3A_103, %add3A_141 : i32
      %dma_start3A_143 = arith.constant 0 : i32
      %dma_start3A_144 = tpu.memref_slice %arg2[%arg0, %arg1, %add3A_142, %dma_start3A_143] : memref<2x16x106x128xi32, #tpu.memory_space<hbm>> -> memref<1x1x1x128xi32, #tpu.memory_space<hbm>>
      %dma_start3A_145 = tpu.memref_squeeze %dma_start3A_144 : memref<1x1x1x128xi32, #tpu.memory_space<hbm>> -> memref<128xi32, #tpu.memory_space<hbm>>
      %dma_start3A_146 = arith.constant 0 : i32
      %dma_start3A_147 = tpu.memref_slice %arg2[%arg0, %arg1, %add3A_142, %dma_start3A_146] : memref<2x16x106x128xi32, #tpu.memory_space<hbm>> -> memref<1x1x1x128xi32, #tpu.memory_space<hbm>>
      %dma_start3A_148 = tpu.memref_squeeze %dma_start3A_147 : memref<1x1x1x128xi32, #tpu.memory_space<hbm>> -> memref<128xi32, #tpu.memory_space<hbm>>
      tpu.enqueue_dma source(%dma_start3A_148 : memref<128xi32, #tpu.memory_space<hbm>>) target(%arg8 : memref<128xi32, #tpu.memory_space<vmem>>) target_semaphore(%arg19 : memref<!tpu.dma_semaphore, #tpu.memory_space<semaphore_mem>>)
      %add3A_149 = arith.constant 2 : i32
      %add3A_150 = arith.addi %add3A_103, %add3A_149 : i32
      %dma_start3A_151 = arith.constant 0 : i32
      %dma_start3A_152 = tpu.memref_slice %arg4[%arg0, %arg1, %add3A_150, %dma_start3A_151] : memref<2x16x106x128xf32, #tpu.memory_space<hbm>> -> memref<1x1x1x128xf32, #tpu.memory_space<hbm>>
      %dma_start3A_153 = tpu.memref_squeeze %dma_start3A_152 : memref<1x1x1x128xf32, #tpu.memory_space<hbm>> -> memref<128xf32, #tpu.memory_space<hbm>>
      %dma_start3A_154 = arith.constant 0 : i32
      %dma_start3A_155 = tpu.memref_slice %arg4[%arg0, %arg1, %add3A_150, %dma_start3A_154] : memref<2x16x106x128xf32, #tpu.memory_space<hbm>> -> memref<1x1x1x128xf32, #tpu.memory_space<hbm>>
      %dma_start3A_156 = tpu.memref_squeeze %dma_start3A_155 : memref<1x1x1x128xf32, #tpu.memory_space<hbm>> -> memref<128xf32, #tpu.memory_space<hbm>>
      tpu.enqueue_dma source(%dma_start3A_156 : memref<128xf32, #tpu.memory_space<hbm>>) target(%arg14 : memref<128xf32, #tpu.memory_space<vmem>>) target_semaphore(%arg19 : memref<!tpu.dma_semaphore, #tpu.memory_space<semaphore_mem>>)
      %add3A_157 = arith.constant 2 : i32
      %add3A_158 = arith.addi %add3A_103, %add3A_157 : i32
      %dma_start3A_159 = arith.constant 0 : i32
      %dma_start3A_160 = tpu.memref_slice %arg3[%arg0, %arg1, %add3A_158, %dma_start3A_159] : memref<2x16x106x128xi32, #tpu.memory_space<hbm>> -> memref<1x1x1x128xi32, #tpu.memory_space<hbm>>
      %dma_start3A_161 = tpu.memref_squeeze %dma_start3A_160 : memref<1x1x1x128xi32, #tpu.memory_space<hbm>> -> memref<128xi32, #tpu.memory_space<hbm>>
      %dma_start3A_162 = arith.constant 0 : i32
      %dma_start3A_163 = tpu.memref_slice %arg3[%arg0, %arg1, %add3A_158, %dma_start3A_162] : memref<2x16x106x128xi32, #tpu.memory_space<hbm>> -> memref<1x1x1x128xi32, #tpu.memory_space<hbm>>
      %dma_start3A_164 = tpu.memref_squeeze %dma_start3A_163 : memref<1x1x1x128xi32, #tpu.memory_space<hbm>> -> memref<128xi32, #tpu.memory_space<hbm>>
      tpu.enqueue_dma source(%dma_start3A_164 : memref<128xi32, #tpu.memory_space<hbm>>) target(%arg12 : memref<128xi32, #tpu.memory_space<vmem>>) target_semaphore(%arg19 : memref<!tpu.dma_semaphore, #tpu.memory_space<semaphore_mem>>)
      %mul3A_165 = arith.constant 4 : i32
      %mul3A_166 = arith.muli %add3A_99, %mul3A_165 : i32
      %add3A_167 = arith.constant 1 : i32
      %add3A_168 = arith.addi %mul3A_166, %add3A_167 : i32
      %dma_wait3A_169 = arith.constant 0 : i32
      %dma_wait3A_170 = arith.constant 0 : i32
      %dma_wait3A_171 = tpu.memref_slice %arg2[%arg0, %arg1, %dma_wait3A_169, %dma_wait3A_170] : memref<2x16x106x128xi32, #tpu.memory_space<hbm>> -> memref<1x1x1x128xi32, #tpu.memory_space<hbm>>
      %dma_wait3A_172 = tpu.memref_squeeze %dma_wait3A_171 : memref<1x1x1x128xi32, #tpu.memory_space<hbm>> -> memref<128xi32, #tpu.memory_space<hbm>>
      %dma_wait3A_173 = arith.constant 0 : i32
      %dma_wait3A_174 = tpu.memref_slice %arg2[%arg0, %arg1, %dma_wait3A_169, %dma_wait3A_173] : memref<2x16x106x128xi32, #tpu.memory_space<hbm>> -> memref<1x1x1x128xi32, #tpu.memory_space<hbm>>
      %dma_wait3A_175 = tpu.memref_squeeze %dma_wait3A_174 : memref<1x1x1x128xi32, #tpu.memory_space<hbm>> -> memref<128xi32, #tpu.memory_space<hbm>>
      tpu.wait_dma2 semaphore(%arg19 : memref<!tpu.dma_semaphore, #tpu.memory_space<semaphore_mem>>) src(%dma_wait3A_175 : memref<128xi32, #tpu.memory_space<hbm>>) dst(%arg8 : memref<128xi32, #tpu.memory_space<vmem>>)
      %dma_wait3A_176 = arith.constant 0 : i32
      %dma_wait3A_177 = arith.constant 0 : i32
      %dma_wait3A_178 = tpu.memref_slice %arg4[%arg0, %arg1, %dma_wait3A_176, %dma_wait3A_177] : memref<2x16x106x128xf32, #tpu.memory_space<hbm>> -> memref<1x1x1x128xf32, #tpu.memory_space<hbm>>
      %dma_wait3A_179 = tpu.memref_squeeze %dma_wait3A_178 : memref<1x1x1x128xf32, #tpu.memory_space<hbm>> -> memref<128xf32, #tpu.memory_space<hbm>>
      %dma_wait3A_180 = arith.constant 0 : i32
      %dma_wait3A_181 = tpu.memref_slice %arg4[%arg0, %arg1, %dma_wait3A_176, %dma_wait3A_180] : memref<2x16x106x128xf32, #tpu.memory_space<hbm>> -> memref<1x1x1x128xf32, #tpu.memory_space<hbm>>
      %dma_wait3A_182 = tpu.memref_squeeze %dma_wait3A_181 : memref<1x1x1x128xf32, #tpu.memory_space<hbm>> -> memref<128xf32, #tpu.memory_space<hbm>>
      tpu.wait_dma2 semaphore(%arg19 : memref<!tpu.dma_semaphore, #tpu.memory_space<semaphore_mem>>) src(%dma_wait3A_182 : memref<128xf32, #tpu.memory_space<hbm>>) dst(%arg14 : memref<128xf32, #tpu.memory_space<vmem>>)
      %dma_wait3A_183 = arith.constant 0 : i32
      %dma_wait3A_184 = arith.constant 0 : i32
      %dma_wait3A_185 = tpu.memref_slice %arg3[%arg0, %arg1, %dma_wait3A_183, %dma_wait3A_184] : memref<2x16x106x128xi32, #tpu.memory_space<hbm>> -> memref<1x1x1x128xi32, #tpu.memory_space<hbm>>
      %dma_wait3A_186 = tpu.memref_squeeze %dma_wait3A_185 : memref<1x1x1x128xi32, #tpu.memory_space<hbm>> -> memref<128xi32, #tpu.memory_space<hbm>>
      %dma_wait3A_187 = arith.constant 0 : i32
      %dma_wait3A_188 = tpu.memref_slice %arg3[%arg0, %arg1, %dma_wait3A_183, %dma_wait3A_187] : memref<2x16x106x128xi32, #tpu.memory_space<hbm>> -> memref<1x1x1x128xi32, #tpu.memory_space<hbm>>
      %dma_wait3A_189 = tpu.memref_squeeze %dma_wait3A_188 : memref<1x1x1x128xi32, #tpu.memory_space<hbm>> -> memref<128xi32, #tpu.memory_space<hbm>>
      tpu.wait_dma2 semaphore(%arg19 : memref<!tpu.dma_semaphore, #tpu.memory_space<semaphore_mem>>) src(%dma_wait3A_189 : memref<128xi32, #tpu.memory_space<hbm>>) dst(%arg12 : memref<128xi32, #tpu.memory_space<vmem>>)
      %ge3A_190 = arith.constant 1 : i32
      %ge3A_191 = arith.cmpi sge, %add3A_168, %ge3A_190 : i32
      %convert_element_type3A_192 = arith.extui %ge3A_191 : i1 to i32
      %cond3A_193 = arith.constant 0 : i32
      %cond3A_194 = arith.cmpi ne, %convert_element_type3A_192, %cond3A_193 : i32
      scf.if %cond3A_194 {
        %dma_wait3A_372 = arith.constant 0 : i32
        %dma_wait3A_373 = arith.constant 0 : i32
        %dma_wait3A_374 = tpu.memref_slice %arg18[%dma_wait3A_372, %dma_wait3A_373] : memref<10112x128xf32, #tpu.memory_space<vmem_shared>> -> memref<10112x128xf32, #tpu.memory_space<vmem_shared>>
        tpu.wait_indirect_dma semaphore(%arg23 : memref<!tpu.dma_semaphore, #tpu.memory_space<semaphore_mem>>) src(%arg16 : memref<128x128xf32, #tpu.memory_space<vmem>>) dst(%dma_wait3A_374 : memref<10112x128xf32, #tpu.memory_space<vmem_shared>>)
      } else {
      }
      %dma_start3A_195 = arith.constant 0 : i32
      %dma_start3A_196 = arith.constant 0 : i32
      %dma_start3A_197 = tpu.memref_slice %arg5[%dma_start3A_195, %dma_start3A_196] : memref<10000x128xf32, #tpu.memory_space<hbm>> -> memref<10000x128xf32, #tpu.memory_space<hbm>>
      tpu.enqueue_indirect_dma source(%dma_start3A_197 : memref<10000x128xf32, #tpu.memory_space<hbm>>) target(%arg16 : memref<128x128xf32, #tpu.memory_space<vmem>>) offsets(%arg8 : memref<128xi32, #tpu.memory_space<vmem>>) semaphore(%arg21 : memref<!tpu.dma_semaphore, #tpu.memory_space<semaphore_mem>>)
      %dma_wait3A_198 = arith.constant 0 : i32
      %dma_wait3A_199 = arith.constant 0 : i32
      %dma_wait3A_200 = tpu.memref_slice %arg5[%dma_wait3A_198, %dma_wait3A_199] : memref<10000x128xf32, #tpu.memory_space<hbm>> -> memref<128x128xf32, #tpu.memory_space<hbm>>
      %dma_wait3A_201 = arith.constant 0 : i32
      %dma_wait3A_202 = arith.constant 0 : i32
      %dma_wait3A_203 = tpu.memref_slice %arg5[%dma_wait3A_201, %dma_wait3A_202] : memref<10000x128xf32, #tpu.memory_space<hbm>> -> memref<128x128xf32, #tpu.memory_space<hbm>>
      tpu.wait_dma2 semaphore(%arg22 : memref<!tpu.dma_semaphore, #tpu.memory_space<semaphore_mem>>) src(%dma_wait3A_203 : memref<128x128xf32, #tpu.memory_space<hbm>>) dst(%arg17 : memref<128x128xf32, #tpu.memory_space<vmem>>)
      %parallel_loop3A_204 = arith.constant 0 : i32
      %parallel_loop3A_205 = arith.constant 128 : i32
      %parallel_loop3A_206 = arith.constant 1 : i32
      scf.for %parallel_loop3A_372 = %parallel_loop3A_204 to %parallel_loop3A_205 step %parallel_loop3A_206  : i32 {
        %parallel_loop3A_373 = vector.broadcast %parallel_loop3A_372 : i32 to vector<16xi32>
        %parallel_loop3A_374 = tpu.vector_load_idx %arg15[%parallel_loop3A_373] : memref<128xf32, #tpu.memory_space<vmem>>[vector<16xi32>], vector<16xf32>,
        %parallel_loop3A_375 = arith.index_cast %parallel_loop3A_372 : i32 to index
        %parallel_loop3A_376 = arith.constant 0 : index
        %parallel_loop3A_377 = tpu.vector_load %arg17[%parallel_loop3A_375, %parallel_loop3A_376] {strides = array<i32>} : memref<128x128xf32, #tpu.memory_space<vmem>>, vector<16xf32>,
        %parallel_loop3A_378 = arith.mulf %parallel_loop3A_377, %parallel_loop3A_374 : vector<16xf32>
        %parallel_loop3A_379 = arith.index_cast %parallel_loop3A_372 : i32 to index
        %parallel_loop3A_380 = arith.constant 0 : index
        %parallel_loop3A_381 = tpu.vector_load %arg17[%parallel_loop3A_379, %parallel_loop3A_380] {strides = array<i32>} : memref<128x128xf32, #tpu.memory_space<vmem>>, vector<16xf32>,
        tpu.vector_store %arg17[%parallel_loop3A_379, %parallel_loop3A_380], %parallel_loop3A_378 {strides = array<i32>} : memref<128x128xf32, #tpu.memory_space<vmem>>, vector<16xf32>,
        %parallel_loop3A_382 = arith.index_cast %parallel_loop3A_372 : i32 to index
        %parallel_loop3A_383 = arith.constant 16 : index
        %parallel_loop3A_384 = tpu.vector_load %arg17[%parallel_loop3A_382, %parallel_loop3A_383] {strides = array<i32>} : memref<128x128xf32, #tpu.memory_space<vmem>>, vector<16xf32>,
        %parallel_loop3A_385 = arith.mulf %parallel_loop3A_384, %parallel_loop3A_374 : vector<16xf32>
        %parallel_loop3A_386 = arith.index_cast %parallel_loop3A_372 : i32 to index
        %parallel_loop3A_387 = arith.constant 16 : index
        %parallel_loop3A_388 = tpu.vector_load %arg17[%parallel_loop3A_386, %parallel_loop3A_387] {strides = array<i32>} : memref<128x128xf32, #tpu.memory_space<vmem>>, vector<16xf32>,
        tpu.vector_store %arg17[%parallel_loop3A_386, %parallel_loop3A_387], %parallel_loop3A_385 {strides = array<i32>} : memref<128x128xf32, #tpu.memory_space<vmem>>, vector<16xf32>,
        %parallel_loop3A_389 = arith.index_cast %parallel_loop3A_372 : i32 to index
        %parallel_loop3A_390 = arith.constant 32 : index
        %parallel_loop3A_391 = tpu.vector_load %arg17[%parallel_loop3A_389, %parallel_loop3A_390] {strides = array<i32>} : memref<128x128xf32, #tpu.memory_space<vmem>>, vector<16xf32>,
        %parallel_loop3A_392 = arith.mulf %parallel_loop3A_391, %parallel_loop3A_374 : vector<16xf32>
        %parallel_loop3A_393 = arith.index_cast %parallel_loop3A_372 : i32 to index
        %parallel_loop3A_394 = arith.constant 32 : index
        %parallel_loop3A_395 = tpu.vector_load %arg17[%parallel_loop3A_393, %parallel_loop3A_394] {strides = array<i32>} : memref<128x128xf32, #tpu.memory_space<vmem>>, vector<16xf32>,
        tpu.vector_store %arg17[%parallel_loop3A_393, %parallel_loop3A_394], %parallel_loop3A_392 {strides = array<i32>} : memref<128x128xf32, #tpu.memory_space<vmem>>, vector<16xf32>,
        %parallel_loop3A_396 = arith.index_cast %parallel_loop3A_372 : i32 to index
        %parallel_loop3A_397 = arith.constant 48 : index
        %parallel_loop3A_398 = tpu.vector_load %arg17[%parallel_loop3A_396, %parallel_loop3A_397] {strides = array<i32>} : memref<128x128xf32, #tpu.memory_space<vmem>>, vector<16xf32>,
        %parallel_loop3A_399 = arith.mulf %parallel_loop3A_398, %parallel_loop3A_374 : vector<16xf32>
        %parallel_loop3A_400 = arith.index_cast %parallel_loop3A_372 : i32 to index
        %parallel_loop3A_401 = arith.constant 48 : index
        %parallel_loop3A_402 = tpu.vector_load %arg17[%parallel_loop3A_400, %parallel_loop3A_401] {strides = array<i32>} : memref<128x128xf32, #tpu.memory_space<vmem>>, vector<16xf32>,
        tpu.vector_store %arg17[%parallel_loop3A_400, %parallel_loop3A_401], %parallel_loop3A_399 {strides = array<i32>} : memref<128x128xf32, #tpu.memory_space<vmem>>, vector<16xf32>,
        %parallel_loop3A_403 = arith.index_cast %parallel_loop3A_372 : i32 to index
        %parallel_loop3A_404 = arith.constant 64 : index
        %parallel_loop3A_405 = tpu.vector_load %arg17[%parallel_loop3A_403, %parallel_loop3A_404] {strides = array<i32>} : memref<128x128xf32, #tpu.memory_space<vmem>>, vector<16xf32>,
        %parallel_loop3A_406 = arith.mulf %parallel_loop3A_405, %parallel_loop3A_374 : vector<16xf32>
        %parallel_loop3A_407 = arith.index_cast %parallel_loop3A_372 : i32 to index
        %parallel_loop3A_408 = arith.constant 64 : index
        %parallel_loop3A_409 = tpu.vector_load %arg17[%parallel_loop3A_407, %parallel_loop3A_408] {strides = array<i32>} : memref<128x128xf32, #tpu.memory_space<vmem>>, vector<16xf32>,
        tpu.vector_store %arg17[%parallel_loop3A_407, %parallel_loop3A_408], %parallel_loop3A_406 {strides = array<i32>} : memref<128x128xf32, #tpu.memory_space<vmem>>, vector<16xf32>,
        %parallel_loop3A_410 = arith.index_cast %parallel_loop3A_372 : i32 to index
        %parallel_loop3A_411 = arith.constant 80 : index
        %parallel_loop3A_412 = tpu.vector_load %arg17[%parallel_loop3A_410, %parallel_loop3A_411] {strides = array<i32>} : memref<128x128xf32, #tpu.memory_space<vmem>>, vector<16xf32>,
        %parallel_loop3A_413 = arith.mulf %parallel_loop3A_412, %parallel_loop3A_374 : vector<16xf32>
        %parallel_loop3A_414 = arith.index_cast %parallel_loop3A_372 : i32 to index
        %parallel_loop3A_415 = arith.constant 80 : index
        %parallel_loop3A_416 = tpu.vector_load %arg17[%parallel_loop3A_414, %parallel_loop3A_415] {strides = array<i32>} : memref<128x128xf32, #tpu.memory_space<vmem>>, vector<16xf32>,
        tpu.vector_store %arg17[%parallel_loop3A_414, %parallel_loop3A_415], %parallel_loop3A_413 {strides = array<i32>} : memref<128x128xf32, #tpu.memory_space<vmem>>, vector<16xf32>,
        %parallel_loop3A_417 = arith.index_cast %parallel_loop3A_372 : i32 to index
        %parallel_loop3A_418 = arith.constant 96 : index
        %parallel_loop3A_419 = tpu.vector_load %arg17[%parallel_loop3A_417, %parallel_loop3A_418] {strides = array<i32>} : memref<128x128xf32, #tpu.memory_space<vmem>>, vector<16xf32>,
        %parallel_loop3A_420 = arith.mulf %parallel_loop3A_419, %parallel_loop3A_374 : vector<16xf32>
        %parallel_loop3A_421 = arith.index_cast %parallel_loop3A_372 : i32 to index
        %parallel_loop3A_422 = arith.constant 96 : index
        %parallel_loop3A_423 = tpu.vector_load %arg17[%parallel_loop3A_421, %parallel_loop3A_422] {strides = array<i32>} : memref<128x128xf32, #tpu.memory_space<vmem>>, vector<16xf32>,
        tpu.vector_store %arg17[%parallel_loop3A_421, %parallel_loop3A_422], %parallel_loop3A_420 {strides = array<i32>} : memref<128x128xf32, #tpu.memory_space<vmem>>, vector<16xf32>,
        %parallel_loop3A_424 = arith.index_cast %parallel_loop3A_372 : i32 to index
        %parallel_loop3A_425 = arith.constant 112 : index
        %parallel_loop3A_426 = tpu.vector_load %arg17[%parallel_loop3A_424, %parallel_loop3A_425] {strides = array<i32>} : memref<128x128xf32, #tpu.memory_space<vmem>>, vector<16xf32>,
        %parallel_loop3A_427 = arith.mulf %parallel_loop3A_426, %parallel_loop3A_374 : vector<16xf32>
        %parallel_loop3A_428 = arith.index_cast %parallel_loop3A_372 : i32 to index
        %parallel_loop3A_429 = arith.constant 112 : index
        %parallel_loop3A_430 = tpu.vector_load %arg17[%parallel_loop3A_428, %parallel_loop3A_429] {strides = array<i32>} : memref<128x128xf32, #tpu.memory_space<vmem>>, vector<16xf32>,
        tpu.vector_store %arg17[%parallel_loop3A_428, %parallel_loop3A_429], %parallel_loop3A_427 {strides = array<i32>} : memref<128x128xf32, #tpu.memory_space<vmem>>, vector<16xf32>,
      } {sc.loop_unroll_factor = 4 : i64, sc.parallel_access}
      %dma_start3A_207 = arith.constant 0 : i32
      %dma_start3A_208 = arith.constant 0 : i32
      %dma_start3A_209 = tpu.memref_slice %arg18[%dma_start3A_207, %dma_start3A_208] : memref<10112x128xf32, #tpu.memory_space<vmem_shared>> -> memref<10112x128xf32, #tpu.memory_space<vmem_shared>>
      tpu.enqueue_indirect_dma source(%arg17 : memref<128x128xf32, #tpu.memory_space<vmem>>) target(%dma_start3A_209 : memref<10112x128xf32, #tpu.memory_space<vmem_shared>>) offsets(%arg11 : memref<128xi32, #tpu.memory_space<vmem>>) semaphore(%arg24 : memref<!tpu.dma_semaphore, #tpu.memory_space<semaphore_mem>>) {add = true}
      %add3A_210 = arith.constant 2 : i32
      %add3A_211 = arith.addi %add3A_168, %add3A_210 : i32
      %dma_start3A_212 = arith.constant 0 : i32
      %dma_start3A_213 = tpu.memref_slice %arg2[%arg0, %arg1, %add3A_211, %dma_start3A_212] : memref<2x16x106x128xi32, #tpu.memory_space<hbm>> -> memref<1x1x1x128xi32, #tpu.memory_space<hbm>>
      %dma_start3A_214 = tpu.memref_squeeze %dma_start3A_213 : memref<1x1x1x128xi32, #tpu.memory_space<hbm>> -> memref<128xi32, #tpu.memory_space<hbm>>
      %dma_start3A_215 = arith.constant 0 : i32
      %dma_start3A_216 = tpu.memref_slice %arg2[%arg0, %arg1, %add3A_211, %dma_start3A_215] : memref<2x16x106x128xi32, #tpu.memory_space<hbm>> -> memref<1x1x1x128xi32, #tpu.memory_space<hbm>>
      %dma_start3A_217 = tpu.memref_squeeze %dma_start3A_216 : memref<1x1x1x128xi32, #tpu.memory_space<hbm>> -> memref<128xi32, #tpu.memory_space<hbm>>
      tpu.enqueue_dma source(%dma_start3A_217 : memref<128xi32, #tpu.memory_space<hbm>>) target(%arg9 : memref<128xi32, #tpu.memory_space<vmem>>) target_semaphore(%arg20 : memref<!tpu.dma_semaphore, #tpu.memory_space<semaphore_mem>>)
      %add3A_218 = arith.constant 2 : i32
      %add3A_219 = arith.addi %add3A_168, %add3A_218 : i32
      %dma_start3A_220 = arith.constant 0 : i32
      %dma_start3A_221 = tpu.memref_slice %arg4[%arg0, %arg1, %add3A_219, %dma_start3A_220] : memref<2x16x106x128xf32, #tpu.memory_space<hbm>> -> memref<1x1x1x128xf32, #tpu.memory_space<hbm>>
      %dma_start3A_222 = tpu.memref_squeeze %dma_start3A_221 : memref<1x1x1x128xf32, #tpu.memory_space<hbm>> -> memref<128xf32, #tpu.memory_space<hbm>>
      %dma_start3A_223 = arith.constant 0 : i32
      %dma_start3A_224 = tpu.memref_slice %arg4[%arg0, %arg1, %add3A_219, %dma_start3A_223] : memref<2x16x106x128xf32, #tpu.memory_space<hbm>> -> memref<1x1x1x128xf32, #tpu.memory_space<hbm>>
      %dma_start3A_225 = tpu.memref_squeeze %dma_start3A_224 : memref<1x1x1x128xf32, #tpu.memory_space<hbm>> -> memref<128xf32, #tpu.memory_space<hbm>>
      tpu.enqueue_dma source(%dma_start3A_225 : memref<128xf32, #tpu.memory_space<hbm>>) target(%arg15 : memref<128xf32, #tpu.memory_space<vmem>>) target_semaphore(%arg20 : memref<!tpu.dma_semaphore, #tpu.memory_space<semaphore_mem>>)
      %add3A_226 = arith.constant 2 : i32
      %add3A_227 = arith.addi %add3A_168, %add3A_226 : i32
      %dma_start3A_228 = arith.constant 0 : i32
      %dma_start3A_229 = tpu.memref_slice %arg3[%arg0, %arg1, %add3A_227, %dma_start3A_228] : memref<2x16x106x128xi32, #tpu.memory_space<hbm>> -> memref<1x1x1x128xi32, #tpu.memory_space<hbm>>
      %dma_start3A_230 = tpu.memref_squeeze %dma_start3A_229 : memref<1x1x1x128xi32, #tpu.memory_space<hbm>> -> memref<128xi32, #tpu.memory_space<hbm>>
      %dma_start3A_231 = arith.constant 0 : i32
      %dma_start3A_232 = tpu.memref_slice %arg3[%arg0, %arg1, %add3A_227, %dma_start3A_231] : memref<2x16x106x128xi32, #tpu.memory_space<hbm>> -> memref<1x1x1x128xi32, #tpu.memory_space<hbm>>
      %dma_start3A_233 = tpu.memref_squeeze %dma_start3A_232 : memref<1x1x1x128xi32, #tpu.memory_space<hbm>> -> memref<128xi32, #tpu.memory_space<hbm>>
      tpu.enqueue_dma source(%dma_start3A_233 : memref<128xi32, #tpu.memory_space<hbm>>) target(%arg13 : memref<128xi32, #tpu.memory_space<vmem>>) target_semaphore(%arg20 : memref<!tpu.dma_semaphore, #tpu.memory_space<semaphore_mem>>)
      %mul3A_234 = arith.constant 4 : i32
      %mul3A_235 = arith.muli %add3A_99, %mul3A_234 : i32
      %add3A_236 = arith.constant 2 : i32
      %add3A_237 = arith.addi %mul3A_235, %add3A_236 : i32
      %dma_wait3A_238 = arith.constant 0 : i32
      %dma_wait3A_239 = arith.constant 0 : i32
      %dma_wait3A_240 = tpu.memref_slice %arg2[%arg0, %arg1, %dma_wait3A_238, %dma_wait3A_239] : memref<2x16x106x128xi32, #tpu.memory_space<hbm>> -> memref<1x1x1x128xi32, #tpu.memory_space<hbm>>
      %dma_wait3A_241 = tpu.memref_squeeze %dma_wait3A_240 : memref<1x1x1x128xi32, #tpu.memory_space<hbm>> -> memref<128xi32, #tpu.memory_space<hbm>>
      %dma_wait3A_242 = arith.constant 0 : i32
      %dma_wait3A_243 = tpu.memref_slice %arg2[%arg0, %arg1, %dma_wait3A_238, %dma_wait3A_242] : memref<2x16x106x128xi32, #tpu.memory_space<hbm>> -> memref<1x1x1x128xi32, #tpu.memory_space<hbm>>
      %dma_wait3A_244 = tpu.memref_squeeze %dma_wait3A_243 : memref<1x1x1x128xi32, #tpu.memory_space<hbm>> -> memref<128xi32, #tpu.memory_space<hbm>>
      tpu.wait_dma2 semaphore(%arg20 : memref<!tpu.dma_semaphore, #tpu.memory_space<semaphore_mem>>) src(%dma_wait3A_244 : memref<128xi32, #tpu.memory_space<hbm>>) dst(%arg9 : memref<128xi32, #tpu.memory_space<vmem>>)
      %dma_wait3A_245 = arith.constant 0 : i32
      %dma_wait3A_246 = arith.constant 0 : i32
      %dma_wait3A_247 = tpu.memref_slice %arg4[%arg0, %arg1, %dma_wait3A_245, %dma_wait3A_246] : memref<2x16x106x128xf32, #tpu.memory_space<hbm>> -> memref<1x1x1x128xf32, #tpu.memory_space<hbm>>
      %dma_wait3A_248 = tpu.memref_squeeze %dma_wait3A_247 : memref<1x1x1x128xf32, #tpu.memory_space<hbm>> -> memref<128xf32, #tpu.memory_space<hbm>>
      %dma_wait3A_249 = arith.constant 0 : i32
      %dma_wait3A_250 = tpu.memref_slice %arg4[%arg0, %arg1, %dma_wait3A_245, %dma_wait3A_249] : memref<2x16x106x128xf32, #tpu.memory_space<hbm>> -> memref<1x1x1x128xf32, #tpu.memory_space<hbm>>
      %dma_wait3A_251 = tpu.memref_squeeze %dma_wait3A_250 : memref<1x1x1x128xf32, #tpu.memory_space<hbm>> -> memref<128xf32, #tpu.memory_space<hbm>>
      tpu.wait_dma2 semaphore(%arg20 : memref<!tpu.dma_semaphore, #tpu.memory_space<semaphore_mem>>) src(%dma_wait3A_251 : memref<128xf32, #tpu.memory_space<hbm>>) dst(%arg15 : memref<128xf32, #tpu.memory_space<vmem>>)
      %dma_wait3A_252 = arith.constant 0 : i32
      %dma_wait3A_253 = arith.constant 0 : i32
      %dma_wait3A_254 = tpu.memref_slice %arg3[%arg0, %arg1, %dma_wait3A_252, %dma_wait3A_253] : memref<2x16x106x128xi32, #tpu.memory_space<hbm>> -> memref<1x1x1x128xi32, #tpu.memory_space<hbm>>
      %dma_wait3A_255 = tpu.memref_squeeze %dma_wait3A_254 : memref<1x1x1x128xi32, #tpu.memory_space<hbm>> -> memref<128xi32, #tpu.memory_space<hbm>>
      %dma_wait3A_256 = arith.constant 0 : i32
      %dma_wait3A_257 = tpu.memref_slice %arg3[%arg0, %arg1, %dma_wait3A_252, %dma_wait3A_256] : memref<2x16x106x128xi32, #tpu.memory_space<hbm>> -> memref<1x1x1x128xi32, #tpu.memory_space<hbm>>
      %dma_wait3A_258 = tpu.memref_squeeze %dma_wait3A_257 : memref<1x1x1x128xi32, #tpu.memory_space<hbm>> -> memref<128xi32, #tpu.memory_space<hbm>>
      tpu.wait_dma2 semaphore(%arg20 : memref<!tpu.dma_semaphore, #tpu.memory_space<semaphore_mem>>) src(%dma_wait3A_258 : memref<128xi32, #tpu.memory_space<hbm>>) dst(%arg13 : memref<128xi32, #tpu.memory_space<vmem>>)
      %ge3A_259 = arith.constant 1 : i32
      %ge3A_260 = arith.cmpi sge, %add3A_237, %ge3A_259 : i32
      %convert_element_type3A_261 = arith.extui %ge3A_260 : i1 to i32
      %cond3A_262 = arith.constant 0 : i32
      %cond3A_263 = arith.cmpi ne, %convert_element_type3A_261, %cond3A_262 : i32
      scf.if %cond3A_263 {
        %dma_wait3A_372 = arith.constant 0 : i32
        %dma_wait3A_373 = arith.constant 0 : i32
        %dma_wait3A_374 = tpu.memref_slice %arg18[%dma_wait3A_372, %dma_wait3A_373] : memref<10112x128xf32, #tpu.memory_space<vmem_shared>> -> memref<10112x128xf32, #tpu.memory_space<vmem_shared>>
        tpu.wait_indirect_dma semaphore(%arg24 : memref<!tpu.dma_semaphore, #tpu.memory_space<semaphore_mem>>) src(%arg17 : memref<128x128xf32, #tpu.memory_space<vmem>>) dst(%dma_wait3A_374 : memref<10112x128xf32, #tpu.memory_space<vmem_shared>>)
      } else {
      }
      %dma_start3A_264 = arith.constant 0 : i32
      %dma_start3A_265 = arith.constant 0 : i32
      %dma_start3A_266 = tpu.memref_slice %arg5[%dma_start3A_264, %dma_start3A_265] : memref<10000x128xf32, #tpu.memory_space<hbm>> -> memref<10000x128xf32, #tpu.memory_space<hbm>>
      tpu.enqueue_indirect_dma source(%dma_start3A_266 : memref<10000x128xf32, #tpu.memory_space<hbm>>) target(%arg17 : memref<128x128xf32, #tpu.memory_space<vmem>>) offsets(%arg9 : memref<128xi32, #tpu.memory_space<vmem>>) semaphore(%arg22 : memref<!tpu.dma_semaphore, #tpu.memory_space<semaphore_mem>>)
      %dma_wait3A_267 = arith.constant 0 : i32
      %dma_wait3A_268 = arith.constant 0 : i32
      %dma_wait3A_269 = tpu.memref_slice %arg5[%dma_wait3A_267, %dma_wait3A_268] : memref<10000x128xf32, #tpu.memory_space<hbm>> -> memref<128x128xf32, #tpu.memory_space<hbm>>
      %dma_wait3A_270 = arith.constant 0 : i32
      %dma_wait3A_271 = arith.constant 0 : i32
      %dma_wait3A_272 = tpu.memref_slice %arg5[%dma_wait3A_270, %dma_wait3A_271] : memref<10000x128xf32, #tpu.memory_space<hbm>> -> memref<128x128xf32, #tpu.memory_space<hbm>>
      tpu.wait_dma2 semaphore(%arg21 : memref<!tpu.dma_semaphore, #tpu.memory_space<semaphore_mem>>) src(%dma_wait3A_272 : memref<128x128xf32, #tpu.memory_space<hbm>>) dst(%arg16 : memref<128x128xf32, #tpu.memory_space<vmem>>)
      %parallel_loop3A_273 = arith.constant 0 : i32
      %parallel_loop3A_274 = arith.constant 128 : i32
      %parallel_loop3A_275 = arith.constant 1 : i32
      scf.for %parallel_loop3A_372 = %parallel_loop3A_273 to %parallel_loop3A_274 step %parallel_loop3A_275  : i32 {
        %parallel_loop3A_373 = vector.broadcast %parallel_loop3A_372 : i32 to vector<16xi32>
        %parallel_loop3A_374 = tpu.vector_load_idx %arg14[%parallel_loop3A_373] : memref<128xf32, #tpu.memory_space<vmem>>[vector<16xi32>], vector<16xf32>,
        %parallel_loop3A_375 = arith.index_cast %parallel_loop3A_372 : i32 to index
        %parallel_loop3A_376 = arith.constant 0 : index
        %parallel_loop3A_377 = tpu.vector_load %arg16[%parallel_loop3A_375, %parallel_loop3A_376] {strides = array<i32>} : memref<128x128xf32, #tpu.memory_space<vmem>>, vector<16xf32>,
        %parallel_loop3A_378 = arith.mulf %parallel_loop3A_377, %parallel_loop3A_374 : vector<16xf32>
        %parallel_loop3A_379 = arith.index_cast %parallel_loop3A_372 : i32 to index
        %parallel_loop3A_380 = arith.constant 0 : index
        %parallel_loop3A_381 = tpu.vector_load %arg16[%parallel_loop3A_379, %parallel_loop3A_380] {strides = array<i32>} : memref<128x128xf32, #tpu.memory_space<vmem>>, vector<16xf32>,
        tpu.vector_store %arg16[%parallel_loop3A_379, %parallel_loop3A_380], %parallel_loop3A_378 {strides = array<i32>} : memref<128x128xf32, #tpu.memory_space<vmem>>, vector<16xf32>,
        %parallel_loop3A_382 = arith.index_cast %parallel_loop3A_372 : i32 to index
        %parallel_loop3A_383 = arith.constant 16 : index
        %parallel_loop3A_384 = tpu.vector_load %arg16[%parallel_loop3A_382, %parallel_loop3A_383] {strides = array<i32>} : memref<128x128xf32, #tpu.memory_space<vmem>>, vector<16xf32>,
        %parallel_loop3A_385 = arith.mulf %parallel_loop3A_384, %parallel_loop3A_374 : vector<16xf32>
        %parallel_loop3A_386 = arith.index_cast %parallel_loop3A_372 : i32 to index
        %parallel_loop3A_387 = arith.constant 16 : index
        %parallel_loop3A_388 = tpu.vector_load %arg16[%parallel_loop3A_386, %parallel_loop3A_387] {strides = array<i32>} : memref<128x128xf32, #tpu.memory_space<vmem>>, vector<16xf32>,
        tpu.vector_store %arg16[%parallel_loop3A_386, %parallel_loop3A_387], %parallel_loop3A_385 {strides = array<i32>} : memref<128x128xf32, #tpu.memory_space<vmem>>, vector<16xf32>,
        %parallel_loop3A_389 = arith.index_cast %parallel_loop3A_372 : i32 to index
        %parallel_loop3A_390 = arith.constant 32 : index
        %parallel_loop3A_391 = tpu.vector_load %arg16[%parallel_loop3A_389, %parallel_loop3A_390] {strides = array<i32>} : memref<128x128xf32, #tpu.memory_space<vmem>>, vector<16xf32>,
        %parallel_loop3A_392 = arith.mulf %parallel_loop3A_391, %parallel_loop3A_374 : vector<16xf32>
        %parallel_loop3A_393 = arith.index_cast %parallel_loop3A_372 : i32 to index
        %parallel_loop3A_394 = arith.constant 32 : index
        %parallel_loop3A_395 = tpu.vector_load %arg16[%parallel_loop3A_393, %parallel_loop3A_394] {strides = array<i32>} : memref<128x128xf32, #tpu.memory_space<vmem>>, vector<16xf32>,
        tpu.vector_store %arg16[%parallel_loop3A_393, %parallel_loop3A_394], %parallel_loop3A_392 {strides = array<i32>} : memref<128x128xf32, #tpu.memory_space<vmem>>, vector<16xf32>,
        %parallel_loop3A_396 = arith.index_cast %parallel_loop3A_372 : i32 to index
        %parallel_loop3A_397 = arith.constant 48 : index
        %parallel_loop3A_398 = tpu.vector_load %arg16[%parallel_loop3A_396, %parallel_loop3A_397] {strides = array<i32>} : memref<128x128xf32, #tpu.memory_space<vmem>>, vector<16xf32>,
        %parallel_loop3A_399 = arith.mulf %parallel_loop3A_398, %parallel_loop3A_374 : vector<16xf32>
        %parallel_loop3A_400 = arith.index_cast %parallel_loop3A_372 : i32 to index
        %parallel_loop3A_401 = arith.constant 48 : index
        %parallel_loop3A_402 = tpu.vector_load %arg16[%parallel_loop3A_400, %parallel_loop3A_401] {strides = array<i32>} : memref<128x128xf32, #tpu.memory_space<vmem>>, vector<16xf32>,
        tpu.vector_store %arg16[%parallel_loop3A_400, %parallel_loop3A_401], %parallel_loop3A_399 {strides = array<i32>} : memref<128x128xf32, #tpu.memory_space<vmem>>, vector<16xf32>,
        %parallel_loop3A_403 = arith.index_cast %parallel_loop3A_372 : i32 to index
        %parallel_loop3A_404 = arith.constant 64 : index
        %parallel_loop3A_405 = tpu.vector_load %arg16[%parallel_loop3A_403, %parallel_loop3A_404] {strides = array<i32>} : memref<128x128xf32, #tpu.memory_space<vmem>>, vector<16xf32>,
        %parallel_loop3A_406 = arith.mulf %parallel_loop3A_405, %parallel_loop3A_374 : vector<16xf32>
        %parallel_loop3A_407 = arith.index_cast %parallel_loop3A_372 : i32 to index
        %parallel_loop3A_408 = arith.constant 64 : index
        %parallel_loop3A_409 = tpu.vector_load %arg16[%parallel_loop3A_407, %parallel_loop3A_408] {strides = array<i32>} : memref<128x128xf32, #tpu.memory_space<vmem>>, vector<16xf32>,
        tpu.vector_store %arg16[%parallel_loop3A_407, %parallel_loop3A_408], %parallel_loop3A_406 {strides = array<i32>} : memref<128x128xf32, #tpu.memory_space<vmem>>, vector<16xf32>,
        %parallel_loop3A_410 = arith.index_cast %parallel_loop3A_372 : i32 to index
        %parallel_loop3A_411 = arith.constant 80 : index
        %parallel_loop3A_412 = tpu.vector_load %arg16[%parallel_loop3A_410, %parallel_loop3A_411] {strides = array<i32>} : memref<128x128xf32, #tpu.memory_space<vmem>>, vector<16xf32>,
        %parallel_loop3A_413 = arith.mulf %parallel_loop3A_412, %parallel_loop3A_374 : vector<16xf32>
        %parallel_loop3A_414 = arith.index_cast %parallel_loop3A_372 : i32 to index
        %parallel_loop3A_415 = arith.constant 80 : index
        %parallel_loop3A_416 = tpu.vector_load %arg16[%parallel_loop3A_414, %parallel_loop3A_415] {strides = array<i32>} : memref<128x128xf32, #tpu.memory_space<vmem>>, vector<16xf32>,
        tpu.vector_store %arg16[%parallel_loop3A_414, %parallel_loop3A_415], %parallel_loop3A_413 {strides = array<i32>} : memref<128x128xf32, #tpu.memory_space<vmem>>, vector<16xf32>,
        %parallel_loop3A_417 = arith.index_cast %parallel_loop3A_372 : i32 to index
        %parallel_loop3A_418 = arith.constant 96 : index
        %parallel_loop3A_419 = tpu.vector_load %arg16[%parallel_loop3A_417, %parallel_loop3A_418] {strides = array<i32>} : memref<128x128xf32, #tpu.memory_space<vmem>>, vector<16xf32>,
        %parallel_loop3A_420 = arith.mulf %parallel_loop3A_419, %parallel_loop3A_374 : vector<16xf32>
        %parallel_loop3A_421 = arith.index_cast %parallel_loop3A_372 : i32 to index
        %parallel_loop3A_422 = arith.constant 96 : index
        %parallel_loop3A_423 = tpu.vector_load %arg16[%parallel_loop3A_421, %parallel_loop3A_422] {strides = array<i32>} : memref<128x128xf32, #tpu.memory_space<vmem>>, vector<16xf32>,
        tpu.vector_store %arg16[%parallel_loop3A_421, %parallel_loop3A_422], %parallel_loop3A_420 {strides = array<i32>} : memref<128x128xf32, #tpu.memory_space<vmem>>, vector<16xf32>,
        %parallel_loop3A_424 = arith.index_cast %parallel_loop3A_372 : i32 to index
        %parallel_loop3A_425 = arith.constant 112 : index
        %parallel_loop3A_426 = tpu.vector_load %arg16[%parallel_loop3A_424, %parallel_loop3A_425] {strides = array<i32>} : memref<128x128xf32, #tpu.memory_space<vmem>>, vector<16xf32>,
        %parallel_loop3A_427 = arith.mulf %parallel_loop3A_426, %parallel_loop3A_374 : vector<16xf32>
        %parallel_loop3A_428 = arith.index_cast %parallel_loop3A_372 : i32 to index
        %parallel_loop3A_429 = arith.constant 112 : index
        %parallel_loop3A_430 = tpu.vector_load %arg16[%parallel_loop3A_428, %parallel_loop3A_429] {strides = array<i32>} : memref<128x128xf32, #tpu.memory_space<vmem>>, vector<16xf32>,
        tpu.vector_store %arg16[%parallel_loop3A_428, %parallel_loop3A_429], %parallel_loop3A_427 {strides = array<i32>} : memref<128x128xf32, #tpu.memory_space<vmem>>, vector<16xf32>,
      } {sc.loop_unroll_factor = 4 : i64, sc.parallel_access}
      %dma_start3A_276 = arith.constant 0 : i32
      %dma_start3A_277 = arith.constant 0 : i32
      %dma_start3A_278 = tpu.memref_slice %arg18[%dma_start3A_276, %dma_start3A_277] : memref<10112x128xf32, #tpu.memory_space<vmem_shared>> -> memref<10112x128xf32, #tpu.memory_space<vmem_shared>>
      tpu.enqueue_indirect_dma source(%arg16 : memref<128x128xf32, #tpu.memory_space<vmem>>) target(%dma_start3A_278 : memref<10112x128xf32, #tpu.memory_space<vmem_shared>>) offsets(%arg12 : memref<128xi32, #tpu.memory_space<vmem>>) semaphore(%arg23 : memref<!tpu.dma_semaphore, #tpu.memory_space<semaphore_mem>>) {add = true}
      %add3A_279 = arith.constant 2 : i32
      %add3A_280 = arith.addi %add3A_237, %add3A_279 : i32
      %dma_start3A_281 = arith.constant 0 : i32
      %dma_start3A_282 = tpu.memref_slice %arg2[%arg0, %arg1, %add3A_280, %dma_start3A_281] : memref<2x16x106x128xi32, #tpu.memory_space<hbm>> -> memref<1x1x1x128xi32, #tpu.memory_space<hbm>>
      %dma_start3A_283 = tpu.memref_squeeze %dma_start3A_282 : memref<1x1x1x128xi32, #tpu.memory_space<hbm>> -> memref<128xi32, #tpu.memory_space<hbm>>
      %dma_start3A_284 = arith.constant 0 : i32
      %dma_start3A_285 = tpu.memref_slice %arg2[%arg0, %arg1, %add3A_280, %dma_start3A_284] : memref<2x16x106x128xi32, #tpu.memory_space<hbm>> -> memref<1x1x1x128xi32, #tpu.memory_space<hbm>>
      %dma_start3A_286 = tpu.memref_squeeze %dma_start3A_285 : memref<1x1x1x128xi32, #tpu.memory_space<hbm>> -> memref<128xi32, #tpu.memory_space<hbm>>
      tpu.enqueue_dma source(%dma_start3A_286 : memref<128xi32, #tpu.memory_space<hbm>>) target(%arg8 : memref<128xi32, #tpu.memory_space<vmem>>) target_semaphore(%arg19 : memref<!tpu.dma_semaphore, #tpu.memory_space<semaphore_mem>>)
      %add3A_287 = arith.constant 2 : i32
      %add3A_288 = arith.addi %add3A_237, %add3A_287 : i32
      %dma_start3A_289 = arith.constant 0 : i32
      %dma_start3A_290 = tpu.memref_slice %arg4[%arg0, %arg1, %add3A_288, %dma_start3A_289] : memref<2x16x106x128xf32, #tpu.memory_space<hbm>> -> memref<1x1x1x128xf32, #tpu.memory_space<hbm>>
      %dma_start3A_291 = tpu.memref_squeeze %dma_start3A_290 : memref<1x1x1x128xf32, #tpu.memory_space<hbm>> -> memref<128xf32, #tpu.memory_space<hbm>>
      %dma_start3A_292 = arith.constant 0 : i32
      %dma_start3A_293 = tpu.memref_slice %arg4[%arg0, %arg1, %add3A_288, %dma_start3A_292] : memref<2x16x106x128xf32, #tpu.memory_space<hbm>> -> memref<1x1x1x128xf32, #tpu.memory_space<hbm>>
      %dma_start3A_294 = tpu.memref_squeeze %dma_start3A_293 : memref<1x1x1x128xf32, #tpu.memory_space<hbm>> -> memref<128xf32, #tpu.memory_space<hbm>>
      tpu.enqueue_dma source(%dma_start3A_294 : memref<128xf32, #tpu.memory_space<hbm>>) target(%arg14 : memref<128xf32, #tpu.memory_space<vmem>>) target_semaphore(%arg19 : memref<!tpu.dma_semaphore, #tpu.memory_space<semaphore_mem>>)
      %add3A_295 = arith.constant 2 : i32
      %add3A_296 = arith.addi %add3A_237, %add3A_295 : i32
      %dma_start3A_297 = arith.constant 0 : i32
      %dma_start3A_298 = tpu.memref_slice %arg3[%arg0, %arg1, %add3A_296, %dma_start3A_297] : memref<2x16x106x128xi32, #tpu.memory_space<hbm>> -> memref<1x1x1x128xi32, #tpu.memory_space<hbm>>
      %dma_start3A_299 = tpu.memref_squeeze %dma_start3A_298 : memref<1x1x1x128xi32, #tpu.memory_space<hbm>> -> memref<128xi32, #tpu.memory_space<hbm>>
      %dma_start3A_300 = arith.constant 0 : i32
      %dma_start3A_301 = tpu.memref_slice %arg3[%arg0, %arg1, %add3A_296, %dma_start3A_300] : memref<2x16x106x128xi32, #tpu.memory_space<hbm>> -> memref<1x1x1x128xi32, #tpu.memory_space<hbm>>
      %dma_start3A_302 = tpu.memref_squeeze %dma_start3A_301 : memref<1x1x1x128xi32, #tpu.memory_space<hbm>> -> memref<128xi32, #tpu.memory_space<hbm>>
      tpu.enqueue_dma source(%dma_start3A_302 : memref<128xi32, #tpu.memory_space<hbm>>) target(%arg10 : memref<128xi32, #tpu.memory_space<vmem>>) target_semaphore(%arg19 : memref<!tpu.dma_semaphore, #tpu.memory_space<semaphore_mem>>)
      %mul3A_303 = arith.constant 4 : i32
      %mul3A_304 = arith.muli %add3A_99, %mul3A_303 : i32
      %add3A_305 = arith.constant 3 : i32
      %add3A_306 = arith.addi %mul3A_304, %add3A_305 : i32
      %dma_wait3A_307 = arith.constant 0 : i32
      %dma_wait3A_308 = arith.constant 0 : i32
      %dma_wait3A_309 = tpu.memref_slice %arg2[%arg0, %arg1, %dma_wait3A_307, %dma_wait3A_308] : memref<2x16x106x128xi32, #tpu.memory_space<hbm>> -> memref<1x1x1x128xi32, #tpu.memory_space<hbm>>
      %dma_wait3A_310 = tpu.memref_squeeze %dma_wait3A_309 : memref<1x1x1x128xi32, #tpu.memory_space<hbm>> -> memref<128xi32, #tpu.memory_space<hbm>>
      %dma_wait3A_311 = arith.constant 0 : i32
      %dma_wait3A_312 = tpu.memref_slice %arg2[%arg0, %arg1, %dma_wait3A_307, %dma_wait3A_311] : memref<2x16x106x128xi32, #tpu.memory_space<hbm>> -> memref<1x1x1x128xi32, #tpu.memory_space<hbm>>
      %dma_wait3A_313 = tpu.memref_squeeze %dma_wait3A_312 : memref<1x1x1x128xi32, #tpu.memory_space<hbm>> -> memref<128xi32, #tpu.memory_space<hbm>>
      tpu.wait_dma2 semaphore(%arg19 : memref<!tpu.dma_semaphore, #tpu.memory_space<semaphore_mem>>) src(%dma_wait3A_313 : memref<128xi32, #tpu.memory_space<hbm>>) dst(%arg8 : memref<128xi32, #tpu.memory_space<vmem>>)
      %dma_wait3A_314 = arith.constant 0 : i32
      %dma_wait3A_315 = arith.constant 0 : i32
      %dma_wait3A_316 = tpu.memref_slice %arg4[%arg0, %arg1, %dma_wait3A_314, %dma_wait3A_315] : memref<2x16x106x128xf32, #tpu.memory_space<hbm>> -> memref<1x1x1x128xf32, #tpu.memory_space<hbm>>
      %dma_wait3A_317 = tpu.memref_squeeze %dma_wait3A_316 : memref<1x1x1x128xf32, #tpu.memory_space<hbm>> -> memref<128xf32, #tpu.memory_space<hbm>>
      %dma_wait3A_318 = arith.constant 0 : i32
      %dma_wait3A_319 = tpu.memref_slice %arg4[%arg0, %arg1, %dma_wait3A_314, %dma_wait3A_318] : memref<2x16x106x128xf32, #tpu.memory_space<hbm>> -> memref<1x1x1x128xf32, #tpu.memory_space<hbm>>
      %dma_wait3A_320 = tpu.memref_squeeze %dma_wait3A_319 : memref<1x1x1x128xf32, #tpu.memory_space<hbm>> -> memref<128xf32, #tpu.memory_space<hbm>>
      tpu.wait_dma2 semaphore(%arg19 : memref<!tpu.dma_semaphore, #tpu.memory_space<semaphore_mem>>) src(%dma_wait3A_320 : memref<128xf32, #tpu.memory_space<hbm>>) dst(%arg14 : memref<128xf32, #tpu.memory_space<vmem>>)
      %dma_wait3A_321 = arith.constant 0 : i32
      %dma_wait3A_322 = arith.constant 0 : i32
      %dma_wait3A_323 = tpu.memref_slice %arg3[%arg0, %arg1, %dma_wait3A_321, %dma_wait3A_322] : memref<2x16x106x128xi32, #tpu.memory_space<hbm>> -> memref<1x1x1x128xi32, #tpu.memory_space<hbm>>
      %dma_wait3A_324 = tpu.memref_squeeze %dma_wait3A_323 : memref<1x1x1x128xi32, #tpu.memory_space<hbm>> -> memref<128xi32, #tpu.memory_space<hbm>>
      %dma_wait3A_325 = arith.constant 0 : i32
      %dma_wait3A_326 = tpu.memref_slice %arg3[%arg0, %arg1, %dma_wait3A_321, %dma_wait3A_325] : memref<2x16x106x128xi32, #tpu.memory_space<hbm>> -> memref<1x1x1x128xi32, #tpu.memory_space<hbm>>
      %dma_wait3A_327 = tpu.memref_squeeze %dma_wait3A_326 : memref<1x1x1x128xi32, #tpu.memory_space<hbm>> -> memref<128xi32, #tpu.memory_space<hbm>>
      tpu.wait_dma2 semaphore(%arg19 : memref<!tpu.dma_semaphore, #tpu.memory_space<semaphore_mem>>) src(%dma_wait3A_327 : memref<128xi32, #tpu.memory_space<hbm>>) dst(%arg10 : memref<128xi32, #tpu.memory_space<vmem>>)
      %ge3A_328 = arith.constant 1 : i32
      %ge3A_329 = arith.cmpi sge, %add3A_306, %ge3A_328 : i32
      %convert_element_type3A_330 = arith.extui %ge3A_329 : i1 to i32
      %cond3A_331 = arith.constant 0 : i32
      %cond3A_332 = arith.cmpi ne, %convert_element_type3A_330, %cond3A_331 : i32
      scf.if %cond3A_332 {
        %dma_wait3A_372 = arith.constant 0 : i32
        %dma_wait3A_373 = arith.constant 0 : i32
        %dma_wait3A_374 = tpu.memref_slice %arg18[%dma_wait3A_372, %dma_wait3A_373] : memref<10112x128xf32, #tpu.memory_space<vmem_shared>> -> memref<10112x128xf32, #tpu.memory_space<vmem_shared>>
        tpu.wait_indirect_dma semaphore(%arg23 : memref<!tpu.dma_semaphore, #tpu.memory_space<semaphore_mem>>) src(%arg16 : memref<128x128xf32, #tpu.memory_space<vmem>>) dst(%dma_wait3A_374 : memref<10112x128xf32, #tpu.memory_space<vmem_shared>>)
      } else {
      }
      %dma_start3A_333 = arith.constant 0 : i32
      %dma_start3A_334 = arith.constant 0 : i32
      %dma_start3A_335 = tpu.memref_slice %arg5[%dma_start3A_333, %dma_start3A_334] : memref<10000x128xf32, #tpu.memory_space<hbm>> -> memref<10000x128xf32, #tpu.memory_space<hbm>>
      tpu.enqueue_indirect_dma source(%dma_start3A_335 : memref<10000x128xf32, #tpu.memory_space<hbm>>) target(%arg16 : memref<128x128xf32, #tpu.memory_space<vmem>>) offsets(%arg8 : memref<128xi32, #tpu.memory_space<vmem>>) semaphore(%arg21 : memref<!tpu.dma_semaphore, #tpu.memory_space<semaphore_mem>>)
      %dma_wait3A_336 = arith.constant 0 : i32
      %dma_wait3A_337 = arith.constant 0 : i32
      %dma_wait3A_338 = tpu.memref_slice %arg5[%dma_wait3A_336, %dma_wait3A_337] : memref<10000x128xf32, #tpu.memory_space<hbm>> -> memref<128x128xf32, #tpu.memory_space<hbm>>
      %dma_wait3A_339 = arith.constant 0 : i32
      %dma_wait3A_340 = arith.constant 0 : i32
      %dma_wait3A_341 = tpu.memref_slice %arg5[%dma_wait3A_339, %dma_wait3A_340] : memref<10000x128xf32, #tpu.memory_space<hbm>> -> memref<128x128xf32, #tpu.memory_space<hbm>>
      tpu.wait_dma2 semaphore(%arg22 : memref<!tpu.dma_semaphore, #tpu.memory_space<semaphore_mem>>) src(%dma_wait3A_341 : memref<128x128xf32, #tpu.memory_space<hbm>>) dst(%arg17 : memref<128x128xf32, #tpu.memory_space<vmem>>)
      %parallel_loop3A_342 = arith.constant 0 : i32
      %parallel_loop3A_343 = arith.constant 128 : i32
      %parallel_loop3A_344 = arith.constant 1 : i32
      scf.for %parallel_loop3A_372 = %parallel_loop3A_342 to %parallel_loop3A_343 step %parallel_loop3A_344  : i32 {
        %parallel_loop3A_373 = vector.broadcast %parallel_loop3A_372 : i32 to vector<16xi32>
        %parallel_loop3A_374 = tpu.vector_load_idx %arg15[%parallel_loop3A_373] : memref<128xf32, #tpu.memory_space<vmem>>[vector<16xi32>], vector<16xf32>,
        %parallel_loop3A_375 = arith.index_cast %parallel_loop3A_372 : i32 to index
        %parallel_loop3A_376 = arith.constant 0 : index
        %parallel_loop3A_377 = tpu.vector_load %arg17[%parallel_loop3A_375, %parallel_loop3A_376] {strides = array<i32>} : memref<128x128xf32, #tpu.memory_space<vmem>>, vector<16xf32>,
        %parallel_loop3A_378 = arith.mulf %parallel_loop3A_377, %parallel_loop3A_374 : vector<16xf32>
        %parallel_loop3A_379 = arith.index_cast %parallel_loop3A_372 : i32 to index
        %parallel_loop3A_380 = arith.constant 0 : index
        %parallel_loop3A_381 = tpu.vector_load %arg17[%parallel_loop3A_379, %parallel_loop3A_380] {strides = array<i32>} : memref<128x128xf32, #tpu.memory_space<vmem>>, vector<16xf32>,
        tpu.vector_store %arg17[%parallel_loop3A_379, %parallel_loop3A_380], %parallel_loop3A_378 {strides = array<i32>} : memref<128x128xf32, #tpu.memory_space<vmem>>, vector<16xf32>,
        %parallel_loop3A_382 = arith.index_cast %parallel_loop3A_372 : i32 to index
        %parallel_loop3A_383 = arith.constant 16 : index
        %parallel_loop3A_384 = tpu.vector_load %arg17[%parallel_loop3A_382, %parallel_loop3A_383] {strides = array<i32>} : memref<128x128xf32, #tpu.memory_space<vmem>>, vector<16xf32>,
        %parallel_loop3A_385 = arith.mulf %parallel_loop3A_384, %parallel_loop3A_374 : vector<16xf32>
        %parallel_loop3A_386 = arith.index_cast %parallel_loop3A_372 : i32 to index
        %parallel_loop3A_387 = arith.constant 16 : index
        %parallel_loop3A_388 = tpu.vector_load %arg17[%parallel_loop3A_386, %parallel_loop3A_387] {strides = array<i32>} : memref<128x128xf32, #tpu.memory_space<vmem>>, vector<16xf32>,
        tpu.vector_store %arg17[%parallel_loop3A_386, %parallel_loop3A_387], %parallel_loop3A_385 {strides = array<i32>} : memref<128x128xf32, #tpu.memory_space<vmem>>, vector<16xf32>,
        %parallel_loop3A_389 = arith.index_cast %parallel_loop3A_372 : i32 to index
        %parallel_loop3A_390 = arith.constant 32 : index
        %parallel_loop3A_391 = tpu.vector_load %arg17[%parallel_loop3A_389, %parallel_loop3A_390] {strides = array<i32>} : memref<128x128xf32, #tpu.memory_space<vmem>>, vector<16xf32>,
        %parallel_loop3A_392 = arith.mulf %parallel_loop3A_391, %parallel_loop3A_374 : vector<16xf32>
        %parallel_loop3A_393 = arith.index_cast %parallel_loop3A_372 : i32 to index
        %parallel_loop3A_394 = arith.constant 32 : index
        %parallel_loop3A_395 = tpu.vector_load %arg17[%parallel_loop3A_393, %parallel_loop3A_394] {strides = array<i32>} : memref<128x128xf32, #tpu.memory_space<vmem>>, vector<16xf32>,
        tpu.vector_store %arg17[%parallel_loop3A_393, %parallel_loop3A_394], %parallel_loop3A_392 {strides = array<i32>} : memref<128x128xf32, #tpu.memory_space<vmem>>, vector<16xf32>,
        %parallel_loop3A_396 = arith.index_cast %parallel_loop3A_372 : i32 to index
        %parallel_loop3A_397 = arith.constant 48 : index
        %parallel_loop3A_398 = tpu.vector_load %arg17[%parallel_loop3A_396, %parallel_loop3A_397] {strides = array<i32>} : memref<128x128xf32, #tpu.memory_space<vmem>>, vector<16xf32>,
        %parallel_loop3A_399 = arith.mulf %parallel_loop3A_398, %parallel_loop3A_374 : vector<16xf32>
        %parallel_loop3A_400 = arith.index_cast %parallel_loop3A_372 : i32 to index
        %parallel_loop3A_401 = arith.constant 48 : index
        %parallel_loop3A_402 = tpu.vector_load %arg17[%parallel_loop3A_400, %parallel_loop3A_401] {strides = array<i32>} : memref<128x128xf32, #tpu.memory_space<vmem>>, vector<16xf32>,
        tpu.vector_store %arg17[%parallel_loop3A_400, %parallel_loop3A_401], %parallel_loop3A_399 {strides = array<i32>} : memref<128x128xf32, #tpu.memory_space<vmem>>, vector<16xf32>,
        %parallel_loop3A_403 = arith.index_cast %parallel_loop3A_372 : i32 to index
        %parallel_loop3A_404 = arith.constant 64 : index
        %parallel_loop3A_405 = tpu.vector_load %arg17[%parallel_loop3A_403, %parallel_loop3A_404] {strides = array<i32>} : memref<128x128xf32, #tpu.memory_space<vmem>>, vector<16xf32>,
        %parallel_loop3A_406 = arith.mulf %parallel_loop3A_405, %parallel_loop3A_374 : vector<16xf32>
        %parallel_loop3A_407 = arith.index_cast %parallel_loop3A_372 : i32 to index
        %parallel_loop3A_408 = arith.constant 64 : index
        %parallel_loop3A_409 = tpu.vector_load %arg17[%parallel_loop3A_407, %parallel_loop3A_408] {strides = array<i32>} : memref<128x128xf32, #tpu.memory_space<vmem>>, vector<16xf32>,
        tpu.vector_store %arg17[%parallel_loop3A_407, %parallel_loop3A_408], %parallel_loop3A_406 {strides = array<i32>} : memref<128x128xf32, #tpu.memory_space<vmem>>, vector<16xf32>,
        %parallel_loop3A_410 = arith.index_cast %parallel_loop3A_372 : i32 to index
        %parallel_loop3A_411 = arith.constant 80 : index
        %parallel_loop3A_412 = tpu.vector_load %arg17[%parallel_loop3A_410, %parallel_loop3A_411] {strides = array<i32>} : memref<128x128xf32, #tpu.memory_space<vmem>>, vector<16xf32>,
        %parallel_loop3A_413 = arith.mulf %parallel_loop3A_412, %parallel_loop3A_374 : vector<16xf32>
        %parallel_loop3A_414 = arith.index_cast %parallel_loop3A_372 : i32 to index
        %parallel_loop3A_415 = arith.constant 80 : index
        %parallel_loop3A_416 = tpu.vector_load %arg17[%parallel_loop3A_414, %parallel_loop3A_415] {strides = array<i32>} : memref<128x128xf32, #tpu.memory_space<vmem>>, vector<16xf32>,
        tpu.vector_store %arg17[%parallel_loop3A_414, %parallel_loop3A_415], %parallel_loop3A_413 {strides = array<i32>} : memref<128x128xf32, #tpu.memory_space<vmem>>, vector<16xf32>,
        %parallel_loop3A_417 = arith.index_cast %parallel_loop3A_372 : i32 to index
        %parallel_loop3A_418 = arith.constant 96 : index
        %parallel_loop3A_419 = tpu.vector_load %arg17[%parallel_loop3A_417, %parallel_loop3A_418] {strides = array<i32>} : memref<128x128xf32, #tpu.memory_space<vmem>>, vector<16xf32>,
        %parallel_loop3A_420 = arith.mulf %parallel_loop3A_419, %parallel_loop3A_374 : vector<16xf32>
        %parallel_loop3A_421 = arith.index_cast %parallel_loop3A_372 : i32 to index
        %parallel_loop3A_422 = arith.constant 96 : index
        %parallel_loop3A_423 = tpu.vector_load %arg17[%parallel_loop3A_421, %parallel_loop3A_422] {strides = array<i32>} : memref<128x128xf32, #tpu.memory_space<vmem>>, vector<16xf32>,
        tpu.vector_store %arg17[%parallel_loop3A_421, %parallel_loop3A_422], %parallel_loop3A_420 {strides = array<i32>} : memref<128x128xf32, #tpu.memory_space<vmem>>, vector<16xf32>,
        %parallel_loop3A_424 = arith.index_cast %parallel_loop3A_372 : i32 to index
        %parallel_loop3A_425 = arith.constant 112 : index
        %parallel_loop3A_426 = tpu.vector_load %arg17[%parallel_loop3A_424, %parallel_loop3A_425] {strides = array<i32>} : memref<128x128xf32, #tpu.memory_space<vmem>>, vector<16xf32>,
        %parallel_loop3A_427 = arith.mulf %parallel_loop3A_426, %parallel_loop3A_374 : vector<16xf32>
        %parallel_loop3A_428 = arith.index_cast %parallel_loop3A_372 : i32 to index
        %parallel_loop3A_429 = arith.constant 112 : index
        %parallel_loop3A_430 = tpu.vector_load %arg17[%parallel_loop3A_428, %parallel_loop3A_429] {strides = array<i32>} : memref<128x128xf32, #tpu.memory_space<vmem>>, vector<16xf32>,
        tpu.vector_store %arg17[%parallel_loop3A_428, %parallel_loop3A_429], %parallel_loop3A_427 {strides = array<i32>} : memref<128x128xf32, #tpu.memory_space<vmem>>, vector<16xf32>,
      } {sc.loop_unroll_factor = 4 : i64, sc.parallel_access}
      %dma_start3A_345 = arith.constant 0 : i32
      %dma_start3A_346 = arith.constant 0 : i32
      %dma_start3A_347 = tpu.memref_slice %arg18[%dma_start3A_345, %dma_start3A_346] : memref<10112x128xf32, #tpu.memory_space<vmem_shared>> -> memref<10112x128xf32, #tpu.memory_space<vmem_shared>>
      tpu.enqueue_indirect_dma source(%arg17 : memref<128x128xf32, #tpu.memory_space<vmem>>) target(%dma_start3A_347 : memref<10112x128xf32, #tpu.memory_space<vmem_shared>>) offsets(%arg13 : memref<128xi32, #tpu.memory_space<vmem>>) semaphore(%arg24 : memref<!tpu.dma_semaphore, #tpu.memory_space<semaphore_mem>>) {add = true}
      %add3A_348 = arith.constant 2 : i32
      %add3A_349 = arith.addi %add3A_306, %add3A_348 : i32
      %dma_start3A_350 = arith.constant 0 : i32
      %dma_start3A_351 = tpu.memref_slice %arg2[%arg0, %arg1, %add3A_349, %dma_start3A_350] : memref<2x16x106x128xi32, #tpu.memory_space<hbm>> -> memref<1x1x1x128xi32, #tpu.memory_space<hbm>>
      %dma_start3A_352 = tpu.memref_squeeze %dma_start3A_351 : memref<1x1x1x128xi32, #tpu.memory_space<hbm>> -> memref<128xi32, #tpu.memory_space<hbm>>
      %dma_start3A_353 = arith.constant 0 : i32
      %dma_start3A_354 = tpu.memref_slice %arg2[%arg0, %arg1, %add3A_349, %dma_start3A_353] : memref<2x16x106x128xi32, #tpu.memory_space<hbm>> -> memref<1x1x1x128xi32, #tpu.memory_space<hbm>>
      %dma_start3A_355 = tpu.memref_squeeze %dma_start3A_354 : memref<1x1x1x128xi32, #tpu.memory_space<hbm>> -> memref<128xi32, #tpu.memory_space<hbm>>
      tpu.enqueue_dma source(%dma_start3A_355 : memref<128xi32, #tpu.memory_space<hbm>>) target(%arg9 : memref<128xi32, #tpu.memory_space<vmem>>) target_semaphore(%arg20 : memref<!tpu.dma_semaphore, #tpu.memory_space<semaphore_mem>>)
      %add3A_356 = arith.constant 2 : i32
      %add3A_357 = arith.addi %add3A_306, %add3A_356 : i32
      %dma_start3A_358 = arith.constant 0 : i32
      %dma_start3A_359 = tpu.memref_slice %arg4[%arg0, %arg1, %add3A_357, %dma_start3A_358] : memref<2x16x106x128xf32, #tpu.memory_space<hbm>> -> memref<1x1x1x128xf32, #tpu.memory_space<hbm>>
      %dma_start3A_360 = tpu.memref_squeeze %dma_start3A_359 : memref<1x1x1x128xf32, #tpu.memory_space<hbm>> -> memref<128xf32, #tpu.memory_space<hbm>>
      %dma_start3A_361 = arith.constant 0 : i32
      %dma_start3A_362 = tpu.memref_slice %arg4[%arg0, %arg1, %add3A_357, %dma_start3A_361] : memref<2x16x106x128xf32, #tpu.memory_space<hbm>> -> memref<1x1x1x128xf32, #tpu.memory_space<hbm>>
      %dma_start3A_363 = tpu.memref_squeeze %dma_start3A_362 : memref<1x1x1x128xf32, #tpu.memory_space<hbm>> -> memref<128xf32, #tpu.memory_space<hbm>>
      tpu.enqueue_dma source(%dma_start3A_363 : memref<128xf32, #tpu.memory_space<hbm>>) target(%arg15 : memref<128xf32, #tpu.memory_space<vmem>>) target_semaphore(%arg20 : memref<!tpu.dma_semaphore, #tpu.memory_space<semaphore_mem>>)
      %add3A_364 = arith.constant 2 : i32
      %add3A_365 = arith.addi %add3A_306, %add3A_364 : i32
      %dma_start3A_366 = arith.constant 0 : i32
      %dma_start3A_367 = tpu.memref_slice %arg3[%arg0, %arg1, %add3A_365, %dma_start3A_366] : memref<2x16x106x128xi32, #tpu.memory_space<hbm>> -> memref<1x1x1x128xi32, #tpu.memory_space<hbm>>
      %dma_start3A_368 = tpu.memref_squeeze %dma_start3A_367 : memref<1x1x1x128xi32, #tpu.memory_space<hbm>> -> memref<128xi32, #tpu.memory_space<hbm>>
      %dma_start3A_369 = arith.constant 0 : i32
      %dma_start3A_370 = tpu.memref_slice %arg3[%arg0, %arg1, %add3A_365, %dma_start3A_369] : memref<2x16x106x128xi32, #tpu.memory_space<hbm>> -> memref<1x1x1x128xi32, #tpu.memory_space<hbm>>
      %dma_start3A_371 = tpu.memref_squeeze %dma_start3A_370 : memref<1x1x1x128xi32, #tpu.memory_space<hbm>> -> memref<128xi32, #tpu.memory_space<hbm>>
      tpu.enqueue_dma source(%dma_start3A_371 : memref<128xi32, #tpu.memory_space<hbm>>) target(%arg11 : memref<128xi32, #tpu.memory_space<vmem>>) target_semaphore(%arg20 : memref<!tpu.dma_semaphore, #tpu.memory_space<semaphore_mem>>)
    }
    %while3A_62 = arith.constant 1 : i32
    scf.for %while3A_97 = %while3A_60 to %while3A_56 step %while3A_62  : i32 {
      %mul3A_98 = arith.muli %while3A_97, %while3A : i32
      %add3A_99 = arith.addi %while3A_53, %mul3A_98 : i32
      %mul3A_100 = arith.constant 4 : i32
      %mul3A_101 = arith.muli %add3A_99, %mul3A_100 : i32
      %add3A_102 = arith.constant 0 : i32
      %add3A_103 = arith.addi %mul3A_101, %add3A_102 : i32
      %dma_wait3A_104 = arith.constant 0 : i32
      %dma_wait3A_105 = arith.constant 0 : i32
      %dma_wait3A_106 = tpu.memref_slice %arg2[%arg0, %arg1, %dma_wait3A_104, %dma_wait3A_105] : memref<2x16x106x128xi32, #tpu.memory_space<hbm>> -> memref<1x1x1x128xi32, #tpu.memory_space<hbm>>
      %dma_wait3A_107 = tpu.memref_squeeze %dma_wait3A_106 : memref<1x1x1x128xi32, #tpu.memory_space<hbm>> -> memref<128xi32, #tpu.memory_space<hbm>>
      %dma_wait3A_108 = arith.constant 0 : i32
      %dma_wait3A_109 = tpu.memref_slice %arg2[%arg0, %arg1, %dma_wait3A_104, %dma_wait3A_108] : memref<2x16x106x128xi32, #tpu.memory_space<hbm>> -> memref<1x1x1x128xi32, #tpu.memory_space<hbm>>
      %dma_wait3A_110 = tpu.memref_squeeze %dma_wait3A_109 : memref<1x1x1x128xi32, #tpu.memory_space<hbm>> -> memref<128xi32, #tpu.memory_space<hbm>>
      tpu.wait_dma2 semaphore(%arg20 : memref<!tpu.dma_semaphore, #tpu.memory_space<semaphore_mem>>) src(%dma_wait3A_110 : memref<128xi32, #tpu.memory_space<hbm>>) dst(%arg9 : memref<128xi32, #tpu.memory_space<vmem>>)
      %dma_wait3A_111 = arith.constant 0 : i32
      %dma_wait3A_112 = arith.constant 0 : i32
      %dma_wait3A_113 = tpu.memref_slice %arg4[%arg0, %arg1, %dma_wait3A_111, %dma_wait3A_112] : memref<2x16x106x128xf32, #tpu.memory_space<hbm>> -> memref<1x1x1x128xf32, #tpu.memory_space<hbm>>
      %dma_wait3A_114 = tpu.memref_squeeze %dma_wait3A_113 : memref<1x1x1x128xf32, #tpu.memory_space<hbm>> -> memref<128xf32, #tpu.memory_space<hbm>>
      %dma_wait3A_115 = arith.constant 0 : i32
      %dma_wait3A_116 = tpu.memref_slice %arg4[%arg0, %arg1, %dma_wait3A_111, %dma_wait3A_115] : memref<2x16x106x128xf32, #tpu.memory_space<hbm>> -> memref<1x1x1x128xf32, #tpu.memory_space<hbm>>
      %dma_wait3A_117 = tpu.memref_squeeze %dma_wait3A_116 : memref<1x1x1x128xf32, #tpu.memory_space<hbm>> -> memref<128xf32, #tpu.memory_space<hbm>>
      tpu.wait_dma2 semaphore(%arg20 : memref<!tpu.dma_semaphore, #tpu.memory_space<semaphore_mem>>) src(%dma_wait3A_117 : memref<128xf32, #tpu.memory_space<hbm>>) dst(%arg15 : memref<128xf32, #tpu.memory_space<vmem>>)
      %dma_wait3A_118 = arith.constant 0 : i32
      %dma_wait3A_119 = arith.constant 0 : i32
      %dma_wait3A_120 = tpu.memref_slice %arg3[%arg0, %arg1, %dma_wait3A_118, %dma_wait3A_119] : memref<2x16x106x128xi32, #tpu.memory_space<hbm>> -> memref<1x1x1x128xi32, #tpu.memory_space<hbm>>
      %dma_wait3A_121 = tpu.memref_squeeze %dma_wait3A_120 : memref<1x1x1x128xi32, #tpu.memory_space<hbm>> -> memref<128xi32, #tpu.memory_space<hbm>>
      %dma_wait3A_122 = arith.constant 0 : i32
      %dma_wait3A_123 = tpu.memref_slice %arg3[%arg0, %arg1, %dma_wait3A_118, %dma_wait3A_122] : memref<2x16x106x128xi32, #tpu.memory_space<hbm>> -> memref<1x1x1x128xi32, #tpu.memory_space<hbm>>
      %dma_wait3A_124 = tpu.memref_squeeze %dma_wait3A_123 : memref<1x1x1x128xi32, #tpu.memory_space<hbm>> -> memref<128xi32, #tpu.memory_space<hbm>>
      tpu.wait_dma2 semaphore(%arg20 : memref<!tpu.dma_semaphore, #tpu.memory_space<semaphore_mem>>) src(%dma_wait3A_124 : memref<128xi32, #tpu.memory_space<hbm>>) dst(%arg11 : memref<128xi32, #tpu.memory_space<vmem>>)
      %ge3A = arith.constant 1 : i32
      %ge3A_125 = arith.cmpi sge, %add3A_103, %ge3A : i32
      %convert_element_type3A = arith.extui %ge3A_125 : i1 to i32
      %cond3A = arith.constant 0 : i32
      %cond3A_126 = arith.cmpi ne, %convert_element_type3A, %cond3A : i32
      scf.if %cond3A_126 {
        %dma_wait3A_372 = arith.constant 0 : i32
        %dma_wait3A_373 = arith.constant 0 : i32
        %dma_wait3A_374 = tpu.memref_slice %arg18[%dma_wait3A_372, %dma_wait3A_373] : memref<10112x128xf32, #tpu.memory_space<vmem_shared>> -> memref<10112x128xf32, #tpu.memory_space<vmem_shared>>
        tpu.wait_indirect_dma semaphore(%arg24 : memref<!tpu.dma_semaphore, #tpu.memory_space<semaphore_mem>>) src(%arg17 : memref<128x128xf32, #tpu.memory_space<vmem>>) dst(%dma_wait3A_374 : memref<10112x128xf32, #tpu.memory_space<vmem_shared>>)
      } else {
      }
      %dma_start3A_127 = arith.constant 0 : i32
      %dma_start3A_128 = arith.constant 0 : i32
      %dma_start3A_129 = tpu.memref_slice %arg5[%dma_start3A_127, %dma_start3A_128] : memref<10000x128xf32, #tpu.memory_space<hbm>> -> memref<10000x128xf32, #tpu.memory_space<hbm>>
      tpu.enqueue_indirect_dma source(%dma_start3A_129 : memref<10000x128xf32, #tpu.memory_space<hbm>>) target(%arg17 : memref<128x128xf32, #tpu.memory_space<vmem>>) offsets(%arg9 : memref<128xi32, #tpu.memory_space<vmem>>) semaphore(%arg22 : memref<!tpu.dma_semaphore, #tpu.memory_space<semaphore_mem>>)
      %dma_wait3A_130 = arith.constant 0 : i32
      %dma_wait3A_131 = arith.constant 0 : i32
      %dma_wait3A_132 = tpu.memref_slice %arg5[%dma_wait3A_130, %dma_wait3A_131] : memref<10000x128xf32, #tpu.memory_space<hbm>> -> memref<128x128xf32, #tpu.memory_space<hbm>>
      %dma_wait3A_133 = arith.constant 0 : i32
      %dma_wait3A_134 = arith.constant 0 : i32
      %dma_wait3A_135 = tpu.memref_slice %arg5[%dma_wait3A_133, %dma_wait3A_134] : memref<10000x128xf32, #tpu.memory_space<hbm>> -> memref<128x128xf32, #tpu.memory_space<hbm>>
      tpu.wait_dma2 semaphore(%arg21 : memref<!tpu.dma_semaphore, #tpu.memory_space<semaphore_mem>>) src(%dma_wait3A_135 : memref<128x128xf32, #tpu.memory_space<hbm>>) dst(%arg16 : memref<128x128xf32, #tpu.memory_space<vmem>>)
      %parallel_loop3A = arith.constant 0 : i32
      %parallel_loop3A_136 = arith.constant 128 : i32
      %parallel_loop3A_137 = arith.constant 1 : i32
      scf.for %parallel_loop3A_372 = %parallel_loop3A to %parallel_loop3A_136 step %parallel_loop3A_137  : i32 {
        %parallel_loop3A_373 = vector.broadcast %parallel_loop3A_372 : i32 to vector<16xi32>
        %parallel_loop3A_374 = tpu.vector_load_idx %arg14[%parallel_loop3A_373] : memref<128xf32, #tpu.memory_space<vmem>>[vector<16xi32>], vector<16xf32>,
        %parallel_loop3A_375 = arith.index_cast %parallel_loop3A_372 : i32 to index
        %parallel_loop3A_376 = arith.constant 0 : index
        %parallel_loop3A_377 = tpu.vector_load %arg16[%parallel_loop3A_375, %parallel_loop3A_376] {strides = array<i32>} : memref<128x128xf32, #tpu.memory_space<vmem>>, vector<16xf32>,
        %parallel_loop3A_378 = arith.mulf %parallel_loop3A_377, %parallel_loop3A_374 : vector<16xf32>
        %parallel_loop3A_379 = arith.index_cast %parallel_loop3A_372 : i32 to index
        %parallel_loop3A_380 = arith.constant 0 : index
        %parallel_loop3A_381 = tpu.vector_load %arg16[%parallel_loop3A_379, %parallel_loop3A_380] {strides = array<i32>} : memref<128x128xf32, #tpu.memory_space<vmem>>, vector<16xf32>,
        tpu.vector_store %arg16[%parallel_loop3A_379, %parallel_loop3A_380], %parallel_loop3A_378 {strides = array<i32>} : memref<128x128xf32, #tpu.memory_space<vmem>>, vector<16xf32>,
        %parallel_loop3A_382 = arith.index_cast %parallel_loop3A_372 : i32 to index
        %parallel_loop3A_383 = arith.constant 16 : index
        %parallel_loop3A_384 = tpu.vector_load %arg16[%parallel_loop3A_382, %parallel_loop3A_383] {strides = array<i32>} : memref<128x128xf32, #tpu.memory_space<vmem>>, vector<16xf32>,
        %parallel_loop3A_385 = arith.mulf %parallel_loop3A_384, %parallel_loop3A_374 : vector<16xf32>
        %parallel_loop3A_386 = arith.index_cast %parallel_loop3A_372 : i32 to index
        %parallel_loop3A_387 = arith.constant 16 : index
        %parallel_loop3A_388 = tpu.vector_load %arg16[%parallel_loop3A_386, %parallel_loop3A_387] {strides = array<i32>} : memref<128x128xf32, #tpu.memory_space<vmem>>, vector<16xf32>,
        tpu.vector_store %arg16[%parallel_loop3A_386, %parallel_loop3A_387], %parallel_loop3A_385 {strides = array<i32>} : memref<128x128xf32, #tpu.memory_space<vmem>>, vector<16xf32>,
        %parallel_loop3A_389 = arith.index_cast %parallel_loop3A_372 : i32 to index
        %parallel_loop3A_390 = arith.constant 32 : index
        %parallel_loop3A_391 = tpu.vector_load %arg16[%parallel_loop3A_389, %parallel_loop3A_390] {strides = array<i32>} : memref<128x128xf32, #tpu.memory_space<vmem>>, vector<16xf32>,
        %parallel_loop3A_392 = arith.mulf %parallel_loop3A_391, %parallel_loop3A_374 : vector<16xf32>
        %parallel_loop3A_393 = arith.index_cast %parallel_loop3A_372 : i32 to index
        %parallel_loop3A_394 = arith.constant 32 : index
        %parallel_loop3A_395 = tpu.vector_load %arg16[%parallel_loop3A_393, %parallel_loop3A_394] {strides = array<i32>} : memref<128x128xf32, #tpu.memory_space<vmem>>, vector<16xf32>,
        tpu.vector_store %arg16[%parallel_loop3A_393, %parallel_loop3A_394], %parallel_loop3A_392 {strides = array<i32>} : memref<128x128xf32, #tpu.memory_space<vmem>>, vector<16xf32>,
        %parallel_loop3A_396 = arith.index_cast %parallel_loop3A_372 : i32 to index
        %parallel_loop3A_397 = arith.constant 48 : index
        %parallel_loop3A_398 = tpu.vector_load %arg16[%parallel_loop3A_396, %parallel_loop3A_397] {strides = array<i32>} : memref<128x128xf32, #tpu.memory_space<vmem>>, vector<16xf32>,
        %parallel_loop3A_399 = arith.mulf %parallel_loop3A_398, %parallel_loop3A_374 : vector<16xf32>
        %parallel_loop3A_400 = arith.index_cast %parallel_loop3A_372 : i32 to index
        %parallel_loop3A_401 = arith.constant 48 : index
        %parallel_loop3A_402 = tpu.vector_load %arg16[%parallel_loop3A_400, %parallel_loop3A_401] {strides = array<i32>} : memref<128x128xf32, #tpu.memory_space<vmem>>, vector<16xf32>,
        tpu.vector_store %arg16[%parallel_loop3A_400, %parallel_loop3A_401], %parallel_loop3A_399 {strides = array<i32>} : memref<128x128xf32, #tpu.memory_space<vmem>>, vector<16xf32>,
        %parallel_loop3A_403 = arith.index_cast %parallel_loop3A_372 : i32 to index
        %parallel_loop3A_404 = arith.constant 64 : index
        %parallel_loop3A_405 = tpu.vector_load %arg16[%parallel_loop3A_403, %parallel_loop3A_404] {strides = array<i32>} : memref<128x128xf32, #tpu.memory_space<vmem>>, vector<16xf32>,
        %parallel_loop3A_406 = arith.mulf %parallel_loop3A_405, %parallel_loop3A_374 : vector<16xf32>
        %parallel_loop3A_407 = arith.index_cast %parallel_loop3A_372 : i32 to index
        %parallel_loop3A_408 = arith.constant 64 : index
        %parallel_loop3A_409 = tpu.vector_load %arg16[%parallel_loop3A_407, %parallel_loop3A_408] {strides = array<i32>} : memref<128x128xf32, #tpu.memory_space<vmem>>, vector<16xf32>,
        tpu.vector_store %arg16[%parallel_loop3A_407, %parallel_loop3A_408], %parallel_loop3A_406 {strides = array<i32>} : memref<128x128xf32, #tpu.memory_space<vmem>>, vector<16xf32>,
        %parallel_loop3A_410 = arith.index_cast %parallel_loop3A_372 : i32 to index
        %parallel_loop3A_411 = arith.constant 80 : index
        %parallel_loop3A_412 = tpu.vector_load %arg16[%parallel_loop3A_410, %parallel_loop3A_411] {strides = array<i32>} : memref<128x128xf32, #tpu.memory_space<vmem>>, vector<16xf32>,
        %parallel_loop3A_413 = arith.mulf %parallel_loop3A_412, %parallel_loop3A_374 : vector<16xf32>
        %parallel_loop3A_414 = arith.index_cast %parallel_loop3A_372 : i32 to index
        %parallel_loop3A_415 = arith.constant 80 : index
        %parallel_loop3A_416 = tpu.vector_load %arg16[%parallel_loop3A_414, %parallel_loop3A_415] {strides = array<i32>} : memref<128x128xf32, #tpu.memory_space<vmem>>, vector<16xf32>,
        tpu.vector_store %arg16[%parallel_loop3A_414, %parallel_loop3A_415], %parallel_loop3A_413 {strides = array<i32>} : memref<128x128xf32, #tpu.memory_space<vmem>>, vector<16xf32>,
        %parallel_loop3A_417 = arith.index_cast %parallel_loop3A_372 : i32 to index
        %parallel_loop3A_418 = arith.constant 96 : index
        %parallel_loop3A_419 = tpu.vector_load %arg16[%parallel_loop3A_417, %parallel_loop3A_418] {strides = array<i32>} : memref<128x128xf32, #tpu.memory_space<vmem>>, vector<16xf32>,
        %parallel_loop3A_420 = arith.mulf %parallel_loop3A_419, %parallel_loop3A_374 : vector<16xf32>
        %parallel_loop3A_421 = arith.index_cast %parallel_loop3A_372 : i32 to index
        %parallel_loop3A_422 = arith.constant 96 : index
        %parallel_loop3A_423 = tpu.vector_load %arg16[%parallel_loop3A_421, %parallel_loop3A_422] {strides = array<i32>} : memref<128x128xf32, #tpu.memory_space<vmem>>, vector<16xf32>,
        tpu.vector_store %arg16[%parallel_loop3A_421, %parallel_loop3A_422], %parallel_loop3A_420 {strides = array<i32>} : memref<128x128xf32, #tpu.memory_space<vmem>>, vector<16xf32>,
        %parallel_loop3A_424 = arith.index_cast %parallel_loop3A_372 : i32 to index
        %parallel_loop3A_425 = arith.constant 112 : index
        %parallel_loop3A_426 = tpu.vector_load %arg16[%parallel_loop3A_424, %parallel_loop3A_425] {strides = array<i32>} : memref<128x128xf32, #tpu.memory_space<vmem>>, vector<16xf32>,
        %parallel_loop3A_427 = arith.mulf %parallel_loop3A_426, %parallel_loop3A_374 : vector<16xf32>
        %parallel_loop3A_428 = arith.index_cast %parallel_loop3A_372 : i32 to index
        %parallel_loop3A_429 = arith.constant 112 : index
        %parallel_loop3A_430 = tpu.vector_load %arg16[%parallel_loop3A_428, %parallel_loop3A_429] {strides = array<i32>} : memref<128x128xf32, #tpu.memory_space<vmem>>, vector<16xf32>,
        tpu.vector_store %arg16[%parallel_loop3A_428, %parallel_loop3A_429], %parallel_loop3A_427 {strides = array<i32>} : memref<128x128xf32, #tpu.memory_space<vmem>>, vector<16xf32>,
      } {sc.loop_unroll_factor = 4 : i64, sc.parallel_access}
      %dma_start3A_138 = arith.constant 0 : i32
      %dma_start3A_139 = arith.constant 0 : i32
      %dma_start3A_140 = tpu.memref_slice %arg18[%dma_start3A_138, %dma_start3A_139] : memref<10112x128xf32, #tpu.memory_space<vmem_shared>> -> memref<10112x128xf32, #tpu.memory_space<vmem_shared>>
      tpu.enqueue_indirect_dma source(%arg16 : memref<128x128xf32, #tpu.memory_space<vmem>>) target(%dma_start3A_140 : memref<10112x128xf32, #tpu.memory_space<vmem_shared>>) offsets(%arg10 : memref<128xi32, #tpu.memory_space<vmem>>) semaphore(%arg23 : memref<!tpu.dma_semaphore, #tpu.memory_space<semaphore_mem>>) {add = true}
      %add3A_141 = arith.constant 2 : i32
      %add3A_142 = arith.addi %add3A_103, %add3A_141 : i32
      %dma_start3A_143 = arith.constant 0 : i32
      %dma_start3A_144 = tpu.memref_slice %arg2[%arg0, %arg1, %add3A_142, %dma_start3A_143] : memref<2x16x106x128xi32, #tpu.memory_space<hbm>> -> memref<1x1x1x128xi32, #tpu.memory_space<hbm>>
      %dma_start3A_145 = tpu.memref_squeeze %dma_start3A_144 : memref<1x1x1x128xi32, #tpu.memory_space<hbm>> -> memref<128xi32, #tpu.memory_space<hbm>>
      %dma_start3A_146 = arith.constant 0 : i32
      %dma_start3A_147 = tpu.memref_slice %arg2[%arg0, %arg1, %add3A_142, %dma_start3A_146] : memref<2x16x106x128xi32, #tpu.memory_space<hbm>> -> memref<1x1x1x128xi32, #tpu.memory_space<hbm>>
      %dma_start3A_148 = tpu.memref_squeeze %dma_start3A_147 : memref<1x1x1x128xi32, #tpu.memory_space<hbm>> -> memref<128xi32, #tpu.memory_space<hbm>>
      tpu.enqueue_dma source(%dma_start3A_148 : memref<128xi32, #tpu.memory_space<hbm>>) target(%arg8 : memref<128xi32, #tpu.memory_space<vmem>>) target_semaphore(%arg19 : memref<!tpu.dma_semaphore, #tpu.memory_space<semaphore_mem>>)
      %add3A_149 = arith.constant 2 : i32
      %add3A_150 = arith.addi %add3A_103, %add3A_149 : i32
      %dma_start3A_151 = arith.constant 0 : i32
      %dma_start3A_152 = tpu.memref_slice %arg4[%arg0, %arg1, %add3A_150, %dma_start3A_151] : memref<2x16x106x128xf32, #tpu.memory_space<hbm>> -> memref<1x1x1x128xf32, #tpu.memory_space<hbm>>
      %dma_start3A_153 = tpu.memref_squeeze %dma_start3A_152 : memref<1x1x1x128xf32, #tpu.memory_space<hbm>> -> memref<128xf32, #tpu.memory_space<hbm>>
      %dma_start3A_154 = arith.constant 0 : i32
      %dma_start3A_155 = tpu.memref_slice %arg4[%arg0, %arg1, %add3A_150, %dma_start3A_154] : memref<2x16x106x128xf32, #tpu.memory_space<hbm>> -> memref<1x1x1x128xf32, #tpu.memory_space<hbm>>
      %dma_start3A_156 = tpu.memref_squeeze %dma_start3A_155 : memref<1x1x1x128xf32, #tpu.memory_space<hbm>> -> memref<128xf32, #tpu.memory_space<hbm>>
      tpu.enqueue_dma source(%dma_start3A_156 : memref<128xf32, #tpu.memory_space<hbm>>) target(%arg14 : memref<128xf32, #tpu.memory_space<vmem>>) target_semaphore(%arg19 : memref<!tpu.dma_semaphore, #tpu.memory_space<semaphore_mem>>)
      %add3A_157 = arith.constant 2 : i32
      %add3A_158 = arith.addi %add3A_103, %add3A_157 : i32
      %dma_start3A_159 = arith.constant 0 : i32
      %dma_start3A_160 = tpu.memref_slice %arg3[%arg0, %arg1, %add3A_158, %dma_start3A_159] : memref<2x16x106x128xi32, #tpu.memory_space<hbm>> -> memref<1x1x1x128xi32, #tpu.memory_space<hbm>>
      %dma_start3A_161 = tpu.memref_squeeze %dma_start3A_160 : memref<1x1x1x128xi32, #tpu.memory_space<hbm>> -> memref<128xi32, #tpu.memory_space<hbm>>
      %dma_start3A_162 = arith.constant 0 : i32
      %dma_start3A_163 = tpu.memref_slice %arg3[%arg0, %arg1, %add3A_158, %dma_start3A_162] : memref<2x16x106x128xi32, #tpu.memory_space<hbm>> -> memref<1x1x1x128xi32, #tpu.memory_space<hbm>>
      %dma_start3A_164 = tpu.memref_squeeze %dma_start3A_163 : memref<1x1x1x128xi32, #tpu.memory_space<hbm>> -> memref<128xi32, #tpu.memory_space<hbm>>
      tpu.enqueue_dma source(%dma_start3A_164 : memref<128xi32, #tpu.memory_space<hbm>>) target(%arg12 : memref<128xi32, #tpu.memory_space<vmem>>) target_semaphore(%arg19 : memref<!tpu.dma_semaphore, #tpu.memory_space<semaphore_mem>>)
      %mul3A_165 = arith.constant 4 : i32
      %mul3A_166 = arith.muli %add3A_99, %mul3A_165 : i32
      %add3A_167 = arith.constant 1 : i32
      %add3A_168 = arith.addi %mul3A_166, %add3A_167 : i32
      %dma_wait3A_169 = arith.constant 0 : i32
      %dma_wait3A_170 = arith.constant 0 : i32
      %dma_wait3A_171 = tpu.memref_slice %arg2[%arg0, %arg1, %dma_wait3A_169, %dma_wait3A_170] : memref<2x16x106x128xi32, #tpu.memory_space<hbm>> -> memref<1x1x1x128xi32, #tpu.memory_space<hbm>>
      %dma_wait3A_172 = tpu.memref_squeeze %dma_wait3A_171 : memref<1x1x1x128xi32, #tpu.memory_space<hbm>> -> memref<128xi32, #tpu.memory_space<hbm>>
      %dma_wait3A_173 = arith.constant 0 : i32
      %dma_wait3A_174 = tpu.memref_slice %arg2[%arg0, %arg1, %dma_wait3A_169, %dma_wait3A_173] : memref<2x16x106x128xi32, #tpu.memory_space<hbm>> -> memref<1x1x1x128xi32, #tpu.memory_space<hbm>>
      %dma_wait3A_175 = tpu.memref_squeeze %dma_wait3A_174 : memref<1x1x1x128xi32, #tpu.memory_space<hbm>> -> memref<128xi32, #tpu.memory_space<hbm>>
      tpu.wait_dma2 semaphore(%arg19 : memref<!tpu.dma_semaphore, #tpu.memory_space<semaphore_mem>>) src(%dma_wait3A_175 : memref<128xi32, #tpu.memory_space<hbm>>) dst(%arg8 : memref<128xi32, #tpu.memory_space<vmem>>)
      %dma_wait3A_176 = arith.constant 0 : i32
      %dma_wait3A_177 = arith.constant 0 : i32
      %dma_wait3A_178 = tpu.memref_slice %arg4[%arg0, %arg1, %dma_wait3A_176, %dma_wait3A_177] : memref<2x16x106x128xf32, #tpu.memory_space<hbm>> -> memref<1x1x1x128xf32, #tpu.memory_space<hbm>>
      %dma_wait3A_179 = tpu.memref_squeeze %dma_wait3A_178 : memref<1x1x1x128xf32, #tpu.memory_space<hbm>> -> memref<128xf32, #tpu.memory_space<hbm>>
      %dma_wait3A_180 = arith.constant 0 : i32
      %dma_wait3A_181 = tpu.memref_slice %arg4[%arg0, %arg1, %dma_wait3A_176, %dma_wait3A_180] : memref<2x16x106x128xf32, #tpu.memory_space<hbm>> -> memref<1x1x1x128xf32, #tpu.memory_space<hbm>>
      %dma_wait3A_182 = tpu.memref_squeeze %dma_wait3A_181 : memref<1x1x1x128xf32, #tpu.memory_space<hbm>> -> memref<128xf32, #tpu.memory_space<hbm>>
      tpu.wait_dma2 semaphore(%arg19 : memref<!tpu.dma_semaphore, #tpu.memory_space<semaphore_mem>>) src(%dma_wait3A_182 : memref<128xf32, #tpu.memory_space<hbm>>) dst(%arg14 : memref<128xf32, #tpu.memory_space<vmem>>)
      %dma_wait3A_183 = arith.constant 0 : i32
      %dma_wait3A_184 = arith.constant 0 : i32
      %dma_wait3A_185 = tpu.memref_slice %arg3[%arg0, %arg1, %dma_wait3A_183, %dma_wait3A_184] : memref<2x16x106x128xi32, #tpu.memory_space<hbm>> -> memref<1x1x1x128xi32, #tpu.memory_space<hbm>>
      %dma_wait3A_186 = tpu.memref_squeeze %dma_wait3A_185 : memref<1x1x1x128xi32, #tpu.memory_space<hbm>> -> memref<128xi32, #tpu.memory_space<hbm>>
      %dma_wait3A_187 = arith.constant 0 : i32
      %dma_wait3A_188 = tpu.memref_slice %arg3[%arg0, %arg1, %dma_wait3A_183, %dma_wait3A_187] : memref<2x16x106x128xi32, #tpu.memory_space<hbm>> -> memref<1x1x1x128xi32, #tpu.memory_space<hbm>>
      %dma_wait3A_189 = tpu.memref_squeeze %dma_wait3A_188 : memref<1x1x1x128xi32, #tpu.memory_space<hbm>> -> memref<128xi32, #tpu.memory_space<hbm>>
      tpu.wait_dma2 semaphore(%arg19 : memref<!tpu.dma_semaphore, #tpu.memory_space<semaphore_mem>>) src(%dma_wait3A_189 : memref<128xi32, #tpu.memory_space<hbm>>) dst(%arg12 : memref<128xi32, #tpu.memory_space<vmem>>)
      %ge3A_190 = arith.constant 1 : i32
      %ge3A_191 = arith.cmpi sge, %add3A_168, %ge3A_190 : i32
      %convert_element_type3A_192 = arith.extui %ge3A_191 : i1 to i32
      %cond3A_193 = arith.constant 0 : i32
      %cond3A_194 = arith.cmpi ne, %convert_element_type3A_192, %cond3A_193 : i32
      scf.if %cond3A_194 {
        %dma_wait3A_372 = arith.constant 0 : i32
        %dma_wait3A_373 = arith.constant 0 : i32
        %dma_wait3A_374 = tpu.memref_slice %arg18[%dma_wait3A_372, %dma_wait3A_373] : memref<10112x128xf32, #tpu.memory_space<vmem_shared>> -> memref<10112x128xf32, #tpu.memory_space<vmem_shared>>
        tpu.wait_indirect_dma semaphore(%arg23 : memref<!tpu.dma_semaphore, #tpu.memory_space<semaphore_mem>>) src(%arg16 : memref<128x128xf32, #tpu.memory_space<vmem>>) dst(%dma_wait3A_374 : memref<10112x128xf32, #tpu.memory_space<vmem_shared>>)
      } else {
      }
      %dma_start3A_195 = arith.constant 0 : i32
      %dma_start3A_196 = arith.constant 0 : i32
      %dma_start3A_197 = tpu.memref_slice %arg5[%dma_start3A_195, %dma_start3A_196] : memref<10000x128xf32, #tpu.memory_space<hbm>> -> memref<10000x128xf32, #tpu.memory_space<hbm>>
      tpu.enqueue_indirect_dma source(%dma_start3A_197 : memref<10000x128xf32, #tpu.memory_space<hbm>>) target(%arg16 : memref<128x128xf32, #tpu.memory_space<vmem>>) offsets(%arg8 : memref<128xi32, #tpu.memory_space<vmem>>) semaphore(%arg21 : memref<!tpu.dma_semaphore, #tpu.memory_space<semaphore_mem>>)
      %dma_wait3A_198 = arith.constant 0 : i32
      %dma_wait3A_199 = arith.constant 0 : i32
      %dma_wait3A_200 = tpu.memref_slice %arg5[%dma_wait3A_198, %dma_wait3A_199] : memref<10000x128xf32, #tpu.memory_space<hbm>> -> memref<128x128xf32, #tpu.memory_space<hbm>>
      %dma_wait3A_201 = arith.constant 0 : i32
      %dma_wait3A_202 = arith.constant 0 : i32
      %dma_wait3A_203 = tpu.memref_slice %arg5[%dma_wait3A_201, %dma_wait3A_202] : memref<10000x128xf32, #tpu.memory_space<hbm>> -> memref<128x128xf32, #tpu.memory_space<hbm>>
      tpu.wait_dma2 semaphore(%arg22 : memref<!tpu.dma_semaphore, #tpu.memory_space<semaphore_mem>>) src(%dma_wait3A_203 : memref<128x128xf32, #tpu.memory_space<hbm>>) dst(%arg17 : memref<128x128xf32, #tpu.memory_space<vmem>>)
      %parallel_loop3A_204 = arith.constant 0 : i32
      %parallel_loop3A_205 = arith.constant 128 : i32
      %parallel_loop3A_206 = arith.constant 1 : i32
      scf.for %parallel_loop3A_372 = %parallel_loop3A_204 to %parallel_loop3A_205 step %parallel_loop3A_206  : i32 {
        %parallel_loop3A_373 = vector.broadcast %parallel_loop3A_372 : i32 to vector<16xi32>
        %parallel_loop3A_374 = tpu.vector_load_idx %arg15[%parallel_loop3A_373] : memref<128xf32, #tpu.memory_space<vmem>>[vector<16xi32>], vector<16xf32>,
        %parallel_loop3A_375 = arith.index_cast %parallel_loop3A_372 : i32 to index
        %parallel_loop3A_376 = arith.constant 0 : index
        %parallel_loop3A_377 = tpu.vector_load %arg17[%parallel_loop3A_375, %parallel_loop3A_376] {strides = array<i32>} : memref<128x128xf32, #tpu.memory_space<vmem>>, vector<16xf32>,
        %parallel_loop3A_378 = arith.mulf %parallel_loop3A_377, %parallel_loop3A_374 : vector<16xf32>
        %parallel_loop3A_379 = arith.index_cast %parallel_loop3A_372 : i32 to index
        %parallel_loop3A_380 = arith.constant 0 : index
        %parallel_loop3A_381 = tpu.vector_load %arg17[%parallel_loop3A_379, %parallel_loop3A_380] {strides = array<i32>} : memref<128x128xf32, #tpu.memory_space<vmem>>, vector<16xf32>,
        tpu.vector_store %arg17[%parallel_loop3A_379, %parallel_loop3A_380], %parallel_loop3A_378 {strides = array<i32>} : memref<128x128xf32, #tpu.memory_space<vmem>>, vector<16xf32>,
        %parallel_loop3A_382 = arith.index_cast %parallel_loop3A_372 : i32 to index
        %parallel_loop3A_383 = arith.constant 16 : index
        %parallel_loop3A_384 = tpu.vector_load %arg17[%parallel_loop3A_382, %parallel_loop3A_383] {strides = array<i32>} : memref<128x128xf32, #tpu.memory_space<vmem>>, vector<16xf32>,
        %parallel_loop3A_385 = arith.mulf %parallel_loop3A_384, %parallel_loop3A_374 : vector<16xf32>
        %parallel_loop3A_386 = arith.index_cast %parallel_loop3A_372 : i32 to index
        %parallel_loop3A_387 = arith.constant 16 : index
        %parallel_loop3A_388 = tpu.vector_load %arg17[%parallel_loop3A_386, %parallel_loop3A_387] {strides = array<i32>} : memref<128x128xf32, #tpu.memory_space<vmem>>, vector<16xf32>,
        tpu.vector_store %arg17[%parallel_loop3A_386, %parallel_loop3A_387], %parallel_loop3A_385 {strides = array<i32>} : memref<128x128xf32, #tpu.memory_space<vmem>>, vector<16xf32>,
        %parallel_loop3A_389 = arith.index_cast %parallel_loop3A_372 : i32 to index
        %parallel_loop3A_390 = arith.constant 32 : index
        %parallel_loop3A_391 = tpu.vector_load %arg17[%parallel_loop3A_389, %parallel_loop3A_390] {strides = array<i32>} : memref<128x128xf32, #tpu.memory_space<vmem>>, vector<16xf32>,
        %parallel_loop3A_392 = arith.mulf %parallel_loop3A_391, %parallel_loop3A_374 : vector<16xf32>
        %parallel_loop3A_393 = arith.index_cast %parallel_loop3A_372 : i32 to index
        %parallel_loop3A_394 = arith.constant 32 : index
        %parallel_loop3A_395 = tpu.vector_load %arg17[%parallel_loop3A_393, %parallel_loop3A_394] {strides = array<i32>} : memref<128x128xf32, #tpu.memory_space<vmem>>, vector<16xf32>,
        tpu.vector_store %arg17[%parallel_loop3A_393, %parallel_loop3A_394], %parallel_loop3A_392 {strides = array<i32>} : memref<128x128xf32, #tpu.memory_space<vmem>>, vector<16xf32>,
        %parallel_loop3A_396 = arith.index_cast %parallel_loop3A_372 : i32 to index
        %parallel_loop3A_397 = arith.constant 48 : index
        %parallel_loop3A_398 = tpu.vector_load %arg17[%parallel_loop3A_396, %parallel_loop3A_397] {strides = array<i32>} : memref<128x128xf32, #tpu.memory_space<vmem>>, vector<16xf32>,
        %parallel_loop3A_399 = arith.mulf %parallel_loop3A_398, %parallel_loop3A_374 : vector<16xf32>
        %parallel_loop3A_400 = arith.index_cast %parallel_loop3A_372 : i32 to index
        %parallel_loop3A_401 = arith.constant 48 : index
        %parallel_loop3A_402 = tpu.vector_load %arg17[%parallel_loop3A_400, %parallel_loop3A_401] {strides = array<i32>} : memref<128x128xf32, #tpu.memory_space<vmem>>, vector<16xf32>,
        tpu.vector_store %arg17[%parallel_loop3A_400, %parallel_loop3A_401], %parallel_loop3A_399 {strides = array<i32>} : memref<128x128xf32, #tpu.memory_space<vmem>>, vector<16xf32>,
        %parallel_loop3A_403 = arith.index_cast %parallel_loop3A_372 : i32 to index
        %parallel_loop3A_404 = arith.constant 64 : index
        %parallel_loop3A_405 = tpu.vector_load %arg17[%parallel_loop3A_403, %parallel_loop3A_404] {strides = array<i32>} : memref<128x128xf32, #tpu.memory_space<vmem>>, vector<16xf32>,
        %parallel_loop3A_406 = arith.mulf %parallel_loop3A_405, %parallel_loop3A_374 : vector<16xf32>
        %parallel_loop3A_407 = arith.index_cast %parallel_loop3A_372 : i32 to index
        %parallel_loop3A_408 = arith.constant 64 : index
        %parallel_loop3A_409 = tpu.vector_load %arg17[%parallel_loop3A_407, %parallel_loop3A_408] {strides = array<i32>} : memref<128x128xf32, #tpu.memory_space<vmem>>, vector<16xf32>,
        tpu.vector_store %arg17[%parallel_loop3A_407, %parallel_loop3A_408], %parallel_loop3A_406 {strides = array<i32>} : memref<128x128xf32, #tpu.memory_space<vmem>>, vector<16xf32>,
        %parallel_loop3A_410 = arith.index_cast %parallel_loop3A_372 : i32 to index
        %parallel_loop3A_411 = arith.constant 80 : index
        %parallel_loop3A_412 = tpu.vector_load %arg17[%parallel_loop3A_410, %parallel_loop3A_411] {strides = array<i32>} : memref<128x128xf32, #tpu.memory_space<vmem>>, vector<16xf32>,
        %parallel_loop3A_413 = arith.mulf %parallel_loop3A_412, %parallel_loop3A_374 : vector<16xf32>
        %parallel_loop3A_414 = arith.index_cast %parallel_loop3A_372 : i32 to index
        %parallel_loop3A_415 = arith.constant 80 : index
        %parallel_loop3A_416 = tpu.vector_load %arg17[%parallel_loop3A_414, %parallel_loop3A_415] {strides = array<i32>} : memref<128x128xf32, #tpu.memory_space<vmem>>, vector<16xf32>,
        tpu.vector_store %arg17[%parallel_loop3A_414, %parallel_loop3A_415], %parallel_loop3A_413 {strides = array<i32>} : memref<128x128xf32, #tpu.memory_space<vmem>>, vector<16xf32>,
        %parallel_loop3A_417 = arith.index_cast %parallel_loop3A_372 : i32 to index
        %parallel_loop3A_418 = arith.constant 96 : index
        %parallel_loop3A_419 = tpu.vector_load %arg17[%parallel_loop3A_417, %parallel_loop3A_418] {strides = array<i32>} : memref<128x128xf32, #tpu.memory_space<vmem>>, vector<16xf32>,
        %parallel_loop3A_420 = arith.mulf %parallel_loop3A_419, %parallel_loop3A_374 : vector<16xf32>
        %parallel_loop3A_421 = arith.index_cast %parallel_loop3A_372 : i32 to index
        %parallel_loop3A_422 = arith.constant 96 : index
        %parallel_loop3A_423 = tpu.vector_load %arg17[%parallel_loop3A_421, %parallel_loop3A_422] {strides = array<i32>} : memref<128x128xf32, #tpu.memory_space<vmem>>, vector<16xf32>,
        tpu.vector_store %arg17[%parallel_loop3A_421, %parallel_loop3A_422], %parallel_loop3A_420 {strides = array<i32>} : memref<128x128xf32, #tpu.memory_space<vmem>>, vector<16xf32>,
        %parallel_loop3A_424 = arith.index_cast %parallel_loop3A_372 : i32 to index
        %parallel_loop3A_425 = arith.constant 112 : index
        %parallel_loop3A_426 = tpu.vector_load %arg17[%parallel_loop3A_424, %parallel_loop3A_425] {strides = array<i32>} : memref<128x128xf32, #tpu.memory_space<vmem>>, vector<16xf32>,
        %parallel_loop3A_427 = arith.mulf %parallel_loop3A_426, %parallel_loop3A_374 : vector<16xf32>
        %parallel_loop3A_428 = arith.index_cast %parallel_loop3A_372 : i32 to index
        %parallel_loop3A_429 = arith.constant 112 : index
        %parallel_loop3A_430 = tpu.vector_load %arg17[%parallel_loop3A_428, %parallel_loop3A_429] {strides = array<i32>} : memref<128x128xf32, #tpu.memory_space<vmem>>, vector<16xf32>,
        tpu.vector_store %arg17[%parallel_loop3A_428, %parallel_loop3A_429], %parallel_loop3A_427 {strides = array<i32>} : memref<128x128xf32, #tpu.memory_space<vmem>>, vector<16xf32>,
      } {sc.loop_unroll_factor = 4 : i64, sc.parallel_access}
      %dma_start3A_207 = arith.constant 0 : i32
      %dma_start3A_208 = arith.constant 0 : i32
      %dma_start3A_209 = tpu.memref_slice %arg18[%dma_start3A_207, %dma_start3A_208] : memref<10112x128xf32, #tpu.memory_space<vmem_shared>> -> memref<10112x128xf32, #tpu.memory_space<vmem_shared>>
      tpu.enqueue_indirect_dma source(%arg17 : memref<128x128xf32, #tpu.memory_space<vmem>>) target(%dma_start3A_209 : memref<10112x128xf32, #tpu.memory_space<vmem_shared>>) offsets(%arg11 : memref<128xi32, #tpu.memory_space<vmem>>) semaphore(%arg24 : memref<!tpu.dma_semaphore, #tpu.memory_space<semaphore_mem>>) {add = true}
      %add3A_210 = arith.constant 2 : i32
      %add3A_211 = arith.addi %add3A_168, %add3A_210 : i32
      %dma_start3A_212 = arith.constant 0 : i32
      %dma_start3A_213 = tpu.memref_slice %arg2[%arg0, %arg1, %add3A_211, %dma_start3A_212] : memref<2x16x106x128xi32, #tpu.memory_space<hbm>> -> memref<1x1x1x128xi32, #tpu.memory_space<hbm>>
      %dma_start3A_214 = tpu.memref_squeeze %dma_start3A_213 : memref<1x1x1x128xi32, #tpu.memory_space<hbm>> -> memref<128xi32, #tpu.memory_space<hbm>>
      %dma_start3A_215 = arith.constant 0 : i32
      %dma_start3A_216 = tpu.memref_slice %arg2[%arg0, %arg1, %add3A_211, %dma_start3A_215] : memref<2x16x106x128xi32, #tpu.memory_space<hbm>> -> memref<1x1x1x128xi32, #tpu.memory_space<hbm>>
      %dma_start3A_217 = tpu.memref_squeeze %dma_start3A_216 : memref<1x1x1x128xi32, #tpu.memory_space<hbm>> -> memref<128xi32, #tpu.memory_space<hbm>>
      tpu.enqueue_dma source(%dma_start3A_217 : memref<128xi32, #tpu.memory_space<hbm>>) target(%arg9 : memref<128xi32, #tpu.memory_space<vmem>>) target_semaphore(%arg20 : memref<!tpu.dma_semaphore, #tpu.memory_space<semaphore_mem>>)
      %add3A_218 = arith.constant 2 : i32
      %add3A_219 = arith.addi %add3A_168, %add3A_218 : i32
      %dma_start3A_220 = arith.constant 0 : i32
      %dma_start3A_221 = tpu.memref_slice %arg4[%arg0, %arg1, %add3A_219, %dma_start3A_220] : memref<2x16x106x128xf32, #tpu.memory_space<hbm>> -> memref<1x1x1x128xf32, #tpu.memory_space<hbm>>
      %dma_start3A_222 = tpu.memref_squeeze %dma_start3A_221 : memref<1x1x1x128xf32, #tpu.memory_space<hbm>> -> memref<128xf32, #tpu.memory_space<hbm>>
      %dma_start3A_223 = arith.constant 0 : i32
      %dma_start3A_224 = tpu.memref_slice %arg4[%arg0, %arg1, %add3A_219, %dma_start3A_223] : memref<2x16x106x128xf32, #tpu.memory_space<hbm>> -> memref<1x1x1x128xf32, #tpu.memory_space<hbm>>
      %dma_start3A_225 = tpu.memref_squeeze %dma_start3A_224 : memref<1x1x1x128xf32, #tpu.memory_space<hbm>> -> memref<128xf32, #tpu.memory_space<hbm>>
      tpu.enqueue_dma source(%dma_start3A_225 : memref<128xf32, #tpu.memory_space<hbm>>) target(%arg15 : memref<128xf32, #tpu.memory_space<vmem>>) target_semaphore(%arg20 : memref<!tpu.dma_semaphore, #tpu.memory_space<semaphore_mem>>)
      %add3A_226 = arith.constant 2 : i32
      %add3A_227 = arith.addi %add3A_168, %add3A_226 : i32
      %dma_start3A_228 = arith.constant 0 : i32
      %dma_start3A_229 = tpu.memref_slice %arg3[%arg0, %arg1, %add3A_227, %dma_start3A_228] : memref<2x16x106x128xi32, #tpu.memory_space<hbm>> -> memref<1x1x1x128xi32, #tpu.memory_space<hbm>>
      %dma_start3A_230 = tpu.memref_squeeze %dma_start3A_229 : memref<1x1x1x128xi32, #tpu.memory_space<hbm>> -> memref<128xi32, #tpu.memory_space<hbm>>
      %dma_start3A_231 = arith.constant 0 : i32
      %dma_start3A_232 = tpu.memref_slice %arg3[%arg0, %arg1, %add3A_227, %dma_start3A_231] : memref<2x16x106x128xi32, #tpu.memory_space<hbm>> -> memref<1x1x1x128xi32, #tpu.memory_space<hbm>>
      %dma_start3A_233 = tpu.memref_squeeze %dma_start3A_232 : memref<1x1x1x128xi32, #tpu.memory_space<hbm>> -> memref<128xi32, #tpu.memory_space<hbm>>
      tpu.enqueue_dma source(%dma_start3A_233 : memref<128xi32, #tpu.memory_space<hbm>>) target(%arg13 : memref<128xi32, #tpu.memory_space<vmem>>) target_semaphore(%arg20 : memref<!tpu.dma_semaphore, #tpu.memory_space<semaphore_mem>>)
      %mul3A_234 = arith.constant 4 : i32
      %mul3A_235 = arith.muli %add3A_99, %mul3A_234 : i32
      %add3A_236 = arith.constant 2 : i32
      %add3A_237 = arith.addi %mul3A_235, %add3A_236 : i32
      %dma_wait3A_238 = arith.constant 0 : i32
      %dma_wait3A_239 = arith.constant 0 : i32
      %dma_wait3A_240 = tpu.memref_slice %arg2[%arg0, %arg1, %dma_wait3A_238, %dma_wait3A_239] : memref<2x16x106x128xi32, #tpu.memory_space<hbm>> -> memref<1x1x1x128xi32, #tpu.memory_space<hbm>>
      %dma_wait3A_241 = tpu.memref_squeeze %dma_wait3A_240 : memref<1x1x1x128xi32, #tpu.memory_space<hbm>> -> memref<128xi32, #tpu.memory_space<hbm>>
      %dma_wait3A_242 = arith.constant 0 : i32
      %dma_wait3A_243 = tpu.memref_slice %arg2[%arg0, %arg1, %dma_wait3A_238, %dma_wait3A_242] : memref<2x16x106x128xi32, #tpu.memory_space<hbm>> -> memref<1x1x1x128xi32, #tpu.memory_space<hbm>>
      %dma_wait3A_244 = tpu.memref_squeeze %dma_wait3A_243 : memref<1x1x1x128xi32, #tpu.memory_space<hbm>> -> memref<128xi32, #tpu.memory_space<hbm>>
      tpu.wait_dma2 semaphore(%arg20 : memref<!tpu.dma_semaphore, #tpu.memory_space<semaphore_mem>>) src(%dma_wait3A_244 : memref<128xi32, #tpu.memory_space<hbm>>) dst(%arg9 : memref<128xi32, #tpu.memory_space<vmem>>)
      %dma_wait3A_245 = arith.constant 0 : i32
      %dma_wait3A_246 = arith.constant 0 : i32
      %dma_wait3A_247 = tpu.memref_slice %arg4[%arg0, %arg1, %dma_wait3A_245, %dma_wait3A_246] : memref<2x16x106x128xf32, #tpu.memory_space<hbm>> -> memref<1x1x1x128xf32, #tpu.memory_space<hbm>>
      %dma_wait3A_248 = tpu.memref_squeeze %dma_wait3A_247 : memref<1x1x1x128xf32, #tpu.memory_space<hbm>> -> memref<128xf32, #tpu.memory_space<hbm>>
      %dma_wait3A_249 = arith.constant 0 : i32
      %dma_wait3A_250 = tpu.memref_slice %arg4[%arg0, %arg1, %dma_wait3A_245, %dma_wait3A_249] : memref<2x16x106x128xf32, #tpu.memory_space<hbm>> -> memref<1x1x1x128xf32, #tpu.memory_space<hbm>>
      %dma_wait3A_251 = tpu.memref_squeeze %dma_wait3A_250 : memref<1x1x1x128xf32, #tpu.memory_space<hbm>> -> memref<128xf32, #tpu.memory_space<hbm>>
      tpu.wait_dma2 semaphore(%arg20 : memref<!tpu.dma_semaphore, #tpu.memory_space<semaphore_mem>>) src(%dma_wait3A_251 : memref<128xf32, #tpu.memory_space<hbm>>) dst(%arg15 : memref<128xf32, #tpu.memory_space<vmem>>)
      %dma_wait3A_252 = arith.constant 0 : i32
      %dma_wait3A_253 = arith.constant 0 : i32
      %dma_wait3A_254 = tpu.memref_slice %arg3[%arg0, %arg1, %dma_wait3A_252, %dma_wait3A_253] : memref<2x16x106x128xi32, #tpu.memory_space<hbm>> -> memref<1x1x1x128xi32, #tpu.memory_space<hbm>>
      %dma_wait3A_255 = tpu.memref_squeeze %dma_wait3A_254 : memref<1x1x1x128xi32, #tpu.memory_space<hbm>> -> memref<128xi32, #tpu.memory_space<hbm>>
      %dma_wait3A_256 = arith.constant 0 : i32
      %dma_wait3A_257 = tpu.memref_slice %arg3[%arg0, %arg1, %dma_wait3A_252, %dma_wait3A_256] : memref<2x16x106x128xi32, #tpu.memory_space<hbm>> -> memref<1x1x1x128xi32, #tpu.memory_space<hbm>>
      %dma_wait3A_258 = tpu.memref_squeeze %dma_wait3A_257 : memref<1x1x1x128xi32, #tpu.memory_space<hbm>> -> memref<128xi32, #tpu.memory_space<hbm>>
      tpu.wait_dma2 semaphore(%arg20 : memref<!tpu.dma_semaphore, #tpu.memory_space<semaphore_mem>>) src(%dma_wait3A_258 : memref<128xi32, #tpu.memory_space<hbm>>) dst(%arg13 : memref<128xi32, #tpu.memory_space<vmem>>)
      %ge3A_259 = arith.constant 1 : i32
      %ge3A_260 = arith.cmpi sge, %add3A_237, %ge3A_259 : i32
      %convert_element_type3A_261 = arith.extui %ge3A_260 : i1 to i32
      %cond3A_262 = arith.constant 0 : i32
      %cond3A_263 = arith.cmpi ne, %convert_element_type3A_261, %cond3A_262 : i32
      scf.if %cond3A_263 {
        %dma_wait3A_372 = arith.constant 0 : i32
        %dma_wait3A_373 = arith.constant 0 : i32
        %dma_wait3A_374 = tpu.memref_slice %arg18[%dma_wait3A_372, %dma_wait3A_373] : memref<10112x128xf32, #tpu.memory_space<vmem_shared>> -> memref<10112x128xf32, #tpu.memory_space<vmem_shared>>
        tpu.wait_indirect_dma semaphore(%arg24 : memref<!tpu.dma_semaphore, #tpu.memory_space<semaphore_mem>>) src(%arg17 : memref<128x128xf32, #tpu.memory_space<vmem>>) dst(%dma_wait3A_374 : memref<10112x128xf32, #tpu.memory_space<vmem_shared>>)
      } else {
      }
      %dma_start3A_264 = arith.constant 0 : i32
      %dma_start3A_265 = arith.constant 0 : i32
      %dma_start3A_266 = tpu.memref_slice %arg5[%dma_start3A_264, %dma_start3A_265] : memref<10000x128xf32, #tpu.memory_space<hbm>> -> memref<10000x128xf32, #tpu.memory_space<hbm>>
      tpu.enqueue_indirect_dma source(%dma_start3A_266 : memref<10000x128xf32, #tpu.memory_space<hbm>>) target(%arg17 : memref<128x128xf32, #tpu.memory_space<vmem>>) offsets(%arg9 : memref<128xi32, #tpu.memory_space<vmem>>) semaphore(%arg22 : memref<!tpu.dma_semaphore, #tpu.memory_space<semaphore_mem>>)
      %dma_wait3A_267 = arith.constant 0 : i32
      %dma_wait3A_268 = arith.constant 0 : i32
      %dma_wait3A_269 = tpu.memref_slice %arg5[%dma_wait3A_267, %dma_wait3A_268] : memref<10000x128xf32, #tpu.memory_space<hbm>> -> memref<128x128xf32, #tpu.memory_space<hbm>>
      %dma_wait3A_270 = arith.constant 0 : i32
      %dma_wait3A_271 = arith.constant 0 : i32
      %dma_wait3A_272 = tpu.memref_slice %arg5[%dma_wait3A_270, %dma_wait3A_271] : memref<10000x128xf32, #tpu.memory_space<hbm>> -> memref<128x128xf32, #tpu.memory_space<hbm>>
      tpu.wait_dma2 semaphore(%arg21 : memref<!tpu.dma_semaphore, #tpu.memory_space<semaphore_mem>>) src(%dma_wait3A_272 : memref<128x128xf32, #tpu.memory_space<hbm>>) dst(%arg16 : memref<128x128xf32, #tpu.memory_space<vmem>>)
      %parallel_loop3A_273 = arith.constant 0 : i32
      %parallel_loop3A_274 = arith.constant 128 : i32
      %parallel_loop3A_275 = arith.constant 1 : i32
      scf.for %parallel_loop3A_372 = %parallel_loop3A_273 to %parallel_loop3A_274 step %parallel_loop3A_275  : i32 {
        %parallel_loop3A_373 = vector.broadcast %parallel_loop3A_372 : i32 to vector<16xi32>
        %parallel_loop3A_374 = tpu.vector_load_idx %arg14[%parallel_loop3A_373] : memref<128xf32, #tpu.memory_space<vmem>>[vector<16xi32>], vector<16xf32>,
        %parallel_loop3A_375 = arith.index_cast %parallel_loop3A_372 : i32 to index
        %parallel_loop3A_376 = arith.constant 0 : index
        %parallel_loop3A_377 = tpu.vector_load %arg16[%parallel_loop3A_375, %parallel_loop3A_376] {strides = array<i32>} : memref<128x128xf32, #tpu.memory_space<vmem>>, vector<16xf32>,
        %parallel_loop3A_378 = arith.mulf %parallel_loop3A_377, %parallel_loop3A_374 : vector<16xf32>
        %parallel_loop3A_379 = arith.index_cast %parallel_loop3A_372 : i32 to index
        %parallel_loop3A_380 = arith.constant 0 : index
        %parallel_loop3A_381 = tpu.vector_load %arg16[%parallel_loop3A_379, %parallel_loop3A_380] {strides = array<i32>} : memref<128x128xf32, #tpu.memory_space<vmem>>, vector<16xf32>,
        tpu.vector_store %arg16[%parallel_loop3A_379, %parallel_loop3A_380], %parallel_loop3A_378 {strides = array<i32>} : memref<128x128xf32, #tpu.memory_space<vmem>>, vector<16xf32>,
        %parallel_loop3A_382 = arith.index_cast %parallel_loop3A_372 : i32 to index
        %parallel_loop3A_383 = arith.constant 16 : index
        %parallel_loop3A_384 = tpu.vector_load %arg16[%parallel_loop3A_382, %parallel_loop3A_383] {strides = array<i32>} : memref<128x128xf32, #tpu.memory_space<vmem>>, vector<16xf32>,
        %parallel_loop3A_385 = arith.mulf %parallel_loop3A_384, %parallel_loop3A_374 : vector<16xf32>
        %parallel_loop3A_386 = arith.index_cast %parallel_loop3A_372 : i32 to index
        %parallel_loop3A_387 = arith.constant 16 : index
        %parallel_loop3A_388 = tpu.vector_load %arg16[%parallel_loop3A_386, %parallel_loop3A_387] {strides = array<i32>} : memref<128x128xf32, #tpu.memory_space<vmem>>, vector<16xf32>,
        tpu.vector_store %arg16[%parallel_loop3A_386, %parallel_loop3A_387], %parallel_loop3A_385 {strides = array<i32>} : memref<128x128xf32, #tpu.memory_space<vmem>>, vector<16xf32>,
        %parallel_loop3A_389 = arith.index_cast %parallel_loop3A_372 : i32 to index
        %parallel_loop3A_390 = arith.constant 32 : index
        %parallel_loop3A_391 = tpu.vector_load %arg16[%parallel_loop3A_389, %parallel_loop3A_390] {strides = array<i32>} : memref<128x128xf32, #tpu.memory_space<vmem>>, vector<16xf32>,
        %parallel_loop3A_392 = arith.mulf %parallel_loop3A_391, %parallel_loop3A_374 : vector<16xf32>
        %parallel_loop3A_393 = arith.index_cast %parallel_loop3A_372 : i32 to index
        %parallel_loop3A_394 = arith.constant 32 : index
        %parallel_loop3A_395 = tpu.vector_load %arg16[%parallel_loop3A_393, %parallel_loop3A_394] {strides = array<i32>} : memref<128x128xf32, #tpu.memory_space<vmem>>, vector<16xf32>,
        tpu.vector_store %arg16[%parallel_loop3A_393, %parallel_loop3A_394], %parallel_loop3A_392 {strides = array<i32>} : memref<128x128xf32, #tpu.memory_space<vmem>>, vector<16xf32>,
        %parallel_loop3A_396 = arith.index_cast %parallel_loop3A_372 : i32 to index
        %parallel_loop3A_397 = arith.constant 48 : index
        %parallel_loop3A_398 = tpu.vector_load %arg16[%parallel_loop3A_396, %parallel_loop3A_397] {strides = array<i32>} : memref<128x128xf32, #tpu.memory_space<vmem>>, vector<16xf32>,
        %parallel_loop3A_399 = arith.mulf %parallel_loop3A_398, %parallel_loop3A_374 : vector<16xf32>
        %parallel_loop3A_400 = arith.index_cast %parallel_loop3A_372 : i32 to index
        %parallel_loop3A_401 = arith.constant 48 : index
        %parallel_loop3A_402 = tpu.vector_load %arg16[%parallel_loop3A_400, %parallel_loop3A_401] {strides = array<i32>} : memref<128x128xf32, #tpu.memory_space<vmem>>, vector<16xf32>,
        tpu.vector_store %arg16[%parallel_loop3A_400, %parallel_loop3A_401], %parallel_loop3A_399 {strides = array<i32>} : memref<128x128xf32, #tpu.memory_space<vmem>>, vector<16xf32>,
        %parallel_loop3A_403 = arith.index_cast %parallel_loop3A_372 : i32 to index
        %parallel_loop3A_404 = arith.constant 64 : index
        %parallel_loop3A_405 = tpu.vector_load %arg16[%parallel_loop3A_403, %parallel_loop3A_404] {strides = array<i32>} : memref<128x128xf32, #tpu.memory_space<vmem>>, vector<16xf32>,
        %parallel_loop3A_406 = arith.mulf %parallel_loop3A_405, %parallel_loop3A_374 : vector<16xf32>
        %parallel_loop3A_407 = arith.index_cast %parallel_loop3A_372 : i32 to index
        %parallel_loop3A_408 = arith.constant 64 : index
        %parallel_loop3A_409 = tpu.vector_load %arg16[%parallel_loop3A_407, %parallel_loop3A_408] {strides = array<i32>} : memref<128x128xf32, #tpu.memory_space<vmem>>, vector<16xf32>,
        tpu.vector_store %arg16[%parallel_loop3A_407, %parallel_loop3A_408], %parallel_loop3A_406 {strides = array<i32>} : memref<128x128xf32, #tpu.memory_space<vmem>>, vector<16xf32>,
        %parallel_loop3A_410 = arith.index_cast %parallel_loop3A_372 : i32 to index
        %parallel_loop3A_411 = arith.constant 80 : index
        %parallel_loop3A_412 = tpu.vector_load %arg16[%parallel_loop3A_410, %parallel_loop3A_411] {strides = array<i32>} : memref<128x128xf32, #tpu.memory_space<vmem>>, vector<16xf32>,
        %parallel_loop3A_413 = arith.mulf %parallel_loop3A_412, %parallel_loop3A_374 : vector<16xf32>
        %parallel_loop3A_414 = arith.index_cast %parallel_loop3A_372 : i32 to index
        %parallel_loop3A_415 = arith.constant 80 : index
        %parallel_loop3A_416 = tpu.vector_load %arg16[%parallel_loop3A_414, %parallel_loop3A_415] {strides = array<i32>} : memref<128x128xf32, #tpu.memory_space<vmem>>, vector<16xf32>,
        tpu.vector_store %arg16[%parallel_loop3A_414, %parallel_loop3A_415], %parallel_loop3A_413 {strides = array<i32>} : memref<128x128xf32, #tpu.memory_space<vmem>>, vector<16xf32>,
        %parallel_loop3A_417 = arith.index_cast %parallel_loop3A_372 : i32 to index
        %parallel_loop3A_418 = arith.constant 96 : index
        %parallel_loop3A_419 = tpu.vector_load %arg16[%parallel_loop3A_417, %parallel_loop3A_418] {strides = array<i32>} : memref<128x128xf32, #tpu.memory_space<vmem>>, vector<16xf32>,
        %parallel_loop3A_420 = arith.mulf %parallel_loop3A_419, %parallel_loop3A_374 : vector<16xf32>
        %parallel_loop3A_421 = arith.index_cast %parallel_loop3A_372 : i32 to index
        %parallel_loop3A_422 = arith.constant 96 : index
        %parallel_loop3A_423 = tpu.vector_load %arg16[%parallel_loop3A_421, %parallel_loop3A_422] {strides = array<i32>} : memref<128x128xf32, #tpu.memory_space<vmem>>, vector<16xf32>,
        tpu.vector_store %arg16[%parallel_loop3A_421, %parallel_loop3A_422], %parallel_loop3A_420 {strides = array<i32>} : memref<128x128xf32, #tpu.memory_space<vmem>>, vector<16xf32>,
        %parallel_loop3A_424 = arith.index_cast %parallel_loop3A_372 : i32 to index
        %parallel_loop3A_425 = arith.constant 112 : index
        %parallel_loop3A_426 = tpu.vector_load %arg16[%parallel_loop3A_424, %parallel_loop3A_425] {strides = array<i32>} : memref<128x128xf32, #tpu.memory_space<vmem>>, vector<16xf32>,
        %parallel_loop3A_427 = arith.mulf %parallel_loop3A_426, %parallel_loop3A_374 : vector<16xf32>
        %parallel_loop3A_428 = arith.index_cast %parallel_loop3A_372 : i32 to index
        %parallel_loop3A_429 = arith.constant 112 : index
        %parallel_loop3A_430 = tpu.vector_load %arg16[%parallel_loop3A_428, %parallel_loop3A_429] {strides = array<i32>} : memref<128x128xf32, #tpu.memory_space<vmem>>, vector<16xf32>,
        tpu.vector_store %arg16[%parallel_loop3A_428, %parallel_loop3A_429], %parallel_loop3A_427 {strides = array<i32>} : memref<128x128xf32, #tpu.memory_space<vmem>>, vector<16xf32>,
      } {sc.loop_unroll_factor = 4 : i64, sc.parallel_access}
      %dma_start3A_276 = arith.constant 0 : i32
      %dma_start3A_277 = arith.constant 0 : i32
      %dma_start3A_278 = tpu.memref_slice %arg18[%dma_start3A_276, %dma_start3A_277] : memref<10112x128xf32, #tpu.memory_space<vmem_shared>> -> memref<10112x128xf32, #tpu.memory_space<vmem_shared>>
      tpu.enqueue_indirect_dma source(%arg16 : memref<128x128xf32, #tpu.memory_space<vmem>>) target(%dma_start3A_278 : memref<10112x128xf32, #tpu.memory_space<vmem_shared>>) offsets(%arg12 : memref<128xi32, #tpu.memory_space<vmem>>) semaphore(%arg23 : memref<!tpu.dma_semaphore, #tpu.memory_space<semaphore_mem>>) {add = true}
      %add3A_279 = arith.constant 2 : i32
      %add3A_280 = arith.addi %add3A_237, %add3A_279 : i32
      %dma_start3A_281 = arith.constant 0 : i32
      %dma_start3A_282 = tpu.memref_slice %arg2[%arg0, %arg1, %add3A_280, %dma_start3A_281] : memref<2x16x106x128xi32, #tpu.memory_space<hbm>> -> memref<1x1x1x128xi32, #tpu.memory_space<hbm>>
      %dma_start3A_283 = tpu.memref_squeeze %dma_start3A_282 : memref<1x1x1x128xi32, #tpu.memory_space<hbm>> -> memref<128xi32, #tpu.memory_space<hbm>>
      %dma_start3A_284 = arith.constant 0 : i32
      %dma_start3A_285 = tpu.memref_slice %arg2[%arg0, %arg1, %add3A_280, %dma_start3A_284] : memref<2x16x106x128xi32, #tpu.memory_space<hbm>> -> memref<1x1x1x128xi32, #tpu.memory_space<hbm>>
      %dma_start3A_286 = tpu.memref_squeeze %dma_start3A_285 : memref<1x1x1x128xi32, #tpu.memory_space<hbm>> -> memref<128xi32, #tpu.memory_space<hbm>>
      tpu.enqueue_dma source(%dma_start3A_286 : memref<128xi32, #tpu.memory_space<hbm>>) target(%arg8 : memref<128xi32, #tpu.memory_space<vmem>>) target_semaphore(%arg19 : memref<!tpu.dma_semaphore, #tpu.memory_space<semaphore_mem>>)
      %add3A_287 = arith.constant 2 : i32
      %add3A_288 = arith.addi %add3A_237, %add3A_287 : i32
      %dma_start3A_289 = arith.constant 0 : i32
      %dma_start3A_290 = tpu.memref_slice %arg4[%arg0, %arg1, %add3A_288, %dma_start3A_289] : memref<2x16x106x128xf32, #tpu.memory_space<hbm>> -> memref<1x1x1x128xf32, #tpu.memory_space<hbm>>
      %dma_start3A_291 = tpu.memref_squeeze %dma_start3A_290 : memref<1x1x1x128xf32, #tpu.memory_space<hbm>> -> memref<128xf32, #tpu.memory_space<hbm>>
      %dma_start3A_292 = arith.constant 0 : i32
      %dma_start3A_293 = tpu.memref_slice %arg4[%arg0, %arg1, %add3A_288, %dma_start3A_292] : memref<2x16x106x128xf32, #tpu.memory_space<hbm>> -> memref<1x1x1x128xf32, #tpu.memory_space<hbm>>
      %dma_start3A_294 = tpu.memref_squeeze %dma_start3A_293 : memref<1x1x1x128xf32, #tpu.memory_space<hbm>> -> memref<128xf32, #tpu.memory_space<hbm>>
      tpu.enqueue_dma source(%dma_start3A_294 : memref<128xf32, #tpu.memory_space<hbm>>) target(%arg14 : memref<128xf32, #tpu.memory_space<vmem>>) target_semaphore(%arg19 : memref<!tpu.dma_semaphore, #tpu.memory_space<semaphore_mem>>)
      %add3A_295 = arith.constant 2 : i32
      %add3A_296 = arith.addi %add3A_237, %add3A_295 : i32
      %dma_start3A_297 = arith.constant 0 : i32
      %dma_start3A_298 = tpu.memref_slice %arg3[%arg0, %arg1, %add3A_296, %dma_start3A_297] : memref<2x16x106x128xi32, #tpu.memory_space<hbm>> -> memref<1x1x1x128xi32, #tpu.memory_space<hbm>>
      %dma_start3A_299 = tpu.memref_squeeze %dma_start3A_298 : memref<1x1x1x128xi32, #tpu.memory_space<hbm>> -> memref<128xi32, #tpu.memory_space<hbm>>
      %dma_start3A_300 = arith.constant 0 : i32
      %dma_start3A_301 = tpu.memref_slice %arg3[%arg0, %arg1, %add3A_296, %dma_start3A_300] : memref<2x16x106x128xi32, #tpu.memory_space<hbm>> -> memref<1x1x1x128xi32, #tpu.memory_space<hbm>>
      %dma_start3A_302 = tpu.memref_squeeze %dma_start3A_301 : memref<1x1x1x128xi32, #tpu.memory_space<hbm>> -> memref<128xi32, #tpu.memory_space<hbm>>
      tpu.enqueue_dma source(%dma_start3A_302 : memref<128xi32, #tpu.memory_space<hbm>>) target(%arg10 : memref<128xi32, #tpu.memory_space<vmem>>) target_semaphore(%arg19 : memref<!tpu.dma_semaphore, #tpu.memory_space<semaphore_mem>>)
      %mul3A_303 = arith.constant 4 : i32
      %mul3A_304 = arith.muli %add3A_99, %mul3A_303 : i32
      %add3A_305 = arith.constant 3 : i32
      %add3A_306 = arith.addi %mul3A_304, %add3A_305 : i32
      %dma_wait3A_307 = arith.constant 0 : i32
      %dma_wait3A_308 = arith.constant 0 : i32
      %dma_wait3A_309 = tpu.memref_slice %arg2[%arg0, %arg1, %dma_wait3A_307, %dma_wait3A_308] : memref<2x16x106x128xi32, #tpu.memory_space<hbm>> -> memref<1x1x1x128xi32, #tpu.memory_space<hbm>>
      %dma_wait3A_310 = tpu.memref_squeeze %dma_wait3A_309 : memref<1x1x1x128xi32, #tpu.memory_space<hbm>> -> memref<128xi32, #tpu.memory_space<hbm>>
      %dma_wait3A_311 = arith.constant 0 : i32
      %dma_wait3A_312 = tpu.memref_slice %arg2[%arg0, %arg1, %dma_wait3A_307, %dma_wait3A_311] : memref<2x16x106x128xi32, #tpu.memory_space<hbm>> -> memref<1x1x1x128xi32, #tpu.memory_space<hbm>>
      %dma_wait3A_313 = tpu.memref_squeeze %dma_wait3A_312 : memref<1x1x1x128xi32, #tpu.memory_space<hbm>> -> memref<128xi32, #tpu.memory_space<hbm>>
      tpu.wait_dma2 semaphore(%arg19 : memref<!tpu.dma_semaphore, #tpu.memory_space<semaphore_mem>>) src(%dma_wait3A_313 : memref<128xi32, #tpu.memory_space<hbm>>) dst(%arg8 : memref<128xi32, #tpu.memory_space<vmem>>)
      %dma_wait3A_314 = arith.constant 0 : i32
      %dma_wait3A_315 = arith.constant 0 : i32
      %dma_wait3A_316 = tpu.memref_slice %arg4[%arg0, %arg1, %dma_wait3A_314, %dma_wait3A_315] : memref<2x16x106x128xf32, #tpu.memory_space<hbm>> -> memref<1x1x1x128xf32, #tpu.memory_space<hbm>>
      %dma_wait3A_317 = tpu.memref_squeeze %dma_wait3A_316 : memref<1x1x1x128xf32, #tpu.memory_space<hbm>> -> memref<128xf32, #tpu.memory_space<hbm>>
      %dma_wait3A_318 = arith.constant 0 : i32
      %dma_wait3A_319 = tpu.memref_slice %arg4[%arg0, %arg1, %dma_wait3A_314, %dma_wait3A_318] : memref<2x16x106x128xf32, #tpu.memory_space<hbm>> -> memref<1x1x1x128xf32, #tpu.memory_space<hbm>>
      %dma_wait3A_320 = tpu.memref_squeeze %dma_wait3A_319 : memref<1x1x1x128xf32, #tpu.memory_space<hbm>> -> memref<128xf32, #tpu.memory_space<hbm>>
      tpu.wait_dma2 semaphore(%arg19 : memref<!tpu.dma_semaphore, #tpu.memory_space<semaphore_mem>>) src(%dma_wait3A_320 : memref<128xf32, #tpu.memory_space<hbm>>) dst(%arg14 : memref<128xf32, #tpu.memory_space<vmem>>)
      %dma_wait3A_321 = arith.constant 0 : i32
      %dma_wait3A_322 = arith.constant 0 : i32
      %dma_wait3A_323 = tpu.memref_slice %arg3[%arg0, %arg1, %dma_wait3A_321, %dma_wait3A_322] : memref<2x16x106x128xi32, #tpu.memory_space<hbm>> -> memref<1x1x1x128xi32, #tpu.memory_space<hbm>>
      %dma_wait3A_324 = tpu.memref_squeeze %dma_wait3A_323 : memref<1x1x1x128xi32, #tpu.memory_space<hbm>> -> memref<128xi32, #tpu.memory_space<hbm>>
      %dma_wait3A_325 = arith.constant 0 : i32
      %dma_wait3A_326 = tpu.memref_slice %arg3[%arg0, %arg1, %dma_wait3A_321, %dma_wait3A_325] : memref<2x16x106x128xi32, #tpu.memory_space<hbm>> -> memref<1x1x1x128xi32, #tpu.memory_space<hbm>>
      %dma_wait3A_327 = tpu.memref_squeeze %dma_wait3A_326 : memref<1x1x1x128xi32, #tpu.memory_space<hbm>> -> memref<128xi32, #tpu.memory_space<hbm>>
      tpu.wait_dma2 semaphore(%arg19 : memref<!tpu.dma_semaphore, #tpu.memory_space<semaphore_mem>>) src(%dma_wait3A_327 : memref<128xi32, #tpu.memory_space<hbm>>) dst(%arg10 : memref<128xi32, #tpu.memory_space<vmem>>)
      %ge3A_328 = arith.constant 1 : i32
      %ge3A_329 = arith.cmpi sge, %add3A_306, %ge3A_328 : i32
      %convert_element_type3A_330 = arith.extui %ge3A_329 : i1 to i32
      %cond3A_331 = arith.constant 0 : i32
      %cond3A_332 = arith.cmpi ne, %convert_element_type3A_330, %cond3A_331 : i32
      scf.if %cond3A_332 {
        %dma_wait3A_372 = arith.constant 0 : i32
        %dma_wait3A_373 = arith.constant 0 : i32
        %dma_wait3A_374 = tpu.memref_slice %arg18[%dma_wait3A_372, %dma_wait3A_373] : memref<10112x128xf32, #tpu.memory_space<vmem_shared>> -> memref<10112x128xf32, #tpu.memory_space<vmem_shared>>
        tpu.wait_indirect_dma semaphore(%arg23 : memref<!tpu.dma_semaphore, #tpu.memory_space<semaphore_mem>>) src(%arg16 : memref<128x128xf32, #tpu.memory_space<vmem>>) dst(%dma_wait3A_374 : memref<10112x128xf32, #tpu.memory_space<vmem_shared>>)
      } else {
      }
      %dma_start3A_333 = arith.constant 0 : i32
      %dma_start3A_334 = arith.constant 0 : i32
      %dma_start3A_335 = tpu.memref_slice %arg5[%dma_start3A_333, %dma_start3A_334] : memref<10000x128xf32, #tpu.memory_space<hbm>> -> memref<10000x128xf32, #tpu.memory_space<hbm>>
      tpu.enqueue_indirect_dma source(%dma_start3A_335 : memref<10000x128xf32, #tpu.memory_space<hbm>>) target(%arg16 : memref<128x128xf32, #tpu.memory_space<vmem>>) offsets(%arg8 : memref<128xi32, #tpu.memory_space<vmem>>) semaphore(%arg21 : memref<!tpu.dma_semaphore, #tpu.memory_space<semaphore_mem>>)
      %dma_wait3A_336 = arith.constant 0 : i32
      %dma_wait3A_337 = arith.constant 0 : i32
      %dma_wait3A_338 = tpu.memref_slice %arg5[%dma_wait3A_336, %dma_wait3A_337] : memref<10000x128xf32, #tpu.memory_space<hbm>> -> memref<128x128xf32, #tpu.memory_space<hbm>>
      %dma_wait3A_339 = arith.constant 0 : i32
      %dma_wait3A_340 = arith.constant 0 : i32
      %dma_wait3A_341 = tpu.memref_slice %arg5[%dma_wait3A_339, %dma_wait3A_340] : memref<10000x128xf32, #tpu.memory_space<hbm>> -> memref<128x128xf32, #tpu.memory_space<hbm>>
      tpu.wait_dma2 semaphore(%arg22 : memref<!tpu.dma_semaphore, #tpu.memory_space<semaphore_mem>>) src(%dma_wait3A_341 : memref<128x128xf32, #tpu.memory_space<hbm>>) dst(%arg17 : memref<128x128xf32, #tpu.memory_space<vmem>>)
      %parallel_loop3A_342 = arith.constant 0 : i32
      %parallel_loop3A_343 = arith.constant 128 : i32
      %parallel_loop3A_344 = arith.constant 1 : i32
      scf.for %parallel_loop3A_372 = %parallel_loop3A_342 to %parallel_loop3A_343 step %parallel_loop3A_344  : i32 {
        %parallel_loop3A_373 = vector.broadcast %parallel_loop3A_372 : i32 to vector<16xi32>
        %parallel_loop3A_374 = tpu.vector_load_idx %arg15[%parallel_loop3A_373] : memref<128xf32, #tpu.memory_space<vmem>>[vector<16xi32>], vector<16xf32>,
        %parallel_loop3A_375 = arith.index_cast %parallel_loop3A_372 : i32 to index
        %parallel_loop3A_376 = arith.constant 0 : index
        %parallel_loop3A_377 = tpu.vector_load %arg17[%parallel_loop3A_375, %parallel_loop3A_376] {strides = array<i32>} : memref<128x128xf32, #tpu.memory_space<vmem>>, vector<16xf32>,
        %parallel_loop3A_378 = arith.mulf %parallel_loop3A_377, %parallel_loop3A_374 : vector<16xf32>
        %parallel_loop3A_379 = arith.index_cast %parallel_loop3A_372 : i32 to index
        %parallel_loop3A_380 = arith.constant 0 : index
        %parallel_loop3A_381 = tpu.vector_load %arg17[%parallel_loop3A_379, %parallel_loop3A_380] {strides = array<i32>} : memref<128x128xf32, #tpu.memory_space<vmem>>, vector<16xf32>,
        tpu.vector_store %arg17[%parallel_loop3A_379, %parallel_loop3A_380], %parallel_loop3A_378 {strides = array<i32>} : memref<128x128xf32, #tpu.memory_space<vmem>>, vector<16xf32>,
        %parallel_loop3A_382 = arith.index_cast %parallel_loop3A_372 : i32 to index
        %parallel_loop3A_383 = arith.constant 16 : index
        %parallel_loop3A_384 = tpu.vector_load %arg17[%parallel_loop3A_382, %parallel_loop3A_383] {strides = array<i32>} : memref<128x128xf32, #tpu.memory_space<vmem>>, vector<16xf32>,
        %parallel_loop3A_385 = arith.mulf %parallel_loop3A_384, %parallel_loop3A_374 : vector<16xf32>
        %parallel_loop3A_386 = arith.index_cast %parallel_loop3A_372 : i32 to index
        %parallel_loop3A_387 = arith.constant 16 : index
        %parallel_loop3A_388 = tpu.vector_load %arg17[%parallel_loop3A_386, %parallel_loop3A_387] {strides = array<i32>} : memref<128x128xf32, #tpu.memory_space<vmem>>, vector<16xf32>,
        tpu.vector_store %arg17[%parallel_loop3A_386, %parallel_loop3A_387], %parallel_loop3A_385 {strides = array<i32>} : memref<128x128xf32, #tpu.memory_space<vmem>>, vector<16xf32>,
        %parallel_loop3A_389 = arith.index_cast %parallel_loop3A_372 : i32 to index
        %parallel_loop3A_390 = arith.constant 32 : index
        %parallel_loop3A_391 = tpu.vector_load %arg17[%parallel_loop3A_389, %parallel_loop3A_390] {strides = array<i32>} : memref<128x128xf32, #tpu.memory_space<vmem>>, vector<16xf32>,
        %parallel_loop3A_392 = arith.mulf %parallel_loop3A_391, %parallel_loop3A_374 : vector<16xf32>
        %parallel_loop3A_393 = arith.index_cast %parallel_loop3A_372 : i32 to index
        %parallel_loop3A_394 = arith.constant 32 : index
        %parallel_loop3A_395 = tpu.vector_load %arg17[%parallel_loop3A_393, %parallel_loop3A_394] {strides = array<i32>} : memref<128x128xf32, #tpu.memory_space<vmem>>, vector<16xf32>,
        tpu.vector_store %arg17[%parallel_loop3A_393, %parallel_loop3A_394], %parallel_loop3A_392 {strides = array<i32>} : memref<128x128xf32, #tpu.memory_space<vmem>>, vector<16xf32>,
        %parallel_loop3A_396 = arith.index_cast %parallel_loop3A_372 : i32 to index
        %parallel_loop3A_397 = arith.constant 48 : index
        %parallel_loop3A_398 = tpu.vector_load %arg17[%parallel_loop3A_396, %parallel_loop3A_397] {strides = array<i32>} : memref<128x128xf32, #tpu.memory_space<vmem>>, vector<16xf32>,
        %parallel_loop3A_399 = arith.mulf %parallel_loop3A_398, %parallel_loop3A_374 : vector<16xf32>
        %parallel_loop3A_400 = arith.index_cast %parallel_loop3A_372 : i32 to index
        %parallel_loop3A_401 = arith.constant 48 : index
        %parallel_loop3A_402 = tpu.vector_load %arg17[%parallel_loop3A_400, %parallel_loop3A_401] {strides = array<i32>} : memref<128x128xf32, #tpu.memory_space<vmem>>, vector<16xf32>,
        tpu.vector_store %arg17[%parallel_loop3A_400, %parallel_loop3A_401], %parallel_loop3A_399 {strides = array<i32>} : memref<128x128xf32, #tpu.memory_space<vmem>>, vector<16xf32>,
        %parallel_loop3A_403 = arith.index_cast %parallel_loop3A_372 : i32 to index
        %parallel_loop3A_404 = arith.constant 64 : index
        %parallel_loop3A_405 = tpu.vector_load %arg17[%parallel_loop3A_403, %parallel_loop3A_404] {strides = array<i32>} : memref<128x128xf32, #tpu.memory_space<vmem>>, vector<16xf32>,
        %parallel_loop3A_406 = arith.mulf %parallel_loop3A_405, %parallel_loop3A_374 : vector<16xf32>
        %parallel_loop3A_407 = arith.index_cast %parallel_loop3A_372 : i32 to index
        %parallel_loop3A_408 = arith.constant 64 : index
        %parallel_loop3A_409 = tpu.vector_load %arg17[%parallel_loop3A_407, %parallel_loop3A_408] {strides = array<i32>} : memref<128x128xf32, #tpu.memory_space<vmem>>, vector<16xf32>,
        tpu.vector_store %arg17[%parallel_loop3A_407, %parallel_loop3A_408], %parallel_loop3A_406 {strides = array<i32>} : memref<128x128xf32, #tpu.memory_space<vmem>>, vector<16xf32>,
        %parallel_loop3A_410 = arith.index_cast %parallel_loop3A_372 : i32 to index
        %parallel_loop3A_411 = arith.constant 80 : index
        %parallel_loop3A_412 = tpu.vector_load %arg17[%parallel_loop3A_410, %parallel_loop3A_411] {strides = array<i32>} : memref<128x128xf32, #tpu.memory_space<vmem>>, vector<16xf32>,
        %parallel_loop3A_413 = arith.mulf %parallel_loop3A_412, %parallel_loop3A_374 : vector<16xf32>
        %parallel_loop3A_414 = arith.index_cast %parallel_loop3A_372 : i32 to index
        %parallel_loop3A_415 = arith.constant 80 : index
        %parallel_loop3A_416 = tpu.vector_load %arg17[%parallel_loop3A_414, %parallel_loop3A_415] {strides = array<i32>} : memref<128x128xf32, #tpu.memory_space<vmem>>, vector<16xf32>,
        tpu.vector_store %arg17[%parallel_loop3A_414, %parallel_loop3A_415], %parallel_loop3A_413 {strides = array<i32>} : memref<128x128xf32, #tpu.memory_space<vmem>>, vector<16xf32>,
        %parallel_loop3A_417 = arith.index_cast %parallel_loop3A_372 : i32 to index
        %parallel_loop3A_418 = arith.constant 96 : index
        %parallel_loop3A_419 = tpu.vector_load %arg17[%parallel_loop3A_417, %parallel_loop3A_418] {strides = array<i32>} : memref<128x128xf32, #tpu.memory_space<vmem>>, vector<16xf32>,
        %parallel_loop3A_420 = arith.mulf %parallel_loop3A_419, %parallel_loop3A_374 : vector<16xf32>
        %parallel_loop3A_421 = arith.index_cast %parallel_loop3A_372 : i32 to index
        %parallel_loop3A_422 = arith.constant 96 : index
        %parallel_loop3A_423 = tpu.vector_load %arg17[%parallel_loop3A_421, %parallel_loop3A_422] {strides = array<i32>} : memref<128x128xf32, #tpu.memory_space<vmem>>, vector<16xf32>,
        tpu.vector_store %arg17[%parallel_loop3A_421, %parallel_loop3A_422], %parallel_loop3A_420 {strides = array<i32>} : memref<128x128xf32, #tpu.memory_space<vmem>>, vector<16xf32>,
        %parallel_loop3A_424 = arith.index_cast %parallel_loop3A_372 : i32 to index
        %parallel_loop3A_425 = arith.constant 112 : index
        %parallel_loop3A_426 = tpu.vector_load %arg17[%parallel_loop3A_424, %parallel_loop3A_425] {strides = array<i32>} : memref<128x128xf32, #tpu.memory_space<vmem>>, vector<16xf32>,
        %parallel_loop3A_427 = arith.mulf %parallel_loop3A_426, %parallel_loop3A_374 : vector<16xf32>
        %parallel_loop3A_428 = arith.index_cast %parallel_loop3A_372 : i32 to index
        %parallel_loop3A_429 = arith.constant 112 : index
        %parallel_loop3A_430 = tpu.vector_load %arg17[%parallel_loop3A_428, %parallel_loop3A_429] {strides = array<i32>} : memref<128x128xf32, #tpu.memory_space<vmem>>, vector<16xf32>,
        tpu.vector_store %arg17[%parallel_loop3A_428, %parallel_loop3A_429], %parallel_loop3A_427 {strides = array<i32>} : memref<128x128xf32, #tpu.memory_space<vmem>>, vector<16xf32>,
      } {sc.loop_unroll_factor = 4 : i64, sc.parallel_access}
      %dma_start3A_345 = arith.constant 0 : i32
      %dma_start3A_346 = arith.constant 0 : i32
      %dma_start3A_347 = tpu.memref_slice %arg18[%dma_start3A_345, %dma_start3A_346] : memref<10112x128xf32, #tpu.memory_space<vmem_shared>> -> memref<10112x128xf32, #tpu.memory_space<vmem_shared>>
      tpu.enqueue_indirect_dma source(%arg17 : memref<128x128xf32, #tpu.memory_space<vmem>>) target(%dma_start3A_347 : memref<10112x128xf32, #tpu.memory_space<vmem_shared>>) offsets(%arg13 : memref<128xi32, #tpu.memory_space<vmem>>) semaphore(%arg24 : memref<!tpu.dma_semaphore, #tpu.memory_space<semaphore_mem>>) {add = true}
      %add3A_348 = arith.constant 2 : i32
      %add3A_349 = arith.addi %add3A_306, %add3A_348 : i32
      %dma_start3A_350 = arith.constant 0 : i32
      %dma_start3A_351 = tpu.memref_slice %arg2[%arg0, %arg1, %add3A_349, %dma_start3A_350] : memref<2x16x106x128xi32, #tpu.memory_space<hbm>> -> memref<1x1x1x128xi32, #tpu.memory_space<hbm>>
      %dma_start3A_352 = tpu.memref_squeeze %dma_start3A_351 : memref<1x1x1x128xi32, #tpu.memory_space<hbm>> -> memref<128xi32, #tpu.memory_space<hbm>>
      %dma_start3A_353 = arith.constant 0 : i32
      %dma_start3A_354 = tpu.memref_slice %arg2[%arg0, %arg1, %add3A_349, %dma_start3A_353] : memref<2x16x106x128xi32, #tpu.memory_space<hbm>> -> memref<1x1x1x128xi32, #tpu.memory_space<hbm>>
      %dma_start3A_355 = tpu.memref_squeeze %dma_start3A_354 : memref<1x1x1x128xi32, #tpu.memory_space<hbm>> -> memref<128xi32, #tpu.memory_space<hbm>>
      tpu.enqueue_dma source(%dma_start3A_355 : memref<128xi32, #tpu.memory_space<hbm>>) target(%arg9 : memref<128xi32, #tpu.memory_space<vmem>>) target_semaphore(%arg20 : memref<!tpu.dma_semaphore, #tpu.memory_space<semaphore_mem>>)
      %add3A_356 = arith.constant 2 : i32
      %add3A_357 = arith.addi %add3A_306, %add3A_356 : i32
      %dma_start3A_358 = arith.constant 0 : i32
      %dma_start3A_359 = tpu.memref_slice %arg4[%arg0, %arg1, %add3A_357, %dma_start3A_358] : memref<2x16x106x128xf32, #tpu.memory_space<hbm>> -> memref<1x1x1x128xf32, #tpu.memory_space<hbm>>
      %dma_start3A_360 = tpu.memref_squeeze %dma_start3A_359 : memref<1x1x1x128xf32, #tpu.memory_space<hbm>> -> memref<128xf32, #tpu.memory_space<hbm>>
      %dma_start3A_361 = arith.constant 0 : i32
      %dma_start3A_362 = tpu.memref_slice %arg4[%arg0, %arg1, %add3A_357, %dma_start3A_361] : memref<2x16x106x128xf32, #tpu.memory_space<hbm>> -> memref<1x1x1x128xf32, #tpu.memory_space<hbm>>
      %dma_start3A_363 = tpu.memref_squeeze %dma_start3A_362 : memref<1x1x1x128xf32, #tpu.memory_space<hbm>> -> memref<128xf32, #tpu.memory_space<hbm>>
      tpu.enqueue_dma source(%dma_start3A_363 : memref<128xf32, #tpu.memory_space<hbm>>) target(%arg15 : memref<128xf32, #tpu.memory_space<vmem>>) target_semaphore(%arg20 : memref<!tpu.dma_semaphore, #tpu.memory_space<semaphore_mem>>)
      %add3A_364 = arith.constant 2 : i32
      %add3A_365 = arith.addi %add3A_306, %add3A_364 : i32
      %dma_start3A_366 = arith.constant 0 : i32
      %dma_start3A_367 = tpu.memref_slice %arg3[%arg0, %arg1, %add3A_365, %dma_start3A_366] : memref<2x16x106x128xi32, #tpu.memory_space<hbm>> -> memref<1x1x1x128xi32, #tpu.memory_space<hbm>>
      %dma_start3A_368 = tpu.memref_squeeze %dma_start3A_367 : memref<1x1x1x128xi32, #tpu.memory_space<hbm>> -> memref<128xi32, #tpu.memory_space<hbm>>
      %dma_start3A_369 = arith.constant 0 : i32
      %dma_start3A_370 = tpu.memref_slice %arg3[%arg0, %arg1, %add3A_365, %dma_start3A_369] : memref<2x16x106x128xi32, #tpu.memory_space<hbm>> -> memref<1x1x1x128xi32, #tpu.memory_space<hbm>>
      %dma_start3A_371 = tpu.memref_squeeze %dma_start3A_370 : memref<1x1x1x128xi32, #tpu.memory_space<hbm>> -> memref<128xi32, #tpu.memory_space<hbm>>
      tpu.enqueue_dma source(%dma_start3A_371 : memref<128xi32, #tpu.memory_space<hbm>>) target(%arg11 : memref<128xi32, #tpu.memory_space<vmem>>) target_semaphore(%arg20 : memref<!tpu.dma_semaphore, #tpu.memory_space<semaphore_mem>>)
    }
    %dma_wait3A = arith.constant 0 : i32
    %dma_wait3A_63 = arith.constant 0 : i32
    %dma_wait3A_64 = tpu.memref_slice %arg18[%dma_wait3A, %dma_wait3A_63] : memref<10112x128xf32, #tpu.memory_space<vmem_shared>> -> memref<10112x128xf32, #tpu.memory_space<vmem_shared>>
    tpu.wait_indirect_dma semaphore(%arg24 : memref<!tpu.dma_semaphore, #tpu.memory_space<semaphore_mem>>) src(%arg17 : memref<128x128xf32, #tpu.memory_space<vmem>>) dst(%dma_wait3A_64 : memref<10112x128xf32, #tpu.memory_space<vmem_shared>>)
    %dma_wait3A_65 = arith.constant 0 : i32
    %dma_wait3A_66 = arith.constant 0 : i32
    %dma_wait3A_67 = tpu.memref_slice %arg5[%dma_wait3A_65, %dma_wait3A_66] : memref<10000x128xf32, #tpu.memory_space<hbm>> -> memref<128x128xf32, #tpu.memory_space<hbm>>
    %dma_wait3A_68 = arith.constant 0 : i32
    %dma_wait3A_69 = arith.constant 0 : i32
    %dma_wait3A_70 = tpu.memref_slice %arg5[%dma_wait3A_68, %dma_wait3A_69] : memref<10000x128xf32, #tpu.memory_space<hbm>> -> memref<128x128xf32, #tpu.memory_space<hbm>>
    tpu.wait_dma2 semaphore(%arg21 : memref<!tpu.dma_semaphore, #tpu.memory_space<semaphore_mem>>) src(%dma_wait3A_70 : memref<128x128xf32, #tpu.memory_space<hbm>>) dst(%arg16 : memref<128x128xf32, #tpu.memory_space<vmem>>)
    %dma_wait3A_71 = arith.constant 0 : i32
    %dma_wait3A_72 = arith.constant 0 : i32
    %dma_wait3A_73 = tpu.memref_slice %arg2[%arg0, %arg1, %dma_wait3A_71, %dma_wait3A_72] : memref<2x16x106x128xi32, #tpu.memory_space<hbm>> -> memref<1x1x1x128xi32, #tpu.memory_space<hbm>>
    %dma_wait3A_74 = tpu.memref_squeeze %dma_wait3A_73 : memref<1x1x1x128xi32, #tpu.memory_space<hbm>> -> memref<128xi32, #tpu.memory_space<hbm>>
    %dma_wait3A_75 = arith.constant 0 : i32
    %dma_wait3A_76 = tpu.memref_slice %arg2[%arg0, %arg1, %dma_wait3A_71, %dma_wait3A_75] : memref<2x16x106x128xi32, #tpu.memory_space<hbm>> -> memref<1x1x1x128xi32, #tpu.memory_space<hbm>>
    %dma_wait3A_77 = tpu.memref_squeeze %dma_wait3A_76 : memref<1x1x1x128xi32, #tpu.memory_space<hbm>> -> memref<128xi32, #tpu.memory_space<hbm>>
    tpu.wait_dma2 semaphore(%arg20 : memref<!tpu.dma_semaphore, #tpu.memory_space<semaphore_mem>>) src(%dma_wait3A_77 : memref<128xi32, #tpu.memory_space<hbm>>) dst(%arg9 : memref<128xi32, #tpu.memory_space<vmem>>)
    %dma_wait3A_78 = arith.constant 0 : i32
    %dma_wait3A_79 = arith.constant 0 : i32
    %dma_wait3A_80 = tpu.memref_slice %arg4[%arg0, %arg1, %dma_wait3A_78, %dma_wait3A_79] : memref<2x16x106x128xf32, #tpu.memory_space<hbm>> -> memref<1x1x1x128xf32, #tpu.memory_space<hbm>>
    %dma_wait3A_81 = tpu.memref_squeeze %dma_wait3A_80 : memref<1x1x1x128xf32, #tpu.memory_space<hbm>> -> memref<128xf32, #tpu.memory_space<hbm>>
    %dma_wait3A_82 = arith.constant 0 : i32
    %dma_wait3A_83 = tpu.memref_slice %arg4[%arg0, %arg1, %dma_wait3A_78, %dma_wait3A_82] : memref<2x16x106x128xf32, #tpu.memory_space<hbm>> -> memref<1x1x1x128xf32, #tpu.memory_space<hbm>>
    %dma_wait3A_84 = tpu.memref_squeeze %dma_wait3A_83 : memref<1x1x1x128xf32, #tpu.memory_space<hbm>> -> memref<128xf32, #tpu.memory_space<hbm>>
    tpu.wait_dma2 semaphore(%arg20 : memref<!tpu.dma_semaphore, #tpu.memory_space<semaphore_mem>>) src(%dma_wait3A_84 : memref<128xf32, #tpu.memory_space<hbm>>) dst(%arg15 : memref<128xf32, #tpu.memory_space<vmem>>)
    %dma_wait3A_85 = arith.constant 0 : i32
    %dma_wait3A_86 = arith.constant 0 : i32
    %dma_wait3A_87 = tpu.memref_slice %arg3[%arg0, %arg1, %dma_wait3A_85, %dma_wait3A_86] : memref<2x16x106x128xi32, #tpu.memory_space<hbm>> -> memref<1x1x1x128xi32, #tpu.memory_space<hbm>>
    %dma_wait3A_88 = tpu.memref_squeeze %dma_wait3A_87 : memref<1x1x1x128xi32, #tpu.memory_space<hbm>> -> memref<128xi32, #tpu.memory_space<hbm>>
    %dma_wait3A_89 = arith.constant 0 : i32
    %dma_wait3A_90 = tpu.memref_slice %arg3[%arg0, %arg1, %dma_wait3A_85, %dma_wait3A_89] : memref<2x16x106x128xi32, #tpu.memory_space<hbm>> -> memref<1x1x1x128xi32, #tpu.memory_space<hbm>>
    %dma_wait3A_91 = tpu.memref_squeeze %dma_wait3A_90 : memref<1x1x1x128xi32, #tpu.memory_space<hbm>> -> memref<128xi32, #tpu.memory_space<hbm>>
    tpu.wait_dma2 semaphore(%arg20 : memref<!tpu.dma_semaphore, #tpu.memory_space<semaphore_mem>>) src(%dma_wait3A_91 : memref<128xi32, #tpu.memory_space<hbm>>) dst(%arg13 : memref<128xi32, #tpu.memory_space<vmem>>)
    %barrier3A_92 = arith.constant 0 : index
    tpu.barrier barrier_id(%barrier3A_92)
    %mul3A_93 = arith.constant 632 : i32
    %mul3A_94 = arith.muli %arg1, %mul3A_93 : i32
    %mul3A_95 = arith.constant 632 : i32
    %mul3A_96 = arith.muli %arg1, %mul3A_95 : i32
    "tpu.region"() ({
      %run_scoped3A_97 = tpu.sem_alloc : memref<!tpu.dma_semaphore, #tpu.memory_space<semaphore_mem>>
      %dma_start3A_98 = arith.constant 0 : i32
      %dma_start3A_99 = tpu.memref_slice %arg7[%arg0, %mul3A_96, %dma_start3A_98] : memref<2x10112x128xf32, #tpu.memory_space<hbm>> -> memref<1x632x128xf32, #tpu.memory_space<hbm>>
      %dma_start3A_100 = tpu.memref_squeeze %dma_start3A_99 : memref<1x632x128xf32, #tpu.memory_space<hbm>> -> memref<632x128xf32, #tpu.memory_space<hbm>>
      %dma_start3A_101 = arith.constant 0 : i32
      %dma_start3A_102 = tpu.memref_slice %arg18[%mul3A_94, %dma_start3A_101] : memref<10112x128xf32, #tpu.memory_space<vmem_shared>> -> memref<632x128xf32, #tpu.memory_space<vmem_shared>>
      tpu.enqueue_dma source(%dma_start3A_102 : memref<632x128xf32, #tpu.memory_space<vmem_shared>>) target(%dma_start3A_100 : memref<632x128xf32, #tpu.memory_space<hbm>>) target_semaphore(%run_scoped3A_97 : memref<!tpu.dma_semaphore, #tpu.memory_space<semaphore_mem>>)
      %dma_wait3A_103 = arith.constant 0 : i32
      %dma_wait3A_104 = tpu.memref_slice %arg7[%arg0, %mul3A_96, %dma_wait3A_103] : memref<2x10112x128xf32, #tpu.memory_space<hbm>> -> memref<1x632x128xf32, #tpu.memory_space<hbm>>
      %dma_wait3A_105 = tpu.memref_squeeze %dma_wait3A_104 : memref<1x632x128xf32, #tpu.memory_space<hbm>> -> memref<632x128xf32, #tpu.memory_space<hbm>>
      %dma_wait3A_106 = arith.constant 0 : i32
      %dma_wait3A_107 = tpu.memref_slice %arg18[%mul3A_94, %dma_wait3A_106] : memref<10112x128xf32, #tpu.memory_space<vmem_shared>> -> memref<632x128xf32, #tpu.memory_space<vmem_shared>>
      tpu.wait_dma2 semaphore(%run_scoped3A_97 : memref<!tpu.dma_semaphore, #tpu.memory_space<semaphore_mem>>) src(%dma_wait3A_107 : memref<632x128xf32, #tpu.memory_space<vmem_shared>>) dst(%dma_wait3A_105 : memref<632x128xf32, #tpu.memory_space<hbm>>)
      tpu.yield
    }) : () -> ()
    return
  }
}

module attributes {stable_mosaic.version = 14 : i64} {
  func.func @body(%arg0: i32, %arg1: memref<1000x250xf32, #tpu.memory_space<vmem>>, %arg2: memref<250x128xf32, #tpu.memory_space<vmem>>, %arg3: memref<1000x128xf32, #tpu.memory_space<vmem>>) attributes {dimension_semantics = [#tpu.dimension_semantics<arbitrary>], iteration_bounds = array<i64: 10>, scalar_prefetch = 0 : i64, scratch_operands = 0 : i64, tpu.core_type = #tpu.core_type<tc>, window_params = [{transform_indices = @transform_0, window_bounds = array<i64: 1000, 250>}, {pipeline_mode = #tpu.pipeline_mode<synchronous>, transform_indices = @transform_1, window_bounds = array<i64: 250, 128>}, {transform_indices = @transform_2, window_bounds = array<i64: 1000, 128>}]} {
    %get3A = arith.constant 0 : index
    %get3A_0 = arith.constant 0 : index
    %get3A_1 = vector.load %arg1[%get3A, %get3A_0] : memref<1000x250xf32, #tpu.memory_space<vmem>>, vector<1000x250xf32>
    %get3A_2 = arith.constant 0 : index
    %get3A_3 = arith.constant 0 : index
    %get3A_4 = vector.load %arg2[%get3A_2, %get3A_3] : memref<250x128xf32, #tpu.memory_space<vmem>>, vector<250x128xf32>
    %dot_general3A = arith.constant dense<0.000000e+00> : vector<1000x128xf32>
    %dot_general3A_5 = tpu.matmul %get3A_1, %get3A_4, %dot_general3A {dimension_numbers = #tpu.dot_dimension_numbers<[1], [0], [0], [1], [0, 0, 1, 1], [], []>, precision = #tpu.contract_precision<fp32>, transpose_lhs_hint = false} : vector<1000x250xf32>, vector<250x128xf32>, vector<1000x128xf32> -> vector<1000x128xf32>
    %swap3A = arith.constant 0 : index
    %swap3A_6 = arith.constant 0 : index
    %swap3A_7 = vector.load %arg3[%swap3A, %swap3A_6] : memref<1000x128xf32, #tpu.memory_space<vmem>>, vector<1000x128xf32>
    tpu.vector_store %arg3[%swap3A, %swap3A_6], %dot_general3A_5 {strides = array<i32>} : memref<1000x128xf32, #tpu.memory_space<vmem>>, vector<1000x128xf32>,
    return
  }
  func.func @transform_0(%arg0: i32) -> (i32, i32) {
    %c0_i32 = arith.constant 0 : i32
    %c0_i32_0 = arith.constant 0 : i32
    return %arg0, %c0_i32 : i32, i32
  }
  func.func @transform_1(%arg0: i32) -> (i32, i32) {
    %c0_i32 = arith.constant 0 : i32
    %c0_i32_0 = arith.constant 0 : i32
    %c0_i32_1 = arith.constant 0 : i32
    return %c0_i32, %c0_i32_0 : i32, i32
  }
  func.func @transform_2(%arg0: i32) -> (i32, i32) {
    %c0_i32 = arith.constant 0 : i32
    %c0_i32_0 = arith.constant 0 : i32
    return %arg0, %c0_i32 : i32, i32
  }
}

module attributes {stable_mosaic.version = 14 : i64} {
  func.func @body(%arg0: i32, %arg1: memref<1000x1xf32, #tpu.memory_space<vmem>>, %arg2: memref<1000x1xf32, #tpu.memory_space<vmem>>, %arg3: memref<1000x128xf32, #tpu.memory_space<vmem>>, %arg4: memref<1000x128xf32, #tpu.memory_space<vmem>>) attributes {dimension_semantics = [#tpu.dimension_semantics<arbitrary>], iteration_bounds = array<i64: 10>, scalar_prefetch = 0 : i64, scratch_operands = 0 : i64, tpu.core_type = #tpu.core_type<tc>, window_params = [{transform_indices = @transform_0, window_bounds = array<i64: 1000, 1>}, {transform_indices = @transform_1, window_bounds = array<i64: 1000, 1>}, {transform_indices = @transform_2, window_bounds = array<i64: 1000, 128>}, {transform_indices = @transform_3, window_bounds = array<i64: 1000, 128>}]} {
    %get3A = arith.constant 0 : index
    %get3A_0 = arith.constant 0 : index
    %get3A_1 = vector.load %arg3[%get3A, %get3A_0] : memref<1000x128xf32, #tpu.memory_space<vmem>>, vector<1000x128xf32>
    %get3A_2 = arith.constant 0 : index
    %get3A_3 = arith.constant 0 : index
    %get3A_4 = vector.load %arg1[%get3A_2, %get3A_3] : memref<1000x1xf32, #tpu.memory_space<vmem>>, vector<1000x1xf32>
    %get3A_5 = arith.constant 0 : index
    %get3A_6 = arith.constant 0 : index
    %get3A_7 = vector.load %arg2[%get3A_5, %get3A_6] : memref<1000x1xf32, #tpu.memory_space<vmem>>, vector<1000x1xf32>
    %add3A = arith.addf %get3A_4, %get3A_7 : vector<1000x1xf32>
    %add3A_8 = arith.constant 1.000000e+00 : f32
    %add3A_9 = vector.broadcast %add3A_8 : f32 to vector<1000x1xf32>
    %add3A_10 = arith.addf %add3A, %add3A_9 : vector<1000x1xf32>
    %rsqrt3A = math.rsqrt %add3A_10 : vector<1000x1xf32>
    %mul3A = vector.broadcast %rsqrt3A : vector<1000x1xf32> to vector<1000x128xf32>
    %mul3A_11 = arith.mulf %get3A_1, %mul3A : vector<1000x128xf32>
    %swap3A = arith.constant 0 : index
    %swap3A_12 = arith.constant 0 : index
    %swap3A_13 = vector.load %arg4[%swap3A, %swap3A_12] : memref<1000x128xf32, #tpu.memory_space<vmem>>, vector<1000x128xf32>
    tpu.vector_store %arg4[%swap3A, %swap3A_12], %mul3A_11 {strides = array<i32>} : memref<1000x128xf32, #tpu.memory_space<vmem>>, vector<1000x128xf32>,
    return
  }
  func.func @transform_0(%arg0: i32) -> (i32, i32) {
    %c0_i32 = arith.constant 0 : i32
    %c0_i32_0 = arith.constant 0 : i32
    return %arg0, %c0_i32 : i32, i32
  }
  func.func @transform_1(%arg0: i32) -> (i32, i32) {
    %c0_i32 = arith.constant 0 : i32
    %c0_i32_0 = arith.constant 0 : i32
    return %arg0, %c0_i32 : i32, i32
  }
  func.func @transform_2(%arg0: i32) -> (i32, i32) {
    %c0_i32 = arith.constant 0 : i32
    %c0_i32_0 = arith.constant 0 : i32
    return %arg0, %c0_i32 : i32, i32
  }
  func.func @transform_3(%arg0: i32) -> (i32, i32) {
    %c0_i32 = arith.constant 0 : i32
    %c0_i32_0 = arith.constant 0 : i32
    return %arg0, %c0_i32 : i32, i32
  }
}

module attributes {stable_mosaic.version = 14 : i64} {
  func.func @body(%arg0: i32, %arg1: memref<1000x1xf32, #tpu.memory_space<vmem>>, %arg2: memref<1000x1xf32, #tpu.memory_space<vmem>>, %arg3: memref<1000x128xf32, #tpu.memory_space<vmem>>, %arg4: memref<1000x128xf32, #tpu.memory_space<vmem>>, %arg5: memref<1000x128xf32, #tpu.memory_space<vmem>>, %arg6: memref<1x128xf32, #tpu.memory_space<vmem>>, %arg7: memref<128x32xf32, #tpu.memory_space<vmem>>, %arg8: memref<1000x32xf32, #tpu.memory_space<vmem>>) attributes {dimension_semantics = [#tpu.dimension_semantics<arbitrary>], iteration_bounds = array<i64: 10>, scalar_prefetch = 0 : i64, scratch_operands = 0 : i64, tpu.core_type = #tpu.core_type<tc>, window_params = [{transform_indices = @transform_0, window_bounds = array<i64: 1000, 1>}, {transform_indices = @transform_1, window_bounds = array<i64: 1000, 1>}, {transform_indices = @transform_2, window_bounds = array<i64: 1000, 128>}, {transform_indices = @transform_3, window_bounds = array<i64: 1000, 128>}, {transform_indices = @transform_4, window_bounds = array<i64: 1000, 128>}, {pipeline_mode = #tpu.pipeline_mode<synchronous>, transform_indices = @transform_5, window_bounds = array<i64: 1, 128>}, {pipeline_mode = #tpu.pipeline_mode<synchronous>, transform_indices = @transform_6, window_bounds = array<i64: 128, 32>}, {transform_indices = @transform_7, window_bounds = array<i64: 1000, 32>}]} {
    %get3A = arith.constant 0 : index
    %get3A_0 = arith.constant 0 : index
    %get3A_1 = vector.load %arg1[%get3A, %get3A_0] : memref<1000x1xf32, #tpu.memory_space<vmem>>, vector<1000x1xf32>
    %get3A_2 = arith.constant 0 : index
    %get3A_3 = arith.constant 0 : index
    %get3A_4 = vector.load %arg2[%get3A_2, %get3A_3] : memref<1000x1xf32, #tpu.memory_space<vmem>>, vector<1000x1xf32>
    %add3A = arith.addf %get3A_1, %get3A_4 : vector<1000x1xf32>
    %add3A_5 = arith.constant 1.000000e+00 : f32
    %add3A_6 = vector.broadcast %add3A_5 : f32 to vector<1000x1xf32>
    %add3A_7 = arith.addf %add3A, %add3A_6 : vector<1000x1xf32>
    %rsqrt3A = math.rsqrt %add3A_7 : vector<1000x1xf32>
    %get3A_8 = arith.constant 0 : index
    %get3A_9 = arith.constant 0 : index
    %get3A_10 = vector.load %arg3[%get3A_8, %get3A_9] : memref<1000x128xf32, #tpu.memory_space<vmem>>, vector<1000x128xf32>
    %get3A_11 = arith.constant 0 : index
    %get3A_12 = arith.constant 0 : index
    %get3A_13 = vector.load %arg4[%get3A_11, %get3A_12] : memref<1000x128xf32, #tpu.memory_space<vmem>>, vector<1000x128xf32>
    %add3A_14 = arith.addf %get3A_10, %get3A_13 : vector<1000x128xf32>
    %get3A_15 = arith.constant 0 : index
    %get3A_16 = arith.constant 0 : index
    %get3A_17 = vector.load %arg5[%get3A_15, %get3A_16] : memref<1000x128xf32, #tpu.memory_space<vmem>>, vector<1000x128xf32>
    %add3A_18 = arith.addf %add3A_14, %get3A_17 : vector<1000x128xf32>
    %mul3A = vector.broadcast %rsqrt3A : vector<1000x1xf32> to vector<1000x128xf32>
    %mul3A_19 = arith.mulf %mul3A, %add3A_18 : vector<1000x128xf32>
    %get3A_20 = arith.constant 0 : index
    %get3A_21 = arith.constant 0 : index
    %get3A_22 = vector.load %arg6[%get3A_20, %get3A_21] : memref<1x128xf32, #tpu.memory_space<vmem>>, vector<1x128xf32>
    %add3A_23 = vector.broadcast %get3A_22 : vector<1x128xf32> to vector<1000x128xf32>
    %add3A_24 = arith.addf %mul3A_19, %add3A_23 : vector<1000x128xf32>
    %max3A = arith.constant 0.000000e+00 : f32
    %max3A_25 = vector.broadcast %max3A : f32 to vector<1000x128xf32>
    %max3A_26 = arith.maximumf %add3A_24, %max3A_25 : vector<1000x128xf32>
    %get3A_27 = arith.constant 0 : index
    %get3A_28 = arith.constant 0 : index
    %get3A_29 = vector.load %arg7[%get3A_27, %get3A_28] : memref<128x32xf32, #tpu.memory_space<vmem>>, vector<128x32xf32>
    %dot_general3A = arith.constant dense<0.000000e+00> : vector<1000x32xf32>
    %dot_general3A_30 = tpu.matmul %max3A_26, %get3A_29, %dot_general3A {dimension_numbers = #tpu.dot_dimension_numbers<[1], [0], [0], [1], [0, 0, 1, 1], [], []>, precision = #tpu.contract_precision<fp32>, transpose_lhs_hint = false} : vector<1000x128xf32>, vector<128x32xf32>, vector<1000x32xf32> -> vector<1000x32xf32>
    %mul3A_31 = vector.broadcast %rsqrt3A : vector<1000x1xf32> to vector<1000x32xf32>
    %mul3A_32 = arith.mulf %mul3A_31, %dot_general3A_30 : vector<1000x32xf32>
    %swap3A = arith.constant 0 : index
    %swap3A_33 = arith.constant 0 : index
    %swap3A_34 = vector.load %arg8[%swap3A, %swap3A_33] : memref<1000x32xf32, #tpu.memory_space<vmem>>, vector<1000x32xf32>
    tpu.vector_store %arg8[%swap3A, %swap3A_33], %mul3A_32 {strides = array<i32>} : memref<1000x32xf32, #tpu.memory_space<vmem>>, vector<1000x32xf32>,
    return
  }
  func.func @transform_0(%arg0: i32) -> (i32, i32) {
    %c0_i32 = arith.constant 0 : i32
    %c0_i32_0 = arith.constant 0 : i32
    return %arg0, %c0_i32 : i32, i32
  }
  func.func @transform_1(%arg0: i32) -> (i32, i32) {
    %c0_i32 = arith.constant 0 : i32
    %c0_i32_0 = arith.constant 0 : i32
    return %arg0, %c0_i32 : i32, i32
  }
  func.func @transform_2(%arg0: i32) -> (i32, i32) {
    %c0_i32 = arith.constant 0 : i32
    %c0_i32_0 = arith.constant 0 : i32
    return %arg0, %c0_i32 : i32, i32
  }
  func.func @transform_3(%arg0: i32) -> (i32, i32) {
    %c0_i32 = arith.constant 0 : i32
    %c0_i32_0 = arith.constant 0 : i32
    return %arg0, %c0_i32 : i32, i32
  }
  func.func @transform_4(%arg0: i32) -> (i32, i32) {
    %c0_i32 = arith.constant 0 : i32
    %c0_i32_0 = arith.constant 0 : i32
    return %arg0, %c0_i32 : i32, i32
  }
  func.func @transform_5(%arg0: i32) -> (i32, i32) {
    %c0_i32 = arith.constant 0 : i32
    %c0_i32_0 = arith.constant 0 : i32
    %c0_i32_1 = arith.constant 0 : i32
    return %c0_i32, %c0_i32_0 : i32, i32
  }
  func.func @transform_6(%arg0: i32) -> (i32, i32) {
    %c0_i32 = arith.constant 0 : i32
    %c0_i32_0 = arith.constant 0 : i32
    %c0_i32_1 = arith.constant 0 : i32
    return %c0_i32, %c0_i32_0 : i32, i32
  }
  func.func @transform_7(%arg0: i32) -> (i32, i32) {
    %c0_i32 = arith.constant 0 : i32
    %c0_i32_0 = arith.constant 0 : i32
    return %arg0, %c0_i32 : i32, i32
  }
}

module attributes {stable_mosaic.version = 14 : i64} {
  func.func @body(%arg0: i32, %arg1: memref<1000x1xf32, #tpu.memory_space<vmem>>, %arg2: memref<1000x1xf32, #tpu.memory_space<vmem>>, %arg3: memref<1000x32xf32, #tpu.memory_space<vmem>>, %arg4: memref<1000x32xf32, #tpu.memory_space<vmem>>, %arg5: memref<1000x32xf32, #tpu.memory_space<vmem>>, %arg6: memref<1x32xf32, #tpu.memory_space<vmem>>, %arg7: memref<1000x32xf32, #tpu.memory_space<vmem>>) attributes {dimension_semantics = [#tpu.dimension_semantics<arbitrary>], iteration_bounds = array<i64: 10>, scalar_prefetch = 0 : i64, scratch_operands = 0 : i64, tpu.core_type = #tpu.core_type<tc>, window_params = [{transform_indices = @transform_0, window_bounds = array<i64: 1000, 1>}, {transform_indices = @transform_1, window_bounds = array<i64: 1000, 1>}, {transform_indices = @transform_2, window_bounds = array<i64: 1000, 32>}, {transform_indices = @transform_3, window_bounds = array<i64: 1000, 32>}, {transform_indices = @transform_4, window_bounds = array<i64: 1000, 32>}, {pipeline_mode = #tpu.pipeline_mode<synchronous>, transform_indices = @transform_5, window_bounds = array<i64: 1, 32>}, {transform_indices = @transform_6, window_bounds = array<i64: 1000, 32>}]} {
    %get3A = arith.constant 0 : index
    %get3A_0 = arith.constant 0 : index
    %get3A_1 = vector.load %arg1[%get3A, %get3A_0] : memref<1000x1xf32, #tpu.memory_space<vmem>>, vector<1000x1xf32>
    %get3A_2 = arith.constant 0 : index
    %get3A_3 = arith.constant 0 : index
    %get3A_4 = vector.load %arg2[%get3A_2, %get3A_3] : memref<1000x1xf32, #tpu.memory_space<vmem>>, vector<1000x1xf32>
    %add3A = arith.addf %get3A_1, %get3A_4 : vector<1000x1xf32>
    %add3A_5 = arith.constant 1.000000e+00 : f32
    %add3A_6 = vector.broadcast %add3A_5 : f32 to vector<1000x1xf32>
    %add3A_7 = arith.addf %add3A, %add3A_6 : vector<1000x1xf32>
    %rsqrt3A = math.rsqrt %add3A_7 : vector<1000x1xf32>
    %get3A_8 = arith.constant 0 : index
    %get3A_9 = arith.constant 0 : index
    %get3A_10 = vector.load %arg3[%get3A_8, %get3A_9] : memref<1000x32xf32, #tpu.memory_space<vmem>>, vector<1000x32xf32>
    %get3A_11 = arith.constant 0 : index
    %get3A_12 = arith.constant 0 : index
    %get3A_13 = vector.load %arg4[%get3A_11, %get3A_12] : memref<1000x32xf32, #tpu.memory_space<vmem>>, vector<1000x32xf32>
    %add3A_14 = arith.addf %get3A_10, %get3A_13 : vector<1000x32xf32>
    %get3A_15 = arith.constant 0 : index
    %get3A_16 = arith.constant 0 : index
    %get3A_17 = vector.load %arg5[%get3A_15, %get3A_16] : memref<1000x32xf32, #tpu.memory_space<vmem>>, vector<1000x32xf32>
    %add3A_18 = arith.addf %add3A_14, %get3A_17 : vector<1000x32xf32>
    %mul3A = vector.broadcast %rsqrt3A : vector<1000x1xf32> to vector<1000x32xf32>
    %mul3A_19 = arith.mulf %mul3A, %add3A_18 : vector<1000x32xf32>
    %get3A_20 = arith.constant 0 : index
    %get3A_21 = arith.constant 0 : index
    %get3A_22 = vector.load %arg6[%get3A_20, %get3A_21] : memref<1x32xf32, #tpu.memory_space<vmem>>, vector<1x32xf32>
    %add3A_23 = vector.broadcast %get3A_22 : vector<1x32xf32> to vector<1000x32xf32>
    %add3A_24 = arith.addf %mul3A_19, %add3A_23 : vector<1000x32xf32>
    %max3A = arith.constant 0.000000e+00 : f32
    %max3A_25 = vector.broadcast %max3A : f32 to vector<1000x32xf32>
    %max3A_26 = arith.maximumf %add3A_24, %max3A_25 : vector<1000x32xf32>
    %swap3A = arith.constant 0 : index
    %swap3A_27 = arith.constant 0 : index
    %swap3A_28 = vector.load %arg7[%swap3A, %swap3A_27] : memref<1000x32xf32, #tpu.memory_space<vmem>>, vector<1000x32xf32>
    tpu.vector_store %arg7[%swap3A, %swap3A_27], %max3A_26 {strides = array<i32>} : memref<1000x32xf32, #tpu.memory_space<vmem>>, vector<1000x32xf32>,
    return
  }
  func.func @transform_0(%arg0: i32) -> (i32, i32) {
    %c0_i32 = arith.constant 0 : i32
    %c0_i32_0 = arith.constant 0 : i32
    return %arg0, %c0_i32 : i32, i32
  }
  func.func @transform_1(%arg0: i32) -> (i32, i32) {
    %c0_i32 = arith.constant 0 : i32
    %c0_i32_0 = arith.constant 0 : i32
    return %arg0, %c0_i32 : i32, i32
  }
  func.func @transform_2(%arg0: i32) -> (i32, i32) {
    %c0_i32 = arith.constant 0 : i32
    %c0_i32_0 = arith.constant 0 : i32
    return %arg0, %c0_i32 : i32, i32
  }
  func.func @transform_3(%arg0: i32) -> (i32, i32) {
    %c0_i32 = arith.constant 0 : i32
    %c0_i32_0 = arith.constant 0 : i32
    return %arg0, %c0_i32 : i32, i32
  }
  func.func @transform_4(%arg0: i32) -> (i32, i32) {
    %c0_i32 = arith.constant 0 : i32
    %c0_i32_0 = arith.constant 0 : i32
    return %arg0, %c0_i32 : i32, i32
  }
  func.func @transform_5(%arg0: i32) -> (i32, i32) {
    %c0_i32 = arith.constant 0 : i32
    %c0_i32_0 = arith.constant 0 : i32
    %c0_i32_1 = arith.constant 0 : i32
    return %c0_i32, %c0_i32_0 : i32, i32
  }
  func.func @transform_6(%arg0: i32) -> (i32, i32) {
    %c0_i32 = arith.constant 0 : i32
    %c0_i32_0 = arith.constant 0 : i32
    return %arg0, %c0_i32 : i32, i32
  }
}

</mosaic_0001>

<sc_bundles>
// kernel: kernel.12.cloned.1.call-start
scs
__scs_entry_jumppad:
0x0: {  	(pc) =	sbr.rel $0x88, $3  }
0x1: {  	(tag) =	ssettag $0x0;
	lr =	simm.s32 $0x1  }
0x2: {  	[smem:$0x3F9A] =	sst lr;
	_ =	strace $0xD0000000  }
0x3: {  	_ = 	snop  }
0x4: {  	_ = 	snop  }
0x5: {  	_ = 	snop  }
0x6: {  	_ = 	snop  }
0x7: {  	_ = 	snop  }
__scs_overlays_trampoline_lowered:
0x8: {  	[smem:$0x3FA9] =	sst s0  }
0x9: {  	[smem:$0x3FAA] =	sst s1  }
0xa: {  	[smem:$0x3FAB] =	sst s2  }
0xb: {  	[smem:$0x3FAC] =	sst s3  }
0xc: {  	[smem:$0x3FAD] =	sst s4  }
0xd: {  	[smem:$0x3FAE] =	sst s5  }
0xe: {  	[smem:$0x3FAF] =	sst s6  }
0xf: {  	[smem:$0x3FB0] =	sst s7  }
0x10: {  	[smem:$0x3FB1] =	sst s8  }
0x11: {  	[smem:$0x3FB2] =	sst s9;
	s0 =	simm.s32 @!p0 $0x0  }
0x12: {  	s1 =	sld [smem:$0x3F98];
	s0 =	simm.s32 @p0 $0x1  }
0x13: {  	[smem:$0x3FB3] =	sst s0;
	s0 =	simm.s32 @!p1 $0x0  }
0x14: {  	s2 =	sld [smem:$0x3F97];
	s0 =	simm.s32 @p1 $0x1  }
0x15: {  	[smem:$0x3FB4] =	sst s0;
	s0 =	simm.s32 @!p2 $0x0  }
0x16: {  	s3 =	sld [smem:$0x3FDB];
	s0 =	simm.s32 @p2 $0x1  }
0x17: {  	s4 =	simm.s32 $0x1BF5;
	[smem:$0x3FB6] =	sst s0  }
0x18: {  	s0 =	sld [smem:$0x3F99];
	_ =	swait.ge [sflag:s4], $0x0  }
0x19: {  	s7 =	sld [smem:$0x3F9A]  }
0x1a: {  	s8 =	sadd.s32 $0xFFFFE003, lr  }
0x1b: {  	s9 =	sadd.s32 $0xFFFFFEF7, lr;
	s5 =	simm.s32 $0xFFFFFFFF;
	p2 =	slt.u32 s8, $0xFFFFF086  }
0x1c: {  	p1 =	slt.u32 s9, $0xF7A;
	s5 =	simm.s32 @!p2 $0x0  }
0x1d: {  	s5 =	simm.s32 @p1 $0x1;
	p0 =	seq.s32 s7, s2  }
0x1e: {  	s7 =	smul.u32 @!p0 $0xF7A, s2;
	p2 =	seq.s32 @!p0 s5, $0x0  }
0x1f: {  	s9 =	smul.u32 $0xF7A, s1;
	s8 =	simm.s32 @!p0 $0x1BF5;
	p2 =	por !p2, p0  }
0x20: {  	[sflag:s8] =	ssyncset.s32 @!p0 $0xFFFFF086;
	s6 =	sadd.s32 @!p0 s3, s7;
	s7 =	simm.s32 @!p0 $0x108  }
0x21: {  	s3 =	sadd.s32 s3, s9;
	s6 =	sadd.s32 @!p0 $0x88, s6;
	s7 =	simm.s32 @p2 $0x1082  }
0x22: {  	[simem:s7], [sflag:s8] =	dma.local @!p0 [hbm:s6], $0xF7A  }
0x23: {  	s9 =	sor.u32 $0xD0000000, s2;
	s6 =	simm.s32 $0x108;
	_ =	swait.ge @!p0 [sflag:s8], $0x0  }
0x24: {  	s3 =	sadd.s32 $0x88, s3;
	s6 =	simm.s32 @!p1 $0x1082;
	[sflag:s4] =	ssyncset.s32 $0xFFFFF086  }
0x25: {  	[simem:s6], [sflag:s4] =	dma.local [hbm:s3], $0xF7A  }
0x26: {  	[smem:$0x3F9A] =	sst s1;
	(tag) =	ssettag s2;
	_ =	strace s9  }
0x27: {  	s1 =	sld [smem:$0x3FAA]  }
0x28: {  	s2 =	sld [smem:$0x3FAB]  }
0x29: {  	s4 =	sld [smem:$0x3FAD]  }
0x2a: {  	p0 =	seq.s32 s5, $0x0;
	s5 =	sld [smem:$0x3FAE]  }
0x2b: {  	s6 =	sld [smem:$0x3FAF]  }
0x2c: {  	s7 =	sld [smem:$0x3FB0]  }
0x2d: {  	s3 =	simm.s32 $0x108;
	s8 =	sld [smem:$0x3FB1]  }
0x2e: {  	s3 =	simm.s32 @!p0 $0x1082;
	s9 =	sld [smem:$0x3FB2]  }
0x2f: {  	lr =	sadd.s32 s0, s3;
	s0 =	sld [smem:$0x3FA9]  }
0x30: {  	s3 =	sld [smem:$0x3FAC]  }
0x31: {  	[smem:$0x3FB5] =	sst s10  }
0x32: {  	s10 =	sld [smem:$0x3FB3];
	_ =	sdelay $0x3  }
0x33: {  	p0 =	seq.s32 s10, $0x1;
	s10 =	sld [smem:$0x3FB5];
	_ =	sdelay $0x3  }
0x34: {  	[smem:$0x3FB5] =	sst s10  }
0x35: {  	s10 =	sld [smem:$0x3FB4];
	_ =	sdelay $0x3  }
0x36: {  	p1 =	seq.s32 s10, $0x1;
	s10 =	sld [smem:$0x3FB5];
	_ =	sdelay $0x3  }
0x37: {  	[smem:$0x3FB5] =	sst s10  }
0x38: {  	s10 =	sld [smem:$0x3FB6]  }
0x39: {  	_ = 	snop;
	(pc) =	sbr.ind lr, $3  }
0x3a: {  	_ = 	snop  }
0x3b: {  	_ = 	snop  }
0x3c: {  	p2 =	seq.s32 s10, $0x1;
	s10 =	sld [smem:$0x3FB5]  }
0x3d: {  	_ =	shalt  }
0x3e: {  	_ =	shalt  }
0x3f: {  	_ =	shalt  }
0x40: {  	_ =	shalt  }
0x41: {  	_ =	shalt  }
0x42: {  	_ =	shalt  }
0x43: {  	_ =	shalt  }
0x44: {  	_ =	shalt  }
0x45: {  	_ =	shalt  }
0x46: {  	_ =	shalt  }
0x47: {  	_ =	shalt  }
0x48: {  	_ =	shalt  }
0x49: {  	_ =	shalt  }
0x4a: {  	_ =	shalt  }
0x4b: {  	_ =	shalt  }
0x4c: {  	_ =	shalt  }
0x4d: {  	_ =	shalt  }
0x4e: {  	_ =	shalt  }
0x4f: {  	_ =	shalt  }
0x50: {  	_ =	shalt  }
0x51: {  	_ =	shalt  }
0x52: {  	_ =	shalt  }
0x53: {  	_ =	shalt  }
0x54: {  	_ =	shalt  }
0x55: {  	_ =	shalt  }
0x56: {  	_ =	shalt  }
0x57: {  	_ =	shalt  }
0x58: {  	_ =	shalt  }
0x59: {  	_ =	shalt  }
0x5a: {  	_ =	shalt  }
0x5b: {  	_ =	shalt  }
0x5c: {  	_ =	shalt  }
0x5d: {  	_ =	shalt  }
0x5e: {  	_ =	shalt  }
0x5f: {  	_ =	shalt  }
0x60: {  	_ =	shalt  }
0x61: {  	_ =	shalt  }
0x62: {  	_ =	shalt  }
0x63: {  	_ =	shalt  }
0x64: {  	_ =	shalt  }
0x65: {  	_ =	shalt  }
0x66: {  	_ =	shalt  }
0x67: {  	_ =	shalt  }
0x68: {  	_ =	shalt  }
0x69: {  	_ =	shalt  }
0x6a: {  	_ =	shalt  }
0x6b: {  	_ =	shalt  }
0x6c: {  	_ =	shalt  }
0x6d: {  	_ =	shalt  }
0x6e: {  	_ =	shalt  }
0x6f: {  	_ =	shalt  }
0x70: {  	_ =	shalt  }
0x71: {  	_ =	shalt  }
0x72: {  	_ =	shalt  }
0x73: {  	_ =	shalt  }
0x74: {  	_ =	shalt  }
0x75: {  	_ =	shalt  }
0x76: {  	_ =	shalt  }
0x77: {  	_ =	shalt  }
0x78: {  	_ =	shalt  }
0x79: {  	_ =	shalt  }
0x7a: {  	_ =	shalt  }
0x7b: {  	_ =	shalt  }
0x7c: {  	_ =	shalt  }
0x7d: {  	_ =	shalt  }
0x7e: {  	_ =	shalt  }
0x7f: {  	_ =	shalt  }
0x80: {  	_ =	shalt  }
0x81: {  	_ =	shalt  }
0x82: {  	_ =	shalt  }
0x83: {  	_ =	shalt  }
0x84: {  	_ =	shalt  }
0x85: {  	_ =	shalt  }
0x86: {  	_ =	shalt  }
0x87: {  	_ =	shalt  }
.Lfunc_end0:
.L_simem_size_0:
called_computation.1_lowered:
.L_overlay_start_0:
0x88: {  	s2 =	sld [smem:$0x3FD9]  }
0x89: {  	s3 =	sld [smem:$0x3FFE];
	_ =	sdelay $0x1  }
0x8a: {  	s1 =	srdreg.scid  }
0x8b: {  	s0 =	sand.u32 $0x1, s1  }
0x8c: {  	s17 =	sshll.u32 s0, $0xA;
	s2 =	sadd.s32 s3, s2  }
0x8d: {  	s2 =	sadd.s32 s2, s17  }
0x8e: {  	[smem:$0x3FC1] =	sst s2  }
0x8f: {  	_ = 	snop  }
0x90: {  	s2 =	sld [smem:$0x3FD0];
	(tm) =	ssettm $0x1  }
0x91: {  	s18 =	sld [smem:$0x3FFB];
	_ =	sdelay $0x3  }
0x92: {  	_ =	strace s18  }
0x93: {  	s3 =	sld [smem:$0x3FFC];
	_ =	sdelay $0x3  }
0x94: {  	_ =	strace s3  }
0x95: {  	s3 =	sld [smem:$0x3FFD];
	_ =	sdelay $0x3  }
0x96: {  	_ =	strace s3  }
0x97: {  	_ =	strace $0x8FFFFFFF  }
0x98: {  	s19 =	sld [smem:$0x3FDB];
	_ =	sdelay $0x1  }
0x99: {  	s4 =	simm.s32 $_scs_section_size  }
0x9a: {  	s5 =	simm.s32 $_size__tile_overlayer_lowered;
	s6 =	simm.s32 $_tile_overlayer_lowered  }
0x9b: {  	s22 =	simm.s32 $0x1BFF;
	s21 =	sshll.u32 s6, $0x1;
	s3 =	sadd.s32 s4, s19  }
0x9c: {  	s7 =	simm.s32 $0x0;
	s20 =	sshll.u32 s5, $0x1;
	s5 =	sadd.s32 s21, s3  }
0x9d: {  	[timem:s7], [sflag:s22] =	dma.local [hbm:s5], s20  }
0x9e: {  	_ =	swait.ge [sflag:s22], s20  }
0x9f: {  	s4 =	ssub.s32 $0x0, s20;
	[sflag:s22] =	ssyncset.done $0x0  }
0xa0: {  	[sflag:s22] =	ssyncadd.s32 s4;
	_ =	sdelay $0x1  }
0xa1: {  	s23 =	simm.s32 $0x1B8B  }
0xa2: {  	_ =	swait.ge [sflag:s23], $0x1  }
0xa3: {  	[sflag:s23] =	ssyncset.done $0x0  }
0xa4: {  	s25 =	simm.s32 $0x1B8E;
	s24 =	sld [smem:$0x3FFE];
	[sflag:s23] =	ssyncadd.s32 $0xFFFFFFFF  }
0xa5: {  	s26 =	simm.s32 $execute0_lowered;
	[smem:$0x3FD2] =	sst s25  }
0xa6: {  	s5 =	sshll.u32 s26, $0x1;
	_ =	strace $0x80000049;
	[dreg:$0x1] =	wrdreg $0xFFFFFFFF  }
0xa7: {  	s28 =	simm.s32 $_size_execute0_lowered;
	s3 =	sadd.s32 s3, s5;
	[dreg:$0x0] =	wrdreg $0x0  }
0xa8: {  	s5 =	sshll.u32 s28, $0x1;
	[dreg:$0x2] =	wrdreg s3  }
0xa9: {  	[dreg:$0x3] =	wrdreg s5  }
0xaa: {  	[dreg:$0x4] =	wrdreg $0xC0  }
0xab: {  	_ =	task [dreg:s7], $0x5FFFF  }
0xac: {  	[dreg:$0x1] =	wrdreg $0xFFFFFFFF  }
0xad: {  	[dreg:$0x0] =	wrdreg $0x60  }
0xae: {  	[dreg:$0x2] =	wrdreg s24  }
0xaf: {  	[dreg:$0x3] =	wrdreg s2  }
0xb0: {  	[dreg:$0x4] =	wrdreg $0x84000  }
0xb1: {  	[dreg:$0x5] =	wrdreg $0x9  }
0xb2: {  	_ =	task.clear_ibuf [dreg:s7], $0x6FFFF;
	_ =	strace $0x90000049  }
0xb3: {  	s29 =	simm.s32 $0x9;
	_ =	strace $0x8000004B  }
0xb4: {  	_ =	swait.ge [sflag:s29], $0x1  }
0xb5: {  	[sflag:s29] =	ssyncadd.s32 $0xFFFFFFFF  }
0xb6: {  	_ =	strace $0x9000004B  }
0xb7: {  	_ =	sfence  }
0xb8: {  	s30 =	sld [smem:$0x0];
	_ =	sdelay $0x2  }
0xb9: {  	s31 =	sshll.u32 s1, $0xD;
	s1 =	sshrl.u32 s1, $0x2  }
0xba: {  	s3 =	sand.u32 $0x4000, s31;
	s1 =	sadd.s32 s1, s30  }
0xbb: {  	s0 =	sor.u32 s3, s0;
	s1 =	sshll.u32 s1, $0x11  }
0xbc: {  	s0 =	sor.u32 s1, s0  }
0xbd: {  	s0 =	sadd.s32 $0x8F2B, s0  }
0xbe: {  	[sflag:s0] =	ssyncadd.remote.s32 $0x1  }
0xbf: {  	_ =	sfence.sel $0xFFFF  }
0xc0: {  	[dreg:$0x0] =	wrdreg $0xFFFFFFFF;
	(pc) =	sbr.abs _section_cstart, $3  }
0xc1: {  	[dreg:$0x1] =	wrdreg $0xFFFFFFFF  }
0xc2: {  	_ =	task.clear_ibuf [dreg:s7], $0x2FFFF;
	_ =	strace $0x9FFFFFFF  }
0xc3: {  	(tm) =	ssettm $0x7FFFFFFF  }
tec
execute0_lowered:
.L_overlay_start_1:
0x0: {  	(tag) =	ssettag $0x1  }
0x1: {  	s0 =	rddreg [dreg:$0x0]  }
0x2: {  	s3 =	rddreg [dreg:$0x2];
	s1 =	srdreg.scid  }
0x3: {  	s13 =	stileid.u32;
	s4 =	simm.s32 $0x0;
	s17 =	simm.s32 $0x1A  }
0x4: {  	s28 =	simm.s32 $0x80;
	s29 =	simm.s32 $0x400;
	s30 =	simm.s32 $0x380  }
0x5: {  	s31 =	simm.s32 $0x180;
	s1 =	sand.u32 $0x1, s1;
	s2 =	smul.u32 $0x13C00, s13  }
0x6: {  	[smem:$0x7FF] =	sst s4;
	s5 =	sadd.s32 $0x1D800, s0;
	s6 =	sadd.s32 $0x3000, s0  }
0x7: {  	s7 =	sadd.s32 $0x10400, s0;
	s12 =	smul.u32 $0x3500, s13;
	s18 =	sshll.u32 s13, $0x6  }
0x8: {  	s13 =	simm.s32 $0x4;
	s8 =	smul.u32 $0x13C000, s1;
	_ =	strace $0x8000004A  }
0x9: {  	s9 =	smul.u32 $0x35000, s1;
	s11 =	ssub.s32 $0x2, s1;
	p0 =	seq.s32 s1, $0x0  }
0xa: {  	s16 =	sor.u32 $0x1C07, s18;
	s18 =	simm.s32 $0x7;
	s1 =	simm.s32 $0x4400  }
0xb: {  	s14 =	sshrl.u32 s11, $0x1;
	s17 =	simm.s32 @!p0 $0xE;
	[dreg:$0x5] =	wrdreg s16  }
0xc: {  	s8 =	sadd.s32 s2, s8;
	s15 =	sadd.s32 s12, s9;
	s2 =	sadd.s32 s2, s3  }
0xd: {  	s12 =	simm.s32 $0x5;
	s10 =	sshrl.u32 s8, $0x3;
	s8 =	sadd.s32 $0x2AC00, s0  }
0xe: {  	[dreg:$0x4] =	wrdreg s2;
	s9 =	sshrl.u32 s15, $0x3;
	s24 =	sadd.s32 $0x100, s15  }
0xf: {  	s25 =	sadd.s32 $0x180, s15;
	s0 =	sadd.s32 s10, s0;
	[dreg:$0xc] =	wrdreg s24  }
0x10: {  	s10 =	ssub.s32 s11, s14;
	s19 =	sadd.s32 s5, s9;
	[dreg:$0xd] =	wrdreg s25  }
0x11: {  	s20 =	sor.u32 $0x10, s9;
	s21 =	sadd.s32 s7, s9;
	[dreg:$0x6] =	wrdreg s19  }
0x12: {  	s9 =	sadd.s32 s6, s9;
	s25 =	simm.s32 $0x300;
	[dreg:$0x7] =	wrdreg s21  }
0x13: {  	s11 =	simm.s32 $0x1;
	[dreg:$0x8] =	wrdreg s9;
	s22 =	sadd.s32 s5, s20  }
0x14: {  	s14 =	simm.s32 $0x280;
	s23 =	sadd.s32 s7, s20;
	[dreg:$0x9] =	wrdreg s22  }
0x15: {  	s2 =	sadd.s32 s6, s20;
	s20 =	sadd.s32 $0x200, s15;
	[dreg:$0xa] =	wrdreg s23  }
0x16: {  	s21 =	sadd.s32 $0x280, s15;
	s0 =	sadd.s32 $0x51E00, s0;
	[dreg:$0xb] =	wrdreg s2  }
0x17: {  	s26 =	smax.u32 s10, $0x1;
	s9 =	simm.s32 $0x200;
	[dreg:$0xe] =	wrdreg s0  }
0x18: {  	s15 =	simm.s32 $0x6;
	s19 =	simm.s32 $0x0;
	[dreg:$0xf] =	wrdreg s26  }
0x19: {  	s26 =	simm.s32 $0x100;
	s0 =	simm.s32 $0x2;
	s2 =	simm.s32 $0x3  }
.LBB2_1:
0x1a: {  	[dreg:$0x10] =	wrdreg s19  }
0x1b: {  	s10 =	rddreg [dreg:$0x4]  }
0x1c: {  	s23 =	rddreg [dreg:$0x1];
	s22 =	sshrl.u32 s10, $0x3  }
0x1d: {  	[dreg:$0x11] =	wrdreg s22  }
0x1e: {  	[spmem:s22], [sflag:s16] =	dma.local [hbm:s23], $0x2780  }
0x1f: {  	_ =	swait.ge [sflag:s18], $0x2780  }
0x20: {  	[sflag:s18] =	ssyncset.done $0x0  }
0x21: {  	[sflag:s18] =	ssyncadd.s32 $0xFFFFD880  }
0x22: {  	[bflag:$0x0] =	sbarrier.arrive $0xFFFF  }
0x23: {  	s24 =	rddreg [dreg:$0x6]  }
0x24: {  	[tilespmem:s4], [sflag:$0x7] =	stream.linear.gather [hbm4b:s24+s4], $0x80, $0x38;
	[tilespmem:$0x1C000] =	vst v63  }
0x25: {  	_ =	swait.ge [sflag:s18], $0x80  }
0x26: {  	[sflag:s18] =	ssyncset.done $0x0  }
0x27: {  	s16 =	rddreg [dreg:$0x7];
	[sflag:s18] =	ssyncadd.s32 $0xFFFFFF80  }
0x28: {  	[tilespmem:s25], [sflag:$0x7] =	stream.linear.gather [hbm4b:s16+s4], $0x80, $0x38;
	[tilespmem:$0x1C000] =	vst v63  }
0x29: {  	_ =	swait.ge [sflag:s18], $0x80  }
0x2a: {  	[sflag:s18] =	ssyncset.done $0x0  }
0x2b: {  	s19 =	rddreg [dreg:$0x8];
	[sflag:s18] =	ssyncadd.s32 $0xFFFFFF80  }
0x2c: {  	[tilespmem:s26], [sflag:$0x7] =	stream.linear.gather [hbm4b:s19+s4], $0x80, $0x38;
	[tilespmem:$0x1C000] =	vst v63  }
0x2d: {  	_ =	swait.ge [sflag:s18], $0x80  }
0x2e: {  	[sflag:s18] =	ssyncset.done $0x0  }
0x2f: {  	[sflag:s18] =	ssyncadd.s32 $0xFFFFFF80  }
0x30: {  	[tilespmem:s29], [sflag:$0x3] =	stream.indirect.gather [hbm4b:s8+s28], $0x80, s4, s28, $0xb8;
	[tilespmem:$0x1C000] =	vst v63  }
0x31: {  	s22 =	rddreg [dreg:$0x9]  }
0x32: {  	[tilespmem:s28], [sflag:$0x2] =	stream.linear.gather [hbm4b:s22+s4], $0x80, $0x38;
	[tilespmem:$0x1C000] =	vst v63  }
0x33: {  	s23 =	rddreg [dreg:$0xa]  }
0x34: {  	[tilespmem:s30], [sflag:$0x2] =	stream.linear.gather [hbm4b:s23+s4], $0x80, $0x38;
	[tilespmem:$0x1C000] =	vst v63  }
0x35: {  	s24 =	rddreg [dreg:$0xb];
	s23 =	simm.s32 $0x0  }
0x36: {  	[tilespmem:s31], [sflag:$0x2] =	stream.linear.gather [hbm4b:s24+s4], $0x80, $0x38;
	[tilespmem:$0x1C000] =	vst v63  }
.LBB2_2:
0x37: {  	_ =	swait.ge [sflag:s0], $0x80  }
0x38: {  	[sflag:s0] =	ssyncset.done $0x0  }
0x39: {  	[sflag:s0] =	ssyncadd.s32 $0xFFFFFF80  }
0x3a: {  	_ =	swait.ge [sflag:s0], $0x80  }
0x3b: {  	[sflag:s0] =	ssyncset.done $0x0  }
0x3c: {  	[sflag:s0] =	ssyncadd.s32 $0xFFFFFF80  }
0x3d: {  	s10 =	sand.u32 $0x3FFFFFFF, s23;
	_ =	swait.ge [sflag:s0], $0x80  }
0x3e: {  	s22 =	simm.s32 $0x0;
	p0 =	seq.s32 s10, $0x0;
	[sflag:s0] =	ssyncset.done $0x0  }
0x3f: {  	s24 =	simm.s32 $0x2;
	v0 =	vmov s22;
	s16 =	simm.s32 @!p0 $0x6;
	[sflag:s0] =	ssyncadd.s32 $0xFFFFFF80  }
0x40: {  	v1 =	vmov s24;
	v0 =	vand.u32 $0xFFFFFFFC, v0;
	_ =	swait.ge @!p0 [sflag:s16], $0x4000  }
0x41: {  	v1 =	vand.u32 $0xFFFFFFFE, v1;
	v0 =	vbroadcast v0, $0x0;
	[sflag:s16] =	ssyncset.done @!p0 $0x0  }
0x42: {  	v1 =	vbroadcast v1, $0x0;
	[sflag:s16] =	ssyncadd.s32 @!p0 $0xFFFFC000  }
0x43: {  	[tilespmem:s1], [sflag:$0x4] =	stream.indirect.gather [hbm4b:s8+s28], $0x80, s28, s28, $0xb8;
	[tilespmem:$0x1C000] =	vst v63  }
0x44: {  	_ =	swait.ge [sflag:s2], $0x4000  }
0x45: {  	[sflag:s2] =	ssyncset.done $0x0  }
0x46: {  	[sflag:s2] =	ssyncadd.s32 $0xFFFFC000  }
0x47: {  	v0 =	vld.idx.msk [tilespmem:v0+s25+$0x0], $0xffff  }
0x48: {  	s18 =	simm.s32 $0x1;
	s10 =	simm.s32 $0x500;
	v1 =	vld.idx.msk [tilespmem:v1+s25+$0x0], $0xffff  }
0x49: {  	v2 =	vmov s18;
	v3 =	vld [tilespmem:s10+$0x70]  }
0x4a: {  	v2 =	vand.u32 $0xFFFFFFFD, v2;
	v4 =	vld [tilespmem:s10+$0xFFFFFF00]  }
0x4b: {  	v2 =	vbroadcast v2, $0x0;
	v5 =	vld [tilespmem:s10+$0xFFFFFF10]  }
0x4c: {  	v6 =	vld [tilespmem:s10+$0xFFFFFF20]  }
0x4d: {  	v7 =	vld [tilespmem:s10+$0xFFFFFF30]  }
0x4e: {  	v8 =	vld [tilespmem:s10+$0xFFFFFF40]  }
0x4f: {  	v9 =	vld [tilespmem:s10+$0xFFFFFF50]  }
0x50: {  	v10 =	vld [tilespmem:s10+$0xFFFFFF60];
	v4 =	vmul.f32 v4, v0  }
0x51: {  	v2 =	vld.idx.msk [tilespmem:v2+s25+$0x0], $0xffff;
	v3 =	vmul.f32 v3, v1  }
0x52: {  	v12 =	vld [tilespmem:s10+$0x40];
	[tilespmem:s10+$0xFFFFFF00] =	vst v4;
	v4 =	vmul.f32 v5, v0  }
0x53: {  	v5 =	vld [tilespmem:s10+$0xFFFFFF70];
	[tilespmem:s10+$0x70] =	vst v3;
	v3 =	vmul.f32 v6, v0  }
0x54: {  	v6 =	vld [tilespmem:s10+$0xFFFFFF80];
	[tilespmem:s10+$0xFFFFFF10] =	vst v4;
	v4 =	vmul.f32 v7, v0  }
0x55: {  	v7 =	vld [tilespmem:s10+$0xFFFFFF90];
	[tilespmem:s10+$0xFFFFFF20] =	vst v3;
	v3 =	vmul.f32 v8, v0  }
0x56: {  	v8 =	vld [tilespmem:s10+$0xFFFFFFA0];
	[tilespmem:s10+$0xFFFFFF30] =	vst v4;
	v4 =	vmul.f32 v9, v0  }
0x57: {  	v9 =	vld [tilespmem:s10+$0xFFFFFFB0];
	[tilespmem:s10+$0xFFFFFF40] =	vst v3;
	v3 =	vmul.f32 v10, v0  }
0x58: {  	v10 =	vld [tilespmem:s10+$0xFFFFFFC0];
	v5 =	vmul.f32 v5, v0;
	[tilespmem:s10+$0xFFFFFF50] =	vst v4  }
0x59: {  	v4 =	vmul.f32 v6, v2;
	v6 =	vld [tilespmem:s10+$0xFFFFFFD0];
	[tilespmem:s10+$0xFFFFFF60] =	vst v3  }
0x5a: {  	s19 =	simm.s32 $0x3;
	v3 =	vld [tilespmem:s10+$0xFFFFFFE0];
	v7 =	vmul.f32 v7, v2;
	[tilespmem:s10+$0xFFFFFF70] =	vst v5  }
0x5b: {  	v11 =	vmov s19;
	v5 =	vld [tilespmem:s10+$0xFFFFFFF0];
	[tilespmem:s10+$0xFFFFFF80] =	vst v4;
	v4 =	vmul.f32 v8, v2  }
0x5c: {  	v8 =	vld [tilespmem:s10+$0x0];
	[tilespmem:s10+$0xFFFFFF90] =	vst v7;
	v7 =	vmul.f32 v9, v2  }
0x5d: {  	v9 =	vld [tilespmem:s10+$0x10];
	[tilespmem:s10+$0xFFFFFFA0] =	vst v4;
	v4 =	vmul.f32 v10, v2  }
0x5e: {  	[tilespmem:s10+$0xFFFFFFB0] =	vst v7;
	v6 =	vmul.f32 v6, v2;
	v7 =	vld [tilespmem:s10+$0x20]  }
0x5f: {  	v10 =	vld [tilespmem:s10+$0x30];
	v3 =	vmul.f32 v3, v2;
	[tilespmem:s10+$0xFFFFFFC0] =	vst v4  }
0x60: {  	v0 =	vld.idx.msk [tilespmem:v11+s25+$0x0], $0xffff;
	v2 =	vmul.f32 v5, v2;
	[tilespmem:s10+$0xFFFFFFD0] =	vst v6  }
0x61: {  	[tilespmem:s10+$0xFFFFFFE0] =	vst v3;
	v4 =	vmul.f32 v8, v1;
	v3 =	vld [tilespmem:s10+$0x50]  }
0x62: {  	s22 =	simm.s32 $0x4;
	[tilespmem:s10+$0xFFFFFFF0] =	vst v2;
	v5 =	vmul.f32 v9, v1;
	v2 =	vld [tilespmem:s10+$0x60]  }
0x63: {  	s24 =	simm.s32 $0x7;
	v6 =	vmov s22;
	[tilespmem:s10+$0x0] =	vst v4;
	v8 =	vmul.f32 v7, v1;
	v7 =	vld [tilespmem:s10+$0x80]  }
0x64: {  	s18 =	simm.s32 $0x5;
	v11 =	vand.u32 $0xFFFFFFFC, v6;
	v6 =	vld [tilespmem:s10+$0x90];
	v4 =	vmov s24;
	v9 =	vmul.f32 v10, v1;
	[tilespmem:s10+$0x10] =	vst v5  }
0x65: {  	s16 =	simm.s32 $0x8;
	s22 =	simm.s32 $0x500;
	s24 =	simm.s32 $0x6;
	v10 =	vmul.f32 v12, v1;
	v5 =	vbroadcast v11, $0x0;
	v11 =	vmov s18;
	[tilespmem:s10+$0x20] =	vst v8;
	v8 =	vld [tilespmem:s10+$0xA0]  }
.LBB2_3:
0x66: {  	p0 =	slt.u32 s16, $0x7C;
	v11 =	vand.u32 $0xFFFFFFFD, v11;
	v12 =	vmov s24;
	[tilespmem:s10+$0x30] =	vst v9;
	v3 =	vmul.f32 v3, v1;
	v9 =	vld [tilespmem:s10+$0xB0]  }
0x67: {  	v11 =	vbroadcast v11, $0x0;
	v12 =	vand.u32 $0xFFFFFFFE, v12;
	[tilespmem:s10+$0x40] =	vst v10;
	v1 =	vmul.f32 v2, v1;
	v2 =	vld [tilespmem:s10+$0xC0]  }
0x68: {  	v10 =	vbroadcast v12, $0x0;
	[tilespmem:s10+$0x50] =	vst v3;
	v3 =	vmul.f32 v7, v0;
	v7 =	vld [tilespmem:s10+$0xD0]  }
0x69: {  	[tilespmem:s10+$0x60] =	vst v1;
	v1 =	vmul.f32 v6, v0;
	v6 =	vld [tilespmem:s10+$0xE0]  }
0x6a: {  	[tilespmem:s10+$0x80] =	vst v3;
	v3 =	vmul.f32 v8, v0;
	v8 =	vld [tilespmem:s10+$0xF0]  }
0x6b: {  	v4 =	vld.idx.msk [tilespmem:v4+s25+$0x0], $0xffff;
	[tilespmem:s10+$0x90] =	vst v1;
	v1 =	vmul.f32 v9, v0  }
0x6c: {  	v5 =	vld.idx.msk [tilespmem:v5+s25+$0x0], $0xffff;
	[tilespmem:s10+$0xA0] =	vst v3;
	v2 =	vmul.f32 v2, v0  }
0x6d: {  	v3 =	vld.idx.msk [tilespmem:v11+s25+$0x0], $0xffff;
	[tilespmem:s10+$0xB0] =	vst v1;
	v7 =	vmul.f32 v7, v0  }
0x6e: {  	s10 =	sadd.s32 $0x200, s10;
	v1 =	vld.idx.msk [tilespmem:v10+s25+$0x0], $0xffff;
	[tilespmem:s22+$0xC0] =	vst v2;
	v2 =	vmul.f32 v6, v0  }
0x6f: {  	v6 =	vld [tilespmem:s10+$0x70];
	[tilespmem:s22+$0xD0] =	vst v7;
	v8 =	vmul.f32 v8, v0  }
0x70: {  	v7 =	vld [tilespmem:s10+$0xFFFFFF00];
	[tilespmem:s22+$0xE0] =	vst v2  }
0x71: {  	v0 =	vmov v4;
	v2 =	vld [tilespmem:s10+$0xFFFFFF10];
	[tilespmem:s22+$0xF0] =	vst v8;
	s22 =	smov.u32 s10  }
0x72: {  	v4 =	vld [tilespmem:s10+$0xFFFFFF20]  }
0x73: {  	v8 =	vld [tilespmem:s10+$0xFFFFFF30]  }
0x74: {  	v9 =	vld [tilespmem:s10+$0xFFFFFF40];
	v6 =	vmul.f32 v6, v1  }
0x75: {  	v7 =	vmul.f32 v7, v5;
	v10 =	vld [tilespmem:s10+$0xFFFFFF50]  }
0x76: {  	v2 =	vmul.f32 v2, v5;
	v11 =	vld [tilespmem:s10+$0xFFFFFF60];
	[tilespmem:s10+$0x70] =	vst v6  }
0x77: {  	[tilespmem:s10+$0xFFFFFF00] =	vst v7;
	v4 =	vmul.f32 v4, v5;
	v6 =	vld [tilespmem:s10+$0xFFFFFF70]  }
0x78: {  	[tilespmem:s10+$0xFFFFFF10] =	vst v2;
	v2 =	vmul.f32 v8, v5;
	v7 =	vld [tilespmem:s10+$0xFFFFFF80]  }
0x79: {  	[tilespmem:s10+$0xFFFFFF20] =	vst v4;
	v4 =	vmul.f32 v9, v5;
	v8 =	vld [tilespmem:s10+$0xFFFFFF90]  }
0x7a: {  	[tilespmem:s10+$0xFFFFFF30] =	vst v2;
	v2 =	vmul.f32 v10, v5;
	v9 =	vld [tilespmem:s10+$0xFFFFFFA0]  }
0x7b: {  	[tilespmem:s10+$0xFFFFFF40] =	vst v4;
	v4 =	vmul.f32 v11, v5;
	v10 =	vld [tilespmem:s10+$0xFFFFFFB0]  }
0x7c: {  	[tilespmem:s10+$0xFFFFFF50] =	vst v2;
	v2 =	vmul.f32 v6, v5;
	v5 =	vld [tilespmem:s10+$0xFFFFFFC0]  }
0x7d: {  	[tilespmem:s10+$0xFFFFFF60] =	vst v4;
	v4 =	vmul.f32 v7, v3;
	v6 =	vld [tilespmem:s10+$0xFFFFFFD0]  }
0x7e: {  	[tilespmem:s10+$0xFFFFFF70] =	vst v2;
	v2 =	vmul.f32 v8, v3;
	v7 =	vld [tilespmem:s10+$0xFFFFFFE0]  }
0x7f: {  	[tilespmem:s10+$0xFFFFFF80] =	vst v4;
	v4 =	vmul.f32 v9, v3;
	v8 =	vld [tilespmem:s10+$0xFFFFFFF0]  }
0x80: {  	[tilespmem:s10+$0xFFFFFF90] =	vst v2;
	v2 =	vmul.f32 v10, v3;
	v9 =	vld [tilespmem:s10+$0x0]  }
0x81: {  	[tilespmem:s10+$0xFFFFFFA0] =	vst v4;
	v4 =	vmul.f32 v5, v3;
	v5 =	vld [tilespmem:s10+$0x10]  }
0x82: {  	[tilespmem:s10+$0xFFFFFFB0] =	vst v2;
	v2 =	vmul.f32 v6, v3;
	v6 =	vld [tilespmem:s10+$0x20]  }
0x83: {  	[tilespmem:s10+$0xFFFFFFC0] =	vst v4;
	v4 =	vmul.f32 v7, v3;
	v10 =	vld [tilespmem:s10+$0x30]  }
0x84: {  	[tilespmem:s10+$0xFFFFFFD0] =	vst v2;
	v2 =	vmul.f32 v8, v3;
	v8 =	vld [tilespmem:s10+$0x40]  }
.Ltmp0:
0x85: {  	[tilespmem:s10+$0xFFFFFFE0] =	vst v4;
	v4 =	vmul.f32 v9, v1;
	v3 =	vld [tilespmem:s10+$0x50];
	(pc) =	sbr.rel @p0 .LBB2_3-.Ltmp0, $4  }
0x86: {  	[tilespmem:s10+$0xFFFFFFF0] =	vst v2;
	v5 =	vmul.f32 v5, v1;
	v2 =	vld [tilespmem:s10+$0x60]  }
0x87: {  	s18 =	sadd.s32 $0x3, s16;
	v9 =	vmov s16;
	[tilespmem:s10+$0x0] =	vst v4;
	v12 =	vmul.f32 v6, v1;
	v7 =	vld [tilespmem:s10+$0x80]  }
0x88: {  	s24 =	sadd.s32 $0x1, s16;
	v11 =	vand.u32 $0xFFFFFFFC, v9;
	v4 =	vmov s18;
	[tilespmem:s10+$0x10] =	vst v5;
	v9 =	vmul.f32 v10, v1;
	v6 =	vld [tilespmem:s10+$0x90]  }
0x89: {  	v5 =	vbroadcast v11, $0x0;
	v11 =	vmov s24;
	s24 =	sadd.s32 $0x2, s16;
	s16 =	sadd.s32 $0x4, s16;
	[tilespmem:s10+$0x20] =	vst v12;
	v10 =	vmul.f32 v8, v1;
	v8 =	vld [tilespmem:s10+$0xA0]  }
0x8a: {  	v12 =	vld [tilespmem:s10+$0xB0]  }
0x8b: {  	v14 =	vld [tilespmem:s10+$0xC0]  }
0x8c: {  	v13 =	vmov s24;
	v15 =	vld [tilespmem:s10+$0xD0]  }
0x8d: {  	v16 =	vld [tilespmem:s10+$0xE0];
	[tilespmem:s10+$0x30] =	vst v9;
	v3 =	vmul.f32 v3, v1;
	v13 =	vand.u32 $0xFFFFFFFE, v13  }
0x8e: {  	v11 =	vand.u32 $0xFFFFFFFD, v11;
	v4 =	vld.idx.msk [tilespmem:v4+s25+$0x0], $0xffff;
	[tilespmem:s10+$0x40] =	vst v10;
	v1 =	vmul.f32 v2, v1;
	v13 =	vbroadcast v13, $0x0  }
0x8f: {  	s16 =	sadd.s32 $0x200, s10;
	v11 =	vbroadcast v11, $0x0;
	v2 =	vld.idx.msk [tilespmem:v5+s25+$0x0], $0xffff;
	v7 =	vmul.f32 v7, v0;
	[tilespmem:s10+$0x50] =	vst v3  }
0x90: {  	v9 =	vld [tilespmem:s16+$0xFFFFFF00];
	v3 =	vmul.f32 v6, v0;
	[tilespmem:s10+$0x60] =	vst v1  }
0x91: {  	[tilespmem:s10+$0x80] =	vst v7;
	v7 =	vld [tilespmem:s10+$0xF0];
	v1 =	vmul.f32 v8, v0  }
0x92: {  	v10 =	vld [tilespmem:s16+$0xFFFFFF10];
	[tilespmem:s10+$0x90] =	vst v3;
	v3 =	vmul.f32 v12, v0  }
0x93: {  	v8 =	vld [tilespmem:s16+$0x70];
	[tilespmem:s10+$0xA0] =	vst v1;
	v1 =	vmul.f32 v14, v0  }
0x94: {  	[tilespmem:s10+$0xB0] =	vst v3;
	v3 =	vmul.f32 v15, v0;
	v6 =	vld.idx.msk [tilespmem:v13+s25+$0x0], $0xffff  }
0x95: {  	v5 =	vld.idx.msk [tilespmem:v11+s25+$0x0], $0xffff;
	[tilespmem:s22+$0xC0] =	vst v1;
	v1 =	vmul.f32 v16, v0  }
0x96: {  	v11 =	vld [tilespmem:s16+$0xFFFFFF20];
	[tilespmem:s22+$0xD0] =	vst v3;
	v0 =	vmul.f32 v7, v0  }
0x97: {  	v3 =	vld [tilespmem:s16+$0xFFFFFF30];
	[tilespmem:s22+$0xE0] =	vst v1  }
0x98: {  	v1 =	vld [tilespmem:s16+$0xFFFFFF40];
	[tilespmem:s22+$0xF0] =	vst v0;
	v0 =	vmul.f32 v9, v2  }
0x99: {  	v7 =	vmul.f32 v8, v6;
	v8 =	vld [tilespmem:s16+$0xFFFFFF50]  }
0x9a: {  	v9 =	vmul.f32 v10, v2;
	v10 =	vld [tilespmem:s16+$0xFFFFFF60];
	[tilespmem:s16+$0xFFFFFF00] =	vst v0  }
0x9b: {  	v0 =	vmul.f32 v11, v2;
	[tilespmem:s16+$0x70] =	vst v7;
	v7 =	vld [tilespmem:s16+$0xFFFFFF70]  }
0x9c: {  	[tilespmem:s16+$0xFFFFFF10] =	vst v9;
	v9 =	vld [tilespmem:s16+$0xFFFFFF80];
	v3 =	vmul.f32 v3, v2  }
0x9d: {  	[tilespmem:s16+$0xFFFFFF20] =	vst v0;
	v0 =	vmul.f32 v1, v2;
	v1 =	vld [tilespmem:s16+$0xFFFFFF90]  }
0x9e: {  	[tilespmem:s16+$0xFFFFFF30] =	vst v3;
	v3 =	vmul.f32 v8, v2;
	v8 =	vld [tilespmem:s16+$0xFFFFFFA0]  }
0x9f: {  	[tilespmem:s16+$0xFFFFFF40] =	vst v0;
	v0 =	vmul.f32 v10, v2;
	v10 =	vld [tilespmem:s16+$0xFFFFFFB0]  }
0xa0: {  	[tilespmem:s16+$0xFFFFFF50] =	vst v3;
	v2 =	vmul.f32 v7, v2;
	v3 =	vld [tilespmem:s16+$0xFFFFFFC0]  }
0xa1: {  	[tilespmem:s16+$0xFFFFFF60] =	vst v0;
	v0 =	vmul.f32 v9, v5;
	v7 =	vld [tilespmem:s16+$0xFFFFFFD0]  }
0xa2: {  	v1 =	vmul.f32 v1, v5;
	[tilespmem:s16+$0xFFFFFF70] =	vst v2;
	v2 =	vld [tilespmem:s16+$0xFFFFFFE0]  }
0xa3: {  	[tilespmem:s16+$0xFFFFFF80] =	vst v0;
	v0 =	vmul.f32 v8, v5;
	v8 =	vld [tilespmem:s16+$0xFFFFFFF0]  }
0xa4: {  	v9 =	vld [tilespmem:s16+$0x0];
	[tilespmem:s16+$0xFFFFFF90] =	vst v1;
	v1 =	vmul.f32 v10, v5  }
0xa5: {  	[tilespmem:s16+$0xFFFFFFA0] =	vst v0;
	v0 =	vmul.f32 v3, v5;
	v3 =	vld [tilespmem:s16+$0x10]  }
0xa6: {  	[tilespmem:s16+$0xFFFFFFB0] =	vst v1;
	v1 =	vmul.f32 v7, v5;
	v7 =	vld [tilespmem:s16+$0x20]  }
0xa7: {  	[tilespmem:s16+$0xFFFFFFC0] =	vst v0;
	v0 =	vmul.f32 v2, v5;
	v2 =	vld [tilespmem:s16+$0x30]  }
0xa8: {  	[tilespmem:s16+$0xFFFFFFD0] =	vst v1;
	v1 =	vmul.f32 v8, v5;
	v5 =	vld [tilespmem:s16+$0x40]  }
0xa9: {  	v8 =	vld [tilespmem:s16+$0x50];
	[tilespmem:s16+$0xFFFFFFE0] =	vst v0;
	v0 =	vmul.f32 v9, v6  }
0xaa: {  	[tilespmem:s16+$0xFFFFFFF0] =	vst v1;
	v1 =	vmul.f32 v3, v6;
	v3 =	vld [tilespmem:s16+$0x60]  }
0xab: {  	[tilespmem:s16+$0x0] =	vst v0;
	v0 =	vmul.f32 v7, v6;
	v7 =	vld [tilespmem:s16+$0x80]  }
0xac: {  	[tilespmem:s16+$0x10] =	vst v1;
	v1 =	vmul.f32 v2, v6;
	v2 =	vld [tilespmem:s16+$0x90]  }
0xad: {  	[tilespmem:s16+$0x20] =	vst v0;
	v0 =	vmul.f32 v5, v6;
	v5 =	vld [tilespmem:s16+$0xA0]  }
0xae: {  	[tilespmem:s16+$0x30] =	vst v1;
	v1 =	vmul.f32 v8, v6;
	v8 =	vld [tilespmem:s16+$0xB0]  }
0xaf: {  	[tilespmem:s16+$0x40] =	vst v0;
	v0 =	vmul.f32 v3, v6;
	v3 =	vld [tilespmem:s16+$0xC0]  }
0xb0: {  	v6 =	vld [tilespmem:s16+$0xD0];
	[tilespmem:s16+$0x50] =	vst v1;
	v1 =	vmul.f32 v7, v4  }
0xb1: {  	[tilespmem:s16+$0x60] =	vst v0;
	v0 =	vmul.f32 v2, v4;
	v2 =	vld [tilespmem:s16+$0xE0]  }
0xb2: {  	[tilespmem:s16+$0x80] =	vst v1;
	v1 =	vmul.f32 v5, v4;
	v5 =	vld [tilespmem:s16+$0xF0]  }
0xb3: {  	[tilespmem:s16+$0x90] =	vst v0;
	v0 =	vmul.f32 v8, v4  }
0xb4: {  	[tilespmem:s16+$0xA0] =	vst v1;
	v1 =	vmul.f32 v3, v4  }
0xb5: {  	[tilespmem:s16+$0xB0] =	vst v0;
	v0 =	vmul.f32 v6, v4  }
0xb6: {  	[tilespmem:s16+$0xC0] =	vst v1;
	v1 =	vmul.f32 v2, v4  }
0xb7: {  	[tilespmem:s16+$0xD0] =	vst v0;
	v0 =	vmul.f32 v5, v4  }
0xb8: {  	[tilespmem:s16+$0xE0] =	vst v1  }
0xb9: {  	[tilespmem:s16+$0xF0] =	vst v0  }
0xba: {  	[spmem:s3] =	stream.indirect.scatter.add.f32 [tilespmem:s29], [sflag:$0x5], $0x80, s26, s28, $0xb8;
	[tilespmem:$0x1C000] =	vst v63  }
0xbb: {  	s10 =	sshll.u32 s23, $0x9;
	s16 =	rddreg [dreg:$0xc]  }
0xbc: {  	s16 =	sadd.s32 s10, s16  }
0xbd: {  	s16 =	sshrl.u32 s16, $0x3  }
0xbe: {  	s19 =	simm.s32 $0x0;
	s18 =	sadd.s32 s5, s16  }
0xbf: {  	[tilespmem:s19], [sflag:$0x1] =	stream.linear.gather [hbm4b:s18+s19], $0x80, $0x38;
	[tilespmem:$0x1C000] =	vst v63  }
0xc0: {  	s24 =	sadd.s32 s7, s16  }
0xc1: {  	[tilespmem:s25], [sflag:$0x1] =	stream.linear.gather [hbm4b:s24+s19], $0x80, $0x38;
	[tilespmem:$0x1C000] =	vst v63  }
0xc2: {  	s16 =	sadd.s32 s6, s16  }
0xc3: {  	[tilespmem:s9], [sflag:$0x1] =	stream.linear.gather [hbm4b:s16+s19], $0x80, $0x38;
	[tilespmem:$0x1C000] =	vst v63  }
0xc4: {  	_ =	swait.ge [sflag:s11], $0x80  }
0xc5: {  	[sflag:s11] =	ssyncset.done $0x0  }
0xc6: {  	[sflag:s11] =	ssyncadd.s32 $0xFFFFFF80  }
0xc7: {  	_ =	swait.ge [sflag:s11], $0x80  }
0xc8: {  	[sflag:s11] =	ssyncset.done $0x0  }
0xc9: {  	[sflag:s11] =	ssyncadd.s32 $0xFFFFFF80  }
0xca: {  	_ =	swait.ge [sflag:s11], $0x80  }
0xcb: {  	[sflag:s11] =	ssyncset.done $0x0  }
0xcc: {  	v0 =	vmov s19;
	s18 =	simm.s32 $0x2;
	[sflag:s11] =	ssyncadd.s32 $0xFFFFFF80  }
0xcd: {  	v0 =	vand.u32 $0xFFFFFFFC, v0;
	v1 =	vmov s18;
	_ =	swait.ge [sflag:s12], $0x4000  }
0xce: {  	v0 =	vbroadcast v0, $0x0;
	v1 =	vand.u32 $0xFFFFFFFE, v1;
	[sflag:s12] =	ssyncset.done $0x0  }
0xcf: {  	v1 =	vbroadcast v1, $0x0;
	[sflag:s12] =	ssyncadd.s32 $0xFFFFC000  }
0xd0: {  	[tilespmem:s29], [sflag:$0x3] =	stream.indirect.gather [hbm4b:s8+s28], $0x80, s19, s28, $0xb8;
	[tilespmem:$0x1C000] =	vst v63  }
0xd1: {  	_ =	swait.ge [sflag:s13], $0x4000  }
0xd2: {  	[sflag:s13] =	ssyncset.done $0x0  }
0xd3: {  	[sflag:s13] =	ssyncadd.s32 $0xFFFFC000  }
0xd4: {  	v0 =	vld.idx.msk [tilespmem:v0+s30+$0x0], $0xffff  }
0xd5: {  	s22 =	simm.s32 $0x4500;
	v1 =	vld.idx.msk [tilespmem:v1+s30+$0x0], $0xffff  }
0xd6: {  	s19 =	simm.s32 $0x1;
	v3 =	vld [tilespmem:s22+$0x70]  }
0xd7: {  	v2 =	vmov s19;
	v4 =	vld [tilespmem:s22+$0xFFFFFF00]  }
0xd8: {  	v2 =	vand.u32 $0xFFFFFFFD, v2;
	v5 =	vld [tilespmem:s22+$0xFFFFFF10]  }
0xd9: {  	v2 =	vbroadcast v2, $0x0;
	v6 =	vld [tilespmem:s22+$0xFFFFFF20]  }
0xda: {  	v7 =	vld [tilespmem:s22+$0xFFFFFF30]  }
0xdb: {  	v8 =	vld [tilespmem:s22+$0xFFFFFF40]  }
0xdc: {  	v9 =	vld [tilespmem:s22+$0xFFFFFF50]  }
0xdd: {  	v10 =	vld [tilespmem:s22+$0xFFFFFF60];
	v4 =	vmul.f32 v4, v0  }
0xde: {  	v63 =	vld [tilespmem:s22+$0x40];
	v3 =	vmul.f32 v3, v1  }
0xdf: {  	v2 =	vld.idx.msk [tilespmem:v2+s30+$0x0], $0xffff;
	[tilespmem:s22+$0xFFFFFF00] =	vst v4;
	v4 =	vmul.f32 v5, v0  }
0xe0: {  	v5 =	vld [tilespmem:s22+$0xFFFFFF70];
	[tilespmem:s22+$0x70] =	vst v3;
	v3 =	vmul.f32 v6, v0  }
0xe1: {  	v6 =	vld [tilespmem:s22+$0xFFFFFF80];
	[tilespmem:s22+$0xFFFFFF10] =	vst v4;
	v4 =	vmul.f32 v7, v0  }
0xe2: {  	v7 =	vld [tilespmem:s22+$0xFFFFFF90];
	[tilespmem:s22+$0xFFFFFF20] =	vst v3;
	v3 =	vmul.f32 v8, v0  }
0xe3: {  	v8 =	vld [tilespmem:s22+$0xFFFFFFA0];
	[tilespmem:s22+$0xFFFFFF30] =	vst v4;
	v4 =	vmul.f32 v9, v0  }
0xe4: {  	v9 =	vld [tilespmem:s22+$0xFFFFFFB0];
	[tilespmem:s22+$0xFFFFFF40] =	vst v3;
	v3 =	vmul.f32 v10, v0  }
0xe5: {  	v10 =	vld [tilespmem:s22+$0xFFFFFFC0];
	v5 =	vmul.f32 v5, v0;
	[tilespmem:s22+$0xFFFFFF50] =	vst v4  }
0xe6: {  	v4 =	vmul.f32 v6, v2;
	v6 =	vld [tilespmem:s22+$0xFFFFFFD0];
	[tilespmem:s22+$0xFFFFFF60] =	vst v3  }
0xe7: {  	s24 =	simm.s32 $0x3;
	v3 =	vld [tilespmem:s22+$0xFFFFFFE0];
	v7 =	vmul.f32 v7, v2;
	[tilespmem:s22+$0xFFFFFF70] =	vst v5  }
0xe8: {  	v11 =	vmov s24;
	v5 =	vld [tilespmem:s22+$0xFFFFFFF0];
	[tilespmem:s22+$0xFFFFFF80] =	vst v4;
	v4 =	vmul.f32 v8, v2  }
0xe9: {  	v8 =	vld [tilespmem:s22+$0x0];
	[tilespmem:s22+$0xFFFFFF90] =	vst v7;
	v7 =	vmul.f32 v9, v2  }
0xea: {  	v9 =	vld [tilespmem:s22+$0x10];
	[tilespmem:s22+$0xFFFFFFA0] =	vst v4;
	v4 =	vmul.f32 v10, v2  }
0xeb: {  	[tilespmem:s22+$0xFFFFFFB0] =	vst v7;
	v6 =	vmul.f32 v6, v2;
	v7 =	vld [tilespmem:s22+$0x20]  }
0xec: {  	v10 =	vld [tilespmem:s22+$0x30];
	v3 =	vmul.f32 v3, v2;
	[tilespmem:s22+$0xFFFFFFC0] =	vst v4  }
0xed: {  	v0 =	vld.idx.msk [tilespmem:v11+s30+$0x0], $0xffff;
	v2 =	vmul.f32 v5, v2;
	[tilespmem:s22+$0xFFFFFFD0] =	vst v6  }
0xee: {  	[tilespmem:s22+$0xFFFFFFE0] =	vst v3;
	v4 =	vmul.f32 v8, v1;
	v3 =	vld [tilespmem:s22+$0x50]  }
0xef: {  	s18 =	simm.s32 $0x4;
	[tilespmem:s22+$0xFFFFFFF0] =	vst v2;
	v5 =	vmul.f32 v9, v1;
	v2 =	vld [tilespmem:s22+$0x60]  }
0xf0: {  	s19 =	simm.s32 $0x7;
	v6 =	vmov s18;
	[tilespmem:s22+$0x0] =	vst v4;
	v8 =	vmul.f32 v7, v1;
	v7 =	vld [tilespmem:s22+$0x80]  }
0xf1: {  	s24 =	simm.s32 $0x5;
	v11 =	vand.u32 $0xFFFFFFFC, v6;
	v6 =	vld [tilespmem:s22+$0x90];
	v4 =	vmov s19;
	v9 =	vmul.f32 v10, v1;
	[tilespmem:s22+$0x10] =	vst v5  }
0xf2: {  	s16 =	simm.s32 $0x4500;
	s18 =	simm.s32 $0x6;
	v10 =	vmul.f32 v63, v1;
	v5 =	vbroadcast v11, $0x0;
	v11 =	vmov s24;
	s24 =	simm.s32 $0x8;
	[tilespmem:s22+$0x20] =	vst v8;
	v8 =	vld [tilespmem:s22+$0xA0]  }
.LBB2_5:
0xf3: {  	p0 =	slt.u32 s24, $0x7C;
	v11 =	vand.u32 $0xFFFFFFFD, v11;
	v12 =	vmov s18;
	[tilespmem:s22+$0x30] =	vst v9;
	v3 =	vmul.f32 v3, v1;
	v9 =	vld [tilespmem:s22+$0xB0]  }
0xf4: {  	v11 =	vbroadcast v11, $0x0;
	v12 =	vand.u32 $0xFFFFFFFE, v12;
	[tilespmem:s22+$0x40] =	vst v10;
	v1 =	vmul.f32 v2, v1;
	v2 =	vld [tilespmem:s22+$0xC0]  }
0xf5: {  	v10 =	vbroadcast v12, $0x0;
	[tilespmem:s22+$0x50] =	vst v3;
	v3 =	vmul.f32 v7, v0;
	v7 =	vld [tilespmem:s22+$0xD0]  }
0xf6: {  	[tilespmem:s22+$0x60] =	vst v1;
	v1 =	vmul.f32 v6, v0;
	v6 =	vld [tilespmem:s22+$0xE0]  }
0xf7: {  	[tilespmem:s22+$0x80] =	vst v3;
	v3 =	vmul.f32 v8, v0;
	v8 =	vld [tilespmem:s22+$0xF0]  }
0xf8: {  	v4 =	vld.idx.msk [tilespmem:v4+s30+$0x0], $0xffff;
	[tilespmem:s22+$0x90] =	vst v1;
	v1 =	vmul.f32 v9, v0  }
0xf9: {  	v5 =	vld.idx.msk [tilespmem:v5+s30+$0x0], $0xffff;
	[tilespmem:s22+$0xA0] =	vst v3;
	v2 =	vmul.f32 v2, v0  }
0xfa: {  	v3 =	vld.idx.msk [tilespmem:v11+s30+$0x0], $0xffff;
	[tilespmem:s22+$0xB0] =	vst v1;
	v7 =	vmul.f32 v7, v0  }
0xfb: {  	s22 =	sadd.s32 $0x200, s22;
	v1 =	vld.idx.msk [tilespmem:v10+s30+$0x0], $0xffff;
	[tilespmem:s16+$0xC0] =	vst v2;
	v2 =	vmul.f32 v6, v0  }
0xfc: {  	v6 =	vld [tilespmem:s22+$0x70];
	[tilespmem:s16+$0xD0] =	vst v7;
	v8 =	vmul.f32 v8, v0  }
0xfd: {  	v7 =	vld [tilespmem:s22+$0xFFFFFF00];
	[tilespmem:s16+$0xE0] =	vst v2  }
0xfe: {  	v0 =	vmov v4;
	v2 =	vld [tilespmem:s22+$0xFFFFFF10];
	[tilespmem:s16+$0xF0] =	vst v8;
	s16 =	smov.u32 s22  }
0xff: {  	v4 =	vld [tilespmem:s22+$0xFFFFFF20]  }
0x100: {  	v8 =	vld [tilespmem:s22+$0xFFFFFF30]  }
0x101: {  	v9 =	vld [tilespmem:s22+$0xFFFFFF40];
	v6 =	vmul.f32 v6, v1  }
0x102: {  	v7 =	vmul.f32 v7, v5;
	v10 =	vld [tilespmem:s22+$0xFFFFFF50]  }
0x103: {  	v2 =	vmul.f32 v2, v5;
	v11 =	vld [tilespmem:s22+$0xFFFFFF60];
	[tilespmem:s22+$0x70] =	vst v6  }
0x104: {  	[tilespmem:s22+$0xFFFFFF00] =	vst v7;
	v4 =	vmul.f32 v4, v5;
	v6 =	vld [tilespmem:s22+$0xFFFFFF70]  }
0x105: {  	[tilespmem:s22+$0xFFFFFF10] =	vst v2;
	v2 =	vmul.f32 v8, v5;
	v7 =	vld [tilespmem:s22+$0xFFFFFF80]  }
0x106: {  	[tilespmem:s22+$0xFFFFFF20] =	vst v4;
	v4 =	vmul.f32 v9, v5;
	v8 =	vld [tilespmem:s22+$0xFFFFFF90]  }
0x107: {  	[tilespmem:s22+$0xFFFFFF30] =	vst v2;
	v2 =	vmul.f32 v10, v5;
	v9 =	vld [tilespmem:s22+$0xFFFFFFA0]  }
0x108: {  	[tilespmem:s22+$0xFFFFFF40] =	vst v4;
	v4 =	vmul.f32 v11, v5;
	v10 =	vld [tilespmem:s22+$0xFFFFFFB0]  }
0x109: {  	[tilespmem:s22+$0xFFFFFF50] =	vst v2;
	v2 =	vmul.f32 v6, v5;
	v5 =	vld [tilespmem:s22+$0xFFFFFFC0]  }
0x10a: {  	[tilespmem:s22+$0xFFFFFF60] =	vst v4;
	v4 =	vmul.f32 v7, v3;
	v6 =	vld [tilespmem:s22+$0xFFFFFFD0]  }
0x10b: {  	[tilespmem:s22+$0xFFFFFF70] =	vst v2;
	v2 =	vmul.f32 v8, v3;
	v7 =	vld [tilespmem:s22+$0xFFFFFFE0]  }
0x10c: {  	[tilespmem:s22+$0xFFFFFF80] =	vst v4;
	v4 =	vmul.f32 v9, v3;
	v8 =	vld [tilespmem:s22+$0xFFFFFFF0]  }
0x10d: {  	[tilespmem:s22+$0xFFFFFF90] =	vst v2;
	v2 =	vmul.f32 v10, v3;
	v9 =	vld [tilespmem:s22+$0x0]  }
0x10e: {  	[tilespmem:s22+$0xFFFFFFA0] =	vst v4;
	v4 =	vmul.f32 v5, v3;
	v5 =	vld [tilespmem:s22+$0x10]  }
0x10f: {  	[tilespmem:s22+$0xFFFFFFB0] =	vst v2;
	v2 =	vmul.f32 v6, v3;
	v6 =	vld [tilespmem:s22+$0x20]  }
0x110: {  	[tilespmem:s22+$0xFFFFFFC0] =	vst v4;
	v4 =	vmul.f32 v7, v3;
	v10 =	vld [tilespmem:s22+$0x30]  }
0x111: {  	[tilespmem:s22+$0xFFFFFFD0] =	vst v2;
	v2 =	vmul.f32 v8, v3;
	v8 =	vld [tilespmem:s22+$0x40]  }
.Ltmp1:
0x112: {  	[tilespmem:s22+$0xFFFFFFE0] =	vst v4;
	v4 =	vmul.f32 v9, v1;
	v3 =	vld [tilespmem:s22+$0x50];
	(pc) =	sbr.rel @p0 .LBB2_5-.Ltmp1, $4  }
0x113: {  	[tilespmem:s22+$0xFFFFFFF0] =	vst v2;
	v5 =	vmul.f32 v5, v1;
	v2 =	vld [tilespmem:s22+$0x60]  }
0x114: {  	s18 =	sadd.s32 $0x3, s24;
	v9 =	vmov s24;
	[tilespmem:s22+$0x0] =	vst v4;
	v12 =	vmul.f32 v6, v1;
	v7 =	vld [tilespmem:s22+$0x80]  }
0x115: {  	s19 =	sadd.s32 $0x1, s24;
	v11 =	vand.u32 $0xFFFFFFFC, v9;
	v4 =	vmov s18;
	[tilespmem:s22+$0x10] =	vst v5;
	v9 =	vmul.f32 v10, v1;
	v6 =	vld [tilespmem:s22+$0x90]  }
0x116: {  	s18 =	sadd.s32 $0x2, s24;
	s24 =	sadd.s32 $0x4, s24;
	v5 =	vbroadcast v11, $0x0;
	v11 =	vmov s19;
	[tilespmem:s22+$0x20] =	vst v12;
	v10 =	vmul.f32 v8, v1;
	v8 =	vld [tilespmem:s22+$0xA0]  }
0x117: {  	v12 =	vld [tilespmem:s22+$0xB0]  }
0x118: {  	v14 =	vld [tilespmem:s22+$0xC0]  }
0x119: {  	v13 =	vmov s18;
	v15 =	vld [tilespmem:s22+$0xD0]  }
0x11a: {  	v16 =	vld [tilespmem:s22+$0xE0];
	[tilespmem:s22+$0x30] =	vst v9;
	v3 =	vmul.f32 v3, v1;
	v13 =	vand.u32 $0xFFFFFFFE, v13  }
0x11b: {  	v11 =	vand.u32 $0xFFFFFFFD, v11;
	v4 =	vld.idx.msk [tilespmem:v4+s30+$0x0], $0xffff;
	[tilespmem:s22+$0x40] =	vst v10;
	v1 =	vmul.f32 v2, v1;
	v13 =	vbroadcast v13, $0x0  }
0x11c: {  	s24 =	sadd.s32 $0x200, s22;
	v11 =	vbroadcast v11, $0x0;
	v2 =	vld.idx.msk [tilespmem:v5+s30+$0x0], $0xffff;
	v7 =	vmul.f32 v7, v0;
	[tilespmem:s22+$0x50] =	vst v3  }
0x11d: {  	v9 =	vld [tilespmem:s24+$0xFFFFFF00];
	v3 =	vmul.f32 v6, v0;
	[tilespmem:s22+$0x60] =	vst v1  }
0x11e: {  	[tilespmem:s22+$0x80] =	vst v7;
	v7 =	vld [tilespmem:s22+$0xF0];
	v1 =	vmul.f32 v8, v0  }
0x11f: {  	v10 =	vld [tilespmem:s24+$0xFFFFFF10];
	[tilespmem:s22+$0x90] =	vst v3;
	v3 =	vmul.f32 v12, v0  }
0x120: {  	v8 =	vld [tilespmem:s24+$0x70];
	[tilespmem:s22+$0xA0] =	vst v1;
	v1 =	vmul.f32 v14, v0  }
0x121: {  	[tilespmem:s22+$0xB0] =	vst v3;
	v3 =	vmul.f32 v15, v0;
	v6 =	vld.idx.msk [tilespmem:v13+s30+$0x0], $0xffff  }
0x122: {  	v5 =	vld.idx.msk [tilespmem:v11+s30+$0x0], $0xffff;
	[tilespmem:s16+$0xC0] =	vst v1;
	v1 =	vmul.f32 v16, v0  }
0x123: {  	v11 =	vld [tilespmem:s24+$0xFFFFFF20];
	[tilespmem:s16+$0xD0] =	vst v3;
	v0 =	vmul.f32 v7, v0  }
0x124: {  	v3 =	vld [tilespmem:s24+$0xFFFFFF30];
	[tilespmem:s16+$0xE0] =	vst v1  }
0x125: {  	v1 =	vld [tilespmem:s24+$0xFFFFFF40];
	[tilespmem:s16+$0xF0] =	vst v0;
	v0 =	vmul.f32 v9, v2  }
0x126: {  	v7 =	vmul.f32 v8, v6;
	v8 =	vld [tilespmem:s24+$0xFFFFFF50]  }
0x127: {  	v9 =	vmul.f32 v10, v2;
	v10 =	vld [tilespmem:s24+$0xFFFFFF60];
	[tilespmem:s24+$0xFFFFFF00] =	vst v0  }
0x128: {  	v0 =	vmul.f32 v11, v2;
	[tilespmem:s24+$0x70] =	vst v7;
	v7 =	vld [tilespmem:s24+$0xFFFFFF70]  }
0x129: {  	[tilespmem:s24+$0xFFFFFF10] =	vst v9;
	v9 =	vld [tilespmem:s24+$0xFFFFFF80];
	v3 =	vmul.f32 v3, v2  }
0x12a: {  	[tilespmem:s24+$0xFFFFFF20] =	vst v0;
	v0 =	vmul.f32 v1, v2;
	v1 =	vld [tilespmem:s24+$0xFFFFFF90]  }
0x12b: {  	[tilespmem:s24+$0xFFFFFF30] =	vst v3;
	v3 =	vmul.f32 v8, v2;
	v8 =	vld [tilespmem:s24+$0xFFFFFFA0]  }
0x12c: {  	[tilespmem:s24+$0xFFFFFF40] =	vst v0;
	v0 =	vmul.f32 v10, v2;
	v10 =	vld [tilespmem:s24+$0xFFFFFFB0]  }
0x12d: {  	[tilespmem:s24+$0xFFFFFF50] =	vst v3;
	v2 =	vmul.f32 v7, v2;
	v3 =	vld [tilespmem:s24+$0xFFFFFFC0]  }
0x12e: {  	[tilespmem:s24+$0xFFFFFF60] =	vst v0;
	v0 =	vmul.f32 v9, v5;
	v7 =	vld [tilespmem:s24+$0xFFFFFFD0]  }
0x12f: {  	v1 =	vmul.f32 v1, v5;
	[tilespmem:s24+$0xFFFFFF70] =	vst v2;
	v2 =	vld [tilespmem:s24+$0xFFFFFFE0]  }
0x130: {  	[tilespmem:s24+$0xFFFFFF80] =	vst v0;
	v0 =	vmul.f32 v8, v5;
	v8 =	vld [tilespmem:s24+$0xFFFFFFF0]  }
0x131: {  	v9 =	vld [tilespmem:s24+$0x0];
	[tilespmem:s24+$0xFFFFFF90] =	vst v1;
	v1 =	vmul.f32 v10, v5  }
0x132: {  	[tilespmem:s24+$0xFFFFFFA0] =	vst v0;
	v0 =	vmul.f32 v3, v5;
	v3 =	vld [tilespmem:s24+$0x10]  }
0x133: {  	[tilespmem:s24+$0xFFFFFFB0] =	vst v1;
	v1 =	vmul.f32 v7, v5;
	v7 =	vld [tilespmem:s24+$0x20]  }
0x134: {  	[tilespmem:s24+$0xFFFFFFC0] =	vst v0;
	v0 =	vmul.f32 v2, v5;
	v2 =	vld [tilespmem:s24+$0x30]  }
0x135: {  	[tilespmem:s24+$0xFFFFFFD0] =	vst v1;
	v1 =	vmul.f32 v8, v5;
	v5 =	vld [tilespmem:s24+$0x40]  }
0x136: {  	v8 =	vld [tilespmem:s24+$0x50];
	[tilespmem:s24+$0xFFFFFFE0] =	vst v0;
	v0 =	vmul.f32 v9, v6  }
0x137: {  	[tilespmem:s24+$0xFFFFFFF0] =	vst v1;
	v1 =	vmul.f32 v3, v6;
	v3 =	vld [tilespmem:s24+$0x60]  }
0x138: {  	[tilespmem:s24+$0x0] =	vst v0;
	v0 =	vmul.f32 v7, v6;
	v7 =	vld [tilespmem:s24+$0x80]  }
0x139: {  	[tilespmem:s24+$0x10] =	vst v1;
	v1 =	vmul.f32 v2, v6;
	v2 =	vld [tilespmem:s24+$0x90]  }
0x13a: {  	[tilespmem:s24+$0x20] =	vst v0;
	v0 =	vmul.f32 v5, v6;
	v5 =	vld [tilespmem:s24+$0xA0]  }
0x13b: {  	[tilespmem:s24+$0x30] =	vst v1;
	v1 =	vmul.f32 v8, v6;
	v8 =	vld [tilespmem:s24+$0xB0]  }
0x13c: {  	[tilespmem:s24+$0x40] =	vst v0;
	v0 =	vmul.f32 v3, v6;
	v3 =	vld [tilespmem:s24+$0xC0]  }
0x13d: {  	v6 =	vld [tilespmem:s24+$0xD0];
	[tilespmem:s24+$0x50] =	vst v1;
	v1 =	vmul.f32 v7, v4  }
0x13e: {  	[tilespmem:s24+$0x60] =	vst v0;
	v0 =	vmul.f32 v2, v4;
	v2 =	vld [tilespmem:s24+$0xE0]  }
0x13f: {  	[tilespmem:s24+$0x80] =	vst v1;
	v1 =	vmul.f32 v5, v4;
	v5 =	vld [tilespmem:s24+$0xF0]  }
0x140: {  	[tilespmem:s24+$0x90] =	vst v0;
	v0 =	vmul.f32 v8, v4  }
0x141: {  	[tilespmem:s24+$0xA0] =	vst v1;
	v1 =	vmul.f32 v3, v4  }
0x142: {  	[tilespmem:s24+$0xB0] =	vst v0;
	v0 =	vmul.f32 v6, v4  }
0x143: {  	[tilespmem:s24+$0xC0] =	vst v1;
	v1 =	vmul.f32 v2, v4  }
0x144: {  	[tilespmem:s24+$0xD0] =	vst v0;
	v0 =	vmul.f32 v5, v4  }
0x145: {  	[tilespmem:s24+$0xE0] =	vst v1  }
0x146: {  	[tilespmem:s24+$0xF0] =	vst v0  }
0x147: {  	[spmem:s3] =	stream.indirect.scatter.add.f32 [tilespmem:s1], [sflag:$0x6], $0x80, s31, s28, $0xb8;
	[tilespmem:$0x1C000] =	vst v63  }
0x148: {  	s16 =	rddreg [dreg:$0xd]  }
0x149: {  	s16 =	sadd.s32 s10, s16  }
0x14a: {  	s16 =	sshrl.u32 s16, $0x3  }
0x14b: {  	s19 =	simm.s32 $0x0;
	s22 =	sadd.s32 s5, s16  }
0x14c: {  	[tilespmem:s28], [sflag:$0x2] =	stream.linear.gather [hbm4b:s22+s19], $0x80, $0x38;
	[tilespmem:$0x1C000] =	vst v63  }
0x14d: {  	s24 =	sadd.s32 s7, s16  }
0x14e: {  	[tilespmem:s30], [sflag:$0x2] =	stream.linear.gather [hbm4b:s24+s19], $0x80, $0x38;
	[tilespmem:$0x1C000] =	vst v63  }
0x14f: {  	s16 =	sadd.s32 s6, s16  }
0x150: {  	[tilespmem:s14], [sflag:$0x2] =	stream.linear.gather [hbm4b:s16+s19], $0x80, $0x38;
	[tilespmem:$0x1C000] =	vst v63  }
0x151: {  	_ =	swait.ge [sflag:s0], $0x80  }
0x152: {  	[sflag:s0] =	ssyncset.done $0x0  }
0x153: {  	[sflag:s0] =	ssyncadd.s32 $0xFFFFFF80  }
0x154: {  	_ =	swait.ge [sflag:s0], $0x80  }
0x155: {  	[sflag:s0] =	ssyncset.done $0x0  }
0x156: {  	[sflag:s0] =	ssyncadd.s32 $0xFFFFFF80  }
0x157: {  	_ =	swait.ge [sflag:s0], $0x80  }
0x158: {  	[sflag:s0] =	ssyncset.done $0x0  }
0x159: {  	s18 =	simm.s32 $0x2;
	v0 =	vmov s19;
	[sflag:s0] =	ssyncadd.s32 $0xFFFFFF80  }
0x15a: {  	v1 =	vmov s18;
	v0 =	vand.u32 $0xFFFFFFFC, v0;
	_ =	swait.ge [sflag:s15], $0x4000  }
0x15b: {  	v1 =	vand.u32 $0xFFFFFFFE, v1;
	v0 =	vbroadcast v0, $0x0;
	[sflag:s15] =	ssyncset.done $0x0  }
0x15c: {  	v1 =	vbroadcast v1, $0x0;
	[sflag:s15] =	ssyncadd.s32 $0xFFFFC000  }
0x15d: {  	[tilespmem:s1], [sflag:$0x4] =	stream.indirect.gather [hbm4b:s8+s28], $0x80, s28, s28, $0xb8;
	[tilespmem:$0x1C000] =	vst v63  }
0x15e: {  	_ =	swait.ge [sflag:s2], $0x4000  }
0x15f: {  	[sflag:s2] =	ssyncset.done $0x0  }
0x160: {  	[sflag:s2] =	ssyncadd.s32 $0xFFFFC000  }
0x161: {  	v0 =	vld.idx.msk [tilespmem:v0+s25+$0x0], $0xffff  }
0x162: {  	s22 =	simm.s32 $0x500;
	s19 =	simm.s32 $0x1;
	v1 =	vld.idx.msk [tilespmem:v1+s25+$0x0], $0xffff  }
0x163: {  	v2 =	vmov s19;
	v3 =	vld [tilespmem:s22+$0x70]  }
0x164: {  	v2 =	vand.u32 $0xFFFFFFFD, v2;
	v4 =	vld [tilespmem:s22+$0xFFFFFF00]  }
0x165: {  	v2 =	vbroadcast v2, $0x0;
	v5 =	vld [tilespmem:s22+$0xFFFFFF10]  }
0x166: {  	v6 =	vld [tilespmem:s22+$0xFFFFFF20]  }
0x167: {  	v7 =	vld [tilespmem:s22+$0xFFFFFF30]  }
0x168: {  	v8 =	vld [tilespmem:s22+$0xFFFFFF40]  }
0x169: {  	v9 =	vld [tilespmem:s22+$0xFFFFFF50]  }
0x16a: {  	v10 =	vld [tilespmem:s22+$0xFFFFFF60];
	v4 =	vmul.f32 v4, v0  }
0x16b: {  	v2 =	vld.idx.msk [tilespmem:v2+s25+$0x0], $0xffff;
	v3 =	vmul.f32 v3, v1  }
0x16c: {  	v63 =	vld [tilespmem:s22+$0x40];
	[tilespmem:s22+$0xFFFFFF00] =	vst v4;
	v4 =	vmul.f32 v5, v0  }
0x16d: {  	v5 =	vld [tilespmem:s22+$0xFFFFFF70];
	[tilespmem:s22+$0x70] =	vst v3;
	v3 =	vmul.f32 v6, v0  }
0x16e: {  	v6 =	vld [tilespmem:s22+$0xFFFFFF80];
	[tilespmem:s22+$0xFFFFFF10] =	vst v4;
	v4 =	vmul.f32 v7, v0  }
0x16f: {  	v7 =	vld [tilespmem:s22+$0xFFFFFF90];
	[tilespmem:s22+$0xFFFFFF20] =	vst v3;
	v3 =	vmul.f32 v8, v0  }
0x170: {  	v8 =	vld [tilespmem:s22+$0xFFFFFFA0];
	[tilespmem:s22+$0xFFFFFF30] =	vst v4;
	v4 =	vmul.f32 v9, v0  }
0x171: {  	v9 =	vld [tilespmem:s22+$0xFFFFFFB0];
	[tilespmem:s22+$0xFFFFFF40] =	vst v3;
	v3 =	vmul.f32 v10, v0  }
0x172: {  	v10 =	vld [tilespmem:s22+$0xFFFFFFC0];
	v5 =	vmul.f32 v5, v0;
	[tilespmem:s22+$0xFFFFFF50] =	vst v4  }
0x173: {  	v4 =	vmul.f32 v6, v2;
	v6 =	vld [tilespmem:s22+$0xFFFFFFD0];
	[tilespmem:s22+$0xFFFFFF60] =	vst v3  }
0x174: {  	s24 =	simm.s32 $0x3;
	v3 =	vld [tilespmem:s22+$0xFFFFFFE0];
	v7 =	vmul.f32 v7, v2;
	[tilespmem:s22+$0xFFFFFF70] =	vst v5  }
0x175: {  	v11 =	vmov s24;
	v5 =	vld [tilespmem:s22+$0xFFFFFFF0];
	[tilespmem:s22+$0xFFFFFF80] =	vst v4;
	v4 =	vmul.f32 v8, v2  }
0x176: {  	v8 =	vld [tilespmem:s22+$0x0];
	[tilespmem:s22+$0xFFFFFF90] =	vst v7;
	v7 =	vmul.f32 v9, v2  }
0x177: {  	v9 =	vld [tilespmem:s22+$0x10];
	[tilespmem:s22+$0xFFFFFFA0] =	vst v4;
	v4 =	vmul.f32 v10, v2  }
0x178: {  	[tilespmem:s22+$0xFFFFFFB0] =	vst v7;
	v6 =	vmul.f32 v6, v2;
	v7 =	vld [tilespmem:s22+$0x20]  }
0x179: {  	v10 =	vld [tilespmem:s22+$0x30];
	v3 =	vmul.f32 v3, v2;
	[tilespmem:s22+$0xFFFFFFC0] =	vst v4  }
0x17a: {  	v0 =	vld.idx.msk [tilespmem:v11+s25+$0x0], $0xffff;
	v2 =	vmul.f32 v5, v2;
	[tilespmem:s22+$0xFFFFFFD0] =	vst v6  }
0x17b: {  	[tilespmem:s22+$0xFFFFFFE0] =	vst v3;
	v4 =	vmul.f32 v8, v1;
	v3 =	vld [tilespmem:s22+$0x50]  }
0x17c: {  	s18 =	simm.s32 $0x4;
	[tilespmem:s22+$0xFFFFFFF0] =	vst v2;
	v5 =	vmul.f32 v9, v1;
	v2 =	vld [tilespmem:s22+$0x60]  }
0x17d: {  	s19 =	simm.s32 $0x7;
	v6 =	vmov s18;
	[tilespmem:s22+$0x0] =	vst v4;
	v8 =	vmul.f32 v7, v1;
	v7 =	vld [tilespmem:s22+$0x80]  }
0x17e: {  	s24 =	simm.s32 $0x5;
	v11 =	vand.u32 $0xFFFFFFFC, v6;
	v6 =	vld [tilespmem:s22+$0x90];
	v4 =	vmov s19;
	v9 =	vmul.f32 v10, v1;
	[tilespmem:s22+$0x10] =	vst v5  }
0x17f: {  	s16 =	simm.s32 $0x500;
	s18 =	simm.s32 $0x6;
	v10 =	vmul.f32 v63, v1;
	v5 =	vbroadcast v11, $0x0;
	v11 =	vmov s24;
	s24 =	simm.s32 $0x8;
	[tilespmem:s22+$0x20] =	vst v8;
	v8 =	vld [tilespmem:s22+$0xA0]  }
.LBB2_7:
0x180: {  	p0 =	slt.u32 s24, $0x7C;
	v11 =	vand.u32 $0xFFFFFFFD, v11;
	v12 =	vmov s18;
	[tilespmem:s22+$0x30] =	vst v9;
	v3 =	vmul.f32 v3, v1;
	v9 =	vld [tilespmem:s22+$0xB0]  }
0x181: {  	v11 =	vbroadcast v11, $0x0;
	v12 =	vand.u32 $0xFFFFFFFE, v12;
	[tilespmem:s22+$0x40] =	vst v10;
	v1 =	vmul.f32 v2, v1;
	v2 =	vld [tilespmem:s22+$0xC0]  }
0x182: {  	v10 =	vbroadcast v12, $0x0;
	[tilespmem:s22+$0x50] =	vst v3;
	v3 =	vmul.f32 v7, v0;
	v7 =	vld [tilespmem:s22+$0xD0]  }
0x183: {  	[tilespmem:s22+$0x60] =	vst v1;
	v1 =	vmul.f32 v6, v0;
	v6 =	vld [tilespmem:s22+$0xE0]  }
0x184: {  	[tilespmem:s22+$0x80] =	vst v3;
	v3 =	vmul.f32 v8, v0;
	v8 =	vld [tilespmem:s22+$0xF0]  }
0x185: {  	v4 =	vld.idx.msk [tilespmem:v4+s25+$0x0], $0xffff;
	[tilespmem:s22+$0x90] =	vst v1;
	v1 =	vmul.f32 v9, v0  }
0x186: {  	v5 =	vld.idx.msk [tilespmem:v5+s25+$0x0], $0xffff;
	[tilespmem:s22+$0xA0] =	vst v3;
	v2 =	vmul.f32 v2, v0  }
0x187: {  	v3 =	vld.idx.msk [tilespmem:v11+s25+$0x0], $0xffff;
	[tilespmem:s22+$0xB0] =	vst v1;
	v7 =	vmul.f32 v7, v0  }
0x188: {  	s22 =	sadd.s32 $0x200, s22;
	v1 =	vld.idx.msk [tilespmem:v10+s25+$0x0], $0xffff;
	[tilespmem:s16+$0xC0] =	vst v2;
	v2 =	vmul.f32 v6, v0  }
0x189: {  	v6 =	vld [tilespmem:s22+$0x70];
	[tilespmem:s16+$0xD0] =	vst v7;
	v8 =	vmul.f32 v8, v0  }
0x18a: {  	v7 =	vld [tilespmem:s22+$0xFFFFFF00];
	[tilespmem:s16+$0xE0] =	vst v2  }
0x18b: {  	v0 =	vmov v4;
	v2 =	vld [tilespmem:s22+$0xFFFFFF10];
	[tilespmem:s16+$0xF0] =	vst v8;
	s16 =	smov.u32 s22  }
0x18c: {  	v4 =	vld [tilespmem:s22+$0xFFFFFF20]  }
0x18d: {  	v8 =	vld [tilespmem:s22+$0xFFFFFF30]  }
0x18e: {  	v9 =	vld [tilespmem:s22+$0xFFFFFF40];
	v6 =	vmul.f32 v6, v1  }
0x18f: {  	v7 =	vmul.f32 v7, v5;
	v10 =	vld [tilespmem:s22+$0xFFFFFF50]  }
0x190: {  	v2 =	vmul.f32 v2, v5;
	v11 =	vld [tilespmem:s22+$0xFFFFFF60];
	[tilespmem:s22+$0x70] =	vst v6  }
0x191: {  	[tilespmem:s22+$0xFFFFFF00] =	vst v7;
	v4 =	vmul.f32 v4, v5;
	v6 =	vld [tilespmem:s22+$0xFFFFFF70]  }
0x192: {  	[tilespmem:s22+$0xFFFFFF10] =	vst v2;
	v2 =	vmul.f32 v8, v5;
	v7 =	vld [tilespmem:s22+$0xFFFFFF80]  }
0x193: {  	[tilespmem:s22+$0xFFFFFF20] =	vst v4;
	v4 =	vmul.f32 v9, v5;
	v8 =	vld [tilespmem:s22+$0xFFFFFF90]  }
0x194: {  	[tilespmem:s22+$0xFFFFFF30] =	vst v2;
	v2 =	vmul.f32 v10, v5;
	v9 =	vld [tilespmem:s22+$0xFFFFFFA0]  }
0x195: {  	[tilespmem:s22+$0xFFFFFF40] =	vst v4;
	v4 =	vmul.f32 v11, v5;
	v10 =	vld [tilespmem:s22+$0xFFFFFFB0]  }
0x196: {  	[tilespmem:s22+$0xFFFFFF50] =	vst v2;
	v2 =	vmul.f32 v6, v5;
	v5 =	vld [tilespmem:s22+$0xFFFFFFC0]  }
0x197: {  	[tilespmem:s22+$0xFFFFFF60] =	vst v4;
	v4 =	vmul.f32 v7, v3;
	v6 =	vld [tilespmem:s22+$0xFFFFFFD0]  }
0x198: {  	[tilespmem:s22+$0xFFFFFF70] =	vst v2;
	v2 =	vmul.f32 v8, v3;
	v7 =	vld [tilespmem:s22+$0xFFFFFFE0]  }
0x199: {  	[tilespmem:s22+$0xFFFFFF80] =	vst v4;
	v4 =	vmul.f32 v9, v3;
	v8 =	vld [tilespmem:s22+$0xFFFFFFF0]  }
0x19a: {  	[tilespmem:s22+$0xFFFFFF90] =	vst v2;
	v2 =	vmul.f32 v10, v3;
	v9 =	vld [tilespmem:s22+$0x0]  }
0x19b: {  	[tilespmem:s22+$0xFFFFFFA0] =	vst v4;
	v4 =	vmul.f32 v5, v3;
	v5 =	vld [tilespmem:s22+$0x10]  }
0x19c: {  	[tilespmem:s22+$0xFFFFFFB0] =	vst v2;
	v2 =	vmul.f32 v6, v3;
	v6 =	vld [tilespmem:s22+$0x20]  }
0x19d: {  	[tilespmem:s22+$0xFFFFFFC0] =	vst v4;
	v4 =	vmul.f32 v7, v3;
	v10 =	vld [tilespmem:s22+$0x30]  }
0x19e: {  	[tilespmem:s22+$0xFFFFFFD0] =	vst v2;
	v2 =	vmul.f32 v8, v3;
	v8 =	vld [tilespmem:s22+$0x40]  }
.Ltmp2:
0x19f: {  	[tilespmem:s22+$0xFFFFFFE0] =	vst v4;
	v4 =	vmul.f32 v9, v1;
	v3 =	vld [tilespmem:s22+$0x50];
	(pc) =	sbr.rel @p0 .LBB2_7-.Ltmp2, $4  }
0x1a0: {  	[tilespmem:s22+$0xFFFFFFF0] =	vst v2;
	v5 =	vmul.f32 v5, v1;
	v2 =	vld [tilespmem:s22+$0x60]  }
0x1a1: {  	s18 =	sadd.s32 $0x3, s24;
	v9 =	vmov s24;
	[tilespmem:s22+$0x0] =	vst v4;
	v12 =	vmul.f32 v6, v1;
	v7 =	vld [tilespmem:s22+$0x80]  }
0x1a2: {  	s19 =	sadd.s32 $0x1, s24;
	v11 =	vand.u32 $0xFFFFFFFC, v9;
	v4 =	vmov s18;
	[tilespmem:s22+$0x10] =	vst v5;
	v9 =	vmul.f32 v10, v1;
	v6 =	vld [tilespmem:s22+$0x90]  }
0x1a3: {  	s18 =	sadd.s32 $0x2, s24;
	s24 =	sadd.s32 $0x4, s24;
	v5 =	vbroadcast v11, $0x0;
	v11 =	vmov s19;
	[tilespmem:s22+$0x20] =	vst v12;
	v10 =	vmul.f32 v8, v1;
	v8 =	vld [tilespmem:s22+$0xA0]  }
0x1a4: {  	v12 =	vld [tilespmem:s22+$0xB0]  }
0x1a5: {  	v14 =	vld [tilespmem:s22+$0xC0]  }
0x1a6: {  	v13 =	vmov s18;
	v15 =	vld [tilespmem:s22+$0xD0]  }
0x1a7: {  	v16 =	vld [tilespmem:s22+$0xE0];
	[tilespmem:s22+$0x30] =	vst v9;
	v3 =	vmul.f32 v3, v1;
	v13 =	vand.u32 $0xFFFFFFFE, v13  }
0x1a8: {  	v11 =	vand.u32 $0xFFFFFFFD, v11;
	v4 =	vld.idx.msk [tilespmem:v4+s25+$0x0], $0xffff;
	[tilespmem:s22+$0x40] =	vst v10;
	v1 =	vmul.f32 v2, v1;
	v13 =	vbroadcast v13, $0x0  }
0x1a9: {  	s24 =	sadd.s32 $0x200, s22;
	v11 =	vbroadcast v11, $0x0;
	v2 =	vld.idx.msk [tilespmem:v5+s25+$0x0], $0xffff;
	v7 =	vmul.f32 v7, v0;
	[tilespmem:s22+$0x50] =	vst v3  }
0x1aa: {  	v9 =	vld [tilespmem:s24+$0xFFFFFF00];
	v3 =	vmul.f32 v6, v0;
	[tilespmem:s22+$0x60] =	vst v1  }
0x1ab: {  	[tilespmem:s22+$0x80] =	vst v7;
	v7 =	vld [tilespmem:s22+$0xF0];
	v1 =	vmul.f32 v8, v0  }
0x1ac: {  	v10 =	vld [tilespmem:s24+$0xFFFFFF10];
	[tilespmem:s22+$0x90] =	vst v3;
	v3 =	vmul.f32 v12, v0  }
0x1ad: {  	v8 =	vld [tilespmem:s24+$0x70];
	[tilespmem:s22+$0xA0] =	vst v1;
	v1 =	vmul.f32 v14, v0  }
0x1ae: {  	[tilespmem:s22+$0xB0] =	vst v3;
	v3 =	vmul.f32 v15, v0;
	v6 =	vld.idx.msk [tilespmem:v13+s25+$0x0], $0xffff  }
0x1af: {  	v5 =	vld.idx.msk [tilespmem:v11+s25+$0x0], $0xffff;
	[tilespmem:s16+$0xC0] =	vst v1;
	v1 =	vmul.f32 v16, v0  }
0x1b0: {  	v11 =	vld [tilespmem:s24+$0xFFFFFF20];
	[tilespmem:s16+$0xD0] =	vst v3;
	v0 =	vmul.f32 v7, v0  }
0x1b1: {  	v3 =	vld [tilespmem:s24+$0xFFFFFF30];
	[tilespmem:s16+$0xE0] =	vst v1  }
0x1b2: {  	v1 =	vld [tilespmem:s24+$0xFFFFFF40];
	[tilespmem:s16+$0xF0] =	vst v0;
	v0 =	vmul.f32 v9, v2  }
0x1b3: {  	v7 =	vmul.f32 v8, v6;
	v8 =	vld [tilespmem:s24+$0xFFFFFF50]  }
0x1b4: {  	v9 =	vmul.f32 v10, v2;
	v10 =	vld [tilespmem:s24+$0xFFFFFF60];
	[tilespmem:s24+$0xFFFFFF00] =	vst v0  }
0x1b5: {  	v0 =	vmul.f32 v11, v2;
	[tilespmem:s24+$0x70] =	vst v7;
	v7 =	vld [tilespmem:s24+$0xFFFFFF70]  }
0x1b6: {  	[tilespmem:s24+$0xFFFFFF10] =	vst v9;
	v9 =	vld [tilespmem:s24+$0xFFFFFF80];
	v3 =	vmul.f32 v3, v2  }
0x1b7: {  	[tilespmem:s24+$0xFFFFFF20] =	vst v0;
	v0 =	vmul.f32 v1, v2;
	v1 =	vld [tilespmem:s24+$0xFFFFFF90]  }
0x1b8: {  	[tilespmem:s24+$0xFFFFFF30] =	vst v3;
	v3 =	vmul.f32 v8, v2;
	v8 =	vld [tilespmem:s24+$0xFFFFFFA0]  }
0x1b9: {  	[tilespmem:s24+$0xFFFFFF40] =	vst v0;
	v0 =	vmul.f32 v10, v2;
	v10 =	vld [tilespmem:s24+$0xFFFFFFB0]  }
0x1ba: {  	[tilespmem:s24+$0xFFFFFF50] =	vst v3;
	v2 =	vmul.f32 v7, v2;
	v3 =	vld [tilespmem:s24+$0xFFFFFFC0]  }
0x1bb: {  	[tilespmem:s24+$0xFFFFFF60] =	vst v0;
	v0 =	vmul.f32 v9, v5;
	v7 =	vld [tilespmem:s24+$0xFFFFFFD0]  }
0x1bc: {  	v1 =	vmul.f32 v1, v5;
	[tilespmem:s24+$0xFFFFFF70] =	vst v2;
	v2 =	vld [tilespmem:s24+$0xFFFFFFE0]  }
0x1bd: {  	[tilespmem:s24+$0xFFFFFF80] =	vst v0;
	v0 =	vmul.f32 v8, v5;
	v8 =	vld [tilespmem:s24+$0xFFFFFFF0]  }
0x1be: {  	v9 =	vld [tilespmem:s24+$0x0];
	[tilespmem:s24+$0xFFFFFF90] =	vst v1;
	v1 =	vmul.f32 v10, v5  }
0x1bf: {  	[tilespmem:s24+$0xFFFFFFA0] =	vst v0;
	v0 =	vmul.f32 v3, v5;
	v3 =	vld [tilespmem:s24+$0x10]  }
0x1c0: {  	[tilespmem:s24+$0xFFFFFFB0] =	vst v1;
	v1 =	vmul.f32 v7, v5;
	v7 =	vld [tilespmem:s24+$0x20]  }
0x1c1: {  	[tilespmem:s24+$0xFFFFFFC0] =	vst v0;
	v0 =	vmul.f32 v2, v5;
	v2 =	vld [tilespmem:s24+$0x30]  }
0x1c2: {  	[tilespmem:s24+$0xFFFFFFD0] =	vst v1;
	v1 =	vmul.f32 v8, v5;
	v5 =	vld [tilespmem:s24+$0x40]  }
0x1c3: {  	v8 =	vld [tilespmem:s24+$0x50];
	[tilespmem:s24+$0xFFFFFFE0] =	vst v0;
	v0 =	vmul.f32 v9, v6  }
0x1c4: {  	[tilespmem:s24+$0xFFFFFFF0] =	vst v1;
	v1 =	vmul.f32 v3, v6;
	v3 =	vld [tilespmem:s24+$0x60]  }
0x1c5: {  	[tilespmem:s24+$0x0] =	vst v0;
	v0 =	vmul.f32 v7, v6;
	v7 =	vld [tilespmem:s24+$0x80]  }
0x1c6: {  	[tilespmem:s24+$0x10] =	vst v1;
	v1 =	vmul.f32 v2, v6;
	v2 =	vld [tilespmem:s24+$0x90]  }
0x1c7: {  	[tilespmem:s24+$0x20] =	vst v0;
	v0 =	vmul.f32 v5, v6;
	v5 =	vld [tilespmem:s24+$0xA0]  }
0x1c8: {  	[tilespmem:s24+$0x30] =	vst v1;
	v1 =	vmul.f32 v8, v6;
	v8 =	vld [tilespmem:s24+$0xB0]  }
0x1c9: {  	[tilespmem:s24+$0x40] =	vst v0;
	v0 =	vmul.f32 v3, v6;
	v3 =	vld [tilespmem:s24+$0xC0]  }
0x1ca: {  	v6 =	vld [tilespmem:s24+$0xD0];
	[tilespmem:s24+$0x50] =	vst v1;
	v1 =	vmul.f32 v7, v4  }
0x1cb: {  	[tilespmem:s24+$0x60] =	vst v0;
	v0 =	vmul.f32 v2, v4;
	v2 =	vld [tilespmem:s24+$0xE0]  }
0x1cc: {  	[tilespmem:s24+$0x80] =	vst v1;
	v1 =	vmul.f32 v5, v4;
	v5 =	vld [tilespmem:s24+$0xF0]  }
0x1cd: {  	[tilespmem:s24+$0x90] =	vst v0;
	v0 =	vmul.f32 v8, v4  }
0x1ce: {  	[tilespmem:s24+$0xA0] =	vst v1;
	v1 =	vmul.f32 v3, v4  }
0x1cf: {  	[tilespmem:s24+$0xB0] =	vst v0;
	v0 =	vmul.f32 v6, v4  }
0x1d0: {  	[tilespmem:s24+$0xC0] =	vst v1;
	v1 =	vmul.f32 v2, v4  }
0x1d1: {  	[tilespmem:s24+$0xD0] =	vst v0;
	v0 =	vmul.f32 v5, v4  }
0x1d2: {  	s19 =	sadd.s32 s10, s20;
	[tilespmem:s24+$0xE0] =	vst v1  }
0x1d3: {  	s16 =	sshrl.u32 s19, $0x3;
	[tilespmem:s24+$0xF0] =	vst v0  }
0x1d4: {  	[spmem:s3] =	stream.indirect.scatter.add.f32 [tilespmem:s29], [sflag:$0x5], $0x80, s9, s28, $0xb8;
	[tilespmem:$0x1C000] =	vst v63  }
0x1d5: {  	s19 =	simm.s32 $0x0;
	s22 =	sadd.s32 s5, s16  }
0x1d6: {  	[tilespmem:s19], [sflag:$0x1] =	stream.linear.gather [hbm4b:s22+s19], $0x80, $0x38;
	[tilespmem:$0x1C000] =	vst v63  }
0x1d7: {  	s24 =	sadd.s32 s7, s16  }
0x1d8: {  	[tilespmem:s25], [sflag:$0x1] =	stream.linear.gather [hbm4b:s24+s19], $0x80, $0x38;
	[tilespmem:$0x1C000] =	vst v63  }
0x1d9: {  	s16 =	sadd.s32 s6, s16  }
0x1da: {  	[tilespmem:s26], [sflag:$0x1] =	stream.linear.gather [hbm4b:s16+s19], $0x80, $0x38;
	[tilespmem:$0x1C000] =	vst v63  }
0x1db: {  	_ =	swait.ge [sflag:s11], $0x80  }
0x1dc: {  	[sflag:s11] =	ssyncset.done $0x0  }
0x1dd: {  	[sflag:s11] =	ssyncadd.s32 $0xFFFFFF80  }
0x1de: {  	_ =	swait.ge [sflag:s11], $0x80  }
0x1df: {  	[sflag:s11] =	ssyncset.done $0x0  }
0x1e0: {  	[sflag:s11] =	ssyncadd.s32 $0xFFFFFF80  }
0x1e1: {  	_ =	swait.ge [sflag:s11], $0x80  }
0x1e2: {  	[sflag:s11] =	ssyncset.done $0x0  }
0x1e3: {  	s18 =	simm.s32 $0x2;
	v0 =	vmov s19;
	[sflag:s11] =	ssyncadd.s32 $0xFFFFFF80  }
0x1e4: {  	v1 =	vmov s18;
	v0 =	vand.u32 $0xFFFFFFFC, v0;
	_ =	swait.ge [sflag:s12], $0x4000  }
0x1e5: {  	v1 =	vand.u32 $0xFFFFFFFE, v1;
	v0 =	vbroadcast v0, $0x0;
	[sflag:s12] =	ssyncset.done $0x0  }
0x1e6: {  	v1 =	vbroadcast v1, $0x0;
	[sflag:s12] =	ssyncadd.s32 $0xFFFFC000  }
0x1e7: {  	[tilespmem:s29], [sflag:$0x3] =	stream.indirect.gather [hbm4b:s8+s28], $0x80, s19, s28, $0xb8;
	[tilespmem:$0x1C000] =	vst v63  }
0x1e8: {  	_ =	swait.ge [sflag:s13], $0x4000  }
0x1e9: {  	[sflag:s13] =	ssyncset.done $0x0  }
0x1ea: {  	[sflag:s13] =	ssyncadd.s32 $0xFFFFC000  }
0x1eb: {  	v0 =	vld.idx.msk [tilespmem:v0+s30+$0x0], $0xffff  }
0x1ec: {  	s22 =	simm.s32 $0x4500;
	v1 =	vld.idx.msk [tilespmem:v1+s30+$0x0], $0xffff  }
0x1ed: {  	s19 =	simm.s32 $0x1;
	v3 =	vld [tilespmem:s22+$0x70]  }
0x1ee: {  	v2 =	vmov s19;
	v4 =	vld [tilespmem:s22+$0xFFFFFF00]  }
0x1ef: {  	v2 =	vand.u32 $0xFFFFFFFD, v2;
	v5 =	vld [tilespmem:s22+$0xFFFFFF10]  }
0x1f0: {  	v2 =	vbroadcast v2, $0x0;
	v6 =	vld [tilespmem:s22+$0xFFFFFF20]  }
0x1f1: {  	v7 =	vld [tilespmem:s22+$0xFFFFFF30]  }
0x1f2: {  	v8 =	vld [tilespmem:s22+$0xFFFFFF40]  }
0x1f3: {  	v9 =	vld [tilespmem:s22+$0xFFFFFF50]  }
0x1f4: {  	v10 =	vld [tilespmem:s22+$0xFFFFFF60];
	v4 =	vmul.f32 v4, v0  }
0x1f5: {  	v63 =	vld [tilespmem:s22+$0x40];
	v3 =	vmul.f32 v3, v1  }
0x1f6: {  	v2 =	vld.idx.msk [tilespmem:v2+s30+$0x0], $0xffff;
	[tilespmem:s22+$0xFFFFFF00] =	vst v4;
	v4 =	vmul.f32 v5, v0  }
0x1f7: {  	v5 =	vld [tilespmem:s22+$0xFFFFFF70];
	[tilespmem:s22+$0x70] =	vst v3;
	v3 =	vmul.f32 v6, v0  }
0x1f8: {  	v6 =	vld [tilespmem:s22+$0xFFFFFF80];
	[tilespmem:s22+$0xFFFFFF10] =	vst v4;
	v4 =	vmul.f32 v7, v0  }
0x1f9: {  	v7 =	vld [tilespmem:s22+$0xFFFFFF90];
	[tilespmem:s22+$0xFFFFFF20] =	vst v3;
	v3 =	vmul.f32 v8, v0  }
0x1fa: {  	v8 =	vld [tilespmem:s22+$0xFFFFFFA0];
	[tilespmem:s22+$0xFFFFFF30] =	vst v4;
	v4 =	vmul.f32 v9, v0  }
0x1fb: {  	v9 =	vld [tilespmem:s22+$0xFFFFFFB0];
	[tilespmem:s22+$0xFFFFFF40] =	vst v3;
	v3 =	vmul.f32 v10, v0  }
0x1fc: {  	v10 =	vld [tilespmem:s22+$0xFFFFFFC0];
	v5 =	vmul.f32 v5, v0;
	[tilespmem:s22+$0xFFFFFF50] =	vst v4  }
0x1fd: {  	v4 =	vmul.f32 v6, v2;
	v6 =	vld [tilespmem:s22+$0xFFFFFFD0];
	[tilespmem:s22+$0xFFFFFF60] =	vst v3  }
0x1fe: {  	s24 =	simm.s32 $0x3;
	v3 =	vld [tilespmem:s22+$0xFFFFFFE0];
	v7 =	vmul.f32 v7, v2;
	[tilespmem:s22+$0xFFFFFF70] =	vst v5  }
0x1ff: {  	v11 =	vmov s24;
	v5 =	vld [tilespmem:s22+$0xFFFFFFF0];
	[tilespmem:s22+$0xFFFFFF80] =	vst v4;
	v4 =	vmul.f32 v8, v2  }
0x200: {  	v8 =	vld [tilespmem:s22+$0x0];
	[tilespmem:s22+$0xFFFFFF90] =	vst v7;
	v7 =	vmul.f32 v9, v2  }
0x201: {  	v9 =	vld [tilespmem:s22+$0x10];
	[tilespmem:s22+$0xFFFFFFA0] =	vst v4;
	v4 =	vmul.f32 v10, v2  }
0x202: {  	[tilespmem:s22+$0xFFFFFFB0] =	vst v7;
	v6 =	vmul.f32 v6, v2;
	v7 =	vld [tilespmem:s22+$0x20]  }
0x203: {  	v10 =	vld [tilespmem:s22+$0x30];
	v3 =	vmul.f32 v3, v2;
	[tilespmem:s22+$0xFFFFFFC0] =	vst v4  }
0x204: {  	v0 =	vld.idx.msk [tilespmem:v11+s30+$0x0], $0xffff;
	v2 =	vmul.f32 v5, v2;
	[tilespmem:s22+$0xFFFFFFD0] =	vst v6  }
0x205: {  	[tilespmem:s22+$0xFFFFFFE0] =	vst v3;
	v4 =	vmul.f32 v8, v1;
	v3 =	vld [tilespmem:s22+$0x50]  }
0x206: {  	s18 =	simm.s32 $0x4;
	[tilespmem:s22+$0xFFFFFFF0] =	vst v2;
	v5 =	vmul.f32 v9, v1;
	v2 =	vld [tilespmem:s22+$0x60]  }
0x207: {  	s19 =	simm.s32 $0x7;
	v6 =	vmov s18;
	[tilespmem:s22+$0x0] =	vst v4;
	v8 =	vmul.f32 v7, v1;
	v7 =	vld [tilespmem:s22+$0x80]  }
0x208: {  	s24 =	simm.s32 $0x5;
	v11 =	vand.u32 $0xFFFFFFFC, v6;
	v6 =	vld [tilespmem:s22+$0x90];
	v4 =	vmov s19;
	v9 =	vmul.f32 v10, v1;
	[tilespmem:s22+$0x10] =	vst v5  }
0x209: {  	s16 =	simm.s32 $0x4500;
	s18 =	simm.s32 $0x6;
	v10 =	vmul.f32 v63, v1;
	v5 =	vbroadcast v11, $0x0;
	v11 =	vmov s24;
	s24 =	simm.s32 $0x8;
	[tilespmem:s22+$0x20] =	vst v8;
	v8 =	vld [tilespmem:s22+$0xA0]  }
.LBB2_9:
0x20a: {  	p0 =	slt.u32 s24, $0x7C;
	v11 =	vand.u32 $0xFFFFFFFD, v11;
	v12 =	vmov s18;
	[tilespmem:s22+$0x30] =	vst v9;
	v3 =	vmul.f32 v3, v1;
	v9 =	vld [tilespmem:s22+$0xB0]  }
0x20b: {  	v11 =	vbroadcast v11, $0x0;
	v12 =	vand.u32 $0xFFFFFFFE, v12;
	[tilespmem:s22+$0x40] =	vst v10;
	v1 =	vmul.f32 v2, v1;
	v2 =	vld [tilespmem:s22+$0xC0]  }
0x20c: {  	v10 =	vbroadcast v12, $0x0;
	[tilespmem:s22+$0x50] =	vst v3;
	v3 =	vmul.f32 v7, v0;
	v7 =	vld [tilespmem:s22+$0xD0]  }
0x20d: {  	[tilespmem:s22+$0x60] =	vst v1;
	v1 =	vmul.f32 v6, v0;
	v6 =	vld [tilespmem:s22+$0xE0]  }
0x20e: {  	[tilespmem:s22+$0x80] =	vst v3;
	v3 =	vmul.f32 v8, v0;
	v8 =	vld [tilespmem:s22+$0xF0]  }
0x20f: {  	v4 =	vld.idx.msk [tilespmem:v4+s30+$0x0], $0xffff;
	[tilespmem:s22+$0x90] =	vst v1;
	v1 =	vmul.f32 v9, v0  }
0x210: {  	v5 =	vld.idx.msk [tilespmem:v5+s30+$0x0], $0xffff;
	[tilespmem:s22+$0xA0] =	vst v3;
	v2 =	vmul.f32 v2, v0  }
0x211: {  	v3 =	vld.idx.msk [tilespmem:v11+s30+$0x0], $0xffff;
	[tilespmem:s22+$0xB0] =	vst v1;
	v7 =	vmul.f32 v7, v0  }
0x212: {  	s22 =	sadd.s32 $0x200, s22;
	v1 =	vld.idx.msk [tilespmem:v10+s30+$0x0], $0xffff;
	[tilespmem:s16+$0xC0] =	vst v2;
	v2 =	vmul.f32 v6, v0  }
0x213: {  	v6 =	vld [tilespmem:s22+$0x70];
	[tilespmem:s16+$0xD0] =	vst v7;
	v8 =	vmul.f32 v8, v0  }
0x214: {  	v7 =	vld [tilespmem:s22+$0xFFFFFF00];
	[tilespmem:s16+$0xE0] =	vst v2  }
0x215: {  	v0 =	vmov v4;
	v2 =	vld [tilespmem:s22+$0xFFFFFF10];
	[tilespmem:s16+$0xF0] =	vst v8;
	s16 =	smov.u32 s22  }
0x216: {  	v4 =	vld [tilespmem:s22+$0xFFFFFF20]  }
0x217: {  	v8 =	vld [tilespmem:s22+$0xFFFFFF30]  }
0x218: {  	v9 =	vld [tilespmem:s22+$0xFFFFFF40];
	v6 =	vmul.f32 v6, v1  }
0x219: {  	v7 =	vmul.f32 v7, v5;
	v10 =	vld [tilespmem:s22+$0xFFFFFF50]  }
0x21a: {  	v2 =	vmul.f32 v2, v5;
	v11 =	vld [tilespmem:s22+$0xFFFFFF60];
	[tilespmem:s22+$0x70] =	vst v6  }
0x21b: {  	[tilespmem:s22+$0xFFFFFF00] =	vst v7;
	v4 =	vmul.f32 v4, v5;
	v6 =	vld [tilespmem:s22+$0xFFFFFF70]  }
0x21c: {  	[tilespmem:s22+$0xFFFFFF10] =	vst v2;
	v2 =	vmul.f32 v8, v5;
	v7 =	vld [tilespmem:s22+$0xFFFFFF80]  }
0x21d: {  	[tilespmem:s22+$0xFFFFFF20] =	vst v4;
	v4 =	vmul.f32 v9, v5;
	v8 =	vld [tilespmem:s22+$0xFFFFFF90]  }
0x21e: {  	[tilespmem:s22+$0xFFFFFF30] =	vst v2;
	v2 =	vmul.f32 v10, v5;
	v9 =	vld [tilespmem:s22+$0xFFFFFFA0]  }
0x21f: {  	[tilespmem:s22+$0xFFFFFF40] =	vst v4;
	v4 =	vmul.f32 v11, v5;
	v10 =	vld [tilespmem:s22+$0xFFFFFFB0]  }
0x220: {  	[tilespmem:s22+$0xFFFFFF50] =	vst v2;
	v2 =	vmul.f32 v6, v5;
	v5 =	vld [tilespmem:s22+$0xFFFFFFC0]  }
0x221: {  	[tilespmem:s22+$0xFFFFFF60] =	vst v4;
	v4 =	vmul.f32 v7, v3;
	v6 =	vld [tilespmem:s22+$0xFFFFFFD0]  }
0x222: {  	[tilespmem:s22+$0xFFFFFF70] =	vst v2;
	v2 =	vmul.f32 v8, v3;
	v7 =	vld [tilespmem:s22+$0xFFFFFFE0]  }
0x223: {  	[tilespmem:s22+$0xFFFFFF80] =	vst v4;
	v4 =	vmul.f32 v9, v3;
	v8 =	vld [tilespmem:s22+$0xFFFFFFF0]  }
0x224: {  	[tilespmem:s22+$0xFFFFFF90] =	vst v2;
	v2 =	vmul.f32 v10, v3;
	v9 =	vld [tilespmem:s22+$0x0]  }
0x225: {  	[tilespmem:s22+$0xFFFFFFA0] =	vst v4;
	v4 =	vmul.f32 v5, v3;
	v5 =	vld [tilespmem:s22+$0x10]  }
0x226: {  	[tilespmem:s22+$0xFFFFFFB0] =	vst v2;
	v2 =	vmul.f32 v6, v3;
	v6 =	vld [tilespmem:s22+$0x20]  }
0x227: {  	[tilespmem:s22+$0xFFFFFFC0] =	vst v4;
	v4 =	vmul.f32 v7, v3;
	v10 =	vld [tilespmem:s22+$0x30]  }
0x228: {  	[tilespmem:s22+$0xFFFFFFD0] =	vst v2;
	v2 =	vmul.f32 v8, v3;
	v8 =	vld [tilespmem:s22+$0x40]  }
.Ltmp3:
0x229: {  	[tilespmem:s22+$0xFFFFFFE0] =	vst v4;
	v4 =	vmul.f32 v9, v1;
	v3 =	vld [tilespmem:s22+$0x50];
	(pc) =	sbr.rel @p0 .LBB2_9-.Ltmp3, $4  }
0x22a: {  	[tilespmem:s22+$0xFFFFFFF0] =	vst v2;
	v5 =	vmul.f32 v5, v1;
	v2 =	vld [tilespmem:s22+$0x60]  }
0x22b: {  	s18 =	sadd.s32 $0x3, s24;
	v9 =	vmov s24;
	[tilespmem:s22+$0x0] =	vst v4;
	v12 =	vmul.f32 v6, v1;
	v7 =	vld [tilespmem:s22+$0x80]  }
0x22c: {  	s19 =	sadd.s32 $0x1, s24;
	v11 =	vand.u32 $0xFFFFFFFC, v9;
	v4 =	vmov s18;
	[tilespmem:s22+$0x10] =	vst v5;
	v9 =	vmul.f32 v10, v1;
	v6 =	vld [tilespmem:s22+$0x90]  }
0x22d: {  	s18 =	sadd.s32 $0x2, s24;
	s24 =	sadd.s32 $0x4, s24;
	v5 =	vbroadcast v11, $0x0;
	v11 =	vmov s19;
	[tilespmem:s22+$0x20] =	vst v12;
	v10 =	vmul.f32 v8, v1;
	v8 =	vld [tilespmem:s22+$0xA0]  }
0x22e: {  	v12 =	vld [tilespmem:s22+$0xB0]  }
0x22f: {  	v14 =	vld [tilespmem:s22+$0xC0]  }
0x230: {  	v15 =	vld [tilespmem:s22+$0xD0]  }
0x231: {  	v16 =	vld [tilespmem:s22+$0xE0]  }
0x232: {  	v44 =	vld [tilespmem:s22+$0xF0];
	[tilespmem:s22+$0x30] =	vst v9;
	v3 =	vmul.f32 v3, v1  }
0x233: {  	v4 =	vld.idx.msk [tilespmem:v4+s30+$0x0], $0xffff;
	[tilespmem:s22+$0x40] =	vst v10;
	v45 =	vmul.f32 v2, v1  }
0x234: {  	s24 =	sadd.s32 $0x200, s22;
	v46 =	vld.idx.msk [tilespmem:v5+s30+$0x0], $0xffff;
	v7 =	vmul.f32 v7, v0;
	[tilespmem:s22+$0x50] =	vst v3  }
0x235: {  	v51 =	vld [tilespmem:s24+$0x70];
	v47 =	vmul.f32 v6, v0;
	[tilespmem:s22+$0x60] =	vst v45  }
0x236: {  	v53 =	vld [tilespmem:s24+$0xFFFFFF00];
	[tilespmem:s22+$0x80] =	vst v7;
	v49 =	vmul.f32 v8, v0  }
0x237: {  	v55 =	vld [tilespmem:s24+$0xFFFFFF10];
	[tilespmem:s22+$0x90] =	vst v47;
	v50 =	vmul.f32 v12, v0  }
0x238: {  	v11 =	vand.u32 $0xFFFFFFFD, v11;
	v57 =	vld [tilespmem:s24+$0xFFFFFF20];
	v52 =	vmul.f32 v14, v0;
	[tilespmem:s22+$0xA0] =	vst v49  }
0x239: {  	v11 =	vbroadcast v11, $0x0;
	v59 =	vld [tilespmem:s24+$0xFFFFFF30];
	v54 =	vmul.f32 v15, v0;
	[tilespmem:s22+$0xB0] =	vst v50  }
0x23a: {  	v60 =	vld [tilespmem:s24+$0xFFFFFF40];
	v56 =	vmul.f32 v16, v0;
	[tilespmem:s16+$0xC0] =	vst v52  }
0x23b: {  	v63 =	vld [tilespmem:s24+$0xFFFFFF50];
	v58 =	vmul.f32 v44, v0;
	[tilespmem:s16+$0xD0] =	vst v54  }
0x23c: {  	v15 =	vld [tilespmem:s24+$0xFFFFFF70];
	v62 =	vmul.f32 v53, v46;
	[tilespmem:s16+$0xE0] =	vst v56  }
0x23d: {  	v16 =	vld [tilespmem:s24+$0xFFFFFF80];
	v12 =	vmul.f32 v55, v46;
	[tilespmem:s16+$0xF0] =	vst v58  }
0x23e: {  	v44 =	vld [tilespmem:s24+$0x80];
	v14 =	vmul.f32 v57, v46;
	[tilespmem:s24+$0xFFFFFF00] =	vst v62  }
0x23f: {  	v3 =	vmul.f32 v59, v46;
	v48 =	vld.idx.msk [tilespmem:v11+s30+$0x0], $0xffff;
	[tilespmem:s24+$0xFFFFFF10] =	vst v12  }
0x240: {  	v13 =	vmov s18;
	v18 =	vld [tilespmem:s24+$0xFFFFFF90];
	v17 =	vmul.f32 v60, v46;
	[tilespmem:s24+$0xFFFFFF20] =	vst v14  }
0x241: {  	v13 =	vand.u32 $0xFFFFFFFE, v13;
	v20 =	vld [tilespmem:s24+$0xFFFFFFA0];
	v19 =	vmul.f32 v63, v46;
	[tilespmem:s24+$0xFFFFFF30] =	vst v3  }
0x242: {  	v22 =	vld [tilespmem:s24+$0xFFFFFFB0];
	v13 =	vbroadcast v13, $0x0;
	[tilespmem:s24+$0xFFFFFF40] =	vst v17;
	v2 =	vmul.f32 v15, v46  }
0x243: {  	v23 =	vld [tilespmem:s24+$0xFFFFFFC0];
	[tilespmem:s24+$0xFFFFFF50] =	vst v19;
	v53 =	vmul.f32 v44, v4  }
0x244: {  	v25 =	vld [tilespmem:s24+$0xFFFFFFD0];
	v24 =	vmul.f32 v16, v48;
	[tilespmem:s24+$0xFFFFFF70] =	vst v2  }
0x245: {  	v26 =	vld [tilespmem:s24+$0xFFFFFFE0];
	v1 =	vmul.f32 v18, v48;
	[tilespmem:s24+$0x80] =	vst v53  }
0x246: {  	v28 =	vld [tilespmem:s24+$0xFFFFFFF0];
	v27 =	vmul.f32 v20, v48;
	[tilespmem:s24+$0xFFFFFF80] =	vst v24  }
0x247: {  	v50 =	vld [tilespmem:s24+$0xB0];
	v29 =	vmul.f32 v22, v48;
	[tilespmem:s24+$0xFFFFFF90] =	vst v1  }
0x248: {  	v6 =	vld.idx.msk [tilespmem:v13+s30+$0x0], $0xffff;
	v31 =	vmul.f32 v23, v48;
	[tilespmem:s24+$0xFFFFFFA0] =	vst v27  }
0x249: {  	v13 =	vld [tilespmem:s24+$0xFFFFFF60];
	v33 =	vmul.f32 v25, v48;
	[tilespmem:s24+$0xFFFFFFB0] =	vst v29  }
0x24a: {  	v30 =	vld [tilespmem:s24+$0x0];
	v35 =	vmul.f32 v26, v48;
	[tilespmem:s24+$0xFFFFFFC0] =	vst v31  }
0x24b: {  	v32 =	vld [tilespmem:s24+$0x10];
	v37 =	vmul.f32 v28, v48;
	[tilespmem:s24+$0xFFFFFFD0] =	vst v33  }
0x24c: {  	v34 =	vld [tilespmem:s24+$0x20];
	v59 =	vmul.f32 v50, v4;
	[tilespmem:s24+$0xFFFFFFE0] =	vst v35  }
0x24d: {  	v36 =	vld [tilespmem:s24+$0x30];
	v61 =	vmul.f32 v51, v6;
	[tilespmem:s24+$0xFFFFFFF0] =	vst v37  }
0x24e: {  	v38 =	vld [tilespmem:s24+$0x40];
	v21 =	vmul.f32 v13, v46;
	[tilespmem:s24+$0xB0] =	vst v59  }
0x24f: {  	v40 =	vld [tilespmem:s24+$0x50];
	v39 =	vmul.f32 v30, v6;
	[tilespmem:s24+$0x70] =	vst v61  }
0x250: {  	v42 =	vld [tilespmem:s24+$0x60];
	v41 =	vmul.f32 v32, v6;
	[tilespmem:s24+$0xFFFFFF60] =	vst v21  }
0x251: {  	v52 =	vld [tilespmem:s24+$0xC0];
	v43 =	vmul.f32 v34, v6;
	[tilespmem:s24+$0x0] =	vst v39  }
0x252: {  	v56 =	vld [tilespmem:s24+$0xE0];
	v45 =	vmul.f32 v36, v6;
	[tilespmem:s24+$0x10] =	vst v41  }
0x253: {  	v58 =	vld [tilespmem:s24+$0xF0];
	v47 =	vmul.f32 v38, v6;
	[tilespmem:s24+$0x20] =	vst v43  }
0x254: {  	v54 =	vld [tilespmem:s24+$0xD0];
	v49 =	vmul.f32 v40, v6;
	[tilespmem:s24+$0x30] =	vst v45  }
0x255: {  	v48 =	vld [tilespmem:s24+$0xA0];
	v51 =	vmul.f32 v42, v6;
	[tilespmem:s24+$0x40] =	vst v47  }
0x256: {  	v46 =	vld [tilespmem:s24+$0x90];
	v60 =	vmul.f32 v52, v4;
	[tilespmem:s24+$0x50] =	vst v49  }
0x257: {  	v62 =	vmul.f32 v56, v4;
	[tilespmem:s24+$0x60] =	vst v51  }
0x258: {  	v63 =	vmul.f32 v58, v4;
	[tilespmem:s24+$0xC0] =	vst v60  }
0x259: {  	v61 =	vmul.f32 v54, v4;
	[tilespmem:s24+$0xE0] =	vst v62  }
0x25a: {  	[tilespmem:s24+$0xF0] =	vst v63;
	v57 =	vmul.f32 v48, v4  }
0x25b: {  	[tilespmem:s24+$0xD0] =	vst v61;
	v55 =	vmul.f32 v46, v4  }
0x25c: {  	s10 =	sadd.s32 s10, s21;
	[tilespmem:s24+$0xA0] =	vst v57  }
0x25d: {  	s23 =	sadd.s32 $0x1, s23;
	s10 =	sshrl.u32 s10, $0x3;
	[tilespmem:s24+$0x90] =	vst v55  }
0x25e: {  	[spmem:s3] =	stream.indirect.scatter.add.f32 [tilespmem:s1], [sflag:$0x6], $0x80, s14, s28, $0xb8;
	[tilespmem:$0x1C000] =	vst v63  }
0x25f: {  	p0 =	sne.s32 s23, s17;
	s22 =	sadd.s32 s5, s10  }
0x260: {  	[tilespmem:s28], [sflag:$0x2] =	stream.linear.gather [hbm4b:s22+s4], $0x80, $0x38;
	[tilespmem:$0x1C000] =	vst v63  }
.Ltmp4:
0x261: {  	_ = 	snop;
	(pc) =	sbr.rel @p0 .LBB2_2-.Ltmp4, $4  }
0x262: {  	s24 =	sadd.s32 s7, s10  }
0x263: {  	[tilespmem:s30], [sflag:$0x2] =	stream.linear.gather [hbm4b:s24+s4], $0x80, $0x38;
	[tilespmem:$0x1C000] =	vst v63  }
0x264: {  	s10 =	sadd.s32 s6, s10  }
0x265: {  	[tilespmem:s31], [sflag:$0x2] =	stream.linear.gather [hbm4b:s10+s4], $0x80, $0x38;
	[tilespmem:$0x1C000] =	vst v63  }
0x266: {  	_ =	swait.ge [sflag:s15], $0x4000  }
0x267: {  	[sflag:s15] =	ssyncset.done $0x0  }
0x268: {  	[sflag:s15] =	ssyncadd.s32 $0xFFFFC000  }
0x269: {  	_ =	swait.ge [sflag:s2], $0x4000  }
0x26a: {  	[sflag:s2] =	ssyncset.done $0x0  }
0x26b: {  	[sflag:s2] =	ssyncadd.s32 $0xFFFFC000  }
0x26c: {  	_ =	swait.ge [sflag:s0], $0x80  }
0x26d: {  	[sflag:s0] =	ssyncset.done $0x0  }
0x26e: {  	[sflag:s0] =	ssyncadd.s32 $0xFFFFFF80  }
0x26f: {  	_ =	swait.ge [sflag:s0], $0x80  }
0x270: {  	[sflag:s0] =	ssyncset.done $0x0  }
0x271: {  	[sflag:s0] =	ssyncadd.s32 $0xFFFFFF80  }
0x272: {  	_ =	swait.ge [sflag:s0], $0x80  }
0x273: {  	[sflag:s0] =	ssyncset.done $0x0  }
0x274: {  	[sflag:s0] =	ssyncadd.s32 $0xFFFFFF80  }
0x275: {  	[bflag:$0x0] =	sbarrier.arrive $0xFFFF  }
0x276: {  	s16 =	rddreg [dreg:$0x5]  }
0x277: {  	s10 =	rddreg [dreg:$0xe]  }
0x278: {  	s18 =	rddreg [dreg:$0x11]  }
0x279: {  	[hbm:s10], [sflag:s16] =	dma.local [spmem:s18], $0x2780  }
0x27a: {  	s18 =	simm.s32 $0x7  }
0x27b: {  	_ =	swait.ge [sflag:s18], $0x2780  }
0x27c: {  	s19 =	rddreg [dreg:$0x10]  }
0x27d: {  	s24 =	rddreg [dreg:$0xf];
	s19 =	sadd.s32 $0x1, s19  }
0x27e: {  	p0 =	sne.s32 s19, s24  }
.Ltmp5:
0x27f: {  	_ = 	snop;
	(pc) =	sbr.rel @p0 .LBB2_1-.Ltmp5, $3  }
0x280: {  	_ =	sdelay $0x1  }
0x281: {  	[sflag:s18] =	ssyncset.done $0x0  }
0x282: {  	[sflag:s18] =	ssyncadd.s32 $0xFFFFD880  }
0x283: {  	_ =	sfence.sel $0x180000  }
0x284: {  	[bflag:$0x0] =	sbarrier.arrive $0xFFFF  }
0x285: {  	_ =	strace $0x9000004A  }
0x286: {  	s0 =	stileid.u32;
	[bflag:$0x2] =	sbarrier.arrive $0xFFFF  }
0x287: {  	p0 =	sne.s32 s0, $0x0;
	s0 =	rddreg [dreg:$0x3]  }
0x288: {  	s0 =	sadd.s32 @!p0 $0x100000, s0  }
0x289: {  	[sflag:s0] =	ssyncadd.tile.s32 @!p0 $0x1;
	_ =	shalt  }
.Lfunc_end2:
_tile_overlayer_lowered:
.L_overlay_start_2:
0x28a: {  	(tag) =	ssettag $0x2  }
0x28b: {  	s0 =	rddreg [dreg:$0x0];
	s2 =	stileid.u32  }
0x28c: {  	s1 =	rddreg [dreg:$0x1];
	p0 =	sne.s32 s2, $0x0  }
0x28d: {  	s3 =	rddreg [dreg:$0x2];
	[bflag:$0x3] =	sbarrier.arrive $0xFFFF;
	s2 =	simm.s32 @!p0 $0x1C07  }
0x28e: {  	[timem:s3], [sflag:s2] =	dma.local @!p0 [hbm:s0], s1  }
0x28f: {  	s0 =	simm.s32 @!p0 $0x7  }
0x290: {  	_ =	swait.ge @!p0 [sflag:s0], s1  }
0x291: {  	s1 =	ssub.s32 @!p0 $0x0, s1;
	[sflag:s0] =	ssyncset.done @!p0 $0x0  }
0x292: {  	[sflag:s0] =	ssyncadd.s32 @!p0 s1  }
0x293: {  	[bflag:$0x3] =	sbarrier.arrive $0xFFFF  }
0x294: {  	_ =	shalt  }

// kernel: kernel.15.cloned.1.call-start
scs
__scs_entry_jumppad:
0x0: {  	(pc) =	sbr.rel $0x88, $3  }
0x1: {  	(tag) =	ssettag $0x0;
	lr =	simm.s32 $0x1  }
0x2: {  	[smem:$0x3F9A] =	sst lr;
	_ =	strace $0xD0000000  }
0x3: {  	_ = 	snop  }
0x4: {  	_ = 	snop  }
0x5: {  	_ = 	snop  }
0x6: {  	_ = 	snop  }
0x7: {  	_ = 	snop  }
__scs_overlays_trampoline_lowered:
0x8: {  	[smem:$0x3FA9] =	sst s0  }
0x9: {  	[smem:$0x3FAA] =	sst s1  }
0xa: {  	[smem:$0x3FAB] =	sst s2  }
0xb: {  	[smem:$0x3FAC] =	sst s3  }
0xc: {  	[smem:$0x3FAD] =	sst s4  }
0xd: {  	[smem:$0x3FAE] =	sst s5  }
0xe: {  	[smem:$0x3FAF] =	sst s6  }
0xf: {  	[smem:$0x3FB0] =	sst s7  }
0x10: {  	[smem:$0x3FB1] =	sst s8  }
0x11: {  	[smem:$0x3FB2] =	sst s9;
	s0 =	simm.s32 @!p0 $0x0  }
0x12: {  	s1 =	sld [smem:$0x3F98];
	s0 =	simm.s32 @p0 $0x1  }
0x13: {  	[smem:$0x3FB3] =	sst s0;
	s0 =	simm.s32 @!p1 $0x0  }
0x14: {  	s2 =	sld [smem:$0x3F97];
	s0 =	simm.s32 @p1 $0x1  }
0x15: {  	[smem:$0x3FB4] =	sst s0;
	s0 =	simm.s32 @!p2 $0x0  }
0x16: {  	s3 =	sld [smem:$0x3FDB];
	s0 =	simm.s32 @p2 $0x1  }
0x17: {  	s4 =	simm.s32 $0x1BF5;
	[smem:$0x3FB6] =	sst s0  }
0x18: {  	s0 =	sld [smem:$0x3F99];
	_ =	swait.ge [sflag:s4], $0x0  }
0x19: {  	s7 =	sld [smem:$0x3F9A]  }
0x1a: {  	s8 =	sadd.s32 $0xFFFFE003, lr  }
0x1b: {  	s9 =	sadd.s32 $0xFFFFFEF7, lr;
	s5 =	simm.s32 $0xFFFFFFFF;
	p2 =	slt.u32 s8, $0xFFFFF086  }
0x1c: {  	p1 =	slt.u32 s9, $0xF7A;
	s5 =	simm.s32 @!p2 $0x0  }
0x1d: {  	s5 =	simm.s32 @p1 $0x1;
	p0 =	seq.s32 s7, s2  }
0x1e: {  	s7 =	smul.u32 @!p0 $0xF7A, s2;
	p2 =	seq.s32 @!p0 s5, $0x0  }
0x1f: {  	s9 =	smul.u32 $0xF7A, s1;
	s8 =	simm.s32 @!p0 $0x1BF5;
	p2 =	por !p2, p0  }
0x20: {  	[sflag:s8] =	ssyncset.s32 @!p0 $0xFFFFF086;
	s6 =	sadd.s32 @!p0 s3, s7;
	s7 =	simm.s32 @!p0 $0x108  }
0x21: {  	s3 =	sadd.s32 s3, s9;
	s6 =	sadd.s32 @!p0 $0x88, s6;
	s7 =	simm.s32 @p2 $0x1082  }
0x22: {  	[simem:s7], [sflag:s8] =	dma.local @!p0 [hbm:s6], $0xF7A  }
0x23: {  	s9 =	sor.u32 $0xD0000000, s2;
	s6 =	simm.s32 $0x108;
	_ =	swait.ge @!p0 [sflag:s8], $0x0  }
0x24: {  	s3 =	sadd.s32 $0x88, s3;
	s6 =	simm.s32 @!p1 $0x1082;
	[sflag:s4] =	ssyncset.s32 $0xFFFFF086  }
0x25: {  	[simem:s6], [sflag:s4] =	dma.local [hbm:s3], $0xF7A  }
0x26: {  	[smem:$0x3F9A] =	sst s1;
	(tag) =	ssettag s2;
	_ =	strace s9  }
0x27: {  	s1 =	sld [smem:$0x3FAA]  }
0x28: {  	s2 =	sld [smem:$0x3FAB]  }
0x29: {  	s4 =	sld [smem:$0x3FAD]  }
0x2a: {  	p0 =	seq.s32 s5, $0x0;
	s5 =	sld [smem:$0x3FAE]  }
0x2b: {  	s6 =	sld [smem:$0x3FAF]  }
0x2c: {  	s7 =	sld [smem:$0x3FB0]  }
0x2d: {  	s3 =	simm.s32 $0x108;
	s8 =	sld [smem:$0x3FB1]  }
0x2e: {  	s3 =	simm.s32 @!p0 $0x1082;
	s9 =	sld [smem:$0x3FB2]  }
0x2f: {  	lr =	sadd.s32 s0, s3;
	s0 =	sld [smem:$0x3FA9]  }
0x30: {  	s3 =	sld [smem:$0x3FAC]  }
0x31: {  	[smem:$0x3FB5] =	sst s10  }
0x32: {  	s10 =	sld [smem:$0x3FB3];
	_ =	sdelay $0x3  }
0x33: {  	p0 =	seq.s32 s10, $0x1;
	s10 =	sld [smem:$0x3FB5];
	_ =	sdelay $0x3  }
0x34: {  	[smem:$0x3FB5] =	sst s10  }
0x35: {  	s10 =	sld [smem:$0x3FB4];
	_ =	sdelay $0x3  }
0x36: {  	p1 =	seq.s32 s10, $0x1;
	s10 =	sld [smem:$0x3FB5];
	_ =	sdelay $0x3  }
0x37: {  	[smem:$0x3FB5] =	sst s10  }
0x38: {  	s10 =	sld [smem:$0x3FB6]  }
0x39: {  	_ = 	snop;
	(pc) =	sbr.ind lr, $3  }
0x3a: {  	_ = 	snop  }
0x3b: {  	_ = 	snop  }
0x3c: {  	p2 =	seq.s32 s10, $0x1;
	s10 =	sld [smem:$0x3FB5]  }
0x3d: {  	_ =	shalt  }
0x3e: {  	_ =	shalt  }
0x3f: {  	_ =	shalt  }
0x40: {  	_ =	shalt  }
0x41: {  	_ =	shalt  }
0x42: {  	_ =	shalt  }
0x43: {  	_ =	shalt  }
0x44: {  	_ =	shalt  }
0x45: {  	_ =	shalt  }
0x46: {  	_ =	shalt  }
0x47: {  	_ =	shalt  }
0x48: {  	_ =	shalt  }
0x49: {  	_ =	shalt  }
0x4a: {  	_ =	shalt  }
0x4b: {  	_ =	shalt  }
0x4c: {  	_ =	shalt  }
0x4d: {  	_ =	shalt  }
0x4e: {  	_ =	shalt  }
0x4f: {  	_ =	shalt  }
0x50: {  	_ =	shalt  }
0x51: {  	_ =	shalt  }
0x52: {  	_ =	shalt  }
0x53: {  	_ =	shalt  }
0x54: {  	_ =	shalt  }
0x55: {  	_ =	shalt  }
0x56: {  	_ =	shalt  }
0x57: {  	_ =	shalt  }
0x58: {  	_ =	shalt  }
0x59: {  	_ =	shalt  }
0x5a: {  	_ =	shalt  }
0x5b: {  	_ =	shalt  }
0x5c: {  	_ =	shalt  }
0x5d: {  	_ =	shalt  }
0x5e: {  	_ =	shalt  }
0x5f: {  	_ =	shalt  }
0x60: {  	_ =	shalt  }
0x61: {  	_ =	shalt  }
0x62: {  	_ =	shalt  }
0x63: {  	_ =	shalt  }
0x64: {  	_ =	shalt  }
0x65: {  	_ =	shalt  }
0x66: {  	_ =	shalt  }
0x67: {  	_ =	shalt  }
0x68: {  	_ =	shalt  }
0x69: {  	_ =	shalt  }
0x6a: {  	_ =	shalt  }
0x6b: {  	_ =	shalt  }
0x6c: {  	_ =	shalt  }
0x6d: {  	_ =	shalt  }
0x6e: {  	_ =	shalt  }
0x6f: {  	_ =	shalt  }
0x70: {  	_ =	shalt  }
0x71: {  	_ =	shalt  }
0x72: {  	_ =	shalt  }
0x73: {  	_ =	shalt  }
0x74: {  	_ =	shalt  }
0x75: {  	_ =	shalt  }
0x76: {  	_ =	shalt  }
0x77: {  	_ =	shalt  }
0x78: {  	_ =	shalt  }
0x79: {  	_ =	shalt  }
0x7a: {  	_ =	shalt  }
0x7b: {  	_ =	shalt  }
0x7c: {  	_ =	shalt  }
0x7d: {  	_ =	shalt  }
0x7e: {  	_ =	shalt  }
0x7f: {  	_ =	shalt  }
0x80: {  	_ =	shalt  }
0x81: {  	_ =	shalt  }
0x82: {  	_ =	shalt  }
0x83: {  	_ =	shalt  }
0x84: {  	_ =	shalt  }
0x85: {  	_ =	shalt  }
0x86: {  	_ =	shalt  }
0x87: {  	_ =	shalt  }
.Lfunc_end0:
.L_simem_size_0:
called_computation.2_lowered:
.L_overlay_start_0:
0x88: {  	s2 =	sld [smem:$0x3FD9]  }
0x89: {  	s3 =	sld [smem:$0x3FFE];
	_ =	sdelay $0x1  }
0x8a: {  	s1 =	srdreg.scid  }
0x8b: {  	s0 =	sand.u32 $0x1, s1  }
0x8c: {  	s17 =	sshll.u32 s0, $0xA;
	s2 =	sadd.s32 s3, s2  }
0x8d: {  	s2 =	sadd.s32 s2, s17  }
0x8e: {  	[smem:$0x3FC1] =	sst s2  }
0x8f: {  	_ = 	snop  }
0x90: {  	s2 =	sld [smem:$0x3FD0];
	(tm) =	ssettm $0x1  }
0x91: {  	s18 =	sld [smem:$0x3FFB];
	_ =	sdelay $0x3  }
0x92: {  	_ =	strace s18  }
0x93: {  	s3 =	sld [smem:$0x3FFC];
	_ =	sdelay $0x3  }
0x94: {  	_ =	strace s3  }
0x95: {  	s3 =	sld [smem:$0x3FFD];
	_ =	sdelay $0x3  }
0x96: {  	_ =	strace s3  }
0x97: {  	_ =	strace $0x8FFFFFFF  }
0x98: {  	s19 =	sld [smem:$0x3FDB];
	_ =	sdelay $0x1  }
0x99: {  	s4 =	simm.s32 $_scs_section_size  }
0x9a: {  	s5 =	simm.s32 $_size__tile_overlayer_lowered;
	s6 =	simm.s32 $_tile_overlayer_lowered  }
0x9b: {  	s22 =	simm.s32 $0x1BFF;
	s21 =	sshll.u32 s6, $0x1;
	s3 =	sadd.s32 s4, s19  }
0x9c: {  	s7 =	simm.s32 $0x0;
	s20 =	sshll.u32 s5, $0x1;
	s5 =	sadd.s32 s21, s3  }
0x9d: {  	[timem:s7], [sflag:s22] =	dma.local [hbm:s5], s20  }
0x9e: {  	_ =	swait.ge [sflag:s22], s20  }
0x9f: {  	s4 =	ssub.s32 $0x0, s20;
	[sflag:s22] =	ssyncset.done $0x0  }
0xa0: {  	[sflag:s22] =	ssyncadd.s32 s4;
	_ =	sdelay $0x1  }
0xa1: {  	s23 =	simm.s32 $0x1B8B  }
0xa2: {  	_ =	swait.ge [sflag:s23], $0x1  }
0xa3: {  	[sflag:s23] =	ssyncset.done $0x0  }
0xa4: {  	s25 =	simm.s32 $0x1B8E;
	s24 =	sld [smem:$0x3FFE];
	[sflag:s23] =	ssyncadd.s32 $0xFFFFFFFF  }
0xa5: {  	s26 =	simm.s32 $execute0_lowered;
	[smem:$0x3FD2] =	sst s25  }
0xa6: {  	s5 =	sshll.u32 s26, $0x1;
	_ =	strace $0x8000004C;
	[dreg:$0x1] =	wrdreg $0xFFFFFFFF  }
0xa7: {  	s28 =	simm.s32 $_size_execute0_lowered;
	s3 =	sadd.s32 s3, s5;
	[dreg:$0x0] =	wrdreg $0x0  }
0xa8: {  	s5 =	sshll.u32 s28, $0x1;
	[dreg:$0x2] =	wrdreg s3  }
0xa9: {  	[dreg:$0x3] =	wrdreg s5  }
0xaa: {  	[dreg:$0x4] =	wrdreg $0xC0  }
0xab: {  	_ =	task [dreg:s7], $0x5FFFF  }
0xac: {  	[dreg:$0x1] =	wrdreg $0xFFFFFFFF  }
0xad: {  	[dreg:$0x0] =	wrdreg $0x60  }
0xae: {  	[dreg:$0x2] =	wrdreg s24  }
0xaf: {  	[dreg:$0x3] =	wrdreg s2  }
0xb0: {  	[dreg:$0x4] =	wrdreg $0x24000  }
0xb1: {  	[dreg:$0x5] =	wrdreg $0x9  }
0xb2: {  	_ =	task.clear_ibuf [dreg:s7], $0x6FFFF;
	_ =	strace $0x9000004C  }
0xb3: {  	s29 =	simm.s32 $0x9;
	_ =	strace $0x8000004E  }
0xb4: {  	_ =	swait.ge [sflag:s29], $0x1  }
0xb5: {  	[sflag:s29] =	ssyncadd.s32 $0xFFFFFFFF  }
0xb6: {  	_ =	strace $0x9000004E  }
0xb7: {  	_ =	sfence  }
0xb8: {  	s30 =	sld [smem:$0x0];
	_ =	sdelay $0x2  }
0xb9: {  	s31 =	sshll.u32 s1, $0xD;
	s1 =	sshrl.u32 s1, $0x2  }
0xba: {  	s3 =	sand.u32 $0x4000, s31;
	s1 =	sadd.s32 s1, s30  }
0xbb: {  	s0 =	sor.u32 s3, s0;
	s1 =	sshll.u32 s1, $0x11  }
0xbc: {  	s0 =	sor.u32 s1, s0  }
0xbd: {  	s0 =	sadd.s32 $0x8F2B, s0  }
0xbe: {  	[sflag:s0] =	ssyncadd.remote.s32 $0x1  }
0xbf: {  	_ =	sfence.sel $0xFFFF  }
0xc0: {  	[dreg:$0x0] =	wrdreg $0xFFFFFFFF;
	(pc) =	sbr.abs _section_cstart, $3  }
0xc1: {  	[dreg:$0x1] =	wrdreg $0xFFFFFFFF  }
0xc2: {  	_ =	task.clear_ibuf [dreg:s7], $0x2FFFF;
	_ =	strace $0x9FFFFFFF  }
0xc3: {  	(tm) =	ssettm $0x7FFFFFFF  }
tec
execute0_lowered:
.L_overlay_start_1:
0x0: {  	(tag) =	ssettag $0x1  }
0x1: {  	s0 =	rddreg [dreg:$0x0]  }
0x2: {  	s2 =	rddreg [dreg:$0x1]  }
0x3: {  	s3 =	rddreg [dreg:$0x2]  }
0x4: {  	s1 =	srdreg.scid;
	s13 =	stileid.u32  }
0x5: {  	s4 =	simm.s32 $0x0;
	s28 =	simm.s32 $0x80;
	s29 =	simm.s32 $0x400  }
0x6: {  	s30 =	simm.s32 $0x380;
	s31 =	simm.s32 $0x180;
	s15 =	simm.s32 $0x6  }
0x7: {  	s1 =	sand.u32 $0x1, s1;
	s8 =	smul.u32 $0x4F00, s13;
	[smem:$0x7FF] =	sst s4  }
0x8: {  	s5 =	sadd.s32 $0x1D800, s0;
	s6 =	sadd.s32 $0x3000, s0;
	s7 =	sadd.s32 $0x10400, s0  }
0x9: {  	s12 =	smul.u32 $0x3500, s13;
	s14 =	sadd.s32 $0x51E00, s0;
	s18 =	sshll.u32 s13, $0x6  }
0xa: {  	s13 =	simm.s32 $0x4;
	s9 =	smul.u32 $0x4F000, s1;
	_ =	strace $0x8000004D  }
0xb: {  	s10 =	smul.u32 $0x35000, s1;
	s11 =	ssub.s32 $0x2, s1;
	[dreg:$0x4] =	wrdreg s14  }
0xc: {  	p0 =	seq.s32 s1, $0x0;
	s1 =	simm.s32 $0x1400;
	s14 =	simm.s32 $0x280  }
0xd: {  	s16 =	sshrl.u32 s11, $0x1;
	s9 =	sadd.s32 s8, s9;
	s17 =	sadd.s32 s12, s10  }
0xe: {  	s8 =	sadd.s32 s8, s3;
	s12 =	simm.s32 $0x5;
	s9 =	sshrl.u32 s9, $0x3  }
0xf: {  	[dreg:$0x5] =	wrdreg s8;
	s10 =	sshrl.u32 s17, $0x3;
	s24 =	sadd.s32 $0x100, s17  }
0x10: {  	s25 =	sadd.s32 $0x180, s17;
	s0 =	sadd.s32 s9, s0;
	[dreg:$0xd] =	wrdreg s24  }
0x11: {  	s9 =	ssub.s32 s11, s16;
	s19 =	sadd.s32 s5, s10;
	[dreg:$0xe] =	wrdreg s25  }
0x12: {  	s16 =	sor.u32 $0x1C07, s18;
	s21 =	sadd.s32 s7, s10;
	[dreg:$0x7] =	wrdreg s19  }
0x13: {  	s20 =	sor.u32 $0x10, s10;
	s10 =	sadd.s32 s6, s10;
	[dreg:$0x8] =	wrdreg s21  }
0x14: {  	s25 =	simm.s32 $0x300;
	s11 =	simm.s32 $0x1;
	[dreg:$0x9] =	wrdreg s10  }
0x15: {  	s18 =	simm.s32 $0x0;
	s22 =	sadd.s32 s5, s20;
	[dreg:$0x6] =	wrdreg s16  }
0x16: {  	s23 =	sadd.s32 s7, s20;
	s8 =	sadd.s32 s6, s20;
	[dreg:$0xa] =	wrdreg s22  }
0x17: {  	s19 =	simm.s32 $0x1A;
	s20 =	sadd.s32 $0x200, s17;
	[dreg:$0xb] =	wrdreg s23  }
0x18: {  	s21 =	sadd.s32 $0x280, s17;
	s0 =	sadd.s32 $0x52800, s0;
	[dreg:$0xc] =	wrdreg s8  }
0x19: {  	s26 =	smax.u32 s9, $0x1;
	s17 =	simm.s32 $0x7;
	[dreg:$0xf] =	wrdreg s0  }
0x1a: {  	s9 =	simm.s32 $0x200;
	s19 =	simm.s32 @!p0 $0xE;
	[dreg:$0x10] =	wrdreg s26  }
0x1b: {  	s26 =	simm.s32 $0x100;
	s0 =	simm.s32 $0x2;
	s8 =	simm.s32 $0x3  }
.LBB2_1:
0x1c: {  	[dreg:$0x11] =	wrdreg s18  }
0x1d: {  	s10 =	rddreg [dreg:$0x5]  }
0x1e: {  	s23 =	rddreg [dreg:$0x4];
	s22 =	sshrl.u32 s10, $0x3  }
0x1f: {  	[dreg:$0x12] =	wrdreg s22  }
0x20: {  	[spmem:s22], [sflag:s16] =	dma.local [hbm:s23], $0x9E0  }
0x21: {  	_ =	swait.ge [sflag:s17], $0x9E0  }
0x22: {  	[sflag:s17] =	ssyncset.done $0x0  }
0x23: {  	[sflag:s17] =	ssyncadd.s32 $0xFFFFF620  }
0x24: {  	[bflag:$0x0] =	sbarrier.arrive $0xFFFF  }
0x25: {  	s24 =	rddreg [dreg:$0x7]  }
0x26: {  	[tilespmem:s4], [sflag:$0x7] =	stream.linear.gather [hbm4b:s24+s4], $0x80, $0x38;
	[tilespmem:$0x7300] =	vst v63  }
0x27: {  	_ =	swait.ge [sflag:s17], $0x80  }
0x28: {  	[sflag:s17] =	ssyncset.done $0x0  }
0x29: {  	s16 =	rddreg [dreg:$0x8];
	[sflag:s17] =	ssyncadd.s32 $0xFFFFFF80  }
0x2a: {  	[tilespmem:s25], [sflag:$0x7] =	stream.linear.gather [hbm4b:s16+s4], $0x80, $0x38;
	[tilespmem:$0x7300] =	vst v63  }
0x2b: {  	_ =	swait.ge [sflag:s17], $0x80  }
0x2c: {  	[sflag:s17] =	ssyncset.done $0x0  }
0x2d: {  	s18 =	rddreg [dreg:$0x9];
	[sflag:s17] =	ssyncadd.s32 $0xFFFFFF80  }
0x2e: {  	[tilespmem:s26], [sflag:$0x7] =	stream.linear.gather [hbm4b:s18+s4], $0x80, $0x38;
	[tilespmem:$0x7300] =	vst v63  }
0x2f: {  	_ =	swait.ge [sflag:s17], $0x80  }
0x30: {  	[sflag:s17] =	ssyncset.done $0x0  }
0x31: {  	[sflag:s17] =	ssyncadd.s32 $0xFFFFFF80  }
0x32: {  	[tilespmem:s29], [sflag:$0x3] =	stream.indirect.gather [hbm4b:s2+s28], $0x20, s4, s28, $0xb8;
	[tilespmem:$0x7300] =	vst v63  }
0x33: {  	s22 =	rddreg [dreg:$0xa]  }
0x34: {  	[tilespmem:s28], [sflag:$0x2] =	stream.linear.gather [hbm4b:s22+s4], $0x80, $0x38;
	[tilespmem:$0x7300] =	vst v63  }
0x35: {  	s23 =	rddreg [dreg:$0xb]  }
0x36: {  	[tilespmem:s30], [sflag:$0x2] =	stream.linear.gather [hbm4b:s23+s4], $0x80, $0x38;
	[tilespmem:$0x7300] =	vst v63  }
0x37: {  	s24 =	rddreg [dreg:$0xc];
	s23 =	simm.s32 $0x0  }
0x38: {  	[tilespmem:s31], [sflag:$0x2] =	stream.linear.gather [hbm4b:s24+s4], $0x80, $0x38;
	[tilespmem:$0x7300] =	vst v63  }
.LBB2_2:
0x39: {  	_ =	swait.ge [sflag:s0], $0x80  }
0x3a: {  	[sflag:s0] =	ssyncset.done $0x0  }
0x3b: {  	[sflag:s0] =	ssyncadd.s32 $0xFFFFFF80  }
0x3c: {  	_ =	swait.ge [sflag:s0], $0x80  }
0x3d: {  	[sflag:s0] =	ssyncset.done $0x0  }
0x3e: {  	[sflag:s0] =	ssyncadd.s32 $0xFFFFFF80  }
0x3f: {  	s10 =	sand.u32 $0x3FFFFFFF, s23;
	_ =	swait.ge [sflag:s0], $0x80  }
0x40: {  	p0 =	seq.s32 s10, $0x0;
	[sflag:s0] =	ssyncset.done $0x0  }
0x41: {  	s16 =	simm.s32 $0x0;
	s10 =	simm.s32 @!p0 $0x6;
	[sflag:s0] =	ssyncadd.s32 $0xFFFFFF80  }
0x42: {  	s22 =	simm.s32 $0x1;
	s17 =	simm.s32 $0x3;
	v0 =	vmov s16;
	_ =	swait.ge @!p0 [sflag:s10], $0x1000  }
0x43: {  	s24 =	simm.s32 $0x2;
	v1 =	vmov s22;
	v2 =	vmov s17;
	v0 =	vand.u32 $0xFFFFFFFC, v0;
	[sflag:s10] =	ssyncset.done @!p0 $0x0  }
0x44: {  	v3 =	vmov s24;
	v1 =	vand.u32 $0xFFFFFFFD, v1;
	v0 =	vbroadcast v0, $0x0;
	[sflag:s10] =	ssyncadd.s32 @!p0 $0xFFFFF000  }
0x45: {  	v3 =	vand.u32 $0xFFFFFFFE, v3;
	v1 =	vbroadcast v1, $0x0;
	[tilespmem:s1], [sflag:$0x4] =	stream.indirect.gather [hbm4b:s2+s28], $0x20, s28, s28, $0xb8;
	[tilespmem:$0x7300] =	vst v63  }
0x46: {  	v4 =	vbroadcast v3, $0x0;
	_ =	swait.ge [sflag:s8], $0x1000  }
0x47: {  	[sflag:s8] =	ssyncset.done $0x0  }
0x48: {  	[sflag:s8] =	ssyncadd.s32 $0xFFFFF000  }
0x49: {  	v2 =	vld.idx.msk [tilespmem:v2+s25+$0x0], $0xffff  }
0x4a: {  	v3 =	vld.idx.msk [tilespmem:v0+s25+$0x0], $0xffff  }
0x4b: {  	v1 =	vld.idx.msk [tilespmem:v1+s25+$0x0], $0xffff  }
0x4c: {  	s10 =	simm.s32 $0x440;
	v0 =	vld.idx.msk [tilespmem:v4+s25+$0x0], $0xffff  }
0x4d: {  	s17 =	simm.s32 $0x4;
	v4 =	vld [tilespmem:s10+$0x10]  }
0x4e: {  	s18 =	simm.s32 $0x5;
	s22 =	simm.s32 $0x7;
	v6 =	vmov s17;
	v5 =	vld [tilespmem:s10+$0xFFFFFFC0]  }
0x4f: {  	v9 =	vmov s18;
	s24 =	simm.s32 $0x6;
	s16 =	simm.s32 $0x8;
	v8 =	vand.u32 $0xFFFFFFFC, v6;
	v6 =	vmov s22;
	s22 =	simm.s32 $0x440;
	v7 =	vld [tilespmem:s10+$0xFFFFFFD0]  }
.LBB2_3:
0x50: {  	p0 =	slt.u32 s16, $0x7C;
	v8 =	vbroadcast v8, $0x0;
	v9 =	vand.u32 $0xFFFFFFFD, v9;
	v10 =	vmov s24;
	v11 =	vld [tilespmem:s10+$0xFFFFFFE0]  }
0x51: {  	v9 =	vbroadcast v9, $0x0;
	v10 =	vand.u32 $0xFFFFFFFE, v10;
	v12 =	vld [tilespmem:s10+$0xFFFFFFF0]  }
0x52: {  	v10 =	vbroadcast v10, $0x0;
	v13 =	vld [tilespmem:s10+$0x0];
	v4 =	vmul.f32 v4, v0  }
0x53: {  	v5 =	vmul.f32 v5, v3;
	v14 =	vld [tilespmem:s10+$0x20]  }
0x54: {  	v7 =	vmul.f32 v7, v3;
	[tilespmem:s10+$0x10] =	vst v4;
	v15 =	vld [tilespmem:s10+$0x30]  }
0x55: {  	v16 =	vld.idx.msk [tilespmem:v6+s25+$0x0], $0xffff;
	[tilespmem:s10+$0xFFFFFFC0] =	vst v5;
	v4 =	vmul.f32 v11, v1  }
0x56: {  	v3 =	vld.idx.msk [tilespmem:v8+s25+$0x0], $0xffff;
	[tilespmem:s10+$0xFFFFFFD0] =	vst v7;
	v5 =	vmul.f32 v12, v1  }
.Ltmp0:
0x57: {  	v1 =	vld.idx.msk [tilespmem:v9+s25+$0x0], $0xffff;
	[tilespmem:s10+$0xFFFFFFE0] =	vst v4;
	v6 =	vmul.f32 v13, v0;
	(pc) =	sbr.rel @p0 .LBB2_3-.Ltmp0, $4  }
0x58: {  	s10 =	sadd.s32 $0x80, s10;
	v0 =	vld.idx.msk [tilespmem:v10+s25+$0x0], $0xffff;
	[tilespmem:s22+$0xFFFFFFF0] =	vst v5;
	v7 =	vmul.f32 v14, v2  }
0x59: {  	v4 =	vld [tilespmem:s10+$0x10];
	[tilespmem:s22+$0x0] =	vst v6;
	v10 =	vmul.f32 v15, v2  }
0x5a: {  	s17 =	sadd.s32 $0x1, s16;
	s18 =	sadd.s32 $0x3, s16;
	v6 =	vmov s16;
	v5 =	vld [tilespmem:s10+$0xFFFFFFC0];
	[tilespmem:s22+$0x20] =	vst v7  }
0x5b: {  	s24 =	sadd.s32 $0x2, s16;
	v9 =	vmov s17;
	s16 =	sadd.s32 $0x4, s16;
	v8 =	vand.u32 $0xFFFFFFFC, v6;
	v6 =	vmov s18;
	v2 =	vmovc v16;
	v7 =	vld [tilespmem:s10+$0xFFFFFFD0];
	[tilespmem:s22+$0x30] =	vst v10;
	s22 =	smov.u32 s10  }
0x5c: {  	v11 =	vld [tilespmem:s10+$0xFFFFFFE0]  }
0x5d: {  	v8 =	vbroadcast v8, $0x0;
	v10 =	vmov s24;
	v12 =	vld [tilespmem:s10+$0xFFFFFFF0]  }
0x5e: {  	v13 =	vld [tilespmem:s10+$0x0];
	v10 =	vand.u32 $0xFFFFFFFE, v10  }
0x5f: {  	v9 =	vand.u32 $0xFFFFFFFD, v9;
	v14 =	vld [tilespmem:s10+$0x20];
	v10 =	vbroadcast v10, $0x0  }
0x60: {  	v15 =	vld [tilespmem:s10+$0x30];
	v9 =	vbroadcast v9, $0x0  }
0x61: {  	v6 =	vld.idx.msk [tilespmem:v6+s25+$0x0], $0xffff;
	s16 =	sadd.s32 $0x80, s10;
	v4 =	vmul.f32 v4, v0  }
0x62: {  	v5 =	vmul.f32 v5, v3;
	v3 =	vmul.f32 v7, v3;
	v7 =	vld [tilespmem:s16+$0x10]  }
0x63: {  	[tilespmem:s10+$0x10] =	vst v4;
	v8 =	vld.idx.msk [tilespmem:v8+s25+$0x0], $0xffff  }
0x64: {  	[tilespmem:s10+$0xFFFFFFD0] =	vst v3;
	v3 =	vld [tilespmem:s16+$0xFFFFFFC0]  }
0x65: {  	[tilespmem:s10+$0xFFFFFFC0] =	vst v5;
	v5 =	vmul.f32 v11, v1;
	v4 =	vld.idx.msk [tilespmem:v10+s25+$0x0], $0xffff  }
0x66: {  	v1 =	vmul.f32 v12, v1;
	v9 =	vld.idx.msk [tilespmem:v9+s25+$0x0], $0xffff  }
0x67: {  	v0 =	vmul.f32 v13, v0;
	[tilespmem:s10+$0xFFFFFFE0] =	vst v5;
	v5 =	vld [tilespmem:s16+$0xFFFFFFD0]  }
0x68: {  	[tilespmem:s22+$0xFFFFFFF0] =	vst v1;
	v1 =	vmul.f32 v14, v2;
	v10 =	vld [tilespmem:s16+$0xFFFFFFE0]  }
0x69: {  	[tilespmem:s22+$0x0] =	vst v0;
	v0 =	vmul.f32 v15, v2;
	v2 =	vld [tilespmem:s16+$0xFFFFFFF0]  }
0x6a: {  	[tilespmem:s22+$0x20] =	vst v1;
	v1 =	vld [tilespmem:s16+$0x0];
	v7 =	vmul.f32 v7, v4  }
0x6b: {  	[tilespmem:s22+$0x30] =	vst v0;
	v0 =	vmul.f32 v3, v8;
	v3 =	vld [tilespmem:s16+$0x20]  }
0x6c: {  	v5 =	vmul.f32 v5, v8;
	[tilespmem:s16+$0x10] =	vst v7;
	v7 =	vld [tilespmem:s16+$0x30]  }
0x6d: {  	[tilespmem:s16+$0xFFFFFFC0] =	vst v0;
	v0 =	vmul.f32 v10, v9  }
0x6e: {  	v2 =	vmul.f32 v2, v9;
	[tilespmem:s16+$0xFFFFFFD0] =	vst v5  }
0x6f: {  	[tilespmem:s16+$0xFFFFFFE0] =	vst v0;
	v0 =	vmul.f32 v1, v4  }
0x70: {  	[tilespmem:s16+$0xFFFFFFF0] =	vst v2;
	v1 =	vmul.f32 v3, v6  }
0x71: {  	[tilespmem:s16+$0x0] =	vst v0;
	v0 =	vmul.f32 v7, v6  }
0x72: {  	[tilespmem:s16+$0x20] =	vst v1  }
0x73: {  	[tilespmem:s16+$0x30] =	vst v0  }
0x74: {  	[spmem:s3] =	stream.indirect.scatter.add.f32 [tilespmem:s29], [sflag:$0x5], $0x20, s26, s28, $0xb8;
	[tilespmem:$0x7300] =	vst v63  }
0x75: {  	s10 =	sshll.u32 s23, $0x9;
	s16 =	rddreg [dreg:$0xd]  }
0x76: {  	s16 =	sadd.s32 s10, s16  }
0x77: {  	s16 =	sshrl.u32 s16, $0x3  }
0x78: {  	s18 =	simm.s32 $0x0;
	s17 =	sadd.s32 s5, s16  }
0x79: {  	[tilespmem:s18], [sflag:$0x1] =	stream.linear.gather [hbm4b:s17+s18], $0x80, $0x38;
	[tilespmem:$0x7300] =	vst v63  }
0x7a: {  	s24 =	sadd.s32 s7, s16  }
0x7b: {  	[tilespmem:s25], [sflag:$0x1] =	stream.linear.gather [hbm4b:s24+s18], $0x80, $0x38;
	[tilespmem:$0x7300] =	vst v63  }
0x7c: {  	s16 =	sadd.s32 s6, s16  }
0x7d: {  	[tilespmem:s9], [sflag:$0x1] =	stream.linear.gather [hbm4b:s16+s18], $0x80, $0x38;
	[tilespmem:$0x7300] =	vst v63  }
0x7e: {  	_ =	swait.ge [sflag:s11], $0x80  }
0x7f: {  	[sflag:s11] =	ssyncset.done $0x0  }
0x80: {  	[sflag:s11] =	ssyncadd.s32 $0xFFFFFF80  }
0x81: {  	_ =	swait.ge [sflag:s11], $0x80  }
0x82: {  	[sflag:s11] =	ssyncset.done $0x0  }
0x83: {  	[sflag:s11] =	ssyncadd.s32 $0xFFFFFF80  }
0x84: {  	_ =	swait.ge [sflag:s11], $0x80  }
0x85: {  	[sflag:s11] =	ssyncset.done $0x0  }
0x86: {  	[sflag:s11] =	ssyncadd.s32 $0xFFFFFF80  }
0x87: {  	s22 =	simm.s32 $0x3;
	v0 =	vmov s18;
	s17 =	simm.s32 $0x1;
	_ =	swait.ge [sflag:s12], $0x1000  }
0x88: {  	v2 =	vmov s22;
	v0 =	vand.u32 $0xFFFFFFFC, v0;
	v1 =	vmov s17;
	s24 =	simm.s32 $0x2;
	[sflag:s12] =	ssyncset.done $0x0  }
0x89: {  	v0 =	vbroadcast v0, $0x0;
	v1 =	vand.u32 $0xFFFFFFFD, v1;
	v3 =	vmov s24;
	[sflag:s12] =	ssyncadd.s32 $0xFFFFF000  }
0x8a: {  	v1 =	vbroadcast v1, $0x0;
	v3 =	vand.u32 $0xFFFFFFFE, v3;
	[tilespmem:s29], [sflag:$0x3] =	stream.indirect.gather [hbm4b:s2+s28], $0x20, s18, s28, $0xb8;
	[tilespmem:$0x7300] =	vst v63  }
0x8b: {  	v4 =	vbroadcast v3, $0x0;
	_ =	swait.ge [sflag:s13], $0x1000  }
0x8c: {  	[sflag:s13] =	ssyncset.done $0x0  }
0x8d: {  	[sflag:s13] =	ssyncadd.s32 $0xFFFFF000  }
0x8e: {  	v2 =	vld.idx.msk [tilespmem:v2+s30+$0x0], $0xffff  }
0x8f: {  	v3 =	vld.idx.msk [tilespmem:v0+s30+$0x0], $0xffff  }
0x90: {  	v1 =	vld.idx.msk [tilespmem:v1+s30+$0x0], $0xffff  }
0x91: {  	s22 =	simm.s32 $0x1440;
	v0 =	vld.idx.msk [tilespmem:v4+s30+$0x0], $0xffff  }
0x92: {  	s17 =	simm.s32 $0x4;
	v4 =	vld [tilespmem:s22+$0x10]  }
0x93: {  	v6 =	vmov s17;
	s24 =	simm.s32 $0x7;
	s18 =	simm.s32 $0x5;
	v5 =	vld [tilespmem:s22+$0xFFFFFFC0]  }
0x94: {  	s17 =	simm.s32 $0x6;
	v8 =	vand.u32 $0xFFFFFFFC, v6;
	v6 =	vmov s24;
	s24 =	simm.s32 $0x8;
	s16 =	simm.s32 $0x1440;
	v9 =	vmov s18;
	v7 =	vld [tilespmem:s22+$0xFFFFFFD0]  }
.LBB2_5:
0x95: {  	p0 =	slt.u32 s24, $0x7C;
	v8 =	vbroadcast v8, $0x0;
	v9 =	vand.u32 $0xFFFFFFFD, v9;
	v10 =	vmov s17;
	v11 =	vld [tilespmem:s22+$0xFFFFFFE0]  }
0x96: {  	v9 =	vbroadcast v9, $0x0;
	v10 =	vand.u32 $0xFFFFFFFE, v10;
	v12 =	vld [tilespmem:s22+$0xFFFFFFF0]  }
0x97: {  	v10 =	vbroadcast v10, $0x0;
	v13 =	vld [tilespmem:s22+$0x0];
	v4 =	vmul.f32 v4, v0  }
0x98: {  	v5 =	vmul.f32 v5, v3;
	v14 =	vld [tilespmem:s22+$0x20]  }
0x99: {  	v7 =	vmul.f32 v7, v3;
	[tilespmem:s22+$0x10] =	vst v4;
	v15 =	vld [tilespmem:s22+$0x30]  }
0x9a: {  	v16 =	vld.idx.msk [tilespmem:v6+s30+$0x0], $0xffff;
	[tilespmem:s22+$0xFFFFFFC0] =	vst v5;
	v4 =	vmul.f32 v11, v1  }
0x9b: {  	v3 =	vld.idx.msk [tilespmem:v8+s30+$0x0], $0xffff;
	[tilespmem:s22+$0xFFFFFFD0] =	vst v7;
	v5 =	vmul.f32 v12, v1  }
.Ltmp1:
0x9c: {  	v1 =	vld.idx.msk [tilespmem:v9+s30+$0x0], $0xffff;
	[tilespmem:s22+$0xFFFFFFE0] =	vst v4;
	v6 =	vmul.f32 v13, v0;
	(pc) =	sbr.rel @p0 .LBB2_5-.Ltmp1, $4  }
0x9d: {  	s22 =	sadd.s32 $0x80, s22;
	v0 =	vld.idx.msk [tilespmem:v10+s30+$0x0], $0xffff;
	[tilespmem:s16+$0xFFFFFFF0] =	vst v5;
	v7 =	vmul.f32 v14, v2  }
0x9e: {  	v4 =	vld [tilespmem:s22+$0x10];
	[tilespmem:s16+$0x0] =	vst v6;
	v10 =	vmul.f32 v15, v2  }
0x9f: {  	s17 =	sadd.s32 $0x1, s24;
	s18 =	sadd.s32 $0x3, s24;
	v6 =	vmov s24;
	v5 =	vld [tilespmem:s22+$0xFFFFFFC0];
	[tilespmem:s16+$0x20] =	vst v7  }
0xa0: {  	v9 =	vmov s17;
	s17 =	sadd.s32 $0x2, s24;
	s24 =	sadd.s32 $0x4, s24;
	v8 =	vand.u32 $0xFFFFFFFC, v6;
	v6 =	vmov s18;
	v2 =	vmovc v16;
	v7 =	vld [tilespmem:s22+$0xFFFFFFD0];
	[tilespmem:s16+$0x30] =	vst v10;
	s16 =	smov.u32 s22  }
0xa1: {  	v11 =	vld [tilespmem:s22+$0xFFFFFFE0]  }
0xa2: {  	v8 =	vbroadcast v8, $0x0;
	v10 =	vmov s17;
	v12 =	vld [tilespmem:s22+$0xFFFFFFF0]  }
0xa3: {  	v13 =	vld [tilespmem:s22+$0x0];
	v10 =	vand.u32 $0xFFFFFFFE, v10  }
0xa4: {  	v9 =	vand.u32 $0xFFFFFFFD, v9;
	v14 =	vld [tilespmem:s22+$0x20];
	v10 =	vbroadcast v10, $0x0  }
0xa5: {  	v15 =	vld [tilespmem:s22+$0x30];
	v9 =	vbroadcast v9, $0x0  }
0xa6: {  	v6 =	vld.idx.msk [tilespmem:v6+s30+$0x0], $0xffff;
	s18 =	sadd.s32 $0x80, s22;
	v4 =	vmul.f32 v4, v0  }
0xa7: {  	v5 =	vmul.f32 v5, v3;
	v3 =	vmul.f32 v7, v3;
	v7 =	vld [tilespmem:s18+$0x10]  }
0xa8: {  	[tilespmem:s22+$0x10] =	vst v4;
	v8 =	vld.idx.msk [tilespmem:v8+s30+$0x0], $0xffff  }
0xa9: {  	[tilespmem:s22+$0xFFFFFFD0] =	vst v3;
	v3 =	vld [tilespmem:s18+$0xFFFFFFC0]  }
0xaa: {  	[tilespmem:s22+$0xFFFFFFC0] =	vst v5;
	v5 =	vmul.f32 v11, v1;
	v4 =	vld.idx.msk [tilespmem:v10+s30+$0x0], $0xffff  }
0xab: {  	v1 =	vmul.f32 v12, v1;
	v9 =	vld.idx.msk [tilespmem:v9+s30+$0x0], $0xffff  }
0xac: {  	v0 =	vmul.f32 v13, v0;
	[tilespmem:s22+$0xFFFFFFE0] =	vst v5;
	v5 =	vld [tilespmem:s18+$0xFFFFFFD0]  }
0xad: {  	[tilespmem:s16+$0xFFFFFFF0] =	vst v1;
	v1 =	vmul.f32 v14, v2;
	v10 =	vld [tilespmem:s18+$0xFFFFFFE0]  }
0xae: {  	[tilespmem:s16+$0x0] =	vst v0;
	v0 =	vmul.f32 v15, v2;
	v2 =	vld [tilespmem:s18+$0xFFFFFFF0]  }
0xaf: {  	[tilespmem:s16+$0x20] =	vst v1;
	v1 =	vld [tilespmem:s18+$0x0];
	v7 =	vmul.f32 v7, v4  }
0xb0: {  	[tilespmem:s16+$0x30] =	vst v0;
	v0 =	vmul.f32 v3, v8;
	v3 =	vld [tilespmem:s18+$0x20]  }
0xb1: {  	v5 =	vmul.f32 v5, v8;
	[tilespmem:s18+$0x10] =	vst v7;
	v7 =	vld [tilespmem:s18+$0x30]  }
0xb2: {  	[tilespmem:s18+$0xFFFFFFC0] =	vst v0;
	v0 =	vmul.f32 v10, v9  }
0xb3: {  	v2 =	vmul.f32 v2, v9;
	[tilespmem:s18+$0xFFFFFFD0] =	vst v5  }
0xb4: {  	[tilespmem:s18+$0xFFFFFFE0] =	vst v0;
	v0 =	vmul.f32 v1, v4  }
0xb5: {  	[tilespmem:s18+$0xFFFFFFF0] =	vst v2;
	v1 =	vmul.f32 v3, v6  }
0xb6: {  	[tilespmem:s18+$0x0] =	vst v0;
	v0 =	vmul.f32 v7, v6  }
0xb7: {  	[tilespmem:s18+$0x20] =	vst v1  }
0xb8: {  	[tilespmem:s18+$0x30] =	vst v0  }
0xb9: {  	[spmem:s3] =	stream.indirect.scatter.add.f32 [tilespmem:s1], [sflag:$0x6], $0x20, s31, s28, $0xb8;
	[tilespmem:$0x7300] =	vst v63  }
0xba: {  	s16 =	rddreg [dreg:$0xe]  }
0xbb: {  	s16 =	sadd.s32 s10, s16  }
0xbc: {  	s16 =	sshrl.u32 s16, $0x3  }
0xbd: {  	s18 =	simm.s32 $0x0;
	s22 =	sadd.s32 s5, s16  }
0xbe: {  	[tilespmem:s28], [sflag:$0x2] =	stream.linear.gather [hbm4b:s22+s18], $0x80, $0x38;
	[tilespmem:$0x7300] =	vst v63  }
0xbf: {  	s24 =	sadd.s32 s7, s16  }
0xc0: {  	[tilespmem:s30], [sflag:$0x2] =	stream.linear.gather [hbm4b:s24+s18], $0x80, $0x38;
	[tilespmem:$0x7300] =	vst v63  }
0xc1: {  	s16 =	sadd.s32 s6, s16  }
0xc2: {  	[tilespmem:s14], [sflag:$0x2] =	stream.linear.gather [hbm4b:s16+s18], $0x80, $0x38;
	[tilespmem:$0x7300] =	vst v63  }
0xc3: {  	_ =	swait.ge [sflag:s0], $0x80  }
0xc4: {  	[sflag:s0] =	ssyncset.done $0x0  }
0xc5: {  	[sflag:s0] =	ssyncadd.s32 $0xFFFFFF80  }
0xc6: {  	_ =	swait.ge [sflag:s0], $0x80  }
0xc7: {  	[sflag:s0] =	ssyncset.done $0x0  }
0xc8: {  	[sflag:s0] =	ssyncadd.s32 $0xFFFFFF80  }
0xc9: {  	_ =	swait.ge [sflag:s0], $0x80  }
0xca: {  	[sflag:s0] =	ssyncset.done $0x0  }
0xcb: {  	v0 =	vmov s18;
	[sflag:s0] =	ssyncadd.s32 $0xFFFFFF80  }
0xcc: {  	v0 =	vand.u32 $0xFFFFFFFC, v0;
	s18 =	simm.s32 $0x1;
	_ =	swait.ge [sflag:s15], $0x1000  }
0xcd: {  	v0 =	vbroadcast v0, $0x0;
	s22 =	simm.s32 $0x3;
	s24 =	simm.s32 $0x2;
	v1 =	vmov s18;
	[sflag:s15] =	ssyncset.done $0x0  }
0xce: {  	v2 =	vmov s22;
	v3 =	vmov s24;
	v1 =	vand.u32 $0xFFFFFFFD, v1;
	[sflag:s15] =	ssyncadd.s32 $0xFFFFF000  }
0xcf: {  	v3 =	vand.u32 $0xFFFFFFFE, v3;
	v1 =	vbroadcast v1, $0x0;
	[tilespmem:s1], [sflag:$0x4] =	stream.indirect.gather [hbm4b:s2+s28], $0x20, s28, s28, $0xb8;
	[tilespmem:$0x7300] =	vst v63  }
0xd0: {  	v4 =	vbroadcast v3, $0x0;
	_ =	swait.ge [sflag:s8], $0x1000  }
0xd1: {  	[sflag:s8] =	ssyncset.done $0x0  }
0xd2: {  	[sflag:s8] =	ssyncadd.s32 $0xFFFFF000  }
0xd3: {  	v2 =	vld.idx.msk [tilespmem:v2+s25+$0x0], $0xffff  }
0xd4: {  	v3 =	vld.idx.msk [tilespmem:v0+s25+$0x0], $0xffff  }
0xd5: {  	v1 =	vld.idx.msk [tilespmem:v1+s25+$0x0], $0xffff  }
0xd6: {  	s22 =	simm.s32 $0x440;
	v0 =	vld.idx.msk [tilespmem:v4+s25+$0x0], $0xffff  }
0xd7: {  	s17 =	simm.s32 $0x4;
	v4 =	vld [tilespmem:s22+$0x10]  }
0xd8: {  	v6 =	vmov s17;
	s24 =	simm.s32 $0x7;
	s18 =	simm.s32 $0x5;
	v5 =	vld [tilespmem:s22+$0xFFFFFFC0]  }
0xd9: {  	s17 =	simm.s32 $0x6;
	v8 =	vand.u32 $0xFFFFFFFC, v6;
	v6 =	vmov s24;
	s24 =	simm.s32 $0x8;
	s16 =	simm.s32 $0x440;
	v9 =	vmov s18;
	v7 =	vld [tilespmem:s22+$0xFFFFFFD0]  }
.LBB2_7:
0xda: {  	p0 =	slt.u32 s24, $0x7C;
	v8 =	vbroadcast v8, $0x0;
	v9 =	vand.u32 $0xFFFFFFFD, v9;
	v10 =	vmov s17;
	v11 =	vld [tilespmem:s22+$0xFFFFFFE0]  }
0xdb: {  	v9 =	vbroadcast v9, $0x0;
	v10 =	vand.u32 $0xFFFFFFFE, v10;
	v12 =	vld [tilespmem:s22+$0xFFFFFFF0]  }
0xdc: {  	v10 =	vbroadcast v10, $0x0;
	v13 =	vld [tilespmem:s22+$0x0];
	v4 =	vmul.f32 v4, v0  }
0xdd: {  	v5 =	vmul.f32 v5, v3;
	v14 =	vld [tilespmem:s22+$0x20]  }
0xde: {  	v7 =	vmul.f32 v7, v3;
	[tilespmem:s22+$0x10] =	vst v4;
	v15 =	vld [tilespmem:s22+$0x30]  }
0xdf: {  	v16 =	vld.idx.msk [tilespmem:v6+s25+$0x0], $0xffff;
	[tilespmem:s22+$0xFFFFFFC0] =	vst v5;
	v4 =	vmul.f32 v11, v1  }
0xe0: {  	v3 =	vld.idx.msk [tilespmem:v8+s25+$0x0], $0xffff;
	[tilespmem:s22+$0xFFFFFFD0] =	vst v7;
	v5 =	vmul.f32 v12, v1  }
.Ltmp2:
0xe1: {  	v1 =	vld.idx.msk [tilespmem:v9+s25+$0x0], $0xffff;
	[tilespmem:s22+$0xFFFFFFE0] =	vst v4;
	v6 =	vmul.f32 v13, v0;
	(pc) =	sbr.rel @p0 .LBB2_7-.Ltmp2, $4  }
0xe2: {  	s22 =	sadd.s32 $0x80, s22;
	v0 =	vld.idx.msk [tilespmem:v10+s25+$0x0], $0xffff;
	[tilespmem:s16+$0xFFFFFFF0] =	vst v5;
	v7 =	vmul.f32 v14, v2  }
0xe3: {  	v4 =	vld [tilespmem:s22+$0x10];
	[tilespmem:s16+$0x0] =	vst v6;
	v10 =	vmul.f32 v15, v2  }
0xe4: {  	s17 =	sadd.s32 $0x1, s24;
	s18 =	sadd.s32 $0x3, s24;
	v6 =	vmov s24;
	v5 =	vld [tilespmem:s22+$0xFFFFFFC0];
	[tilespmem:s16+$0x20] =	vst v7  }
0xe5: {  	v9 =	vmov s17;
	s17 =	sadd.s32 $0x2, s24;
	s24 =	sadd.s32 $0x4, s24;
	v8 =	vand.u32 $0xFFFFFFFC, v6;
	v6 =	vmov s18;
	v2 =	vmovc v16;
	v7 =	vld [tilespmem:s22+$0xFFFFFFD0];
	[tilespmem:s16+$0x30] =	vst v10;
	s16 =	smov.u32 s22  }
0xe6: {  	v11 =	vld [tilespmem:s22+$0xFFFFFFE0]  }
0xe7: {  	v8 =	vbroadcast v8, $0x0;
	v10 =	vmov s17;
	v12 =	vld [tilespmem:s22+$0xFFFFFFF0]  }
0xe8: {  	v13 =	vld [tilespmem:s22+$0x0];
	v10 =	vand.u32 $0xFFFFFFFE, v10  }
0xe9: {  	v9 =	vand.u32 $0xFFFFFFFD, v9;
	v14 =	vld [tilespmem:s22+$0x20];
	v10 =	vbroadcast v10, $0x0  }
0xea: {  	v15 =	vld [tilespmem:s22+$0x30];
	v9 =	vbroadcast v9, $0x0  }
0xeb: {  	v6 =	vld.idx.msk [tilespmem:v6+s25+$0x0], $0xffff;
	s24 =	sadd.s32 $0x80, s22;
	v4 =	vmul.f32 v4, v0  }
0xec: {  	v5 =	vmul.f32 v5, v3;
	v3 =	vmul.f32 v7, v3;
	v7 =	vld [tilespmem:s24+$0x10]  }
0xed: {  	[tilespmem:s22+$0x10] =	vst v4;
	v8 =	vld.idx.msk [tilespmem:v8+s25+$0x0], $0xffff  }
0xee: {  	[tilespmem:s22+$0xFFFFFFD0] =	vst v3;
	v3 =	vld [tilespmem:s24+$0xFFFFFFC0]  }
0xef: {  	[tilespmem:s22+$0xFFFFFFC0] =	vst v5;
	v5 =	vmul.f32 v11, v1;
	v4 =	vld.idx.msk [tilespmem:v10+s25+$0x0], $0xffff  }
0xf0: {  	v1 =	vmul.f32 v12, v1;
	v9 =	vld.idx.msk [tilespmem:v9+s25+$0x0], $0xffff  }
0xf1: {  	v0 =	vmul.f32 v13, v0;
	[tilespmem:s22+$0xFFFFFFE0] =	vst v5;
	v5 =	vld [tilespmem:s24+$0xFFFFFFD0]  }
0xf2: {  	[tilespmem:s16+$0xFFFFFFF0] =	vst v1;
	v1 =	vmul.f32 v14, v2;
	v10 =	vld [tilespmem:s24+$0xFFFFFFE0]  }
0xf3: {  	[tilespmem:s16+$0x0] =	vst v0;
	v0 =	vmul.f32 v15, v2;
	v2 =	vld [tilespmem:s24+$0xFFFFFFF0]  }
0xf4: {  	[tilespmem:s16+$0x20] =	vst v1;
	v1 =	vld [tilespmem:s24+$0x0];
	v7 =	vmul.f32 v7, v4  }
0xf5: {  	[tilespmem:s16+$0x30] =	vst v0;
	v0 =	vmul.f32 v3, v8;
	v3 =	vld [tilespmem:s24+$0x20]  }
0xf6: {  	v5 =	vmul.f32 v5, v8;
	[tilespmem:s24+$0x10] =	vst v7;
	v7 =	vld [tilespmem:s24+$0x30]  }
0xf7: {  	[tilespmem:s24+$0xFFFFFFC0] =	vst v0;
	v0 =	vmul.f32 v10, v9  }
0xf8: {  	v2 =	vmul.f32 v2, v9;
	[tilespmem:s24+$0xFFFFFFD0] =	vst v5  }
0xf9: {  	[tilespmem:s24+$0xFFFFFFE0] =	vst v0;
	v0 =	vmul.f32 v1, v4  }
0xfa: {  	[tilespmem:s24+$0xFFFFFFF0] =	vst v2;
	v1 =	vmul.f32 v3, v6  }
0xfb: {  	[tilespmem:s24+$0x0] =	vst v0;
	v0 =	vmul.f32 v7, v6  }
0xfc: {  	s18 =	sadd.s32 s10, s20;
	[tilespmem:s24+$0x20] =	vst v1  }
0xfd: {  	s16 =	sshrl.u32 s18, $0x3;
	[tilespmem:s24+$0x30] =	vst v0  }
0xfe: {  	[spmem:s3] =	stream.indirect.scatter.add.f32 [tilespmem:s29], [sflag:$0x5], $0x20, s9, s28, $0xb8;
	[tilespmem:$0x7300] =	vst v63  }
0xff: {  	s18 =	simm.s32 $0x0;
	s22 =	sadd.s32 s5, s16  }
0x100: {  	[tilespmem:s18], [sflag:$0x1] =	stream.linear.gather [hbm4b:s22+s18], $0x80, $0x38;
	[tilespmem:$0x7300] =	vst v63  }
0x101: {  	s24 =	sadd.s32 s7, s16  }
0x102: {  	[tilespmem:s25], [sflag:$0x1] =	stream.linear.gather [hbm4b:s24+s18], $0x80, $0x38;
	[tilespmem:$0x7300] =	vst v63  }
0x103: {  	s16 =	sadd.s32 s6, s16  }
0x104: {  	[tilespmem:s26], [sflag:$0x1] =	stream.linear.gather [hbm4b:s16+s18], $0x80, $0x38;
	[tilespmem:$0x7300] =	vst v63  }
0x105: {  	_ =	swait.ge [sflag:s11], $0x80  }
0x106: {  	[sflag:s11] =	ssyncset.done $0x0  }
0x107: {  	[sflag:s11] =	ssyncadd.s32 $0xFFFFFF80  }
0x108: {  	_ =	swait.ge [sflag:s11], $0x80  }
0x109: {  	[sflag:s11] =	ssyncset.done $0x0  }
0x10a: {  	[sflag:s11] =	ssyncadd.s32 $0xFFFFFF80  }
0x10b: {  	_ =	swait.ge [sflag:s11], $0x80  }
0x10c: {  	[sflag:s11] =	ssyncset.done $0x0  }
0x10d: {  	s17 =	simm.s32 $0x1;
	[sflag:s11] =	ssyncadd.s32 $0xFFFFFF80  }
0x10e: {  	v1 =	vmov s17;
	v0 =	vmov s18;
	_ =	swait.ge [sflag:s12], $0x1000  }
0x10f: {  	v1 =	vand.u32 $0xFFFFFFFD, v1;
	v0 =	vand.u32 $0xFFFFFFFC, v0;
	s22 =	simm.s32 $0x3;
	s24 =	simm.s32 $0x2;
	[sflag:s12] =	ssyncset.done $0x0  }
0x110: {  	v0 =	vbroadcast v0, $0x0;
	v2 =	vmov s22;
	v3 =	vmov s24;
	[sflag:s12] =	ssyncadd.s32 $0xFFFFF000  }
0x111: {  	v1 =	vbroadcast v1, $0x0;
	v3 =	vand.u32 $0xFFFFFFFE, v3;
	[tilespmem:s29], [sflag:$0x3] =	stream.indirect.gather [hbm4b:s2+s28], $0x20, s18, s28, $0xb8;
	[tilespmem:$0x7300] =	vst v63  }
0x112: {  	v4 =	vbroadcast v3, $0x0;
	_ =	swait.ge [sflag:s13], $0x1000  }
0x113: {  	[sflag:s13] =	ssyncset.done $0x0  }
0x114: {  	[sflag:s13] =	ssyncadd.s32 $0xFFFFF000  }
0x115: {  	v2 =	vld.idx.msk [tilespmem:v2+s30+$0x0], $0xffff  }
0x116: {  	v3 =	vld.idx.msk [tilespmem:v0+s30+$0x0], $0xffff  }
0x117: {  	v1 =	vld.idx.msk [tilespmem:v1+s30+$0x0], $0xffff  }
0x118: {  	s22 =	simm.s32 $0x1440;
	v0 =	vld.idx.msk [tilespmem:v4+s30+$0x0], $0xffff  }
0x119: {  	s17 =	simm.s32 $0x4;
	v4 =	vld [tilespmem:s22+$0x10]  }
0x11a: {  	v6 =	vmov s17;
	s24 =	simm.s32 $0x7;
	s18 =	simm.s32 $0x5;
	v5 =	vld [tilespmem:s22+$0xFFFFFFC0]  }
0x11b: {  	s17 =	simm.s32 $0x6;
	v8 =	vand.u32 $0xFFFFFFFC, v6;
	v6 =	vmov s24;
	s24 =	simm.s32 $0x8;
	s16 =	simm.s32 $0x1440;
	v9 =	vmov s18;
	v7 =	vld [tilespmem:s22+$0xFFFFFFD0]  }
.LBB2_9:
0x11c: {  	p0 =	slt.u32 s24, $0x7C;
	v8 =	vbroadcast v8, $0x0;
	v9 =	vand.u32 $0xFFFFFFFD, v9;
	v10 =	vmov s17;
	v11 =	vld [tilespmem:s22+$0xFFFFFFE0]  }
0x11d: {  	v9 =	vbroadcast v9, $0x0;
	v10 =	vand.u32 $0xFFFFFFFE, v10;
	v12 =	vld [tilespmem:s22+$0xFFFFFFF0]  }
0x11e: {  	v10 =	vbroadcast v10, $0x0;
	v13 =	vld [tilespmem:s22+$0x0];
	v4 =	vmul.f32 v4, v0  }
0x11f: {  	v5 =	vmul.f32 v5, v3;
	v14 =	vld [tilespmem:s22+$0x20]  }
0x120: {  	v7 =	vmul.f32 v7, v3;
	[tilespmem:s22+$0x10] =	vst v4;
	v15 =	vld [tilespmem:s22+$0x30]  }
0x121: {  	v16 =	vld.idx.msk [tilespmem:v6+s30+$0x0], $0xffff;
	[tilespmem:s22+$0xFFFFFFC0] =	vst v5;
	v4 =	vmul.f32 v11, v1  }
0x122: {  	v3 =	vld.idx.msk [tilespmem:v8+s30+$0x0], $0xffff;
	[tilespmem:s22+$0xFFFFFFD0] =	vst v7;
	v5 =	vmul.f32 v12, v1  }
.Ltmp3:
0x123: {  	v1 =	vld.idx.msk [tilespmem:v9+s30+$0x0], $0xffff;
	[tilespmem:s22+$0xFFFFFFE0] =	vst v4;
	v6 =	vmul.f32 v13, v0;
	(pc) =	sbr.rel @p0 .LBB2_9-.Ltmp3, $4  }
0x124: {  	s22 =	sadd.s32 $0x80, s22;
	v0 =	vld.idx.msk [tilespmem:v10+s30+$0x0], $0xffff;
	[tilespmem:s16+$0xFFFFFFF0] =	vst v5;
	v7 =	vmul.f32 v14, v2  }
0x125: {  	v4 =	vld [tilespmem:s22+$0x10];
	[tilespmem:s16+$0x0] =	vst v6;
	v10 =	vmul.f32 v15, v2  }
0x126: {  	s17 =	sadd.s32 $0x1, s24;
	s18 =	sadd.s32 $0x3, s24;
	v6 =	vmov s24;
	v5 =	vld [tilespmem:s22+$0xFFFFFFC0];
	[tilespmem:s16+$0x20] =	vst v7  }
0x127: {  	v9 =	vmov s17;
	s17 =	sadd.s32 $0x2, s24;
	s24 =	sadd.s32 $0x4, s24;
	v8 =	vand.u32 $0xFFFFFFFC, v6;
	v6 =	vmov s18;
	v2 =	vmovc v16;
	v7 =	vld [tilespmem:s22+$0xFFFFFFD0];
	[tilespmem:s16+$0x30] =	vst v10;
	s16 =	smov.u32 s22  }
0x128: {  	v11 =	vld [tilespmem:s22+$0xFFFFFFE0]  }
0x129: {  	v12 =	vld [tilespmem:s22+$0xFFFFFFF0]  }
0x12a: {  	v13 =	vld [tilespmem:s22+$0x0]  }
0x12b: {  	v14 =	vld [tilespmem:s22+$0x20]  }
0x12c: {  	v15 =	vld [tilespmem:s22+$0x30]  }
0x12d: {  	v8 =	vbroadcast v8, $0x0;
	v6 =	vld.idx.msk [tilespmem:v6+s30+$0x0], $0xffff;
	s18 =	sadd.s32 $0x80, s22  }
0x12e: {  	v9 =	vand.u32 $0xFFFFFFFD, v9;
	v47 =	vld [tilespmem:s18+$0x10];
	v4 =	vmul.f32 v4, v0  }
0x12f: {  	v10 =	vmov s17;
	v9 =	vbroadcast v9, $0x0;
	v49 =	vld [tilespmem:s18+$0xFFFFFFC0];
	v5 =	vmul.f32 v5, v3  }
0x130: {  	v10 =	vand.u32 $0xFFFFFFFE, v10;
	v51 =	vld [tilespmem:s18+$0xFFFFFFD0];
	v44 =	vmul.f32 v7, v3;
	[tilespmem:s22+$0x10] =	vst v4  }
0x131: {  	v58 =	vld [tilespmem:s18+$0x20];
	v10 =	vbroadcast v10, $0x0;
	[tilespmem:s22+$0xFFFFFFC0] =	vst v5;
	v46 =	vmul.f32 v11, v1  }
0x132: {  	v59 =	vld [tilespmem:s18+$0x30];
	v50 =	vmul.f32 v13, v0;
	[tilespmem:s22+$0xFFFFFFD0] =	vst v44  }
0x133: {  	v52 =	vmul.f32 v14, v2;
	v8 =	vld.idx.msk [tilespmem:v8+s30+$0x0], $0xffff;
	[tilespmem:s22+$0xFFFFFFE0] =	vst v46  }
0x134: {  	v53 =	vld [tilespmem:s18+$0xFFFFFFE0];
	v54 =	vmul.f32 v15, v2;
	[tilespmem:s16+$0x0] =	vst v50  }
0x135: {  	v48 =	vmul.f32 v12, v1;
	v9 =	vld.idx.msk [tilespmem:v9+s30+$0x0], $0xffff;
	[tilespmem:s16+$0x20] =	vst v52  }
0x136: {  	v55 =	vld [tilespmem:s18+$0xFFFFFFF0];
	v62 =	vmul.f32 v58, v6;
	[tilespmem:s16+$0x30] =	vst v54  }
0x137: {  	v63 =	vmul.f32 v59, v6;
	v45 =	vld.idx.msk [tilespmem:v10+s30+$0x0], $0xffff;
	[tilespmem:s16+$0xFFFFFFF0] =	vst v48  }
0x138: {  	v56 =	vld [tilespmem:s18+$0x0];
	[tilespmem:s18+$0x20] =	vst v62;
	v57 =	vmul.f32 v49, v8  }
0x139: {  	[tilespmem:s18+$0x30] =	vst v63;
	v5 =	vmul.f32 v51, v8  }
0x13a: {  	v60 =	vmul.f32 v53, v9;
	[tilespmem:s18+$0xFFFFFFC0] =	vst v57  }
0x13b: {  	v2 =	vmul.f32 v55, v9;
	[tilespmem:s18+$0xFFFFFFD0] =	vst v5  }
0x13c: {  	v7 =	vmul.f32 v47, v45;
	[tilespmem:s18+$0xFFFFFFE0] =	vst v60  }
0x13d: {  	v61 =	vmul.f32 v56, v45;
	[tilespmem:s18+$0xFFFFFFF0] =	vst v2  }
0x13e: {  	s10 =	sadd.s32 s10, s21;
	[tilespmem:s18+$0x10] =	vst v7  }
0x13f: {  	s23 =	sadd.s32 $0x1, s23;
	s10 =	sshrl.u32 s10, $0x3;
	[tilespmem:s18+$0x0] =	vst v61  }
0x140: {  	[spmem:s3] =	stream.indirect.scatter.add.f32 [tilespmem:s1], [sflag:$0x6], $0x20, s14, s28, $0xb8;
	[tilespmem:$0x7300] =	vst v63  }
0x141: {  	p0 =	sne.s32 s23, s19;
	s22 =	sadd.s32 s5, s10  }
0x142: {  	[tilespmem:s28], [sflag:$0x2] =	stream.linear.gather [hbm4b:s22+s4], $0x80, $0x38;
	[tilespmem:$0x7300] =	vst v63  }
.Ltmp4:
0x143: {  	_ = 	snop;
	(pc) =	sbr.rel @p0 .LBB2_2-.Ltmp4, $4  }
0x144: {  	s24 =	sadd.s32 s7, s10  }
0x145: {  	[tilespmem:s30], [sflag:$0x2] =	stream.linear.gather [hbm4b:s24+s4], $0x80, $0x38;
	[tilespmem:$0x7300] =	vst v63  }
0x146: {  	s10 =	sadd.s32 s6, s10  }
0x147: {  	[tilespmem:s31], [sflag:$0x2] =	stream.linear.gather [hbm4b:s10+s4], $0x80, $0x38;
	[tilespmem:$0x7300] =	vst v63  }
0x148: {  	_ =	swait.ge [sflag:s15], $0x1000  }
0x149: {  	[sflag:s15] =	ssyncset.done $0x0  }
0x14a: {  	[sflag:s15] =	ssyncadd.s32 $0xFFFFF000  }
0x14b: {  	_ =	swait.ge [sflag:s8], $0x1000  }
0x14c: {  	[sflag:s8] =	ssyncset.done $0x0  }
0x14d: {  	[sflag:s8] =	ssyncadd.s32 $0xFFFFF000  }
0x14e: {  	_ =	swait.ge [sflag:s0], $0x80  }
0x14f: {  	[sflag:s0] =	ssyncset.done $0x0  }
0x150: {  	[sflag:s0] =	ssyncadd.s32 $0xFFFFFF80  }
0x151: {  	_ =	swait.ge [sflag:s0], $0x80  }
0x152: {  	[sflag:s0] =	ssyncset.done $0x0  }
0x153: {  	[sflag:s0] =	ssyncadd.s32 $0xFFFFFF80  }
0x154: {  	_ =	swait.ge [sflag:s0], $0x80  }
0x155: {  	[sflag:s0] =	ssyncset.done $0x0  }
0x156: {  	[sflag:s0] =	ssyncadd.s32 $0xFFFFFF80  }
0x157: {  	[bflag:$0x0] =	sbarrier.arrive $0xFFFF  }
0x158: {  	s16 =	rddreg [dreg:$0x6]  }
0x159: {  	s10 =	rddreg [dreg:$0xf]  }
0x15a: {  	s17 =	rddreg [dreg:$0x12]  }
0x15b: {  	[hbm:s10], [sflag:s16] =	dma.local [spmem:s17], $0x9E0  }
0x15c: {  	s17 =	simm.s32 $0x7  }
0x15d: {  	_ =	swait.ge [sflag:s17], $0x9E0  }
0x15e: {  	s18 =	rddreg [dreg:$0x11]  }
0x15f: {  	s24 =	rddreg [dreg:$0x10];
	s18 =	sadd.s32 $0x1, s18  }
0x160: {  	p0 =	sne.s32 s18, s24  }
.Ltmp5:
0x161: {  	_ = 	snop;
	(pc) =	sbr.rel @p0 .LBB2_1-.Ltmp5, $3  }
0x162: {  	_ =	sdelay $0x1  }
0x163: {  	[sflag:s17] =	ssyncset.done $0x0  }
0x164: {  	[sflag:s17] =	ssyncadd.s32 $0xFFFFF620  }
0x165: {  	_ =	sfence.sel $0x180000  }
0x166: {  	[bflag:$0x0] =	sbarrier.arrive $0xFFFF  }
0x167: {  	_ =	strace $0x9000004D  }
0x168: {  	s0 =	stileid.u32;
	[bflag:$0x2] =	sbarrier.arrive $0xFFFF  }
0x169: {  	p0 =	sne.s32 s0, $0x0;
	s0 =	rddreg [dreg:$0x3]  }
0x16a: {  	s0 =	sadd.s32 @!p0 $0x100000, s0  }
0x16b: {  	[sflag:s0] =	ssyncadd.tile.s32 @!p0 $0x1;
	_ =	shalt  }
.Lfunc_end2:
_tile_overlayer_lowered:
.L_overlay_start_2:
0x16c: {  	(tag) =	ssettag $0x2  }
0x16d: {  	s0 =	rddreg [dreg:$0x0];
	s2 =	stileid.u32  }
0x16e: {  	s1 =	rddreg [dreg:$0x1];
	p0 =	sne.s32 s2, $0x0  }
0x16f: {  	s3 =	rddreg [dreg:$0x2];
	[bflag:$0x3] =	sbarrier.arrive $0xFFFF;
	s2 =	simm.s32 @!p0 $0x1C07  }
0x170: {  	[timem:s3], [sflag:s2] =	dma.local @!p0 [hbm:s0], s1  }
0x171: {  	s0 =	simm.s32 @!p0 $0x7  }
0x172: {  	_ =	swait.ge @!p0 [sflag:s0], s1  }
0x173: {  	s1 =	ssub.s32 @!p0 $0x0, s1;
	[sflag:s0] =	ssyncset.done @!p0 $0x0  }
0x174: {  	[sflag:s0] =	ssyncadd.s32 @!p0 s1  }
0x175: {  	[bflag:$0x3] =	sbarrier.arrive $0xFFFF  }
0x176: {  	_ =	shalt  }

// kernel: kernel.9.cloned.1.call-start
scs
__scs_entry_jumppad:
0x0: {  	(pc) =	sbr.rel $0x88, $3  }
0x1: {  	(tag) =	ssettag $0x0;
	lr =	simm.s32 $0x1  }
0x2: {  	[smem:$0x3F9A] =	sst lr;
	_ =	strace $0xD0000000  }
0x3: {  	_ = 	snop  }
0x4: {  	_ = 	snop  }
0x5: {  	_ = 	snop  }
0x6: {  	_ = 	snop  }
0x7: {  	_ = 	snop  }
__scs_overlays_trampoline_lowered:
0x8: {  	[smem:$0x3FA9] =	sst s0  }
0x9: {  	[smem:$0x3FAA] =	sst s1  }
0xa: {  	[smem:$0x3FAB] =	sst s2  }
0xb: {  	[smem:$0x3FAC] =	sst s3  }
0xc: {  	[smem:$0x3FAD] =	sst s4  }
0xd: {  	[smem:$0x3FAE] =	sst s5  }
0xe: {  	[smem:$0x3FAF] =	sst s6  }
0xf: {  	[smem:$0x3FB0] =	sst s7  }
0x10: {  	[smem:$0x3FB1] =	sst s8  }
0x11: {  	[smem:$0x3FB2] =	sst s9;
	s0 =	simm.s32 @!p0 $0x0  }
0x12: {  	s1 =	sld [smem:$0x3F98];
	s0 =	simm.s32 @p0 $0x1  }
0x13: {  	[smem:$0x3FB3] =	sst s0;
	s0 =	simm.s32 @!p1 $0x0  }
0x14: {  	s2 =	sld [smem:$0x3F97];
	s0 =	simm.s32 @p1 $0x1  }
0x15: {  	[smem:$0x3FB4] =	sst s0;
	s0 =	simm.s32 @!p2 $0x0  }
0x16: {  	s3 =	sld [smem:$0x3FDB];
	s0 =	simm.s32 @p2 $0x1  }
0x17: {  	s4 =	simm.s32 $0x1BF5;
	[smem:$0x3FB6] =	sst s0  }
0x18: {  	s0 =	sld [smem:$0x3F99];
	_ =	swait.ge [sflag:s4], $0x0  }
0x19: {  	s7 =	sld [smem:$0x3F9A]  }
0x1a: {  	s8 =	sadd.s32 $0xFFFFE003, lr  }
0x1b: {  	s9 =	sadd.s32 $0xFFFFFEF7, lr;
	s5 =	simm.s32 $0xFFFFFFFF;
	p2 =	slt.u32 s8, $0xFFFFF086  }
0x1c: {  	p1 =	slt.u32 s9, $0xF7A;
	s5 =	simm.s32 @!p2 $0x0  }
0x1d: {  	s5 =	simm.s32 @p1 $0x1;
	p0 =	seq.s32 s7, s2  }
0x1e: {  	s7 =	smul.u32 @!p0 $0xF7A, s2;
	p2 =	seq.s32 @!p0 s5, $0x0  }
0x1f: {  	s9 =	smul.u32 $0xF7A, s1;
	s8 =	simm.s32 @!p0 $0x1BF5;
	p2 =	por !p2, p0  }
0x20: {  	[sflag:s8] =	ssyncset.s32 @!p0 $0xFFFFF086;
	s6 =	sadd.s32 @!p0 s3, s7;
	s7 =	simm.s32 @!p0 $0x108  }
0x21: {  	s3 =	sadd.s32 s3, s9;
	s6 =	sadd.s32 @!p0 $0x88, s6;
	s7 =	simm.s32 @p2 $0x1082  }
0x22: {  	[simem:s7], [sflag:s8] =	dma.local @!p0 [hbm:s6], $0xF7A  }
0x23: {  	s9 =	sor.u32 $0xD0000000, s2;
	s6 =	simm.s32 $0x108;
	_ =	swait.ge @!p0 [sflag:s8], $0x0  }
0x24: {  	s3 =	sadd.s32 $0x88, s3;
	s6 =	simm.s32 @!p1 $0x1082;
	[sflag:s4] =	ssyncset.s32 $0xFFFFF086  }
0x25: {  	[simem:s6], [sflag:s4] =	dma.local [hbm:s3], $0xF7A  }
0x26: {  	[smem:$0x3F9A] =	sst s1;
	(tag) =	ssettag s2;
	_ =	strace s9  }
0x27: {  	s1 =	sld [smem:$0x3FAA]  }
0x28: {  	s2 =	sld [smem:$0x3FAB]  }
0x29: {  	s4 =	sld [smem:$0x3FAD]  }
0x2a: {  	p0 =	seq.s32 s5, $0x0;
	s5 =	sld [smem:$0x3FAE]  }
0x2b: {  	s6 =	sld [smem:$0x3FAF]  }
0x2c: {  	s7 =	sld [smem:$0x3FB0]  }
0x2d: {  	s3 =	simm.s32 $0x108;
	s8 =	sld [smem:$0x3FB1]  }
0x2e: {  	s3 =	simm.s32 @!p0 $0x1082;
	s9 =	sld [smem:$0x3FB2]  }
0x2f: {  	lr =	sadd.s32 s0, s3;
	s0 =	sld [smem:$0x3FA9]  }
0x30: {  	s3 =	sld [smem:$0x3FAC]  }
0x31: {  	[smem:$0x3FB5] =	sst s10  }
0x32: {  	s10 =	sld [smem:$0x3FB3];
	_ =	sdelay $0x3  }
0x33: {  	p0 =	seq.s32 s10, $0x1;
	s10 =	sld [smem:$0x3FB5];
	_ =	sdelay $0x3  }
0x34: {  	[smem:$0x3FB5] =	sst s10  }
0x35: {  	s10 =	sld [smem:$0x3FB4];
	_ =	sdelay $0x3  }
0x36: {  	p1 =	seq.s32 s10, $0x1;
	s10 =	sld [smem:$0x3FB5];
	_ =	sdelay $0x3  }
0x37: {  	[smem:$0x3FB5] =	sst s10  }
0x38: {  	s10 =	sld [smem:$0x3FB6]  }
0x39: {  	_ = 	snop;
	(pc) =	sbr.ind lr, $3  }
0x3a: {  	_ = 	snop  }
0x3b: {  	_ = 	snop  }
0x3c: {  	p2 =	seq.s32 s10, $0x1;
	s10 =	sld [smem:$0x3FB5]  }
0x3d: {  	_ =	shalt  }
0x3e: {  	_ =	shalt  }
0x3f: {  	_ =	shalt  }
0x40: {  	_ =	shalt  }
0x41: {  	_ =	shalt  }
0x42: {  	_ =	shalt  }
0x43: {  	_ =	shalt  }
0x44: {  	_ =	shalt  }
0x45: {  	_ =	shalt  }
0x46: {  	_ =	shalt  }
0x47: {  	_ =	shalt  }
0x48: {  	_ =	shalt  }
0x49: {  	_ =	shalt  }
0x4a: {  	_ =	shalt  }
0x4b: {  	_ =	shalt  }
0x4c: {  	_ =	shalt  }
0x4d: {  	_ =	shalt  }
0x4e: {  	_ =	shalt  }
0x4f: {  	_ =	shalt  }
0x50: {  	_ =	shalt  }
0x51: {  	_ =	shalt  }
0x52: {  	_ =	shalt  }
0x53: {  	_ =	shalt  }
0x54: {  	_ =	shalt  }
0x55: {  	_ =	shalt  }
0x56: {  	_ =	shalt  }
0x57: {  	_ =	shalt  }
0x58: {  	_ =	shalt  }
0x59: {  	_ =	shalt  }
0x5a: {  	_ =	shalt  }
0x5b: {  	_ =	shalt  }
0x5c: {  	_ =	shalt  }
0x5d: {  	_ =	shalt  }
0x5e: {  	_ =	shalt  }
0x5f: {  	_ =	shalt  }
0x60: {  	_ =	shalt  }
0x61: {  	_ =	shalt  }
0x62: {  	_ =	shalt  }
0x63: {  	_ =	shalt  }
0x64: {  	_ =	shalt  }
0x65: {  	_ =	shalt  }
0x66: {  	_ =	shalt  }
0x67: {  	_ =	shalt  }
0x68: {  	_ =	shalt  }
0x69: {  	_ =	shalt  }
0x6a: {  	_ =	shalt  }
0x6b: {  	_ =	shalt  }
0x6c: {  	_ =	shalt  }
0x6d: {  	_ =	shalt  }
0x6e: {  	_ =	shalt  }
0x6f: {  	_ =	shalt  }
0x70: {  	_ =	shalt  }
0x71: {  	_ =	shalt  }
0x72: {  	_ =	shalt  }
0x73: {  	_ =	shalt  }
0x74: {  	_ =	shalt  }
0x75: {  	_ =	shalt  }
0x76: {  	_ =	shalt  }
0x77: {  	_ =	shalt  }
0x78: {  	_ =	shalt  }
0x79: {  	_ =	shalt  }
0x7a: {  	_ =	shalt  }
0x7b: {  	_ =	shalt  }
0x7c: {  	_ =	shalt  }
0x7d: {  	_ =	shalt  }
0x7e: {  	_ =	shalt  }
0x7f: {  	_ =	shalt  }
0x80: {  	_ =	shalt  }
0x81: {  	_ =	shalt  }
0x82: {  	_ =	shalt  }
0x83: {  	_ =	shalt  }
0x84: {  	_ =	shalt  }
0x85: {  	_ =	shalt  }
0x86: {  	_ =	shalt  }
0x87: {  	_ =	shalt  }
.Lfunc_end0:
.L_simem_size_0:
called_computation_lowered:
.L_overlay_start_0:
0x88: {  	s2 =	sld [smem:$0x3FD9]  }
0x89: {  	s3 =	sld [smem:$0x3FFE];
	_ =	sdelay $0x1  }
0x8a: {  	s1 =	srdreg.scid  }
0x8b: {  	s0 =	sand.u32 $0x1, s1  }
0x8c: {  	s17 =	sshll.u32 s0, $0xA;
	s2 =	sadd.s32 s3, s2  }
0x8d: {  	s2 =	sadd.s32 s2, s17  }
0x8e: {  	[smem:$0x3FC1] =	sst s2  }
0x8f: {  	_ = 	snop  }
0x90: {  	s2 =	sld [smem:$0x3FD0];
	(tm) =	ssettm $0x1  }
0x91: {  	s18 =	sld [smem:$0x3FFB];
	_ =	sdelay $0x3  }
0x92: {  	_ =	strace s18  }
0x93: {  	s3 =	sld [smem:$0x3FFC];
	_ =	sdelay $0x3  }
0x94: {  	_ =	strace s3  }
0x95: {  	s3 =	sld [smem:$0x3FFD];
	_ =	sdelay $0x3  }
0x96: {  	_ =	strace s3  }
0x97: {  	_ =	strace $0x8FFFFFFF  }
0x98: {  	s19 =	sld [smem:$0x3FDB];
	_ =	sdelay $0x1  }
0x99: {  	s4 =	simm.s32 $_scs_section_size  }
0x9a: {  	s5 =	simm.s32 $_size__tile_overlayer_lowered;
	s6 =	simm.s32 $_tile_overlayer_lowered  }
0x9b: {  	s22 =	simm.s32 $0x1BFF;
	s21 =	sshll.u32 s6, $0x1;
	s3 =	sadd.s32 s4, s19  }
0x9c: {  	s7 =	simm.s32 $0x0;
	s20 =	sshll.u32 s5, $0x1;
	s5 =	sadd.s32 s21, s3  }
0x9d: {  	[timem:s7], [sflag:s22] =	dma.local [hbm:s5], s20  }
0x9e: {  	_ =	swait.ge [sflag:s22], s20  }
0x9f: {  	s4 =	ssub.s32 $0x0, s20;
	[sflag:s22] =	ssyncset.done $0x0  }
0xa0: {  	[sflag:s22] =	ssyncadd.s32 s4;
	_ =	sdelay $0x1  }
0xa1: {  	s23 =	simm.s32 $0x1B8B  }
0xa2: {  	_ =	swait.ge [sflag:s23], $0x1  }
0xa3: {  	[sflag:s23] =	ssyncset.done $0x0  }
0xa4: {  	s25 =	simm.s32 $0x1B8E;
	s24 =	sld [smem:$0x3FFE];
	[sflag:s23] =	ssyncadd.s32 $0xFFFFFFFF  }
0xa5: {  	s26 =	simm.s32 $execute0_lowered;
	[smem:$0x3FD2] =	sst s25  }
0xa6: {  	s5 =	sshll.u32 s26, $0x1;
	_ =	strace $0x80000046;
	[dreg:$0x1] =	wrdreg $0xFFFFFFFF  }
0xa7: {  	s28 =	simm.s32 $_size_execute0_lowered;
	s3 =	sadd.s32 s3, s5;
	[dreg:$0x0] =	wrdreg $0x0  }
0xa8: {  	s5 =	sshll.u32 s28, $0x1;
	[dreg:$0x2] =	wrdreg s3  }
0xa9: {  	[dreg:$0x3] =	wrdreg s5  }
0xaa: {  	[dreg:$0x4] =	wrdreg $0xC0  }
0xab: {  	_ =	task [dreg:s7], $0x5FFFF  }
0xac: {  	[dreg:$0x1] =	wrdreg $0xFFFFFFFF  }
0xad: {  	[dreg:$0x0] =	wrdreg $0x60  }
0xae: {  	[dreg:$0x2] =	wrdreg s24  }
0xaf: {  	[dreg:$0x3] =	wrdreg s2  }
0xb0: {  	[dreg:$0x4] =	wrdreg $0x6A000  }
0xb1: {  	[dreg:$0x5] =	wrdreg $0x9  }
0xb2: {  	_ =	task.clear_ibuf [dreg:s7], $0x6FFFF;
	_ =	strace $0x90000046  }
0xb3: {  	s29 =	simm.s32 $0x9;
	_ =	strace $0x80000048  }
0xb4: {  	_ =	swait.ge [sflag:s29], $0x1  }
0xb5: {  	[sflag:s29] =	ssyncadd.s32 $0xFFFFFFFF  }
0xb6: {  	_ =	strace $0x90000048  }
0xb7: {  	_ =	sfence  }
0xb8: {  	s30 =	sld [smem:$0x0];
	_ =	sdelay $0x2  }
0xb9: {  	s31 =	sshll.u32 s1, $0xD;
	s1 =	sshrl.u32 s1, $0x2  }
0xba: {  	s3 =	sand.u32 $0x4000, s31;
	s1 =	sadd.s32 s1, s30  }
0xbb: {  	s0 =	sor.u32 s3, s0;
	s1 =	sshll.u32 s1, $0x11  }
0xbc: {  	s0 =	sor.u32 s1, s0  }
0xbd: {  	s0 =	sadd.s32 $0x8F2B, s0  }
0xbe: {  	[sflag:s0] =	ssyncadd.remote.s32 $0x1  }
0xbf: {  	_ =	sfence.sel $0xFFFF  }
0xc0: {  	[dreg:$0x0] =	wrdreg $0xFFFFFFFF;
	(pc) =	sbr.abs _section_cstart, $3  }
0xc1: {  	[dreg:$0x1] =	wrdreg $0xFFFFFFFF  }
0xc2: {  	_ =	task.clear_ibuf [dreg:s7], $0x2FFFF;
	_ =	strace $0x9FFFFFFF  }
0xc3: {  	(tm) =	ssettm $0x7FFFFFFF  }
tec
execute0_lowered:
.L_overlay_start_1:
0x0: {  	(tag) =	ssettag $0x1  }
0x1: {  	s4 =	rddreg [dreg:$0x0]  }
0x2: {  	s12 =	rddreg [dreg:$0x1]  }
0x3: {  	s2 =	rddreg [dreg:$0x2]  }
0x4: {  	s0 =	srdreg.scid;
	s1 =	rddreg [dreg:$0x3];
	s3 =	simm.s32 $0x0  }
0x5: {  	s15 =	simm.s32 $0x6980;
	s16 =	simm.s32 $0x80;
	s5 =	sand.u32 $0x1, s0  }
0x6: {  	s17 =	simm.s32 $0x1;
	s0 =	stileid.u32;
	s6 =	smul.u32 $0x35000, s5  }
0x7: {  	s20 =	simm.s32 $0x0;
	[smem:$0x7FF] =	sst s3;
	s7 =	smul.u32 $0x3500, s0  }
0x8: {  	_ =	strace $0x80000047;
	s31 =	ssub.s32 $0x2, s5;
	s9 =	smul.u32 $0x278, s0  }
0x9: {  	p0 =	seq.s32 s5, $0x0;
	s10 =	smul.u32 $0x2780, s5;
	s18 =	sshll.u32 s0, $0x6  }
0xa: {  	s8 =	sshrl.u32 s31, $0x1;
	s18 =	sor.u32 $0x1C02, s18;
	s6 =	sadd.s32 s7, s6  }
0xb: {  	s13 =	ssub.s32 s31, s8;
	s7 =	sadd.s32 s9, s2;
	s10 =	sadd.s32 s9, s10  }
0xc: {  	s6 =	sshrl.u32 s6, $0x3;
	s8 =	sadd.s32 $0x80, s7;
	s9 =	sadd.s32 $0x100, s7  }
0xd: {  	s14 =	sshrl.u32 s10, $0x3;
	s10 =	sadd.s32 $0x180, s7;
	s11 =	sadd.s32 $0x200, s7  }
0xe: {  	s13 =	smax.u32 s13, $0x1;
	s19 =	sshrl.u32 s7, $0x3;
	s6 =	sadd.s32 s6, s4  }
0xf: {  	s4 =	simm.s32 $0x68;
	s12 =	sadd.s32 s12, s14;
	s14 =	simm.s32 $0x2  }
0x10: {  	s4 =	simm.s32 @!p0 $0x38;
	s5 =	sadd.s32 $0x3000, s6;
	s6 =	sadd.s32 $0x10400, s6  }
.LBB2_1:
0x11: {  	[tilespmem:s3], [sflag:$0x2] =	stream.linear.gather [hbm4b:s5+s3], $0x3500, $0x38;
	[tilespmem:$0x6C78] =	vst v63  }
0x12: {  	_ =	swait.ge [sflag:s14], $0x3500  }
0x13: {  	[sflag:s14] =	ssyncset.done $0x0  }
0x14: {  	s21 =	simm.s32 $0x3500;
	[sflag:s14] =	ssyncadd.s32 $0xFFFFCB00  }
0x15: {  	[tilespmem:s21], [sflag:$0x2] =	stream.linear.gather [hbm4b:s6+s3], $0x3500, $0x38;
	[tilespmem:$0x6C78] =	vst v63  }
0x16: {  	_ =	swait.ge [sflag:s14], $0x3500  }
0x17: {  	[sflag:s14] =	ssyncset.done $0x0  }
0x18: {  	[sflag:s14] =	ssyncadd.s32 $0xFFFFCB00  }
0x19: {  	[spmem:s7] =	stream.linear.scatter [tilespmem:s15], [sflag:$0x2], $0x80, $0x38;
	[tilespmem:$0x6C78] =	vst v63  }
0x1a: {  	_ =	swait.ge [sflag:s14], $0x80  }
0x1b: {  	[sflag:s14] =	ssyncset.done $0x0  }
0x1c: {  	[sflag:s14] =	ssyncadd.s32 $0xFFFFFF80  }
0x1d: {  	[spmem:s8] =	stream.linear.scatter [tilespmem:s15], [sflag:$0x2], $0x80, $0x38;
	[tilespmem:$0x6C78] =	vst v63  }
0x1e: {  	_ =	swait.ge [sflag:s14], $0x80  }
0x1f: {  	[sflag:s14] =	ssyncset.done $0x0  }
0x20: {  	[sflag:s14] =	ssyncadd.s32 $0xFFFFFF80  }
0x21: {  	[spmem:s9] =	stream.linear.scatter [tilespmem:s15], [sflag:$0x2], $0x80, $0x38;
	[tilespmem:$0x6C78] =	vst v63  }
0x22: {  	_ =	swait.ge [sflag:s14], $0x80  }
0x23: {  	[sflag:s14] =	ssyncset.done $0x0  }
0x24: {  	[sflag:s14] =	ssyncadd.s32 $0xFFFFFF80  }
0x25: {  	[spmem:s10] =	stream.linear.scatter [tilespmem:s15], [sflag:$0x2], $0x80, $0x38;
	[tilespmem:$0x6C78] =	vst v63  }
0x26: {  	_ =	swait.ge [sflag:s14], $0x80  }
0x27: {  	[sflag:s14] =	ssyncset.done $0x0  }
0x28: {  	p0 =	sne.s32 s4, $0x1;
	[sflag:s14] =	ssyncadd.s32 $0xFFFFFF80  }
0x29: {  	[spmem:s11] =	stream.linear.scatter [tilespmem:s15], [sflag:$0x2], $0x78, $0x38;
	[tilespmem:$0x6C78] =	vst v63  }
.Ltmp0:
0x2a: {  	_ =	swait.ge [sflag:s14], $0x78;
	(pc) =	sbr.rel @!p0 .LBB2_3-.Ltmp0, $4  }
0x2b: {  	[sflag:s14] =	ssyncset.done $0x0  }
0x2c: {  	[sflag:s14] =	ssyncadd.s32 $0xFFFFFF88  }
0x2d: {  	s22 =	sadd.s32 $0xFFFFFFFF, s4;
	s23 =	simm.s32 $0x0;
	[bflag:$0x0] =	sbarrier.arrive $0xFFFF  }
0x2e: {  	[spmem:s2] =	stream.indirect.scatter.add.f32 [tilespmem:s21], [sflag:$0x1], $0x1, s3, s16, $0xb8;
	[tilespmem:$0x6C78] =	vst v63  }
.LBB2_2:
0x2f: {  	p1 =	sne.s32 s22, $0x1  }
.Ltmp1:
0x30: {  	_ = 	snop;
	(pc) =	sbr.rel @p1 .LBB2_2-.Ltmp1, $4  }
0x31: {  	_ = 	snop  }
0x32: {  	s21 =	sadd.s32 $0x80, s21;
	s23 =	sadd.s32 $0x80, s23  }
0x33: {  	s22 =	sadd.s32 $0xFFFFFFFF, s22  }
0x34: {  	[spmem:s2] =	stream.indirect.scatter.add.f32 [tilespmem:s21], [sflag:$0x1], $0x1, s23, s16, $0xb8;
	[tilespmem:$0x6C78] =	vst v63  }
.LBB2_3:
.Ltmp2:
0x35: {  	(pc) =	sbr.rel @!p0 .LBB2_5-.Ltmp2, $3  }
0x36: {  	_ =	sdelay $0x1  }
0x37: {  	_ =	swait.ge [sflag:s17], $0x80  }
0x38: {  	s21 =	sadd.s32 $0xFFFFFFFF, s4;
	[sflag:s17] =	ssyncset.done $0x0  }
.LBB2_4:
0x39: {  	p0 =	sne.s32 s21, $0x1;
	s21 =	sadd.s32 $0xFFFFFFFF, s21;
	[sflag:s17] =	ssyncadd.s32 $0xFFFFFF80  }
.Ltmp3:
0x3a: {  	(pc) =	sbr.rel @p0 .LBB2_4-.Ltmp3, $3  }
0x3b: {  	_ =	sdelay $0x1  }
0x3c: {  	_ =	swait.ge [sflag:s17], $0x80  }
0x3d: {  	[sflag:s17] =	ssyncset.done $0x0  }
.LBB2_5:
0x3e: {  	s20 =	sadd.s32 $0x1, s20  }
0x3f: {  	[sflag:s17] =	ssyncadd.s32 $0xFFFFFF80;
	p0 =	sne.s32 s20, s13  }
.Ltmp4:
0x40: {  	[bflag:$0x0] =	sbarrier.arrive $0xFFFF;
	(pc) =	sbr.rel @p0 .LBB2_1-.Ltmp4, $4  }
0x41: {  	[hbm:s12], [sflag:s18] =	dma.local [spmem:s19], $0x4F  }
0x42: {  	_ =	swait.ge [sflag:s14], $0x4F  }
0x43: {  	[sflag:s14] =	ssyncset.done $0x0  }
0x44: {  	[sflag:s14] =	ssyncadd.s32 $0xFFFFFFB1  }
0x45: {  	_ =	sfence.sel $0x180000  }
0x46: {  	[bflag:$0x0] =	sbarrier.arrive $0xFFFF  }
0x47: {  	p0 =	sne.s32 s0, $0x0;
	_ =	strace $0x90000047  }
0x48: {  	s0 =	sadd.s32 @!p0 $0x100000, s1;
	[bflag:$0x2] =	sbarrier.arrive $0xFFFF  }
0x49: {  	[sflag:s0] =	ssyncadd.tile.s32 @!p0 $0x1;
	_ =	shalt  }
.Lfunc_end2:
_tile_overlayer_lowered:
.L_overlay_start_2:
0x4a: {  	(tag) =	ssettag $0x2  }
0x4b: {  	s0 =	rddreg [dreg:$0x0];
	s2 =	stileid.u32  }
0x4c: {  	s1 =	rddreg [dreg:$0x1];
	p0 =	sne.s32 s2, $0x0  }
0x4d: {  	s3 =	rddreg [dreg:$0x2];
	[bflag:$0x3] =	sbarrier.arrive $0xFFFF;
	s2 =	simm.s32 @!p0 $0x1C02  }
0x4e: {  	[timem:s3], [sflag:s2] =	dma.local @!p0 [hbm:s0], s1  }
0x4f: {  	s0 =	simm.s32 @!p0 $0x2  }
0x50: {  	_ =	swait.ge @!p0 [sflag:s0], s1  }
0x51: {  	s1 =	ssub.s32 @!p0 $0x0, s1;
	[sflag:s0] =	ssyncset.done @!p0 $0x0  }
0x52: {  	[sflag:s0] =	ssyncadd.s32 @!p0 s1  }
0x53: {  	[bflag:$0x3] =	sbarrier.arrive $0xFFFF  }
0x54: {  	_ =	shalt  }

</sc_bundles>
